<compile_context>
chip_gen: v7x
topology: tpu7x:2x2x1
jax: 0.10.2.dev20260603
libtpu: 0.0.44.dev20260713+nightly
codegen_flags: <defaults>
</compile_context>

<pallas_src>
import functools

import jax
import jax.numpy as jnp
from jax import lax
from jax.experimental import pallas as pl
from jax.experimental.pallas import tpu as pltpu
from jax.experimental.pallas import tpu_sc as plsc

N = 10000
E = 320000
G = 16
EC = 16
STATIONS = 535
SPAD = 640

NC = 2
NS = 16
NW = NC * NS
E2 = 327680
ROWS2 = E2 // 128
RPT2 = ROWS2 // NW
NP = 10240
SPT = NP // NS

TILE = 1000
NT = N // TILE

@functools.lru_cache(maxsize=1)
def _mesh():
    return plsc.VectorSubcoreMesh(core_axis_name="c", subcore_axis_name="s",
                                  num_cores=NC, num_subcores=NS)


CPT = E2 // NW // 128
CB = 32
NBF = 4
NBS = 1


def _sc_spmm(table, src1d, dst1d, zeros):

    @functools.partial(
        pl.kernel,
        out_type=jax.ShapeDtypeStruct((NC, NP, 128), jnp.float32),
        mesh=_mesh(),
        scratch_types=[
            pltpu.VMEM_SHARED((NP, 128), jnp.float32),
            pltpu.VMEM((CB, 128), jnp.int32),
            pltpu.VMEM((CB, 128), jnp.int32),
            pltpu.VMEM((128, 128), jnp.float32),
            pltpu.VMEM((128, 128), jnp.float32),
            pltpu.SemaphoreType.DMA,
            pltpu.SemaphoreType.DMA,
            pltpu.SemaphoreType.DMA,
            pltpu.SemaphoreType.DMA,
        ],
    )
    def run(t_hbm, src_hbm, dst_hbm, z_hbm, out_hbm,
            acc, si, di, buf0, buf1, sb0, sb1, sc0, sc1):
        cid = lax.axis_index("c")
        sid = lax.axis_index("s")
        wid = sid * NC + cid
        r0 = sid * SPT
        pltpu.sync_copy(z_hbm.at[pl.ds(r0, SPT), :], acc.at[pl.ds(r0, SPT), :])
        bbs = (buf0, buf1)
        sbs = (sb0, sb1)
        scs = (sc0, sc1)
        base = jnp.where(cid == 1, sid * (NBF * CB),
                         NS * (NBF * CB) + sid * (NBS * CB))
        nblk = jnp.where(cid == 1, NBF, NBS)
        plsc.subcore_barrier()

        def step(j, b, first, last):
            nb = 1 - b
            pltpu.make_async_copy(t_hbm.at[si.at[j]], bbs[b], sbs[b]).wait()
            pltpu.async_copy(bbs[b], acc.at[di.at[j]], scs[b], add=True)
            if not first:
                pltpu.make_async_copy(bbs[nb], acc.at[di.at[j]], scs[nb]).wait()
            if not last:
                pltpu.async_copy(t_hbm.at[si.at[j + 1]], bbs[nb], sbs[nb])

        def body(g, carry):
            j = 2 * g + 1
            step(j, 1, False, False)
            step(j + 1, 0, False, False)
            return carry

        def block(blk, carry):
            rb = base + blk * CB
            pltpu.sync_copy(src_hbm.at[pl.ds(rb, CB), :], si)
            pltpu.sync_copy(dst_hbm.at[pl.ds(rb, CB), :], di)
            pltpu.async_copy(t_hbm.at[si.at[0]], bbs[0], sbs[0])
            step(0, 0, True, False)
            lax.fori_loop(0, (CB - 2) // 2, body, 0)
            step(CB - 1, 1, False, True)
            pltpu.make_async_copy(bbs[1], acc.at[di.at[CB - 1]], scs[1]).wait()
            return carry

        lax.fori_loop(0, nblk, block, 0)
        plsc.subcore_barrier()
        pltpu.sync_copy(acc.at[pl.ds(r0, SPT), :], out_hbm.at[cid, pl.ds(r0, SPT), :])

    return run(table, src1d, dst1d, zeros)


def _onehot_batch(bid_col):
    io = lax.broadcasted_iota(jnp.int32, (bid_col.shape[0], G), 1)
    return jnp.where(bid_col.astype(jnp.int32) == io, 1.0, 0.0).astype(jnp.float32)


def _accumulate(ref, contrib):
    first = pl.program_id(0) == 0

    @pl.when(first)
    def _():
        ref[...] = contrib

    @pl.when(jnp.logical_not(first))
    def _():
        ref[...] = ref[...] + contrib


def _tc_prep(x, bidf, emb_pad):

    def body(x_ref, bid_ref, emb_ref, h_ref, ps_ref, cnt_ref):
        xb = x_ref[...]
        ids = xb[:, 0:1].astype(jnp.int32)
        io = lax.broadcasted_iota(jnp.int32, (TILE, SPAD), 1)
        oh_st = jnp.where(ids == io, 1.0, 0.0).astype(jnp.float32)
        emb = jnp.dot(oh_st, emb_ref[...], preferred_element_type=jnp.float32)
        h0 = jnp.concatenate([emb, xb[:, 1:65]], axis=1)
        h_ref[...] = h0
        ohb = _onehot_batch(bid_ref[...])
        dn = (((0,), (0,)), ((), ()))
        ps = lax.dot_general(ohb, h0, dn, preferred_element_type=jnp.float32)
        cnt = lax.dot_general(ohb, jnp.ones((TILE, 128), jnp.float32), dn,
                              preferred_element_type=jnp.float32)
        _accumulate(ps_ref, ps)
        _accumulate(cnt_ref, cnt)

    return pl.pallas_call(
        body,
        grid=(NT,),
        in_specs=[
            pl.BlockSpec((TILE, 65), lambda i: (i, 0)),
            pl.BlockSpec((TILE, 1), lambda i: (i, 0)),
            pl.BlockSpec((SPAD, 64), lambda i: (0, 0)),
        ],
        out_specs=[
            pl.BlockSpec((TILE, 128), lambda i: (i, 0)),
            pl.BlockSpec((G, 128), lambda i: (0, 0)),
            pl.BlockSpec((G, 128), lambda i: (0, 0)),
        ],
        out_shape=[
            jax.ShapeDtypeStruct((N, 128), jnp.float32),
            jax.ShapeDtypeStruct((G, 128), jnp.float32),
            jax.ShapeDtypeStruct((G, 128), jnp.float32),
        ],
    )(x, bidf, emb_pad)


def _gf_in(layer, psums, cmax, w5s):
    gf = psums[0] / cmax
    for l in range(2, layer + 1):
        W5a, W5b, b5 = w5s[l - 2]
        pooled = psums[l - 1] / cmax
        g = jnp.dot(gf, W5a, preferred_element_type=jnp.float32) \
            + jnp.dot(pooled, W5b, preferred_element_type=jnp.float32) + b5
        if l == 2:
            gf = jax.nn.relu(g)
        else:
            gf = gf + jax.nn.relu(g)
    return gf


def _tc_dense(layer, h, S, EA, bidf, psums, counts, wl, w5s, lin_Wp=None, lin_bp=None):
    W1, b1, W2, W3, W4d, W4s, W4e, W4g, b4 = wl
    nps = len(psums)

    def body(*refs):
        (h_ref, S_ref, EA_ref, bid_ref), rest = refs[:4], refs[4:]
        ps_refs = rest[:nps]
        cnt_ref = rest[nps]
        w_refs = rest[nps + 1:]
        if layer == 3:
            out_ref = refs[-1]
            w_refs = w_refs[:-1]
        else:
            hout_ref, psout_ref = refs[-2], refs[-1]
            w_refs = w_refs[:-2]

        (W1r, b1r, W2r, W3r, W4dr, W4sr, W4er, W4gr, b4r), w_rest = \
            w_refs[:9], w_refs[9:]

        cmax = jnp.maximum(cnt_ref[...], 1.0)
        w5vals = []
        k = 0
        for _ in range(layer - 1):
            w5vals.append((w_rest[k][...], w_rest[k + 1][...], w_rest[k + 2][...]))
            k += 3
        gf = _gf_in(layer, [r[...] for r in ps_refs], cmax, w5vals)

        hb = h_ref[...]
        Sb = S_ref[0, :, :] + S_ref[1, :, :]
        EAb = EA_ref[0, :, :] + EA_ref[1, :, :]
        deg = EAb[:, 16:17]
        rdeg = 1.0 / jnp.maximum(deg, 1.0)
        mask = jnp.where(deg > 0.0, 1.0, 0.0)
        Sm = Sb * rdeg
        eam = EAb[:, 0:16] * rdeg

        ohb = _onehot_batch(bid_ref[...])
        g_node = jnp.dot(ohb, gf, preferred_element_type=jnp.float32)

        agg = (jnp.dot(hb, W4dr[...], preferred_element_type=jnp.float32)
               + jnp.dot(g_node, W4gr[...], preferred_element_type=jnp.float32)
               + jnp.dot(Sm, W4sr[...], preferred_element_type=jnp.float32)
               + jnp.dot(eam, W4er[...], preferred_element_type=jnp.float32)
               + b4r[...]) * mask
        x_new = (jnp.dot(hb, W1r[...], preferred_element_type=jnp.float32) + b1r[...]
                 + jnp.dot(agg, W2r[...], preferred_element_type=jnp.float32)
                 + jnp.dot(g_node, W3r[...], preferred_element_type=jnp.float32))

        if layer == 1:
            h_out = jax.nn.relu(x_new)
        else:
            h_out = hb + jax.nn.relu(x_new)

        if layer == 3:
            linW_ref, linb_ref = w_rest[k], w_rest[k + 1]
            o = jnp.dot(h_out, linW_ref[...], preferred_element_type=jnp.float32) \
                + linb_ref[...]
            mu = o[:, 0:1]
            sg = jax.nn.softplus(o[:, 1:2])
            out_ref[...] = jnp.concatenate([mu, sg], axis=1)
        else:
            hout_ref[...] = h_out
            dn = (((0,), (0,)), ((), ()))
            _accumulate(psout_ref,
                        lax.dot_general(ohb, x_new, dn,
                                        preferred_element_type=jnp.float32))

    full = lambda a, b: pl.BlockSpec((a, b), lambda i: (0, 0))
    in_specs = [
        pl.BlockSpec((TILE, 128), lambda i: (i, 0)),
        pl.BlockSpec((NC, TILE, 128), lambda i: (0, i, 0)),
        pl.BlockSpec((NC, TILE, 128), lambda i: (0, i, 0)),
        pl.BlockSpec((TILE, 1), lambda i: (i, 0)),
    ]
    args = [h, S, EA, bidf] + list(psums) + [counts]
    in_specs += [full(G, 128)] * nps + [full(G, 128)]
    wargs = [W1, b1, W2, W3, W4d, W4s, W4e, W4g, b4]
    wspecs = [full(128, 128), full(1, 128), full(128, 128), full(128, 128),
              full(128, 128), full(128, 128), full(16, 128), full(128, 128),
              full(1, 128)]
    for (W5a, W5b, b5) in w5s[:layer - 1]:
        wargs += [W5a, W5b, b5]
        wspecs += [full(128, 128), full(128, 128), full(1, 128)]
    if layer == 3:
        wargs += [lin_Wp, lin_bp]
        wspecs += [full(128, 128), full(1, 128)]
        out_specs = [pl.BlockSpec((TILE, 2), lambda i: (i, 0))]
        out_shape = [jax.ShapeDtypeStruct((N, 2), jnp.float32)]
    else:
        out_specs = [pl.BlockSpec((TILE, 128), lambda i: (i, 0)),
                     pl.BlockSpec((G, 128), lambda i: (0, 0))]
        out_shape = [jax.ShapeDtypeStruct((N, 128), jnp.float32),
                     jax.ShapeDtypeStruct((G, 128), jnp.float32)]

    return pl.pallas_call(
        body,
        grid=(NT,),
        in_specs=in_specs + wspecs,
        out_specs=out_specs,
        out_shape=out_shape,
    )(*(args + wargs))


def kernel(x, edge_index, edge_attr, batch_id, emb_table, params, lin_W, lin_b):
    f32 = jnp.float32
    i32 = jnp.int32
    pad = E2 - E
    pad_dst = N + jax.lax.rem(jnp.arange(pad, dtype=i32), jnp.int32(NP - N))
    src1d = jnp.concatenate([edge_index[0], jnp.zeros((pad,), i32)]).reshape(ROWS2, 128)
    dst1d = jnp.concatenate([edge_index[1], pad_dst]).reshape(ROWS2, 128)
    eidx1d = jnp.concatenate([jnp.arange(E, dtype=i32),
                              jnp.zeros((pad,), i32)]).reshape(ROWS2, 128)
    bidf = batch_id.astype(f32).reshape(N, 1)
    ea_pad = jnp.concatenate(
        [edge_attr, jnp.ones((E, 1), f32), jnp.zeros((E, 111), f32)], axis=1)
    zeros128 = jnp.zeros((NP, 128), f32)
    emb_pad = jnp.zeros((SPAD, 64), f32).at[:STATIONS].set(emb_table)
    lin_Wp = jnp.zeros((128, 128), f32).at[:, :2].set(lin_W)
    lin_bp = jnp.zeros((1, 128), f32).at[0, :2].set(lin_b)

    def wl(p):
        W4 = p['W4']
        return (p['W1'], p['b1'].reshape(1, 128), p['W2'], p['W3'],
                W4[0:128], W4[128:256], W4[256:272], W4[272:400],
                p['b4'].reshape(1, 128))

    w5s = [(p['W5'][0:128], p['W5'][128:256], p['b5'].reshape(1, 128))
           for p in params]

    EA = _sc_spmm(ea_pad, eidx1d, dst1d, zeros128)
    h0, psum0, counts = _tc_prep(x, bidf, emb_pad)

    S1 = _sc_spmm(h0, src1d, dst1d, zeros128)
    h1, psum1 = _tc_dense(1, h0, S1, EA, bidf, [psum0], counts, wl(params[0]), w5s)
    S2 = _sc_spmm(h1, src1d, dst1d, zeros128)
    h2, psum2 = _tc_dense(2, h1, S2, EA, bidf, [psum0, psum1], counts,
                          wl(params[1]), w5s)
    S3 = _sc_spmm(h2, src1d, dst1d, zeros128)
    out = _tc_dense(3, h2, S3, EA, bidf, [psum0, psum1, psum2], counts,
                    wl(params[2]), w5s, lin_Wp, lin_bp)
    return out[0]

# --- scband reference (transcript-rebuilt; emitter-appended) ---
"""Pipeline reference for scband-gnngi-20212116095005 (READ-ONLY COPY).

The authoritative reference and input builder live on the scoring server;
editing this copy changes nothing except your own understanding.
"""

import jax, jax.numpy as jnp
import numpy as np

N = 10000
E = 320000
G = 16
IN = 128
EC = 16
GC = 128
HID = 128
OUT = 128
GOUT = 128
LAYERS = 3
EMB = 64
STATIONS = 535
RAW = 65


def _lin(x, W, b=None):
    y = x @ W
    if b is not None:
        y = y + b
    return y


def _seg_mean(data, seg, num):
    s = jax.ops.segment_sum(data, seg, num_segments=num)
    c = jax.ops.segment_sum(jnp.ones((data.shape[0], 1), data.dtype), seg, num_segments=num)
    return s / jnp.maximum(c, 1.0)


def _mpwgi(x, edge_index, edge_attr, gfeat, batch_id, p):
    src = edge_index[0]
    dst = edge_index[1]
    g_node = gfeat[batch_id]
    msg_in = jnp.concatenate([x[dst], x[src], edge_attr, g_node[dst]], axis=-1)
    msg = _lin(msg_in, p['W4'], p['b4'])
    agg = _seg_mean(msg, dst, x.shape[0])
    x_new = _lin(x, p['W1'], p['b1']) + _lin(agg, p['W2']) + _lin(g_node, p['W3'])
    pooled = _seg_mean(x_new, batch_id, gfeat.shape[0])
    g_new = _lin(jnp.concatenate([gfeat, pooled], axis=-1), p['W5'], p['b5'])
    return x_new, g_new


def _forward(x, edge_index, edge_attr, batch_id, emb_table, params, lin_W, lin_b):
    ids = x[:, 0].astype(jnp.int32)
    h = jnp.concatenate([emb_table[ids], x[:, 1:]], axis=1)
    gf = _seg_mean(h, batch_id, G)
    h, gf = _mpwgi(h, edge_index, edge_attr, gf, batch_id, params[0])
    h = jax.nn.relu(h)
    gf = jax.nn.relu(gf)
    for p in params[1:]:
        hn, gn = _mpwgi(h, edge_index, edge_attr, gf, batch_id, p)
        h = h + jax.nn.relu(hn)
        gf = gf + jax.nn.relu(gn)
    out = _lin(h, lin_W, lin_b)
    mu = out[:, 0:1]
    sigma = jax.nn.softplus(out[:, 1:2])
    return jnp.concatenate([mu, sigma], axis=1)


def setup_inputs(seed: int = 0):
    key = jax.random.key(seed)
    ks = jax.random.split(key, 8)
    x = jax.random.uniform(ks[0], (N, RAW), dtype=jnp.float32)
    x = x.at[:, 0].set(jax.random.randint(ks[1], (N,), 0, STATIONS).astype(jnp.float32))
    edge_index = jax.random.randint(ks[2], (2, E), 0, N, dtype=jnp.int32)
    edge_attr = jax.random.normal(ks[3], (E, EC), dtype=jnp.float32)
    batch_id = jnp.sort(jax.random.randint(ks[4], (N,), 0, G, dtype=jnp.int32))
    emb_table = jax.random.normal(ks[5], (STATIONS, EMB), dtype=jnp.float32)
    params = []
    for i in range(LAYERS):
        kk = jax.random.split(jax.random.fold_in(key, 100 + i), 8)
        p = {
            'W1': jax.random.normal(kk[0], (IN, OUT), dtype=jnp.float32) / np.sqrt(IN),
            'b1': jnp.zeros((OUT,), dtype=jnp.float32),
            'W2': jax.random.normal(kk[1], (HID, OUT), dtype=jnp.float32) / np.sqrt(HID),
            'W3': jax.random.normal(kk[2], (GC, OUT), dtype=jnp.float32) / np.sqrt(GC),
            'W4': jax.random.normal(kk[3], (2 * IN + EC + GC, HID), dtype=jnp.float32) / np.sqrt(2 * IN + EC + GC),
            'b4': jnp.zeros((HID,), dtype=jnp.float32),
            'W5': jax.random.normal(kk[4], (HID + GC, GOUT), dtype=jnp.float32) / np.sqrt(HID + GC),
            'b5': jnp.zeros((GOUT,), dtype=jnp.float32),
        }
        params.append(p)
    lin_W = jax.random.normal(ks[6], (OUT, 2), dtype=jnp.float32) / np.sqrt(OUT)
    lin_b = jnp.zeros((2,), dtype=jnp.float32)
    return {'x': x, 'edge_index': edge_index, 'edge_attr': edge_attr, 'batch_id': batch_id, 'emb_table': emb_table, 'params': params, 'lin_W': lin_W, 'lin_b': lin_b}


def reference(x, edge_index, edge_attr, batch_id, emb_table, params, lin_W, lin_b):
    return _forward(x, edge_index, edge_attr, batch_id, emb_table, params, lin_W, lin_b)

if __name__ == "__main__":
    import jax
    _d = setup_inputs()
    print(jax.jit(kernel)(*tuple(_d.values())))

</pallas_src>

<mosaic_0001>
#map = affine_map<(d0, d1) -> (0, 0)>
#map1 = affine_map<(d0, d1) -> (0, 0, 0)>
module attributes {stable_mosaic.version = 14 : i64} {
  func.func @run(%arg0: i32, %arg1: i32, %arg2: memref<320000x128xf32, #tpu.memory_space<hbm>>, %arg3: memref<2560x128xi32, #tpu.memory_space<hbm>>, %arg4: memref<2560x128xi32, #tpu.memory_space<hbm>>, %arg5: memref<10240x128xf32, #tpu.memory_space<hbm>>, %arg6: memref<2x10240x128xf32, #tpu.memory_space<hbm>>, %arg7: memref<10240x128xf32, #tpu.memory_space<vmem_shared>>, %arg8: memref<32x128xi32, #tpu.memory_space<vmem>>, %arg9: memref<32x128xi32, #tpu.memory_space<vmem>>, %arg10: memref<128x128xf32, #tpu.memory_space<vmem>>, %arg11: memref<128x128xf32, #tpu.memory_space<vmem>>, %arg12: memref<!tpu.dma_semaphore, #tpu.memory_space<semaphore_mem>>, %arg13: memref<!tpu.dma_semaphore, #tpu.memory_space<semaphore_mem>>, %arg14: memref<!tpu.dma_semaphore, #tpu.memory_space<semaphore_mem>>, %arg15: memref<!tpu.dma_semaphore, #tpu.memory_space<semaphore_mem>>) attributes {dimension_semantics = [#tpu.dimension_semantics<core_parallel>, #tpu.dimension_semantics<subcore_parallel>], iteration_bounds = array<i64: 2, 16>, scalar_prefetch = 0 : i64, scratch_operands = 9 : i64, tpu.core_type = #tpu.core_type<sc_vector_subcore>, window_params = [{transform_indices = #map}, {transform_indices = #map}, {transform_indices = #map}, {transform_indices = #map}, {transform_indices = #map1}]} {
    %mul3A = arith.constant 2 : i32
    %mul3A_0 = arith.muli %arg1, %mul3A : i32
    %add3A = arith.addi %mul3A_0, %arg0 : i32
    %mul3A_1 = arith.constant 640 : i32
    %mul3A_2 = arith.muli %arg1, %mul3A_1 : i32
    "tpu.region"() ({
      %run_scoped3A = tpu.sem_alloc : memref<!tpu.dma_semaphore, #tpu.memory_space<semaphore_mem>>
      %dma_start3A = arith.constant 0 : i32
      %dma_start3A_24 = tpu.memref_slice %arg7[%mul3A_2, %dma_start3A] : memref<10240x128xf32, #tpu.memory_space<vmem_shared>> -> memref<640x128xf32, #tpu.memory_space<vmem_shared>>
      %dma_start3A_25 = arith.constant 0 : i32
      %dma_start3A_26 = tpu.memref_slice %arg5[%mul3A_2, %dma_start3A_25] : memref<10240x128xf32, #tpu.memory_space<hbm>> -> memref<640x128xf32, #tpu.memory_space<hbm>>
      tpu.enqueue_dma source(%dma_start3A_26 : memref<640x128xf32, #tpu.memory_space<hbm>>) target(%dma_start3A_24 : memref<640x128xf32, #tpu.memory_space<vmem_shared>>) target_semaphore(%run_scoped3A : memref<!tpu.dma_semaphore, #tpu.memory_space<semaphore_mem>>)
      %dma_wait3A = arith.constant 0 : i32
      %dma_wait3A_27 = tpu.memref_slice %arg7[%mul3A_2, %dma_wait3A] : memref<10240x128xf32, #tpu.memory_space<vmem_shared>> -> memref<640x128xf32, #tpu.memory_space<vmem_shared>>
      %dma_wait3A_28 = arith.constant 0 : i32
      %dma_wait3A_29 = tpu.memref_slice %arg5[%mul3A_2, %dma_wait3A_28] : memref<10240x128xf32, #tpu.memory_space<hbm>> -> memref<640x128xf32, #tpu.memory_space<hbm>>
      tpu.wait_dma2 semaphore(%run_scoped3A : memref<!tpu.dma_semaphore, #tpu.memory_space<semaphore_mem>>) src(%dma_wait3A_29 : memref<640x128xf32, #tpu.memory_space<hbm>>) dst(%dma_wait3A_27 : memref<640x128xf32, #tpu.memory_space<vmem_shared>>)
      tpu.yield
    }) : () -> ()
    %eq3A = arith.constant 1 : i32
    %eq3A_3 = arith.cmpi eq, %arg0, %eq3A : i32
    %mul3A_4 = arith.constant 128 : i32
    %mul3A_5 = arith.muli %arg1, %mul3A_4 : i32
    %mul3A_6 = arith.constant 32 : i32
    %mul3A_7 = arith.muli %arg1, %mul3A_6 : i32
    %add3A_8 = arith.constant 2048 : i32
    %add3A_9 = arith.addi %add3A_8, %mul3A_7 : i32
    %select_n3A = arith.select %eq3A_3, %mul3A_5, %add3A_9 : i32
    %eq3A_10 = arith.constant 1 : i32
    %eq3A_11 = arith.cmpi eq, %arg0, %eq3A_10 : i32
    %jit3A = arith.constant 4 : i32
    %jit3A_12 = arith.constant 1 : i32
    %select_n3A_13 = arith.select %eq3A_11, %jit3A, %jit3A_12 : i32
    %barrier3A = arith.constant 0 : index
    tpu.barrier barrier_id(%barrier3A)
    %while3A = arith.constant 0 : i32
    %while3A_14 = arith.constant 0 : i32
    %while3A_15 = arith.subi %select_n3A_13, %while3A_14 : i32
    %while3A_16 = arith.addi %while3A_14, %while3A_15 : i32
    %while3A_17 = arith.constant 1 : i32
    %while3A_18 = arith.divsi %while3A_15, %while3A_17 : i32
    %while3A_19 = arith.muli %while3A_18, %while3A_17 : i32
    %while3A_20 = arith.addi %while3A_14, %while3A_19 : i32
    %while3A_21 = arith.constant 1 : i32
    scf.for %while3A_24 = %while3A_14 to %while3A_20 step %while3A_21  : i32 {
      %mul3A_25 = arith.constant 32 : i32
      %mul3A_26 = arith.muli %while3A_24, %mul3A_25 : i32
      %add3A_27 = arith.addi %select_n3A, %mul3A_26 : i32
      "tpu.region"() ({
        %run_scoped3A = tpu.sem_alloc : memref<!tpu.dma_semaphore, #tpu.memory_space<semaphore_mem>>
        %dma_start3A_87 = arith.constant 0 : i32
        %dma_start3A_88 = tpu.memref_slice %arg3[%add3A_27, %dma_start3A_87] : memref<2560x128xi32, #tpu.memory_space<hbm>> -> memref<32x128xi32, #tpu.memory_space<hbm>>
        %dma_start3A_89 = arith.constant 0 : i32
        %dma_start3A_90 = tpu.memref_slice %arg3[%add3A_27, %dma_start3A_89] : memref<2560x128xi32, #tpu.memory_space<hbm>> -> memref<32x128xi32, #tpu.memory_space<hbm>>
        tpu.enqueue_dma source(%dma_start3A_90 : memref<32x128xi32, #tpu.memory_space<hbm>>) target(%arg8 : memref<32x128xi32, #tpu.memory_space<vmem>>) target_semaphore(%run_scoped3A : memref<!tpu.dma_semaphore, #tpu.memory_space<semaphore_mem>>)
        %dma_wait3A_91 = arith.constant 0 : i32
        %dma_wait3A_92 = tpu.memref_slice %arg3[%add3A_27, %dma_wait3A_91] : memref<2560x128xi32, #tpu.memory_space<hbm>> -> memref<32x128xi32, #tpu.memory_space<hbm>>
        %dma_wait3A_93 = arith.constant 0 : i32
        %dma_wait3A_94 = tpu.memref_slice %arg3[%add3A_27, %dma_wait3A_93] : memref<2560x128xi32, #tpu.memory_space<hbm>> -> memref<32x128xi32, #tpu.memory_space<hbm>>
        tpu.wait_dma2 semaphore(%run_scoped3A : memref<!tpu.dma_semaphore, #tpu.memory_space<semaphore_mem>>) src(%dma_wait3A_94 : memref<32x128xi32, #tpu.memory_space<hbm>>) dst(%arg8 : memref<32x128xi32, #tpu.memory_space<vmem>>)
        tpu.yield
      }) : () -> ()
      "tpu.region"() ({
        %run_scoped3A = tpu.sem_alloc : memref<!tpu.dma_semaphore, #tpu.memory_space<semaphore_mem>>
        %dma_start3A_87 = arith.constant 0 : i32
        %dma_start3A_88 = tpu.memref_slice %arg4[%add3A_27, %dma_start3A_87] : memref<2560x128xi32, #tpu.memory_space<hbm>> -> memref<32x128xi32, #tpu.memory_space<hbm>>
        %dma_start3A_89 = arith.constant 0 : i32
        %dma_start3A_90 = tpu.memref_slice %arg4[%add3A_27, %dma_start3A_89] : memref<2560x128xi32, #tpu.memory_space<hbm>> -> memref<32x128xi32, #tpu.memory_space<hbm>>
        tpu.enqueue_dma source(%dma_start3A_90 : memref<32x128xi32, #tpu.memory_space<hbm>>) target(%arg9 : memref<32x128xi32, #tpu.memory_space<vmem>>) target_semaphore(%run_scoped3A : memref<!tpu.dma_semaphore, #tpu.memory_space<semaphore_mem>>)
        %dma_wait3A_91 = arith.constant 0 : i32
        %dma_wait3A_92 = tpu.memref_slice %arg4[%add3A_27, %dma_wait3A_91] : memref<2560x128xi32, #tpu.memory_space<hbm>> -> memref<32x128xi32, #tpu.memory_space<hbm>>
        %dma_wait3A_93 = arith.constant 0 : i32
        %dma_wait3A_94 = tpu.memref_slice %arg4[%add3A_27, %dma_wait3A_93] : memref<2560x128xi32, #tpu.memory_space<hbm>> -> memref<32x128xi32, #tpu.memory_space<hbm>>
        tpu.wait_dma2 semaphore(%run_scoped3A : memref<!tpu.dma_semaphore, #tpu.memory_space<semaphore_mem>>) src(%dma_wait3A_94 : memref<32x128xi32, #tpu.memory_space<hbm>>) dst(%arg9 : memref<32x128xi32, #tpu.memory_space<vmem>>)
        tpu.yield
      }) : () -> ()
      %dma_start3A = arith.constant 0 : i32
      %dma_start3A_28 = arith.constant 0 : i32
      %dma_start3A_29 = tpu.memref_slice %arg8[%dma_start3A, %dma_start3A_28] : memref<32x128xi32, #tpu.memory_space<vmem>> -> memref<1x128xi32, #tpu.memory_space<vmem>>
      %dma_start3A_30 = tpu.memref_squeeze %dma_start3A_29 : memref<1x128xi32, #tpu.memory_space<vmem>> -> memref<128xi32, #tpu.memory_space<vmem>>
      %dma_start3A_31 = arith.constant 0 : i32
      %dma_start3A_32 = arith.constant 0 : i32
      %dma_start3A_33 = tpu.memref_slice %arg2[%dma_start3A_31, %dma_start3A_32] : memref<320000x128xf32, #tpu.memory_space<hbm>> -> memref<320000x128xf32, #tpu.memory_space<hbm>>
      tpu.enqueue_indirect_dma source(%dma_start3A_33 : memref<320000x128xf32, #tpu.memory_space<hbm>>) target(%arg10 : memref<128x128xf32, #tpu.memory_space<vmem>>) offsets(%dma_start3A_30 : memref<128xi32, #tpu.memory_space<vmem>>) semaphore(%arg12 : memref<!tpu.dma_semaphore, #tpu.memory_space<semaphore_mem>>)
      %dma_wait3A = arith.constant 0 : i32
      %dma_wait3A_34 = arith.constant 0 : i32
      %dma_wait3A_35 = tpu.memref_slice %arg8[%dma_wait3A, %dma_wait3A_34] : memref<32x128xi32, #tpu.memory_space<vmem>> -> memref<1x128xi32, #tpu.memory_space<vmem>>
      %dma_wait3A_36 = tpu.memref_squeeze %dma_wait3A_35 : memref<1x128xi32, #tpu.memory_space<vmem>> -> memref<128xi32, #tpu.memory_space<vmem>>
      %dma_wait3A_37 = arith.constant 0 : i32
      %dma_wait3A_38 = arith.constant 0 : i32
      %dma_wait3A_39 = tpu.memref_slice %arg2[%dma_wait3A_37, %dma_wait3A_38] : memref<320000x128xf32, #tpu.memory_space<hbm>> -> memref<320000x128xf32, #tpu.memory_space<hbm>>
      tpu.wait_indirect_dma semaphore(%arg12 : memref<!tpu.dma_semaphore, #tpu.memory_space<semaphore_mem>>) src(%dma_wait3A_39 : memref<320000x128xf32, #tpu.memory_space<hbm>>) dst(%arg10 : memref<128x128xf32, #tpu.memory_space<vmem>>)
      %dma_start3A_40 = arith.constant 0 : i32
      %dma_start3A_41 = arith.constant 0 : i32
      %dma_start3A_42 = tpu.memref_slice %arg9[%dma_start3A_40, %dma_start3A_41] : memref<32x128xi32, #tpu.memory_space<vmem>> -> memref<1x128xi32, #tpu.memory_space<vmem>>
      %dma_start3A_43 = tpu.memref_squeeze %dma_start3A_42 : memref<1x128xi32, #tpu.memory_space<vmem>> -> memref<128xi32, #tpu.memory_space<vmem>>
      %dma_start3A_44 = arith.constant 0 : i32
      %dma_start3A_45 = arith.constant 0 : i32
      %dma_start3A_46 = tpu.memref_slice %arg7[%dma_start3A_44, %dma_start3A_45] : memref<10240x128xf32, #tpu.memory_space<vmem_shared>> -> memref<10240x128xf32, #tpu.memory_space<vmem_shared>>
      tpu.enqueue_indirect_dma source(%arg10 : memref<128x128xf32, #tpu.memory_space<vmem>>) target(%dma_start3A_46 : memref<10240x128xf32, #tpu.memory_space<vmem_shared>>) offsets(%dma_start3A_43 : memref<128xi32, #tpu.memory_space<vmem>>) semaphore(%arg14 : memref<!tpu.dma_semaphore, #tpu.memory_space<semaphore_mem>>) {add = true}
      %dma_start3A_47 = arith.constant 1 : i32
      %dma_start3A_48 = arith.constant 0 : i32
      %dma_start3A_49 = tpu.memref_slice %arg8[%dma_start3A_47, %dma_start3A_48] : memref<32x128xi32, #tpu.memory_space<vmem>> -> memref<1x128xi32, #tpu.memory_space<vmem>>
      %dma_start3A_50 = tpu.memref_squeeze %dma_start3A_49 : memref<1x128xi32, #tpu.memory_space<vmem>> -> memref<128xi32, #tpu.memory_space<vmem>>
      %dma_start3A_51 = arith.constant 0 : i32
      %dma_start3A_52 = arith.constant 0 : i32
      %dma_start3A_53 = tpu.memref_slice %arg2[%dma_start3A_51, %dma_start3A_52] : memref<320000x128xf32, #tpu.memory_space<hbm>> -> memref<320000x128xf32, #tpu.memory_space<hbm>>
      tpu.enqueue_indirect_dma source(%dma_start3A_53 : memref<320000x128xf32, #tpu.memory_space<hbm>>) target(%arg11 : memref<128x128xf32, #tpu.memory_space<vmem>>) offsets(%dma_start3A_50 : memref<128xi32, #tpu.memory_space<vmem>>) semaphore(%arg13 : memref<!tpu.dma_semaphore, #tpu.memory_space<semaphore_mem>>)
      %scan3A = arith.constant 0 : i32
      %scan3A_54 = arith.constant 0 : i32
      %scan3A_55 = arith.constant 15 : i32
      %scan3A_56 = arith.addi %scan3A_54, %scan3A_55 : i32
      %scan3A_57 = arith.constant 1 : i32
      scf.for %scan3A_87 = %scan3A_54 to %scan3A_56 step %scan3A_57  : i32 {
        %mul3A_88 = arith.constant 2 : i32
        %mul3A_89 = arith.muli %mul3A_88, %scan3A_87 : i32
        %add3A_90 = arith.constant 1 : i32
        %add3A_91 = arith.addi %mul3A_89, %add3A_90 : i32
        %dma_wait3A_92 = arith.constant 0 : i32
        %dma_wait3A_93 = tpu.memref_slice %arg8[%add3A_91, %dma_wait3A_92] : memref<32x128xi32, #tpu.memory_space<vmem>> -> memref<1x128xi32, #tpu.memory_space<vmem>>
        %dma_wait3A_94 = tpu.memref_squeeze %dma_wait3A_93 : memref<1x128xi32, #tpu.memory_space<vmem>> -> memref<128xi32, #tpu.memory_space<vmem>>
        %dma_wait3A_95 = arith.constant 0 : i32
        %dma_wait3A_96 = arith.constant 0 : i32
        %dma_wait3A_97 = tpu.memref_slice %arg2[%dma_wait3A_95, %dma_wait3A_96] : memref<320000x128xf32, #tpu.memory_space<hbm>> -> memref<320000x128xf32, #tpu.memory_space<hbm>>
        tpu.wait_indirect_dma semaphore(%arg13 : memref<!tpu.dma_semaphore, #tpu.memory_space<semaphore_mem>>) src(%dma_wait3A_97 : memref<320000x128xf32, #tpu.memory_space<hbm>>) dst(%arg11 : memref<128x128xf32, #tpu.memory_space<vmem>>)
        %dma_start3A_98 = arith.constant 0 : i32
        %dma_start3A_99 = tpu.memref_slice %arg9[%add3A_91, %dma_start3A_98] : memref<32x128xi32, #tpu.memory_space<vmem>> -> memref<1x128xi32, #tpu.memory_space<vmem>>
        %dma_start3A_100 = tpu.memref_squeeze %dma_start3A_99 : memref<1x128xi32, #tpu.memory_space<vmem>> -> memref<128xi32, #tpu.memory_space<vmem>>
        %dma_start3A_101 = arith.constant 0 : i32
        %dma_start3A_102 = arith.constant 0 : i32
        %dma_start3A_103 = tpu.memref_slice %arg7[%dma_start3A_101, %dma_start3A_102] : memref<10240x128xf32, #tpu.memory_space<vmem_shared>> -> memref<10240x128xf32, #tpu.memory_space<vmem_shared>>
        tpu.enqueue_indirect_dma source(%arg11 : memref<128x128xf32, #tpu.memory_space<vmem>>) target(%dma_start3A_103 : memref<10240x128xf32, #tpu.memory_space<vmem_shared>>) offsets(%dma_start3A_100 : memref<128xi32, #tpu.memory_space<vmem>>) semaphore(%arg15 : memref<!tpu.dma_semaphore, #tpu.memory_space<semaphore_mem>>) {add = true}
        %dma_wait3A_104 = arith.constant 0 : i32
        %dma_wait3A_105 = tpu.memref_slice %arg9[%add3A_91, %dma_wait3A_104] : memref<32x128xi32, #tpu.memory_space<vmem>> -> memref<1x128xi32, #tpu.memory_space<vmem>>
        %dma_wait3A_106 = tpu.memref_squeeze %dma_wait3A_105 : memref<1x128xi32, #tpu.memory_space<vmem>> -> memref<128xi32, #tpu.memory_space<vmem>>
        %dma_wait3A_107 = arith.constant 0 : i32
        %dma_wait3A_108 = arith.constant 0 : i32
        %dma_wait3A_109 = tpu.memref_slice %arg7[%dma_wait3A_107, %dma_wait3A_108] : memref<10240x128xf32, #tpu.memory_space<vmem_shared>> -> memref<10240x128xf32, #tpu.memory_space<vmem_shared>>
        tpu.wait_indirect_dma semaphore(%arg14 : memref<!tpu.dma_semaphore, #tpu.memory_space<semaphore_mem>>) src(%arg10 : memref<128x128xf32, #tpu.memory_space<vmem>>) dst(%dma_wait3A_109 : memref<10240x128xf32, #tpu.memory_space<vmem_shared>>)
        %add3A_110 = arith.constant 1 : i32
        %add3A_111 = arith.addi %add3A_91, %add3A_110 : i32
        %dma_start3A_112 = arith.constant 0 : i32
        %dma_start3A_113 = tpu.memref_slice %arg8[%add3A_111, %dma_start3A_112] : memref<32x128xi32, #tpu.memory_space<vmem>> -> memref<1x128xi32, #tpu.memory_space<vmem>>
        %dma_start3A_114 = tpu.memref_squeeze %dma_start3A_113 : memref<1x128xi32, #tpu.memory_space<vmem>> -> memref<128xi32, #tpu.memory_space<vmem>>
        %dma_start3A_115 = arith.constant 0 : i32
        %dma_start3A_116 = arith.constant 0 : i32
        %dma_start3A_117 = tpu.memref_slice %arg2[%dma_start3A_115, %dma_start3A_116] : memref<320000x128xf32, #tpu.memory_space<hbm>> -> memref<320000x128xf32, #tpu.memory_space<hbm>>
        tpu.enqueue_indirect_dma source(%dma_start3A_117 : memref<320000x128xf32, #tpu.memory_space<hbm>>) target(%arg10 : memref<128x128xf32, #tpu.memory_space<vmem>>) offsets(%dma_start3A_114 : memref<128xi32, #tpu.memory_space<vmem>>) semaphore(%arg12 : memref<!tpu.dma_semaphore, #tpu.memory_space<semaphore_mem>>)
        %add3A_118 = arith.constant 1 : i32
        %add3A_119 = arith.addi %add3A_91, %add3A_118 : i32
        %dma_wait3A_120 = arith.constant 0 : i32
        %dma_wait3A_121 = tpu.memref_slice %arg8[%add3A_119, %dma_wait3A_120] : memref<32x128xi32, #tpu.memory_space<vmem>> -> memref<1x128xi32, #tpu.memory_space<vmem>>
        %dma_wait3A_122 = tpu.memref_squeeze %dma_wait3A_121 : memref<1x128xi32, #tpu.memory_space<vmem>> -> memref<128xi32, #tpu.memory_space<vmem>>
        %dma_wait3A_123 = arith.constant 0 : i32
        %dma_wait3A_124 = arith.constant 0 : i32
        %dma_wait3A_125 = tpu.memref_slice %arg2[%dma_wait3A_123, %dma_wait3A_124] : memref<320000x128xf32, #tpu.memory_space<hbm>> -> memref<320000x128xf32, #tpu.memory_space<hbm>>
        tpu.wait_indirect_dma semaphore(%arg12 : memref<!tpu.dma_semaphore, #tpu.memory_space<semaphore_mem>>) src(%dma_wait3A_125 : memref<320000x128xf32, #tpu.memory_space<hbm>>) dst(%arg10 : memref<128x128xf32, #tpu.memory_space<vmem>>)
        %dma_start3A_126 = arith.constant 0 : i32
        %dma_start3A_127 = tpu.memref_slice %arg9[%add3A_119, %dma_start3A_126] : memref<32x128xi32, #tpu.memory_space<vmem>> -> memref<1x128xi32, #tpu.memory_space<vmem>>
        %dma_start3A_128 = tpu.memref_squeeze %dma_start3A_127 : memref<1x128xi32, #tpu.memory_space<vmem>> -> memref<128xi32, #tpu.memory_space<vmem>>
        %dma_start3A_129 = arith.constant 0 : i32
        %dma_start3A_130 = arith.constant 0 : i32
        %dma_start3A_131 = tpu.memref_slice %arg7[%dma_start3A_129, %dma_start3A_130] : memref<10240x128xf32, #tpu.memory_space<vmem_shared>> -> memref<10240x128xf32, #tpu.memory_space<vmem_shared>>
        tpu.enqueue_indirect_dma source(%arg10 : memref<128x128xf32, #tpu.memory_space<vmem>>) target(%dma_start3A_131 : memref<10240x128xf32, #tpu.memory_space<vmem_shared>>) offsets(%dma_start3A_128 : memref<128xi32, #tpu.memory_space<vmem>>) semaphore(%arg14 : memref<!tpu.dma_semaphore, #tpu.memory_space<semaphore_mem>>) {add = true}
        %dma_wait3A_132 = arith.constant 0 : i32
        %dma_wait3A_133 = tpu.memref_slice %arg9[%add3A_119, %dma_wait3A_132] : memref<32x128xi32, #tpu.memory_space<vmem>> -> memref<1x128xi32, #tpu.memory_space<vmem>>
        %dma_wait3A_134 = tpu.memref_squeeze %dma_wait3A_133 : memref<1x128xi32, #tpu.memory_space<vmem>> -> memref<128xi32, #tpu.memory_space<vmem>>
        %dma_wait3A_135 = arith.constant 0 : i32
        %dma_wait3A_136 = arith.constant 0 : i32
        %dma_wait3A_137 = tpu.memref_slice %arg7[%dma_wait3A_135, %dma_wait3A_136] : memref<10240x128xf32, #tpu.memory_space<vmem_shared>> -> memref<10240x128xf32, #tpu.memory_space<vmem_shared>>
        tpu.wait_indirect_dma semaphore(%arg15 : memref<!tpu.dma_semaphore, #tpu.memory_space<semaphore_mem>>) src(%arg11 : memref<128x128xf32, #tpu.memory_space<vmem>>) dst(%dma_wait3A_137 : memref<10240x128xf32, #tpu.memory_space<vmem_shared>>)
        %add3A_138 = arith.constant 1 : i32
        %add3A_139 = arith.addi %add3A_119, %add3A_138 : i32
        %dma_start3A_140 = arith.constant 0 : i32
        %dma_start3A_141 = tpu.memref_slice %arg8[%add3A_139, %dma_start3A_140] : memref<32x128xi32, #tpu.memory_space<vmem>> -> memref<1x128xi32, #tpu.memory_space<vmem>>
        %dma_start3A_142 = tpu.memref_squeeze %dma_start3A_141 : memref<1x128xi32, #tpu.memory_space<vmem>> -> memref<128xi32, #tpu.memory_space<vmem>>
        %dma_start3A_143 = arith.constant 0 : i32
        %dma_start3A_144 = arith.constant 0 : i32
        %dma_start3A_145 = tpu.memref_slice %arg2[%dma_start3A_143, %dma_start3A_144] : memref<320000x128xf32, #tpu.memory_space<hbm>> -> memref<320000x128xf32, #tpu.memory_space<hbm>>
        tpu.enqueue_indirect_dma source(%dma_start3A_145 : memref<320000x128xf32, #tpu.memory_space<hbm>>) target(%arg11 : memref<128x128xf32, #tpu.memory_space<vmem>>) offsets(%dma_start3A_142 : memref<128xi32, #tpu.memory_space<vmem>>) semaphore(%arg13 : memref<!tpu.dma_semaphore, #tpu.memory_space<semaphore_mem>>)
      }
      %scan3A_58 = arith.constant 15 : i32
      %dma_wait3A_59 = arith.constant 31 : i32
      %dma_wait3A_60 = arith.constant 0 : i32
      %dma_wait3A_61 = tpu.memref_slice %arg8[%dma_wait3A_59, %dma_wait3A_60] : memref<32x128xi32, #tpu.memory_space<vmem>> -> memref<1x128xi32, #tpu.memory_space<vmem>>
      %dma_wait3A_62 = tpu.memref_squeeze %dma_wait3A_61 : memref<1x128xi32, #tpu.memory_space<vmem>> -> memref<128xi32, #tpu.memory_space<vmem>>
      %dma_wait3A_63 = arith.constant 0 : i32
      %dma_wait3A_64 = arith.constant 0 : i32
      %dma_wait3A_65 = tpu.memref_slice %arg2[%dma_wait3A_63, %dma_wait3A_64] : memref<320000x128xf32, #tpu.memory_space<hbm>> -> memref<320000x128xf32, #tpu.memory_space<hbm>>
      tpu.wait_indirect_dma semaphore(%arg13 : memref<!tpu.dma_semaphore, #tpu.memory_space<semaphore_mem>>) src(%dma_wait3A_65 : memref<320000x128xf32, #tpu.memory_space<hbm>>) dst(%arg11 : memref<128x128xf32, #tpu.memory_space<vmem>>)
      %dma_start3A_66 = arith.constant 31 : i32
      %dma_start3A_67 = arith.constant 0 : i32
      %dma_start3A_68 = tpu.memref_slice %arg9[%dma_start3A_66, %dma_start3A_67] : memref<32x128xi32, #tpu.memory_space<vmem>> -> memref<1x128xi32, #tpu.memory_space<vmem>>
      %dma_start3A_69 = tpu.memref_squeeze %dma_start3A_68 : memref<1x128xi32, #tpu.memory_space<vmem>> -> memref<128xi32, #tpu.memory_space<vmem>>
      %dma_start3A_70 = arith.constant 0 : i32
      %dma_start3A_71 = arith.constant 0 : i32
      %dma_start3A_72 = tpu.memref_slice %arg7[%dma_start3A_70, %dma_start3A_71] : memref<10240x128xf32, #tpu.memory_space<vmem_shared>> -> memref<10240x128xf32, #tpu.memory_space<vmem_shared>>
      tpu.enqueue_indirect_dma source(%arg11 : memref<128x128xf32, #tpu.memory_space<vmem>>) target(%dma_start3A_72 : memref<10240x128xf32, #tpu.memory_space<vmem_shared>>) offsets(%dma_start3A_69 : memref<128xi32, #tpu.memory_space<vmem>>) semaphore(%arg15 : memref<!tpu.dma_semaphore, #tpu.memory_space<semaphore_mem>>) {add = true}
      %dma_wait3A_73 = arith.constant 31 : i32
      %dma_wait3A_74 = arith.constant 0 : i32
      %dma_wait3A_75 = tpu.memref_slice %arg9[%dma_wait3A_73, %dma_wait3A_74] : memref<32x128xi32, #tpu.memory_space<vmem>> -> memref<1x128xi32, #tpu.memory_space<vmem>>
      %dma_wait3A_76 = tpu.memref_squeeze %dma_wait3A_75 : memref<1x128xi32, #tpu.memory_space<vmem>> -> memref<128xi32, #tpu.memory_space<vmem>>
      %dma_wait3A_77 = arith.constant 0 : i32
      %dma_wait3A_78 = arith.constant 0 : i32
      %dma_wait3A_79 = tpu.memref_slice %arg7[%dma_wait3A_77, %dma_wait3A_78] : memref<10240x128xf32, #tpu.memory_space<vmem_shared>> -> memref<10240x128xf32, #tpu.memory_space<vmem_shared>>
      tpu.wait_indirect_dma semaphore(%arg14 : memref<!tpu.dma_semaphore, #tpu.memory_space<semaphore_mem>>) src(%arg10 : memref<128x128xf32, #tpu.memory_space<vmem>>) dst(%dma_wait3A_79 : memref<10240x128xf32, #tpu.memory_space<vmem_shared>>)
      %dma_wait3A_80 = arith.constant 31 : i32
      %dma_wait3A_81 = arith.constant 0 : i32
      %dma_wait3A_82 = tpu.memref_slice %arg9[%dma_wait3A_80, %dma_wait3A_81] : memref<32x128xi32, #tpu.memory_space<vmem>> -> memref<1x128xi32, #tpu.memory_space<vmem>>
      %dma_wait3A_83 = tpu.memref_squeeze %dma_wait3A_82 : memref<1x128xi32, #tpu.memory_space<vmem>> -> memref<128xi32, #tpu.memory_space<vmem>>
      %dma_wait3A_84 = arith.constant 0 : i32
      %dma_wait3A_85 = arith.constant 0 : i32
      %dma_wait3A_86 = tpu.memref_slice %arg7[%dma_wait3A_84, %dma_wait3A_85] : memref<10240x128xf32, #tpu.memory_space<vmem_shared>> -> memref<10240x128xf32, #tpu.memory_space<vmem_shared>>
      tpu.wait_indirect_dma semaphore(%arg15 : memref<!tpu.dma_semaphore, #tpu.memory_space<semaphore_mem>>) src(%arg11 : memref<128x128xf32, #tpu.memory_space<vmem>>) dst(%dma_wait3A_86 : memref<10240x128xf32, #tpu.memory_space<vmem_shared>>)
    }
    %while3A_22 = arith.constant 1 : i32
    scf.for %while3A_24 = %while3A_20 to %while3A_16 step %while3A_22  : i32 {
      %mul3A_25 = arith.constant 32 : i32
      %mul3A_26 = arith.muli %while3A_24, %mul3A_25 : i32
      %add3A_27 = arith.addi %select_n3A, %mul3A_26 : i32
      "tpu.region"() ({
        %run_scoped3A = tpu.sem_alloc : memref<!tpu.dma_semaphore, #tpu.memory_space<semaphore_mem>>
        %dma_start3A_87 = arith.constant 0 : i32
        %dma_start3A_88 = tpu.memref_slice %arg3[%add3A_27, %dma_start3A_87] : memref<2560x128xi32, #tpu.memory_space<hbm>> -> memref<32x128xi32, #tpu.memory_space<hbm>>
        %dma_start3A_89 = arith.constant 0 : i32
        %dma_start3A_90 = tpu.memref_slice %arg3[%add3A_27, %dma_start3A_89] : memref<2560x128xi32, #tpu.memory_space<hbm>> -> memref<32x128xi32, #tpu.memory_space<hbm>>
        tpu.enqueue_dma source(%dma_start3A_90 : memref<32x128xi32, #tpu.memory_space<hbm>>) target(%arg8 : memref<32x128xi32, #tpu.memory_space<vmem>>) target_semaphore(%run_scoped3A : memref<!tpu.dma_semaphore, #tpu.memory_space<semaphore_mem>>)
        %dma_wait3A_91 = arith.constant 0 : i32
        %dma_wait3A_92 = tpu.memref_slice %arg3[%add3A_27, %dma_wait3A_91] : memref<2560x128xi32, #tpu.memory_space<hbm>> -> memref<32x128xi32, #tpu.memory_space<hbm>>
        %dma_wait3A_93 = arith.constant 0 : i32
        %dma_wait3A_94 = tpu.memref_slice %arg3[%add3A_27, %dma_wait3A_93] : memref<2560x128xi32, #tpu.memory_space<hbm>> -> memref<32x128xi32, #tpu.memory_space<hbm>>
        tpu.wait_dma2 semaphore(%run_scoped3A : memref<!tpu.dma_semaphore, #tpu.memory_space<semaphore_mem>>) src(%dma_wait3A_94 : memref<32x128xi32, #tpu.memory_space<hbm>>) dst(%arg8 : memref<32x128xi32, #tpu.memory_space<vmem>>)
        tpu.yield
      }) : () -> ()
      "tpu.region"() ({
        %run_scoped3A = tpu.sem_alloc : memref<!tpu.dma_semaphore, #tpu.memory_space<semaphore_mem>>
        %dma_start3A_87 = arith.constant 0 : i32
        %dma_start3A_88 = tpu.memref_slice %arg4[%add3A_27, %dma_start3A_87] : memref<2560x128xi32, #tpu.memory_space<hbm>> -> memref<32x128xi32, #tpu.memory_space<hbm>>
        %dma_start3A_89 = arith.constant 0 : i32
        %dma_start3A_90 = tpu.memref_slice %arg4[%add3A_27, %dma_start3A_89] : memref<2560x128xi32, #tpu.memory_space<hbm>> -> memref<32x128xi32, #tpu.memory_space<hbm>>
        tpu.enqueue_dma source(%dma_start3A_90 : memref<32x128xi32, #tpu.memory_space<hbm>>) target(%arg9 : memref<32x128xi32, #tpu.memory_space<vmem>>) target_semaphore(%run_scoped3A : memref<!tpu.dma_semaphore, #tpu.memory_space<semaphore_mem>>)
        %dma_wait3A_91 = arith.constant 0 : i32
        %dma_wait3A_92 = tpu.memref_slice %arg4[%add3A_27, %dma_wait3A_91] : memref<2560x128xi32, #tpu.memory_space<hbm>> -> memref<32x128xi32, #tpu.memory_space<hbm>>
        %dma_wait3A_93 = arith.constant 0 : i32
        %dma_wait3A_94 = tpu.memref_slice %arg4[%add3A_27, %dma_wait3A_93] : memref<2560x128xi32, #tpu.memory_space<hbm>> -> memref<32x128xi32, #tpu.memory_space<hbm>>
        tpu.wait_dma2 semaphore(%run_scoped3A : memref<!tpu.dma_semaphore, #tpu.memory_space<semaphore_mem>>) src(%dma_wait3A_94 : memref<32x128xi32, #tpu.memory_space<hbm>>) dst(%arg9 : memref<32x128xi32, #tpu.memory_space<vmem>>)
        tpu.yield
      }) : () -> ()
      %dma_start3A = arith.constant 0 : i32
      %dma_start3A_28 = arith.constant 0 : i32
      %dma_start3A_29 = tpu.memref_slice %arg8[%dma_start3A, %dma_start3A_28] : memref<32x128xi32, #tpu.memory_space<vmem>> -> memref<1x128xi32, #tpu.memory_space<vmem>>
      %dma_start3A_30 = tpu.memref_squeeze %dma_start3A_29 : memref<1x128xi32, #tpu.memory_space<vmem>> -> memref<128xi32, #tpu.memory_space<vmem>>
      %dma_start3A_31 = arith.constant 0 : i32
      %dma_start3A_32 = arith.constant 0 : i32
      %dma_start3A_33 = tpu.memref_slice %arg2[%dma_start3A_31, %dma_start3A_32] : memref<320000x128xf32, #tpu.memory_space<hbm>> -> memref<320000x128xf32, #tpu.memory_space<hbm>>
      tpu.enqueue_indirect_dma source(%dma_start3A_33 : memref<320000x128xf32, #tpu.memory_space<hbm>>) target(%arg10 : memref<128x128xf32, #tpu.memory_space<vmem>>) offsets(%dma_start3A_30 : memref<128xi32, #tpu.memory_space<vmem>>) semaphore(%arg12 : memref<!tpu.dma_semaphore, #tpu.memory_space<semaphore_mem>>)
      %dma_wait3A = arith.constant 0 : i32
      %dma_wait3A_34 = arith.constant 0 : i32
      %dma_wait3A_35 = tpu.memref_slice %arg8[%dma_wait3A, %dma_wait3A_34] : memref<32x128xi32, #tpu.memory_space<vmem>> -> memref<1x128xi32, #tpu.memory_space<vmem>>
      %dma_wait3A_36 = tpu.memref_squeeze %dma_wait3A_35 : memref<1x128xi32, #tpu.memory_space<vmem>> -> memref<128xi32, #tpu.memory_space<vmem>>
      %dma_wait3A_37 = arith.constant 0 : i32
      %dma_wait3A_38 = arith.constant 0 : i32
      %dma_wait3A_39 = tpu.memref_slice %arg2[%dma_wait3A_37, %dma_wait3A_38] : memref<320000x128xf32, #tpu.memory_space<hbm>> -> memref<320000x128xf32, #tpu.memory_space<hbm>>
      tpu.wait_indirect_dma semaphore(%arg12 : memref<!tpu.dma_semaphore, #tpu.memory_space<semaphore_mem>>) src(%dma_wait3A_39 : memref<320000x128xf32, #tpu.memory_space<hbm>>) dst(%arg10 : memref<128x128xf32, #tpu.memory_space<vmem>>)
      %dma_start3A_40 = arith.constant 0 : i32
      %dma_start3A_41 = arith.constant 0 : i32
      %dma_start3A_42 = tpu.memref_slice %arg9[%dma_start3A_40, %dma_start3A_41] : memref<32x128xi32, #tpu.memory_space<vmem>> -> memref<1x128xi32, #tpu.memory_space<vmem>>
      %dma_start3A_43 = tpu.memref_squeeze %dma_start3A_42 : memref<1x128xi32, #tpu.memory_space<vmem>> -> memref<128xi32, #tpu.memory_space<vmem>>
      %dma_start3A_44 = arith.constant 0 : i32
      %dma_start3A_45 = arith.constant 0 : i32
      %dma_start3A_46 = tpu.memref_slice %arg7[%dma_start3A_44, %dma_start3A_45] : memref<10240x128xf32, #tpu.memory_space<vmem_shared>> -> memref<10240x128xf32, #tpu.memory_space<vmem_shared>>
      tpu.enqueue_indirect_dma source(%arg10 : memref<128x128xf32, #tpu.memory_space<vmem>>) target(%dma_start3A_46 : memref<10240x128xf32, #tpu.memory_space<vmem_shared>>) offsets(%dma_start3A_43 : memref<128xi32, #tpu.memory_space<vmem>>) semaphore(%arg14 : memref<!tpu.dma_semaphore, #tpu.memory_space<semaphore_mem>>) {add = true}
      %dma_start3A_47 = arith.constant 1 : i32
      %dma_start3A_48 = arith.constant 0 : i32
      %dma_start3A_49 = tpu.memref_slice %arg8[%dma_start3A_47, %dma_start3A_48] : memref<32x128xi32, #tpu.memory_space<vmem>> -> memref<1x128xi32, #tpu.memory_space<vmem>>
      %dma_start3A_50 = tpu.memref_squeeze %dma_start3A_49 : memref<1x128xi32, #tpu.memory_space<vmem>> -> memref<128xi32, #tpu.memory_space<vmem>>
      %dma_start3A_51 = arith.constant 0 : i32
      %dma_start3A_52 = arith.constant 0 : i32
      %dma_start3A_53 = tpu.memref_slice %arg2[%dma_start3A_51, %dma_start3A_52] : memref<320000x128xf32, #tpu.memory_space<hbm>> -> memref<320000x128xf32, #tpu.memory_space<hbm>>
      tpu.enqueue_indirect_dma source(%dma_start3A_53 : memref<320000x128xf32, #tpu.memory_space<hbm>>) target(%arg11 : memref<128x128xf32, #tpu.memory_space<vmem>>) offsets(%dma_start3A_50 : memref<128xi32, #tpu.memory_space<vmem>>) semaphore(%arg13 : memref<!tpu.dma_semaphore, #tpu.memory_space<semaphore_mem>>)
      %scan3A = arith.constant 0 : i32
      %scan3A_54 = arith.constant 0 : i32
      %scan3A_55 = arith.constant 15 : i32
      %scan3A_56 = arith.addi %scan3A_54, %scan3A_55 : i32
      %scan3A_57 = arith.constant 1 : i32
      scf.for %scan3A_87 = %scan3A_54 to %scan3A_56 step %scan3A_57  : i32 {
        %mul3A_88 = arith.constant 2 : i32
        %mul3A_89 = arith.muli %mul3A_88, %scan3A_87 : i32
        %add3A_90 = arith.constant 1 : i32
        %add3A_91 = arith.addi %mul3A_89, %add3A_90 : i32
        %dma_wait3A_92 = arith.constant 0 : i32
        %dma_wait3A_93 = tpu.memref_slice %arg8[%add3A_91, %dma_wait3A_92] : memref<32x128xi32, #tpu.memory_space<vmem>> -> memref<1x128xi32, #tpu.memory_space<vmem>>
        %dma_wait3A_94 = tpu.memref_squeeze %dma_wait3A_93 : memref<1x128xi32, #tpu.memory_space<vmem>> -> memref<128xi32, #tpu.memory_space<vmem>>
        %dma_wait3A_95 = arith.constant 0 : i32
        %dma_wait3A_96 = arith.constant 0 : i32
        %dma_wait3A_97 = tpu.memref_slice %arg2[%dma_wait3A_95, %dma_wait3A_96] : memref<320000x128xf32, #tpu.memory_space<hbm>> -> memref<320000x128xf32, #tpu.memory_space<hbm>>
        tpu.wait_indirect_dma semaphore(%arg13 : memref<!tpu.dma_semaphore, #tpu.memory_space<semaphore_mem>>) src(%dma_wait3A_97 : memref<320000x128xf32, #tpu.memory_space<hbm>>) dst(%arg11 : memref<128x128xf32, #tpu.memory_space<vmem>>)
        %dma_start3A_98 = arith.constant 0 : i32
        %dma_start3A_99 = tpu.memref_slice %arg9[%add3A_91, %dma_start3A_98] : memref<32x128xi32, #tpu.memory_space<vmem>> -> memref<1x128xi32, #tpu.memory_space<vmem>>
        %dma_start3A_100 = tpu.memref_squeeze %dma_start3A_99 : memref<1x128xi32, #tpu.memory_space<vmem>> -> memref<128xi32, #tpu.memory_space<vmem>>
        %dma_start3A_101 = arith.constant 0 : i32
        %dma_start3A_102 = arith.constant 0 : i32
        %dma_start3A_103 = tpu.memref_slice %arg7[%dma_start3A_101, %dma_start3A_102] : memref<10240x128xf32, #tpu.memory_space<vmem_shared>> -> memref<10240x128xf32, #tpu.memory_space<vmem_shared>>
        tpu.enqueue_indirect_dma source(%arg11 : memref<128x128xf32, #tpu.memory_space<vmem>>) target(%dma_start3A_103 : memref<10240x128xf32, #tpu.memory_space<vmem_shared>>) offsets(%dma_start3A_100 : memref<128xi32, #tpu.memory_space<vmem>>) semaphore(%arg15 : memref<!tpu.dma_semaphore, #tpu.memory_space<semaphore_mem>>) {add = true}
        %dma_wait3A_104 = arith.constant 0 : i32
        %dma_wait3A_105 = tpu.memref_slice %arg9[%add3A_91, %dma_wait3A_104] : memref<32x128xi32, #tpu.memory_space<vmem>> -> memref<1x128xi32, #tpu.memory_space<vmem>>
        %dma_wait3A_106 = tpu.memref_squeeze %dma_wait3A_105 : memref<1x128xi32, #tpu.memory_space<vmem>> -> memref<128xi32, #tpu.memory_space<vmem>>
        %dma_wait3A_107 = arith.constant 0 : i32
        %dma_wait3A_108 = arith.constant 0 : i32
        %dma_wait3A_109 = tpu.memref_slice %arg7[%dma_wait3A_107, %dma_wait3A_108] : memref<10240x128xf32, #tpu.memory_space<vmem_shared>> -> memref<10240x128xf32, #tpu.memory_space<vmem_shared>>
        tpu.wait_indirect_dma semaphore(%arg14 : memref<!tpu.dma_semaphore, #tpu.memory_space<semaphore_mem>>) src(%arg10 : memref<128x128xf32, #tpu.memory_space<vmem>>) dst(%dma_wait3A_109 : memref<10240x128xf32, #tpu.memory_space<vmem_shared>>)
        %add3A_110 = arith.constant 1 : i32
        %add3A_111 = arith.addi %add3A_91, %add3A_110 : i32
        %dma_start3A_112 = arith.constant 0 : i32
        %dma_start3A_113 = tpu.memref_slice %arg8[%add3A_111, %dma_start3A_112] : memref<32x128xi32, #tpu.memory_space<vmem>> -> memref<1x128xi32, #tpu.memory_space<vmem>>
        %dma_start3A_114 = tpu.memref_squeeze %dma_start3A_113 : memref<1x128xi32, #tpu.memory_space<vmem>> -> memref<128xi32, #tpu.memory_space<vmem>>
        %dma_start3A_115 = arith.constant 0 : i32
        %dma_start3A_116 = arith.constant 0 : i32
        %dma_start3A_117 = tpu.memref_slice %arg2[%dma_start3A_115, %dma_start3A_116] : memref<320000x128xf32, #tpu.memory_space<hbm>> -> memref<320000x128xf32, #tpu.memory_space<hbm>>
        tpu.enqueue_indirect_dma source(%dma_start3A_117 : memref<320000x128xf32, #tpu.memory_space<hbm>>) target(%arg10 : memref<128x128xf32, #tpu.memory_space<vmem>>) offsets(%dma_start3A_114 : memref<128xi32, #tpu.memory_space<vmem>>) semaphore(%arg12 : memref<!tpu.dma_semaphore, #tpu.memory_space<semaphore_mem>>)
        %add3A_118 = arith.constant 1 : i32
        %add3A_119 = arith.addi %add3A_91, %add3A_118 : i32
        %dma_wait3A_120 = arith.constant 0 : i32
        %dma_wait3A_121 = tpu.memref_slice %arg8[%add3A_119, %dma_wait3A_120] : memref<32x128xi32, #tpu.memory_space<vmem>> -> memref<1x128xi32, #tpu.memory_space<vmem>>
        %dma_wait3A_122 = tpu.memref_squeeze %dma_wait3A_121 : memref<1x128xi32, #tpu.memory_space<vmem>> -> memref<128xi32, #tpu.memory_space<vmem>>
        %dma_wait3A_123 = arith.constant 0 : i32
        %dma_wait3A_124 = arith.constant 0 : i32
        %dma_wait3A_125 = tpu.memref_slice %arg2[%dma_wait3A_123, %dma_wait3A_124] : memref<320000x128xf32, #tpu.memory_space<hbm>> -> memref<320000x128xf32, #tpu.memory_space<hbm>>
        tpu.wait_indirect_dma semaphore(%arg12 : memref<!tpu.dma_semaphore, #tpu.memory_space<semaphore_mem>>) src(%dma_wait3A_125 : memref<320000x128xf32, #tpu.memory_space<hbm>>) dst(%arg10 : memref<128x128xf32, #tpu.memory_space<vmem>>)
        %dma_start3A_126 = arith.constant 0 : i32
        %dma_start3A_127 = tpu.memref_slice %arg9[%add3A_119, %dma_start3A_126] : memref<32x128xi32, #tpu.memory_space<vmem>> -> memref<1x128xi32, #tpu.memory_space<vmem>>
        %dma_start3A_128 = tpu.memref_squeeze %dma_start3A_127 : memref<1x128xi32, #tpu.memory_space<vmem>> -> memref<128xi32, #tpu.memory_space<vmem>>
        %dma_start3A_129 = arith.constant 0 : i32
        %dma_start3A_130 = arith.constant 0 : i32
        %dma_start3A_131 = tpu.memref_slice %arg7[%dma_start3A_129, %dma_start3A_130] : memref<10240x128xf32, #tpu.memory_space<vmem_shared>> -> memref<10240x128xf32, #tpu.memory_space<vmem_shared>>
        tpu.enqueue_indirect_dma source(%arg10 : memref<128x128xf32, #tpu.memory_space<vmem>>) target(%dma_start3A_131 : memref<10240x128xf32, #tpu.memory_space<vmem_shared>>) offsets(%dma_start3A_128 : memref<128xi32, #tpu.memory_space<vmem>>) semaphore(%arg14 : memref<!tpu.dma_semaphore, #tpu.memory_space<semaphore_mem>>) {add = true}
        %dma_wait3A_132 = arith.constant 0 : i32
        %dma_wait3A_133 = tpu.memref_slice %arg9[%add3A_119, %dma_wait3A_132] : memref<32x128xi32, #tpu.memory_space<vmem>> -> memref<1x128xi32, #tpu.memory_space<vmem>>
        %dma_wait3A_134 = tpu.memref_squeeze %dma_wait3A_133 : memref<1x128xi32, #tpu.memory_space<vmem>> -> memref<128xi32, #tpu.memory_space<vmem>>
        %dma_wait3A_135 = arith.constant 0 : i32
        %dma_wait3A_136 = arith.constant 0 : i32
        %dma_wait3A_137 = tpu.memref_slice %arg7[%dma_wait3A_135, %dma_wait3A_136] : memref<10240x128xf32, #tpu.memory_space<vmem_shared>> -> memref<10240x128xf32, #tpu.memory_space<vmem_shared>>
        tpu.wait_indirect_dma semaphore(%arg15 : memref<!tpu.dma_semaphore, #tpu.memory_space<semaphore_mem>>) src(%arg11 : memref<128x128xf32, #tpu.memory_space<vmem>>) dst(%dma_wait3A_137 : memref<10240x128xf32, #tpu.memory_space<vmem_shared>>)
        %add3A_138 = arith.constant 1 : i32
        %add3A_139 = arith.addi %add3A_119, %add3A_138 : i32
        %dma_start3A_140 = arith.constant 0 : i32
        %dma_start3A_141 = tpu.memref_slice %arg8[%add3A_139, %dma_start3A_140] : memref<32x128xi32, #tpu.memory_space<vmem>> -> memref<1x128xi32, #tpu.memory_space<vmem>>
        %dma_start3A_142 = tpu.memref_squeeze %dma_start3A_141 : memref<1x128xi32, #tpu.memory_space<vmem>> -> memref<128xi32, #tpu.memory_space<vmem>>
        %dma_start3A_143 = arith.constant 0 : i32
        %dma_start3A_144 = arith.constant 0 : i32
        %dma_start3A_145 = tpu.memref_slice %arg2[%dma_start3A_143, %dma_start3A_144] : memref<320000x128xf32, #tpu.memory_space<hbm>> -> memref<320000x128xf32, #tpu.memory_space<hbm>>
        tpu.enqueue_indirect_dma source(%dma_start3A_145 : memref<320000x128xf32, #tpu.memory_space<hbm>>) target(%arg11 : memref<128x128xf32, #tpu.memory_space<vmem>>) offsets(%dma_start3A_142 : memref<128xi32, #tpu.memory_space<vmem>>) semaphore(%arg13 : memref<!tpu.dma_semaphore, #tpu.memory_space<semaphore_mem>>)
      }
      %scan3A_58 = arith.constant 15 : i32
      %dma_wait3A_59 = arith.constant 31 : i32
      %dma_wait3A_60 = arith.constant 0 : i32
      %dma_wait3A_61 = tpu.memref_slice %arg8[%dma_wait3A_59, %dma_wait3A_60] : memref<32x128xi32, #tpu.memory_space<vmem>> -> memref<1x128xi32, #tpu.memory_space<vmem>>
      %dma_wait3A_62 = tpu.memref_squeeze %dma_wait3A_61 : memref<1x128xi32, #tpu.memory_space<vmem>> -> memref<128xi32, #tpu.memory_space<vmem>>
      %dma_wait3A_63 = arith.constant 0 : i32
      %dma_wait3A_64 = arith.constant 0 : i32
      %dma_wait3A_65 = tpu.memref_slice %arg2[%dma_wait3A_63, %dma_wait3A_64] : memref<320000x128xf32, #tpu.memory_space<hbm>> -> memref<320000x128xf32, #tpu.memory_space<hbm>>
      tpu.wait_indirect_dma semaphore(%arg13 : memref<!tpu.dma_semaphore, #tpu.memory_space<semaphore_mem>>) src(%dma_wait3A_65 : memref<320000x128xf32, #tpu.memory_space<hbm>>) dst(%arg11 : memref<128x128xf32, #tpu.memory_space<vmem>>)
      %dma_start3A_66 = arith.constant 31 : i32
      %dma_start3A_67 = arith.constant 0 : i32
      %dma_start3A_68 = tpu.memref_slice %arg9[%dma_start3A_66, %dma_start3A_67] : memref<32x128xi32, #tpu.memory_space<vmem>> -> memref<1x128xi32, #tpu.memory_space<vmem>>
      %dma_start3A_69 = tpu.memref_squeeze %dma_start3A_68 : memref<1x128xi32, #tpu.memory_space<vmem>> -> memref<128xi32, #tpu.memory_space<vmem>>
      %dma_start3A_70 = arith.constant 0 : i32
      %dma_start3A_71 = arith.constant 0 : i32
      %dma_start3A_72 = tpu.memref_slice %arg7[%dma_start3A_70, %dma_start3A_71] : memref<10240x128xf32, #tpu.memory_space<vmem_shared>> -> memref<10240x128xf32, #tpu.memory_space<vmem_shared>>
      tpu.enqueue_indirect_dma source(%arg11 : memref<128x128xf32, #tpu.memory_space<vmem>>) target(%dma_start3A_72 : memref<10240x128xf32, #tpu.memory_space<vmem_shared>>) offsets(%dma_start3A_69 : memref<128xi32, #tpu.memory_space<vmem>>) semaphore(%arg15 : memref<!tpu.dma_semaphore, #tpu.memory_space<semaphore_mem>>) {add = true}
      %dma_wait3A_73 = arith.constant 31 : i32
      %dma_wait3A_74 = arith.constant 0 : i32
      %dma_wait3A_75 = tpu.memref_slice %arg9[%dma_wait3A_73, %dma_wait3A_74] : memref<32x128xi32, #tpu.memory_space<vmem>> -> memref<1x128xi32, #tpu.memory_space<vmem>>
      %dma_wait3A_76 = tpu.memref_squeeze %dma_wait3A_75 : memref<1x128xi32, #tpu.memory_space<vmem>> -> memref<128xi32, #tpu.memory_space<vmem>>
      %dma_wait3A_77 = arith.constant 0 : i32
      %dma_wait3A_78 = arith.constant 0 : i32
      %dma_wait3A_79 = tpu.memref_slice %arg7[%dma_wait3A_77, %dma_wait3A_78] : memref<10240x128xf32, #tpu.memory_space<vmem_shared>> -> memref<10240x128xf32, #tpu.memory_space<vmem_shared>>
      tpu.wait_indirect_dma semaphore(%arg14 : memref<!tpu.dma_semaphore, #tpu.memory_space<semaphore_mem>>) src(%arg10 : memref<128x128xf32, #tpu.memory_space<vmem>>) dst(%dma_wait3A_79 : memref<10240x128xf32, #tpu.memory_space<vmem_shared>>)
      %dma_wait3A_80 = arith.constant 31 : i32
      %dma_wait3A_81 = arith.constant 0 : i32
      %dma_wait3A_82 = tpu.memref_slice %arg9[%dma_wait3A_80, %dma_wait3A_81] : memref<32x128xi32, #tpu.memory_space<vmem>> -> memref<1x128xi32, #tpu.memory_space<vmem>>
      %dma_wait3A_83 = tpu.memref_squeeze %dma_wait3A_82 : memref<1x128xi32, #tpu.memory_space<vmem>> -> memref<128xi32, #tpu.memory_space<vmem>>
      %dma_wait3A_84 = arith.constant 0 : i32
      %dma_wait3A_85 = arith.constant 0 : i32
      %dma_wait3A_86 = tpu.memref_slice %arg7[%dma_wait3A_84, %dma_wait3A_85] : memref<10240x128xf32, #tpu.memory_space<vmem_shared>> -> memref<10240x128xf32, #tpu.memory_space<vmem_shared>>
      tpu.wait_indirect_dma semaphore(%arg15 : memref<!tpu.dma_semaphore, #tpu.memory_space<semaphore_mem>>) src(%arg11 : memref<128x128xf32, #tpu.memory_space<vmem>>) dst(%dma_wait3A_86 : memref<10240x128xf32, #tpu.memory_space<vmem_shared>>)
    }
    %barrier3A_23 = arith.constant 0 : index
    tpu.barrier barrier_id(%barrier3A_23)
    "tpu.region"() ({
      %run_scoped3A = tpu.sem_alloc : memref<!tpu.dma_semaphore, #tpu.memory_space<semaphore_mem>>
      %dma_start3A = arith.constant 0 : i32
      %dma_start3A_24 = tpu.memref_slice %arg6[%arg0, %mul3A_2, %dma_start3A] : memref<2x10240x128xf32, #tpu.memory_space<hbm>> -> memref<1x640x128xf32, #tpu.memory_space<hbm>>
      %dma_start3A_25 = tpu.memref_squeeze %dma_start3A_24 : memref<1x640x128xf32, #tpu.memory_space<hbm>> -> memref<640x128xf32, #tpu.memory_space<hbm>>
      %dma_start3A_26 = arith.constant 0 : i32
      %dma_start3A_27 = tpu.memref_slice %arg7[%mul3A_2, %dma_start3A_26] : memref<10240x128xf32, #tpu.memory_space<vmem_shared>> -> memref<640x128xf32, #tpu.memory_space<vmem_shared>>
      tpu.enqueue_dma source(%dma_start3A_27 : memref<640x128xf32, #tpu.memory_space<vmem_shared>>) target(%dma_start3A_25 : memref<640x128xf32, #tpu.memory_space<hbm>>) target_semaphore(%run_scoped3A : memref<!tpu.dma_semaphore, #tpu.memory_space<semaphore_mem>>)
      %dma_wait3A = arith.constant 0 : i32
      %dma_wait3A_28 = tpu.memref_slice %arg6[%arg0, %mul3A_2, %dma_wait3A] : memref<2x10240x128xf32, #tpu.memory_space<hbm>> -> memref<1x640x128xf32, #tpu.memory_space<hbm>>
      %dma_wait3A_29 = tpu.memref_squeeze %dma_wait3A_28 : memref<1x640x128xf32, #tpu.memory_space<hbm>> -> memref<640x128xf32, #tpu.memory_space<hbm>>
      %dma_wait3A_30 = arith.constant 0 : i32
      %dma_wait3A_31 = tpu.memref_slice %arg7[%mul3A_2, %dma_wait3A_30] : memref<10240x128xf32, #tpu.memory_space<vmem_shared>> -> memref<640x128xf32, #tpu.memory_space<vmem_shared>>
      tpu.wait_dma2 semaphore(%run_scoped3A : memref<!tpu.dma_semaphore, #tpu.memory_space<semaphore_mem>>) src(%dma_wait3A_31 : memref<640x128xf32, #tpu.memory_space<vmem_shared>>) dst(%dma_wait3A_29 : memref<640x128xf32, #tpu.memory_space<hbm>>)
      tpu.yield
    }) : () -> ()
    return
  }
}

#map = affine_map<(d0, d1) -> (0, 0)>
#map1 = affine_map<(d0, d1) -> (0, 0, 0)>
module attributes {stable_mosaic.version = 14 : i64} {
  func.func @run(%arg0: i32, %arg1: i32, %arg2: memref<10000x128xf32, #tpu.memory_space<hbm>>, %arg3: memref<2560x128xi32, #tpu.memory_space<hbm>>, %arg4: memref<2560x128xi32, #tpu.memory_space<hbm>>, %arg5: memref<10240x128xf32, #tpu.memory_space<hbm>>, %arg6: memref<2x10240x128xf32, #tpu.memory_space<hbm>>, %arg7: memref<10240x128xf32, #tpu.memory_space<vmem_shared>>, %arg8: memref<32x128xi32, #tpu.memory_space<vmem>>, %arg9: memref<32x128xi32, #tpu.memory_space<vmem>>, %arg10: memref<128x128xf32, #tpu.memory_space<vmem>>, %arg11: memref<128x128xf32, #tpu.memory_space<vmem>>, %arg12: memref<!tpu.dma_semaphore, #tpu.memory_space<semaphore_mem>>, %arg13: memref<!tpu.dma_semaphore, #tpu.memory_space<semaphore_mem>>, %arg14: memref<!tpu.dma_semaphore, #tpu.memory_space<semaphore_mem>>, %arg15: memref<!tpu.dma_semaphore, #tpu.memory_space<semaphore_mem>>) attributes {dimension_semantics = [#tpu.dimension_semantics<core_parallel>, #tpu.dimension_semantics<subcore_parallel>], iteration_bounds = array<i64: 2, 16>, scalar_prefetch = 0 : i64, scratch_operands = 9 : i64, tpu.core_type = #tpu.core_type<sc_vector_subcore>, window_params = [{transform_indices = #map}, {transform_indices = #map}, {transform_indices = #map}, {transform_indices = #map}, {transform_indices = #map1}]} {
    %mul3A = arith.constant 2 : i32
    %mul3A_0 = arith.muli %arg1, %mul3A : i32
    %add3A = arith.addi %mul3A_0, %arg0 : i32
    %mul3A_1 = arith.constant 640 : i32
    %mul3A_2 = arith.muli %arg1, %mul3A_1 : i32
    "tpu.region"() ({
      %run_scoped3A = tpu.sem_alloc : memref<!tpu.dma_semaphore, #tpu.memory_space<semaphore_mem>>
      %dma_start3A = arith.constant 0 : i32
      %dma_start3A_24 = tpu.memref_slice %arg7[%mul3A_2, %dma_start3A] : memref<10240x128xf32, #tpu.memory_space<vmem_shared>> -> memref<640x128xf32, #tpu.memory_space<vmem_shared>>
      %dma_start3A_25 = arith.constant 0 : i32
      %dma_start3A_26 = tpu.memref_slice %arg5[%mul3A_2, %dma_start3A_25] : memref<10240x128xf32, #tpu.memory_space<hbm>> -> memref<640x128xf32, #tpu.memory_space<hbm>>
      tpu.enqueue_dma source(%dma_start3A_26 : memref<640x128xf32, #tpu.memory_space<hbm>>) target(%dma_start3A_24 : memref<640x128xf32, #tpu.memory_space<vmem_shared>>) target_semaphore(%run_scoped3A : memref<!tpu.dma_semaphore, #tpu.memory_space<semaphore_mem>>)
      %dma_wait3A = arith.constant 0 : i32
      %dma_wait3A_27 = tpu.memref_slice %arg7[%mul3A_2, %dma_wait3A] : memref<10240x128xf32, #tpu.memory_space<vmem_shared>> -> memref<640x128xf32, #tpu.memory_space<vmem_shared>>
      %dma_wait3A_28 = arith.constant 0 : i32
      %dma_wait3A_29 = tpu.memref_slice %arg5[%mul3A_2, %dma_wait3A_28] : memref<10240x128xf32, #tpu.memory_space<hbm>> -> memref<640x128xf32, #tpu.memory_space<hbm>>
      tpu.wait_dma2 semaphore(%run_scoped3A : memref<!tpu.dma_semaphore, #tpu.memory_space<semaphore_mem>>) src(%dma_wait3A_29 : memref<640x128xf32, #tpu.memory_space<hbm>>) dst(%dma_wait3A_27 : memref<640x128xf32, #tpu.memory_space<vmem_shared>>)
      tpu.yield
    }) : () -> ()
    %eq3A = arith.constant 1 : i32
    %eq3A_3 = arith.cmpi eq, %arg0, %eq3A : i32
    %mul3A_4 = arith.constant 128 : i32
    %mul3A_5 = arith.muli %arg1, %mul3A_4 : i32
    %mul3A_6 = arith.constant 32 : i32
    %mul3A_7 = arith.muli %arg1, %mul3A_6 : i32
    %add3A_8 = arith.constant 2048 : i32
    %add3A_9 = arith.addi %add3A_8, %mul3A_7 : i32
    %select_n3A = arith.select %eq3A_3, %mul3A_5, %add3A_9 : i32
    %eq3A_10 = arith.constant 1 : i32
    %eq3A_11 = arith.cmpi eq, %arg0, %eq3A_10 : i32
    %jit3A = arith.constant 4 : i32
    %jit3A_12 = arith.constant 1 : i32
    %select_n3A_13 = arith.select %eq3A_11, %jit3A, %jit3A_12 : i32
    %barrier3A = arith.constant 0 : index
    tpu.barrier barrier_id(%barrier3A)
    %while3A = arith.constant 0 : i32
    %while3A_14 = arith.constant 0 : i32
    %while3A_15 = arith.subi %select_n3A_13, %while3A_14 : i32
    %while3A_16 = arith.addi %while3A_14, %while3A_15 : i32
    %while3A_17 = arith.constant 1 : i32
    %while3A_18 = arith.divsi %while3A_15, %while3A_17 : i32
    %while3A_19 = arith.muli %while3A_18, %while3A_17 : i32
    %while3A_20 = arith.addi %while3A_14, %while3A_19 : i32
    %while3A_21 = arith.constant 1 : i32
    scf.for %while3A_24 = %while3A_14 to %while3A_20 step %while3A_21  : i32 {
      %mul3A_25 = arith.constant 32 : i32
      %mul3A_26 = arith.muli %while3A_24, %mul3A_25 : i32
      %add3A_27 = arith.addi %select_n3A, %mul3A_26 : i32
      "tpu.region"() ({
        %run_scoped3A = tpu.sem_alloc : memref<!tpu.dma_semaphore, #tpu.memory_space<semaphore_mem>>
        %dma_start3A_87 = arith.constant 0 : i32
        %dma_start3A_88 = tpu.memref_slice %arg3[%add3A_27, %dma_start3A_87] : memref<2560x128xi32, #tpu.memory_space<hbm>> -> memref<32x128xi32, #tpu.memory_space<hbm>>
        %dma_start3A_89 = arith.constant 0 : i32
        %dma_start3A_90 = tpu.memref_slice %arg3[%add3A_27, %dma_start3A_89] : memref<2560x128xi32, #tpu.memory_space<hbm>> -> memref<32x128xi32, #tpu.memory_space<hbm>>
        tpu.enqueue_dma source(%dma_start3A_90 : memref<32x128xi32, #tpu.memory_space<hbm>>) target(%arg8 : memref<32x128xi32, #tpu.memory_space<vmem>>) target_semaphore(%run_scoped3A : memref<!tpu.dma_semaphore, #tpu.memory_space<semaphore_mem>>)
        %dma_wait3A_91 = arith.constant 0 : i32
        %dma_wait3A_92 = tpu.memref_slice %arg3[%add3A_27, %dma_wait3A_91] : memref<2560x128xi32, #tpu.memory_space<hbm>> -> memref<32x128xi32, #tpu.memory_space<hbm>>
        %dma_wait3A_93 = arith.constant 0 : i32
        %dma_wait3A_94 = tpu.memref_slice %arg3[%add3A_27, %dma_wait3A_93] : memref<2560x128xi32, #tpu.memory_space<hbm>> -> memref<32x128xi32, #tpu.memory_space<hbm>>
        tpu.wait_dma2 semaphore(%run_scoped3A : memref<!tpu.dma_semaphore, #tpu.memory_space<semaphore_mem>>) src(%dma_wait3A_94 : memref<32x128xi32, #tpu.memory_space<hbm>>) dst(%arg8 : memref<32x128xi32, #tpu.memory_space<vmem>>)
        tpu.yield
      }) : () -> ()
      "tpu.region"() ({
        %run_scoped3A = tpu.sem_alloc : memref<!tpu.dma_semaphore, #tpu.memory_space<semaphore_mem>>
        %dma_start3A_87 = arith.constant 0 : i32
        %dma_start3A_88 = tpu.memref_slice %arg4[%add3A_27, %dma_start3A_87] : memref<2560x128xi32, #tpu.memory_space<hbm>> -> memref<32x128xi32, #tpu.memory_space<hbm>>
        %dma_start3A_89 = arith.constant 0 : i32
        %dma_start3A_90 = tpu.memref_slice %arg4[%add3A_27, %dma_start3A_89] : memref<2560x128xi32, #tpu.memory_space<hbm>> -> memref<32x128xi32, #tpu.memory_space<hbm>>
        tpu.enqueue_dma source(%dma_start3A_90 : memref<32x128xi32, #tpu.memory_space<hbm>>) target(%arg9 : memref<32x128xi32, #tpu.memory_space<vmem>>) target_semaphore(%run_scoped3A : memref<!tpu.dma_semaphore, #tpu.memory_space<semaphore_mem>>)
        %dma_wait3A_91 = arith.constant 0 : i32
        %dma_wait3A_92 = tpu.memref_slice %arg4[%add3A_27, %dma_wait3A_91] : memref<2560x128xi32, #tpu.memory_space<hbm>> -> memref<32x128xi32, #tpu.memory_space<hbm>>
        %dma_wait3A_93 = arith.constant 0 : i32
        %dma_wait3A_94 = tpu.memref_slice %arg4[%add3A_27, %dma_wait3A_93] : memref<2560x128xi32, #tpu.memory_space<hbm>> -> memref<32x128xi32, #tpu.memory_space<hbm>>
        tpu.wait_dma2 semaphore(%run_scoped3A : memref<!tpu.dma_semaphore, #tpu.memory_space<semaphore_mem>>) src(%dma_wait3A_94 : memref<32x128xi32, #tpu.memory_space<hbm>>) dst(%arg9 : memref<32x128xi32, #tpu.memory_space<vmem>>)
        tpu.yield
      }) : () -> ()
      %dma_start3A = arith.constant 0 : i32
      %dma_start3A_28 = arith.constant 0 : i32
      %dma_start3A_29 = tpu.memref_slice %arg8[%dma_start3A, %dma_start3A_28] : memref<32x128xi32, #tpu.memory_space<vmem>> -> memref<1x128xi32, #tpu.memory_space<vmem>>
      %dma_start3A_30 = tpu.memref_squeeze %dma_start3A_29 : memref<1x128xi32, #tpu.memory_space<vmem>> -> memref<128xi32, #tpu.memory_space<vmem>>
      %dma_start3A_31 = arith.constant 0 : i32
      %dma_start3A_32 = arith.constant 0 : i32
      %dma_start3A_33 = tpu.memref_slice %arg2[%dma_start3A_31, %dma_start3A_32] : memref<10000x128xf32, #tpu.memory_space<hbm>> -> memref<10000x128xf32, #tpu.memory_space<hbm>>
      tpu.enqueue_indirect_dma source(%dma_start3A_33 : memref<10000x128xf32, #tpu.memory_space<hbm>>) target(%arg10 : memref<128x128xf32, #tpu.memory_space<vmem>>) offsets(%dma_start3A_30 : memref<128xi32, #tpu.memory_space<vmem>>) semaphore(%arg12 : memref<!tpu.dma_semaphore, #tpu.memory_space<semaphore_mem>>)
      %dma_wait3A = arith.constant 0 : i32
      %dma_wait3A_34 = arith.constant 0 : i32
      %dma_wait3A_35 = tpu.memref_slice %arg8[%dma_wait3A, %dma_wait3A_34] : memref<32x128xi32, #tpu.memory_space<vmem>> -> memref<1x128xi32, #tpu.memory_space<vmem>>
      %dma_wait3A_36 = tpu.memref_squeeze %dma_wait3A_35 : memref<1x128xi32, #tpu.memory_space<vmem>> -> memref<128xi32, #tpu.memory_space<vmem>>
      %dma_wait3A_37 = arith.constant 0 : i32
      %dma_wait3A_38 = arith.constant 0 : i32
      %dma_wait3A_39 = tpu.memref_slice %arg2[%dma_wait3A_37, %dma_wait3A_38] : memref<10000x128xf32, #tpu.memory_space<hbm>> -> memref<10000x128xf32, #tpu.memory_space<hbm>>
      tpu.wait_indirect_dma semaphore(%arg12 : memref<!tpu.dma_semaphore, #tpu.memory_space<semaphore_mem>>) src(%dma_wait3A_39 : memref<10000x128xf32, #tpu.memory_space<hbm>>) dst(%arg10 : memref<128x128xf32, #tpu.memory_space<vmem>>)
      %dma_start3A_40 = arith.constant 0 : i32
      %dma_start3A_41 = arith.constant 0 : i32
      %dma_start3A_42 = tpu.memref_slice %arg9[%dma_start3A_40, %dma_start3A_41] : memref<32x128xi32, #tpu.memory_space<vmem>> -> memref<1x128xi32, #tpu.memory_space<vmem>>
      %dma_start3A_43 = tpu.memref_squeeze %dma_start3A_42 : memref<1x128xi32, #tpu.memory_space<vmem>> -> memref<128xi32, #tpu.memory_space<vmem>>
      %dma_start3A_44 = arith.constant 0 : i32
      %dma_start3A_45 = arith.constant 0 : i32
      %dma_start3A_46 = tpu.memref_slice %arg7[%dma_start3A_44, %dma_start3A_45] : memref<10240x128xf32, #tpu.memory_space<vmem_shared>> -> memref<10240x128xf32, #tpu.memory_space<vmem_shared>>
      tpu.enqueue_indirect_dma source(%arg10 : memref<128x128xf32, #tpu.memory_space<vmem>>) target(%dma_start3A_46 : memref<10240x128xf32, #tpu.memory_space<vmem_shared>>) offsets(%dma_start3A_43 : memref<128xi32, #tpu.memory_space<vmem>>) semaphore(%arg14 : memref<!tpu.dma_semaphore, #tpu.memory_space<semaphore_mem>>) {add = true}
      %dma_start3A_47 = arith.constant 1 : i32
      %dma_start3A_48 = arith.constant 0 : i32
      %dma_start3A_49 = tpu.memref_slice %arg8[%dma_start3A_47, %dma_start3A_48] : memref<32x128xi32, #tpu.memory_space<vmem>> -> memref<1x128xi32, #tpu.memory_space<vmem>>
      %dma_start3A_50 = tpu.memref_squeeze %dma_start3A_49 : memref<1x128xi32, #tpu.memory_space<vmem>> -> memref<128xi32, #tpu.memory_space<vmem>>
      %dma_start3A_51 = arith.constant 0 : i32
      %dma_start3A_52 = arith.constant 0 : i32
      %dma_start3A_53 = tpu.memref_slice %arg2[%dma_start3A_51, %dma_start3A_52] : memref<10000x128xf32, #tpu.memory_space<hbm>> -> memref<10000x128xf32, #tpu.memory_space<hbm>>
      tpu.enqueue_indirect_dma source(%dma_start3A_53 : memref<10000x128xf32, #tpu.memory_space<hbm>>) target(%arg11 : memref<128x128xf32, #tpu.memory_space<vmem>>) offsets(%dma_start3A_50 : memref<128xi32, #tpu.memory_space<vmem>>) semaphore(%arg13 : memref<!tpu.dma_semaphore, #tpu.memory_space<semaphore_mem>>)
      %scan3A = arith.constant 0 : i32
      %scan3A_54 = arith.constant 0 : i32
      %scan3A_55 = arith.constant 15 : i32
      %scan3A_56 = arith.addi %scan3A_54, %scan3A_55 : i32
      %scan3A_57 = arith.constant 1 : i32
      scf.for %scan3A_87 = %scan3A_54 to %scan3A_56 step %scan3A_57  : i32 {
        %mul3A_88 = arith.constant 2 : i32
        %mul3A_89 = arith.muli %mul3A_88, %scan3A_87 : i32
        %add3A_90 = arith.constant 1 : i32
        %add3A_91 = arith.addi %mul3A_89, %add3A_90 : i32
        %dma_wait3A_92 = arith.constant 0 : i32
        %dma_wait3A_93 = tpu.memref_slice %arg8[%add3A_91, %dma_wait3A_92] : memref<32x128xi32, #tpu.memory_space<vmem>> -> memref<1x128xi32, #tpu.memory_space<vmem>>
        %dma_wait3A_94 = tpu.memref_squeeze %dma_wait3A_93 : memref<1x128xi32, #tpu.memory_space<vmem>> -> memref<128xi32, #tpu.memory_space<vmem>>
        %dma_wait3A_95 = arith.constant 0 : i32
        %dma_wait3A_96 = arith.constant 0 : i32
        %dma_wait3A_97 = tpu.memref_slice %arg2[%dma_wait3A_95, %dma_wait3A_96] : memref<10000x128xf32, #tpu.memory_space<hbm>> -> memref<10000x128xf32, #tpu.memory_space<hbm>>
        tpu.wait_indirect_dma semaphore(%arg13 : memref<!tpu.dma_semaphore, #tpu.memory_space<semaphore_mem>>) src(%dma_wait3A_97 : memref<10000x128xf32, #tpu.memory_space<hbm>>) dst(%arg11 : memref<128x128xf32, #tpu.memory_space<vmem>>)
        %dma_start3A_98 = arith.constant 0 : i32
        %dma_start3A_99 = tpu.memref_slice %arg9[%add3A_91, %dma_start3A_98] : memref<32x128xi32, #tpu.memory_space<vmem>> -> memref<1x128xi32, #tpu.memory_space<vmem>>
        %dma_start3A_100 = tpu.memref_squeeze %dma_start3A_99 : memref<1x128xi32, #tpu.memory_space<vmem>> -> memref<128xi32, #tpu.memory_space<vmem>>
        %dma_start3A_101 = arith.constant 0 : i32
        %dma_start3A_102 = arith.constant 0 : i32
        %dma_start3A_103 = tpu.memref_slice %arg7[%dma_start3A_101, %dma_start3A_102] : memref<10240x128xf32, #tpu.memory_space<vmem_shared>> -> memref<10240x128xf32, #tpu.memory_space<vmem_shared>>
        tpu.enqueue_indirect_dma source(%arg11 : memref<128x128xf32, #tpu.memory_space<vmem>>) target(%dma_start3A_103 : memref<10240x128xf32, #tpu.memory_space<vmem_shared>>) offsets(%dma_start3A_100 : memref<128xi32, #tpu.memory_space<vmem>>) semaphore(%arg15 : memref<!tpu.dma_semaphore, #tpu.memory_space<semaphore_mem>>) {add = true}
        %dma_wait3A_104 = arith.constant 0 : i32
        %dma_wait3A_105 = tpu.memref_slice %arg9[%add3A_91, %dma_wait3A_104] : memref<32x128xi32, #tpu.memory_space<vmem>> -> memref<1x128xi32, #tpu.memory_space<vmem>>
        %dma_wait3A_106 = tpu.memref_squeeze %dma_wait3A_105 : memref<1x128xi32, #tpu.memory_space<vmem>> -> memref<128xi32, #tpu.memory_space<vmem>>
        %dma_wait3A_107 = arith.constant 0 : i32
        %dma_wait3A_108 = arith.constant 0 : i32
        %dma_wait3A_109 = tpu.memref_slice %arg7[%dma_wait3A_107, %dma_wait3A_108] : memref<10240x128xf32, #tpu.memory_space<vmem_shared>> -> memref<10240x128xf32, #tpu.memory_space<vmem_shared>>
        tpu.wait_indirect_dma semaphore(%arg14 : memref<!tpu.dma_semaphore, #tpu.memory_space<semaphore_mem>>) src(%arg10 : memref<128x128xf32, #tpu.memory_space<vmem>>) dst(%dma_wait3A_109 : memref<10240x128xf32, #tpu.memory_space<vmem_shared>>)
        %add3A_110 = arith.constant 1 : i32
        %add3A_111 = arith.addi %add3A_91, %add3A_110 : i32
        %dma_start3A_112 = arith.constant 0 : i32
        %dma_start3A_113 = tpu.memref_slice %arg8[%add3A_111, %dma_start3A_112] : memref<32x128xi32, #tpu.memory_space<vmem>> -> memref<1x128xi32, #tpu.memory_space<vmem>>
        %dma_start3A_114 = tpu.memref_squeeze %dma_start3A_113 : memref<1x128xi32, #tpu.memory_space<vmem>> -> memref<128xi32, #tpu.memory_space<vmem>>
        %dma_start3A_115 = arith.constant 0 : i32
        %dma_start3A_116 = arith.constant 0 : i32
        %dma_start3A_117 = tpu.memref_slice %arg2[%dma_start3A_115, %dma_start3A_116] : memref<10000x128xf32, #tpu.memory_space<hbm>> -> memref<10000x128xf32, #tpu.memory_space<hbm>>
        tpu.enqueue_indirect_dma source(%dma_start3A_117 : memref<10000x128xf32, #tpu.memory_space<hbm>>) target(%arg10 : memref<128x128xf32, #tpu.memory_space<vmem>>) offsets(%dma_start3A_114 : memref<128xi32, #tpu.memory_space<vmem>>) semaphore(%arg12 : memref<!tpu.dma_semaphore, #tpu.memory_space<semaphore_mem>>)
        %add3A_118 = arith.constant 1 : i32
        %add3A_119 = arith.addi %add3A_91, %add3A_118 : i32
        %dma_wait3A_120 = arith.constant 0 : i32
        %dma_wait3A_121 = tpu.memref_slice %arg8[%add3A_119, %dma_wait3A_120] : memref<32x128xi32, #tpu.memory_space<vmem>> -> memref<1x128xi32, #tpu.memory_space<vmem>>
        %dma_wait3A_122 = tpu.memref_squeeze %dma_wait3A_121 : memref<1x128xi32, #tpu.memory_space<vmem>> -> memref<128xi32, #tpu.memory_space<vmem>>
        %dma_wait3A_123 = arith.constant 0 : i32
        %dma_wait3A_124 = arith.constant 0 : i32
        %dma_wait3A_125 = tpu.memref_slice %arg2[%dma_wait3A_123, %dma_wait3A_124] : memref<10000x128xf32, #tpu.memory_space<hbm>> -> memref<10000x128xf32, #tpu.memory_space<hbm>>
        tpu.wait_indirect_dma semaphore(%arg12 : memref<!tpu.dma_semaphore, #tpu.memory_space<semaphore_mem>>) src(%dma_wait3A_125 : memref<10000x128xf32, #tpu.memory_space<hbm>>) dst(%arg10 : memref<128x128xf32, #tpu.memory_space<vmem>>)
        %dma_start3A_126 = arith.constant 0 : i32
        %dma_start3A_127 = tpu.memref_slice %arg9[%add3A_119, %dma_start3A_126] : memref<32x128xi32, #tpu.memory_space<vmem>> -> memref<1x128xi32, #tpu.memory_space<vmem>>
        %dma_start3A_128 = tpu.memref_squeeze %dma_start3A_127 : memref<1x128xi32, #tpu.memory_space<vmem>> -> memref<128xi32, #tpu.memory_space<vmem>>
        %dma_start3A_129 = arith.constant 0 : i32
        %dma_start3A_130 = arith.constant 0 : i32
        %dma_start3A_131 = tpu.memref_slice %arg7[%dma_start3A_129, %dma_start3A_130] : memref<10240x128xf32, #tpu.memory_space<vmem_shared>> -> memref<10240x128xf32, #tpu.memory_space<vmem_shared>>
        tpu.enqueue_indirect_dma source(%arg10 : memref<128x128xf32, #tpu.memory_space<vmem>>) target(%dma_start3A_131 : memref<10240x128xf32, #tpu.memory_space<vmem_shared>>) offsets(%dma_start3A_128 : memref<128xi32, #tpu.memory_space<vmem>>) semaphore(%arg14 : memref<!tpu.dma_semaphore, #tpu.memory_space<semaphore_mem>>) {add = true}
        %dma_wait3A_132 = arith.constant 0 : i32
        %dma_wait3A_133 = tpu.memref_slice %arg9[%add3A_119, %dma_wait3A_132] : memref<32x128xi32, #tpu.memory_space<vmem>> -> memref<1x128xi32, #tpu.memory_space<vmem>>
        %dma_wait3A_134 = tpu.memref_squeeze %dma_wait3A_133 : memref<1x128xi32, #tpu.memory_space<vmem>> -> memref<128xi32, #tpu.memory_space<vmem>>
        %dma_wait3A_135 = arith.constant 0 : i32
        %dma_wait3A_136 = arith.constant 0 : i32
        %dma_wait3A_137 = tpu.memref_slice %arg7[%dma_wait3A_135, %dma_wait3A_136] : memref<10240x128xf32, #tpu.memory_space<vmem_shared>> -> memref<10240x128xf32, #tpu.memory_space<vmem_shared>>
        tpu.wait_indirect_dma semaphore(%arg15 : memref<!tpu.dma_semaphore, #tpu.memory_space<semaphore_mem>>) src(%arg11 : memref<128x128xf32, #tpu.memory_space<vmem>>) dst(%dma_wait3A_137 : memref<10240x128xf32, #tpu.memory_space<vmem_shared>>)
        %add3A_138 = arith.constant 1 : i32
        %add3A_139 = arith.addi %add3A_119, %add3A_138 : i32
        %dma_start3A_140 = arith.constant 0 : i32
        %dma_start3A_141 = tpu.memref_slice %arg8[%add3A_139, %dma_start3A_140] : memref<32x128xi32, #tpu.memory_space<vmem>> -> memref<1x128xi32, #tpu.memory_space<vmem>>
        %dma_start3A_142 = tpu.memref_squeeze %dma_start3A_141 : memref<1x128xi32, #tpu.memory_space<vmem>> -> memref<128xi32, #tpu.memory_space<vmem>>
        %dma_start3A_143 = arith.constant 0 : i32
        %dma_start3A_144 = arith.constant 0 : i32
        %dma_start3A_145 = tpu.memref_slice %arg2[%dma_start3A_143, %dma_start3A_144] : memref<10000x128xf32, #tpu.memory_space<hbm>> -> memref<10000x128xf32, #tpu.memory_space<hbm>>
        tpu.enqueue_indirect_dma source(%dma_start3A_145 : memref<10000x128xf32, #tpu.memory_space<hbm>>) target(%arg11 : memref<128x128xf32, #tpu.memory_space<vmem>>) offsets(%dma_start3A_142 : memref<128xi32, #tpu.memory_space<vmem>>) semaphore(%arg13 : memref<!tpu.dma_semaphore, #tpu.memory_space<semaphore_mem>>)
      }
      %scan3A_58 = arith.constant 15 : i32
      %dma_wait3A_59 = arith.constant 31 : i32
      %dma_wait3A_60 = arith.constant 0 : i32
      %dma_wait3A_61 = tpu.memref_slice %arg8[%dma_wait3A_59, %dma_wait3A_60] : memref<32x128xi32, #tpu.memory_space<vmem>> -> memref<1x128xi32, #tpu.memory_space<vmem>>
      %dma_wait3A_62 = tpu.memref_squeeze %dma_wait3A_61 : memref<1x128xi32, #tpu.memory_space<vmem>> -> memref<128xi32, #tpu.memory_space<vmem>>
      %dma_wait3A_63 = arith.constant 0 : i32
      %dma_wait3A_64 = arith.constant 0 : i32
      %dma_wait3A_65 = tpu.memref_slice %arg2[%dma_wait3A_63, %dma_wait3A_64] : memref<10000x128xf32, #tpu.memory_space<hbm>> -> memref<10000x128xf32, #tpu.memory_space<hbm>>
      tpu.wait_indirect_dma semaphore(%arg13 : memref<!tpu.dma_semaphore, #tpu.memory_space<semaphore_mem>>) src(%dma_wait3A_65 : memref<10000x128xf32, #tpu.memory_space<hbm>>) dst(%arg11 : memref<128x128xf32, #tpu.memory_space<vmem>>)
      %dma_start3A_66 = arith.constant 31 : i32
      %dma_start3A_67 = arith.constant 0 : i32
      %dma_start3A_68 = tpu.memref_slice %arg9[%dma_start3A_66, %dma_start3A_67] : memref<32x128xi32, #tpu.memory_space<vmem>> -> memref<1x128xi32, #tpu.memory_space<vmem>>
      %dma_start3A_69 = tpu.memref_squeeze %dma_start3A_68 : memref<1x128xi32, #tpu.memory_space<vmem>> -> memref<128xi32, #tpu.memory_space<vmem>>
      %dma_start3A_70 = arith.constant 0 : i32
      %dma_start3A_71 = arith.constant 0 : i32
      %dma_start3A_72 = tpu.memref_slice %arg7[%dma_start3A_70, %dma_start3A_71] : memref<10240x128xf32, #tpu.memory_space<vmem_shared>> -> memref<10240x128xf32, #tpu.memory_space<vmem_shared>>
      tpu.enqueue_indirect_dma source(%arg11 : memref<128x128xf32, #tpu.memory_space<vmem>>) target(%dma_start3A_72 : memref<10240x128xf32, #tpu.memory_space<vmem_shared>>) offsets(%dma_start3A_69 : memref<128xi32, #tpu.memory_space<vmem>>) semaphore(%arg15 : memref<!tpu.dma_semaphore, #tpu.memory_space<semaphore_mem>>) {add = true}
      %dma_wait3A_73 = arith.constant 31 : i32
      %dma_wait3A_74 = arith.constant 0 : i32
      %dma_wait3A_75 = tpu.memref_slice %arg9[%dma_wait3A_73, %dma_wait3A_74] : memref<32x128xi32, #tpu.memory_space<vmem>> -> memref<1x128xi32, #tpu.memory_space<vmem>>
      %dma_wait3A_76 = tpu.memref_squeeze %dma_wait3A_75 : memref<1x128xi32, #tpu.memory_space<vmem>> -> memref<128xi32, #tpu.memory_space<vmem>>
      %dma_wait3A_77 = arith.constant 0 : i32
      %dma_wait3A_78 = arith.constant 0 : i32
      %dma_wait3A_79 = tpu.memref_slice %arg7[%dma_wait3A_77, %dma_wait3A_78] : memref<10240x128xf32, #tpu.memory_space<vmem_shared>> -> memref<10240x128xf32, #tpu.memory_space<vmem_shared>>
      tpu.wait_indirect_dma semaphore(%arg14 : memref<!tpu.dma_semaphore, #tpu.memory_space<semaphore_mem>>) src(%arg10 : memref<128x128xf32, #tpu.memory_space<vmem>>) dst(%dma_wait3A_79 : memref<10240x128xf32, #tpu.memory_space<vmem_shared>>)
      %dma_wait3A_80 = arith.constant 31 : i32
      %dma_wait3A_81 = arith.constant 0 : i32
      %dma_wait3A_82 = tpu.memref_slice %arg9[%dma_wait3A_80, %dma_wait3A_81] : memref<32x128xi32, #tpu.memory_space<vmem>> -> memref<1x128xi32, #tpu.memory_space<vmem>>
      %dma_wait3A_83 = tpu.memref_squeeze %dma_wait3A_82 : memref<1x128xi32, #tpu.memory_space<vmem>> -> memref<128xi32, #tpu.memory_space<vmem>>
      %dma_wait3A_84 = arith.constant 0 : i32
      %dma_wait3A_85 = arith.constant 0 : i32
      %dma_wait3A_86 = tpu.memref_slice %arg7[%dma_wait3A_84, %dma_wait3A_85] : memref<10240x128xf32, #tpu.memory_space<vmem_shared>> -> memref<10240x128xf32, #tpu.memory_space<vmem_shared>>
      tpu.wait_indirect_dma semaphore(%arg15 : memref<!tpu.dma_semaphore, #tpu.memory_space<semaphore_mem>>) src(%arg11 : memref<128x128xf32, #tpu.memory_space<vmem>>) dst(%dma_wait3A_86 : memref<10240x128xf32, #tpu.memory_space<vmem_shared>>)
    }
    %while3A_22 = arith.constant 1 : i32
    scf.for %while3A_24 = %while3A_20 to %while3A_16 step %while3A_22  : i32 {
      %mul3A_25 = arith.constant 32 : i32
      %mul3A_26 = arith.muli %while3A_24, %mul3A_25 : i32
      %add3A_27 = arith.addi %select_n3A, %mul3A_26 : i32
      "tpu.region"() ({
        %run_scoped3A = tpu.sem_alloc : memref<!tpu.dma_semaphore, #tpu.memory_space<semaphore_mem>>
        %dma_start3A_87 = arith.constant 0 : i32
        %dma_start3A_88 = tpu.memref_slice %arg3[%add3A_27, %dma_start3A_87] : memref<2560x128xi32, #tpu.memory_space<hbm>> -> memref<32x128xi32, #tpu.memory_space<hbm>>
        %dma_start3A_89 = arith.constant 0 : i32
        %dma_start3A_90 = tpu.memref_slice %arg3[%add3A_27, %dma_start3A_89] : memref<2560x128xi32, #tpu.memory_space<hbm>> -> memref<32x128xi32, #tpu.memory_space<hbm>>
        tpu.enqueue_dma source(%dma_start3A_90 : memref<32x128xi32, #tpu.memory_space<hbm>>) target(%arg8 : memref<32x128xi32, #tpu.memory_space<vmem>>) target_semaphore(%run_scoped3A : memref<!tpu.dma_semaphore, #tpu.memory_space<semaphore_mem>>)
        %dma_wait3A_91 = arith.constant 0 : i32
        %dma_wait3A_92 = tpu.memref_slice %arg3[%add3A_27, %dma_wait3A_91] : memref<2560x128xi32, #tpu.memory_space<hbm>> -> memref<32x128xi32, #tpu.memory_space<hbm>>
        %dma_wait3A_93 = arith.constant 0 : i32
        %dma_wait3A_94 = tpu.memref_slice %arg3[%add3A_27, %dma_wait3A_93] : memref<2560x128xi32, #tpu.memory_space<hbm>> -> memref<32x128xi32, #tpu.memory_space<hbm>>
        tpu.wait_dma2 semaphore(%run_scoped3A : memref<!tpu.dma_semaphore, #tpu.memory_space<semaphore_mem>>) src(%dma_wait3A_94 : memref<32x128xi32, #tpu.memory_space<hbm>>) dst(%arg8 : memref<32x128xi32, #tpu.memory_space<vmem>>)
        tpu.yield
      }) : () -> ()
      "tpu.region"() ({
        %run_scoped3A = tpu.sem_alloc : memref<!tpu.dma_semaphore, #tpu.memory_space<semaphore_mem>>
        %dma_start3A_87 = arith.constant 0 : i32
        %dma_start3A_88 = tpu.memref_slice %arg4[%add3A_27, %dma_start3A_87] : memref<2560x128xi32, #tpu.memory_space<hbm>> -> memref<32x128xi32, #tpu.memory_space<hbm>>
        %dma_start3A_89 = arith.constant 0 : i32
        %dma_start3A_90 = tpu.memref_slice %arg4[%add3A_27, %dma_start3A_89] : memref<2560x128xi32, #tpu.memory_space<hbm>> -> memref<32x128xi32, #tpu.memory_space<hbm>>
        tpu.enqueue_dma source(%dma_start3A_90 : memref<32x128xi32, #tpu.memory_space<hbm>>) target(%arg9 : memref<32x128xi32, #tpu.memory_space<vmem>>) target_semaphore(%run_scoped3A : memref<!tpu.dma_semaphore, #tpu.memory_space<semaphore_mem>>)
        %dma_wait3A_91 = arith.constant 0 : i32
        %dma_wait3A_92 = tpu.memref_slice %arg4[%add3A_27, %dma_wait3A_91] : memref<2560x128xi32, #tpu.memory_space<hbm>> -> memref<32x128xi32, #tpu.memory_space<hbm>>
        %dma_wait3A_93 = arith.constant 0 : i32
        %dma_wait3A_94 = tpu.memref_slice %arg4[%add3A_27, %dma_wait3A_93] : memref<2560x128xi32, #tpu.memory_space<hbm>> -> memref<32x128xi32, #tpu.memory_space<hbm>>
        tpu.wait_dma2 semaphore(%run_scoped3A : memref<!tpu.dma_semaphore, #tpu.memory_space<semaphore_mem>>) src(%dma_wait3A_94 : memref<32x128xi32, #tpu.memory_space<hbm>>) dst(%arg9 : memref<32x128xi32, #tpu.memory_space<vmem>>)
        tpu.yield
      }) : () -> ()
      %dma_start3A = arith.constant 0 : i32
      %dma_start3A_28 = arith.constant 0 : i32
      %dma_start3A_29 = tpu.memref_slice %arg8[%dma_start3A, %dma_start3A_28] : memref<32x128xi32, #tpu.memory_space<vmem>> -> memref<1x128xi32, #tpu.memory_space<vmem>>
      %dma_start3A_30 = tpu.memref_squeeze %dma_start3A_29 : memref<1x128xi32, #tpu.memory_space<vmem>> -> memref<128xi32, #tpu.memory_space<vmem>>
      %dma_start3A_31 = arith.constant 0 : i32
      %dma_start3A_32 = arith.constant 0 : i32
      %dma_start3A_33 = tpu.memref_slice %arg2[%dma_start3A_31, %dma_start3A_32] : memref<10000x128xf32, #tpu.memory_space<hbm>> -> memref<10000x128xf32, #tpu.memory_space<hbm>>
      tpu.enqueue_indirect_dma source(%dma_start3A_33 : memref<10000x128xf32, #tpu.memory_space<hbm>>) target(%arg10 : memref<128x128xf32, #tpu.memory_space<vmem>>) offsets(%dma_start3A_30 : memref<128xi32, #tpu.memory_space<vmem>>) semaphore(%arg12 : memref<!tpu.dma_semaphore, #tpu.memory_space<semaphore_mem>>)
      %dma_wait3A = arith.constant 0 : i32
      %dma_wait3A_34 = arith.constant 0 : i32
      %dma_wait3A_35 = tpu.memref_slice %arg8[%dma_wait3A, %dma_wait3A_34] : memref<32x128xi32, #tpu.memory_space<vmem>> -> memref<1x128xi32, #tpu.memory_space<vmem>>
      %dma_wait3A_36 = tpu.memref_squeeze %dma_wait3A_35 : memref<1x128xi32, #tpu.memory_space<vmem>> -> memref<128xi32, #tpu.memory_space<vmem>>
      %dma_wait3A_37 = arith.constant 0 : i32
      %dma_wait3A_38 = arith.constant 0 : i32
      %dma_wait3A_39 = tpu.memref_slice %arg2[%dma_wait3A_37, %dma_wait3A_38] : memref<10000x128xf32, #tpu.memory_space<hbm>> -> memref<10000x128xf32, #tpu.memory_space<hbm>>
      tpu.wait_indirect_dma semaphore(%arg12 : memref<!tpu.dma_semaphore, #tpu.memory_space<semaphore_mem>>) src(%dma_wait3A_39 : memref<10000x128xf32, #tpu.memory_space<hbm>>) dst(%arg10 : memref<128x128xf32, #tpu.memory_space<vmem>>)
      %dma_start3A_40 = arith.constant 0 : i32
      %dma_start3A_41 = arith.constant 0 : i32
      %dma_start3A_42 = tpu.memref_slice %arg9[%dma_start3A_40, %dma_start3A_41] : memref<32x128xi32, #tpu.memory_space<vmem>> -> memref<1x128xi32, #tpu.memory_space<vmem>>
      %dma_start3A_43 = tpu.memref_squeeze %dma_start3A_42 : memref<1x128xi32, #tpu.memory_space<vmem>> -> memref<128xi32, #tpu.memory_space<vmem>>
      %dma_start3A_44 = arith.constant 0 : i32
      %dma_start3A_45 = arith.constant 0 : i32
      %dma_start3A_46 = tpu.memref_slice %arg7[%dma_start3A_44, %dma_start3A_45] : memref<10240x128xf32, #tpu.memory_space<vmem_shared>> -> memref<10240x128xf32, #tpu.memory_space<vmem_shared>>
      tpu.enqueue_indirect_dma source(%arg10 : memref<128x128xf32, #tpu.memory_space<vmem>>) target(%dma_start3A_46 : memref<10240x128xf32, #tpu.memory_space<vmem_shared>>) offsets(%dma_start3A_43 : memref<128xi32, #tpu.memory_space<vmem>>) semaphore(%arg14 : memref<!tpu.dma_semaphore, #tpu.memory_space<semaphore_mem>>) {add = true}
      %dma_start3A_47 = arith.constant 1 : i32
      %dma_start3A_48 = arith.constant 0 : i32
      %dma_start3A_49 = tpu.memref_slice %arg8[%dma_start3A_47, %dma_start3A_48] : memref<32x128xi32, #tpu.memory_space<vmem>> -> memref<1x128xi32, #tpu.memory_space<vmem>>
      %dma_start3A_50 = tpu.memref_squeeze %dma_start3A_49 : memref<1x128xi32, #tpu.memory_space<vmem>> -> memref<128xi32, #tpu.memory_space<vmem>>
      %dma_start3A_51 = arith.constant 0 : i32
      %dma_start3A_52 = arith.constant 0 : i32
      %dma_start3A_53 = tpu.memref_slice %arg2[%dma_start3A_51, %dma_start3A_52] : memref<10000x128xf32, #tpu.memory_space<hbm>> -> memref<10000x128xf32, #tpu.memory_space<hbm>>
      tpu.enqueue_indirect_dma source(%dma_start3A_53 : memref<10000x128xf32, #tpu.memory_space<hbm>>) target(%arg11 : memref<128x128xf32, #tpu.memory_space<vmem>>) offsets(%dma_start3A_50 : memref<128xi32, #tpu.memory_space<vmem>>) semaphore(%arg13 : memref<!tpu.dma_semaphore, #tpu.memory_space<semaphore_mem>>)
      %scan3A = arith.constant 0 : i32
      %scan3A_54 = arith.constant 0 : i32
      %scan3A_55 = arith.constant 15 : i32
      %scan3A_56 = arith.addi %scan3A_54, %scan3A_55 : i32
      %scan3A_57 = arith.constant 1 : i32
      scf.for %scan3A_87 = %scan3A_54 to %scan3A_56 step %scan3A_57  : i32 {
        %mul3A_88 = arith.constant 2 : i32
        %mul3A_89 = arith.muli %mul3A_88, %scan3A_87 : i32
        %add3A_90 = arith.constant 1 : i32
        %add3A_91 = arith.addi %mul3A_89, %add3A_90 : i32
        %dma_wait3A_92 = arith.constant 0 : i32
        %dma_wait3A_93 = tpu.memref_slice %arg8[%add3A_91, %dma_wait3A_92] : memref<32x128xi32, #tpu.memory_space<vmem>> -> memref<1x128xi32, #tpu.memory_space<vmem>>
        %dma_wait3A_94 = tpu.memref_squeeze %dma_wait3A_93 : memref<1x128xi32, #tpu.memory_space<vmem>> -> memref<128xi32, #tpu.memory_space<vmem>>
        %dma_wait3A_95 = arith.constant 0 : i32
        %dma_wait3A_96 = arith.constant 0 : i32
        %dma_wait3A_97 = tpu.memref_slice %arg2[%dma_wait3A_95, %dma_wait3A_96] : memref<10000x128xf32, #tpu.memory_space<hbm>> -> memref<10000x128xf32, #tpu.memory_space<hbm>>
        tpu.wait_indirect_dma semaphore(%arg13 : memref<!tpu.dma_semaphore, #tpu.memory_space<semaphore_mem>>) src(%dma_wait3A_97 : memref<10000x128xf32, #tpu.memory_space<hbm>>) dst(%arg11 : memref<128x128xf32, #tpu.memory_space<vmem>>)
        %dma_start3A_98 = arith.constant 0 : i32
        %dma_start3A_99 = tpu.memref_slice %arg9[%add3A_91, %dma_start3A_98] : memref<32x128xi32, #tpu.memory_space<vmem>> -> memref<1x128xi32, #tpu.memory_space<vmem>>
        %dma_start3A_100 = tpu.memref_squeeze %dma_start3A_99 : memref<1x128xi32, #tpu.memory_space<vmem>> -> memref<128xi32, #tpu.memory_space<vmem>>
        %dma_start3A_101 = arith.constant 0 : i32
        %dma_start3A_102 = arith.constant 0 : i32
        %dma_start3A_103 = tpu.memref_slice %arg7[%dma_start3A_101, %dma_start3A_102] : memref<10240x128xf32, #tpu.memory_space<vmem_shared>> -> memref<10240x128xf32, #tpu.memory_space<vmem_shared>>
        tpu.enqueue_indirect_dma source(%arg11 : memref<128x128xf32, #tpu.memory_space<vmem>>) target(%dma_start3A_103 : memref<10240x128xf32, #tpu.memory_space<vmem_shared>>) offsets(%dma_start3A_100 : memref<128xi32, #tpu.memory_space<vmem>>) semaphore(%arg15 : memref<!tpu.dma_semaphore, #tpu.memory_space<semaphore_mem>>) {add = true}
        %dma_wait3A_104 = arith.constant 0 : i32
        %dma_wait3A_105 = tpu.memref_slice %arg9[%add3A_91, %dma_wait3A_104] : memref<32x128xi32, #tpu.memory_space<vmem>> -> memref<1x128xi32, #tpu.memory_space<vmem>>
        %dma_wait3A_106 = tpu.memref_squeeze %dma_wait3A_105 : memref<1x128xi32, #tpu.memory_space<vmem>> -> memref<128xi32, #tpu.memory_space<vmem>>
        %dma_wait3A_107 = arith.constant 0 : i32
        %dma_wait3A_108 = arith.constant 0 : i32
        %dma_wait3A_109 = tpu.memref_slice %arg7[%dma_wait3A_107, %dma_wait3A_108] : memref<10240x128xf32, #tpu.memory_space<vmem_shared>> -> memref<10240x128xf32, #tpu.memory_space<vmem_shared>>
        tpu.wait_indirect_dma semaphore(%arg14 : memref<!tpu.dma_semaphore, #tpu.memory_space<semaphore_mem>>) src(%arg10 : memref<128x128xf32, #tpu.memory_space<vmem>>) dst(%dma_wait3A_109 : memref<10240x128xf32, #tpu.memory_space<vmem_shared>>)
        %add3A_110 = arith.constant 1 : i32
        %add3A_111 = arith.addi %add3A_91, %add3A_110 : i32
        %dma_start3A_112 = arith.constant 0 : i32
        %dma_start3A_113 = tpu.memref_slice %arg8[%add3A_111, %dma_start3A_112] : memref<32x128xi32, #tpu.memory_space<vmem>> -> memref<1x128xi32, #tpu.memory_space<vmem>>
        %dma_start3A_114 = tpu.memref_squeeze %dma_start3A_113 : memref<1x128xi32, #tpu.memory_space<vmem>> -> memref<128xi32, #tpu.memory_space<vmem>>
        %dma_start3A_115 = arith.constant 0 : i32
        %dma_start3A_116 = arith.constant 0 : i32
        %dma_start3A_117 = tpu.memref_slice %arg2[%dma_start3A_115, %dma_start3A_116] : memref<10000x128xf32, #tpu.memory_space<hbm>> -> memref<10000x128xf32, #tpu.memory_space<hbm>>
        tpu.enqueue_indirect_dma source(%dma_start3A_117 : memref<10000x128xf32, #tpu.memory_space<hbm>>) target(%arg10 : memref<128x128xf32, #tpu.memory_space<vmem>>) offsets(%dma_start3A_114 : memref<128xi32, #tpu.memory_space<vmem>>) semaphore(%arg12 : memref<!tpu.dma_semaphore, #tpu.memory_space<semaphore_mem>>)
        %add3A_118 = arith.constant 1 : i32
        %add3A_119 = arith.addi %add3A_91, %add3A_118 : i32
        %dma_wait3A_120 = arith.constant 0 : i32
        %dma_wait3A_121 = tpu.memref_slice %arg8[%add3A_119, %dma_wait3A_120] : memref<32x128xi32, #tpu.memory_space<vmem>> -> memref<1x128xi32, #tpu.memory_space<vmem>>
        %dma_wait3A_122 = tpu.memref_squeeze %dma_wait3A_121 : memref<1x128xi32, #tpu.memory_space<vmem>> -> memref<128xi32, #tpu.memory_space<vmem>>
        %dma_wait3A_123 = arith.constant 0 : i32
        %dma_wait3A_124 = arith.constant 0 : i32
        %dma_wait3A_125 = tpu.memref_slice %arg2[%dma_wait3A_123, %dma_wait3A_124] : memref<10000x128xf32, #tpu.memory_space<hbm>> -> memref<10000x128xf32, #tpu.memory_space<hbm>>
        tpu.wait_indirect_dma semaphore(%arg12 : memref<!tpu.dma_semaphore, #tpu.memory_space<semaphore_mem>>) src(%dma_wait3A_125 : memref<10000x128xf32, #tpu.memory_space<hbm>>) dst(%arg10 : memref<128x128xf32, #tpu.memory_space<vmem>>)
        %dma_start3A_126 = arith.constant 0 : i32
        %dma_start3A_127 = tpu.memref_slice %arg9[%add3A_119, %dma_start3A_126] : memref<32x128xi32, #tpu.memory_space<vmem>> -> memref<1x128xi32, #tpu.memory_space<vmem>>
        %dma_start3A_128 = tpu.memref_squeeze %dma_start3A_127 : memref<1x128xi32, #tpu.memory_space<vmem>> -> memref<128xi32, #tpu.memory_space<vmem>>
        %dma_start3A_129 = arith.constant 0 : i32
        %dma_start3A_130 = arith.constant 0 : i32
        %dma_start3A_131 = tpu.memref_slice %arg7[%dma_start3A_129, %dma_start3A_130] : memref<10240x128xf32, #tpu.memory_space<vmem_shared>> -> memref<10240x128xf32, #tpu.memory_space<vmem_shared>>
        tpu.enqueue_indirect_dma source(%arg10 : memref<128x128xf32, #tpu.memory_space<vmem>>) target(%dma_start3A_131 : memref<10240x128xf32, #tpu.memory_space<vmem_shared>>) offsets(%dma_start3A_128 : memref<128xi32, #tpu.memory_space<vmem>>) semaphore(%arg14 : memref<!tpu.dma_semaphore, #tpu.memory_space<semaphore_mem>>) {add = true}
        %dma_wait3A_132 = arith.constant 0 : i32
        %dma_wait3A_133 = tpu.memref_slice %arg9[%add3A_119, %dma_wait3A_132] : memref<32x128xi32, #tpu.memory_space<vmem>> -> memref<1x128xi32, #tpu.memory_space<vmem>>
        %dma_wait3A_134 = tpu.memref_squeeze %dma_wait3A_133 : memref<1x128xi32, #tpu.memory_space<vmem>> -> memref<128xi32, #tpu.memory_space<vmem>>
        %dma_wait3A_135 = arith.constant 0 : i32
        %dma_wait3A_136 = arith.constant 0 : i32
        %dma_wait3A_137 = tpu.memref_slice %arg7[%dma_wait3A_135, %dma_wait3A_136] : memref<10240x128xf32, #tpu.memory_space<vmem_shared>> -> memref<10240x128xf32, #tpu.memory_space<vmem_shared>>
        tpu.wait_indirect_dma semaphore(%arg15 : memref<!tpu.dma_semaphore, #tpu.memory_space<semaphore_mem>>) src(%arg11 : memref<128x128xf32, #tpu.memory_space<vmem>>) dst(%dma_wait3A_137 : memref<10240x128xf32, #tpu.memory_space<vmem_shared>>)
        %add3A_138 = arith.constant 1 : i32
        %add3A_139 = arith.addi %add3A_119, %add3A_138 : i32
        %dma_start3A_140 = arith.constant 0 : i32
        %dma_start3A_141 = tpu.memref_slice %arg8[%add3A_139, %dma_start3A_140] : memref<32x128xi32, #tpu.memory_space<vmem>> -> memref<1x128xi32, #tpu.memory_space<vmem>>
        %dma_start3A_142 = tpu.memref_squeeze %dma_start3A_141 : memref<1x128xi32, #tpu.memory_space<vmem>> -> memref<128xi32, #tpu.memory_space<vmem>>
        %dma_start3A_143 = arith.constant 0 : i32
        %dma_start3A_144 = arith.constant 0 : i32
        %dma_start3A_145 = tpu.memref_slice %arg2[%dma_start3A_143, %dma_start3A_144] : memref<10000x128xf32, #tpu.memory_space<hbm>> -> memref<10000x128xf32, #tpu.memory_space<hbm>>
        tpu.enqueue_indirect_dma source(%dma_start3A_145 : memref<10000x128xf32, #tpu.memory_space<hbm>>) target(%arg11 : memref<128x128xf32, #tpu.memory_space<vmem>>) offsets(%dma_start3A_142 : memref<128xi32, #tpu.memory_space<vmem>>) semaphore(%arg13 : memref<!tpu.dma_semaphore, #tpu.memory_space<semaphore_mem>>)
      }
      %scan3A_58 = arith.constant 15 : i32
      %dma_wait3A_59 = arith.constant 31 : i32
      %dma_wait3A_60 = arith.constant 0 : i32
      %dma_wait3A_61 = tpu.memref_slice %arg8[%dma_wait3A_59, %dma_wait3A_60] : memref<32x128xi32, #tpu.memory_space<vmem>> -> memref<1x128xi32, #tpu.memory_space<vmem>>
      %dma_wait3A_62 = tpu.memref_squeeze %dma_wait3A_61 : memref<1x128xi32, #tpu.memory_space<vmem>> -> memref<128xi32, #tpu.memory_space<vmem>>
      %dma_wait3A_63 = arith.constant 0 : i32
      %dma_wait3A_64 = arith.constant 0 : i32
      %dma_wait3A_65 = tpu.memref_slice %arg2[%dma_wait3A_63, %dma_wait3A_64] : memref<10000x128xf32, #tpu.memory_space<hbm>> -> memref<10000x128xf32, #tpu.memory_space<hbm>>
      tpu.wait_indirect_dma semaphore(%arg13 : memref<!tpu.dma_semaphore, #tpu.memory_space<semaphore_mem>>) src(%dma_wait3A_65 : memref<10000x128xf32, #tpu.memory_space<hbm>>) dst(%arg11 : memref<128x128xf32, #tpu.memory_space<vmem>>)
      %dma_start3A_66 = arith.constant 31 : i32
      %dma_start3A_67 = arith.constant 0 : i32
      %dma_start3A_68 = tpu.memref_slice %arg9[%dma_start3A_66, %dma_start3A_67] : memref<32x128xi32, #tpu.memory_space<vmem>> -> memref<1x128xi32, #tpu.memory_space<vmem>>
      %dma_start3A_69 = tpu.memref_squeeze %dma_start3A_68 : memref<1x128xi32, #tpu.memory_space<vmem>> -> memref<128xi32, #tpu.memory_space<vmem>>
      %dma_start3A_70 = arith.constant 0 : i32
      %dma_start3A_71 = arith.constant 0 : i32
      %dma_start3A_72 = tpu.memref_slice %arg7[%dma_start3A_70, %dma_start3A_71] : memref<10240x128xf32, #tpu.memory_space<vmem_shared>> -> memref<10240x128xf32, #tpu.memory_space<vmem_shared>>
      tpu.enqueue_indirect_dma source(%arg11 : memref<128x128xf32, #tpu.memory_space<vmem>>) target(%dma_start3A_72 : memref<10240x128xf32, #tpu.memory_space<vmem_shared>>) offsets(%dma_start3A_69 : memref<128xi32, #tpu.memory_space<vmem>>) semaphore(%arg15 : memref<!tpu.dma_semaphore, #tpu.memory_space<semaphore_mem>>) {add = true}
      %dma_wait3A_73 = arith.constant 31 : i32
      %dma_wait3A_74 = arith.constant 0 : i32
      %dma_wait3A_75 = tpu.memref_slice %arg9[%dma_wait3A_73, %dma_wait3A_74] : memref<32x128xi32, #tpu.memory_space<vmem>> -> memref<1x128xi32, #tpu.memory_space<vmem>>
      %dma_wait3A_76 = tpu.memref_squeeze %dma_wait3A_75 : memref<1x128xi32, #tpu.memory_space<vmem>> -> memref<128xi32, #tpu.memory_space<vmem>>
      %dma_wait3A_77 = arith.constant 0 : i32
      %dma_wait3A_78 = arith.constant 0 : i32
      %dma_wait3A_79 = tpu.memref_slice %arg7[%dma_wait3A_77, %dma_wait3A_78] : memref<10240x128xf32, #tpu.memory_space<vmem_shared>> -> memref<10240x128xf32, #tpu.memory_space<vmem_shared>>
      tpu.wait_indirect_dma semaphore(%arg14 : memref<!tpu.dma_semaphore, #tpu.memory_space<semaphore_mem>>) src(%arg10 : memref<128x128xf32, #tpu.memory_space<vmem>>) dst(%dma_wait3A_79 : memref<10240x128xf32, #tpu.memory_space<vmem_shared>>)
      %dma_wait3A_80 = arith.constant 31 : i32
      %dma_wait3A_81 = arith.constant 0 : i32
      %dma_wait3A_82 = tpu.memref_slice %arg9[%dma_wait3A_80, %dma_wait3A_81] : memref<32x128xi32, #tpu.memory_space<vmem>> -> memref<1x128xi32, #tpu.memory_space<vmem>>
      %dma_wait3A_83 = tpu.memref_squeeze %dma_wait3A_82 : memref<1x128xi32, #tpu.memory_space<vmem>> -> memref<128xi32, #tpu.memory_space<vmem>>
      %dma_wait3A_84 = arith.constant 0 : i32
      %dma_wait3A_85 = arith.constant 0 : i32
      %dma_wait3A_86 = tpu.memref_slice %arg7[%dma_wait3A_84, %dma_wait3A_85] : memref<10240x128xf32, #tpu.memory_space<vmem_shared>> -> memref<10240x128xf32, #tpu.memory_space<vmem_shared>>
      tpu.wait_indirect_dma semaphore(%arg15 : memref<!tpu.dma_semaphore, #tpu.memory_space<semaphore_mem>>) src(%arg11 : memref<128x128xf32, #tpu.memory_space<vmem>>) dst(%dma_wait3A_86 : memref<10240x128xf32, #tpu.memory_space<vmem_shared>>)
    }
    %barrier3A_23 = arith.constant 0 : index
    tpu.barrier barrier_id(%barrier3A_23)
    "tpu.region"() ({
      %run_scoped3A = tpu.sem_alloc : memref<!tpu.dma_semaphore, #tpu.memory_space<semaphore_mem>>
      %dma_start3A = arith.constant 0 : i32
      %dma_start3A_24 = tpu.memref_slice %arg6[%arg0, %mul3A_2, %dma_start3A] : memref<2x10240x128xf32, #tpu.memory_space<hbm>> -> memref<1x640x128xf32, #tpu.memory_space<hbm>>
      %dma_start3A_25 = tpu.memref_squeeze %dma_start3A_24 : memref<1x640x128xf32, #tpu.memory_space<hbm>> -> memref<640x128xf32, #tpu.memory_space<hbm>>
      %dma_start3A_26 = arith.constant 0 : i32
      %dma_start3A_27 = tpu.memref_slice %arg7[%mul3A_2, %dma_start3A_26] : memref<10240x128xf32, #tpu.memory_space<vmem_shared>> -> memref<640x128xf32, #tpu.memory_space<vmem_shared>>
      tpu.enqueue_dma source(%dma_start3A_27 : memref<640x128xf32, #tpu.memory_space<vmem_shared>>) target(%dma_start3A_25 : memref<640x128xf32, #tpu.memory_space<hbm>>) target_semaphore(%run_scoped3A : memref<!tpu.dma_semaphore, #tpu.memory_space<semaphore_mem>>)
      %dma_wait3A = arith.constant 0 : i32
      %dma_wait3A_28 = tpu.memref_slice %arg6[%arg0, %mul3A_2, %dma_wait3A] : memref<2x10240x128xf32, #tpu.memory_space<hbm>> -> memref<1x640x128xf32, #tpu.memory_space<hbm>>
      %dma_wait3A_29 = tpu.memref_squeeze %dma_wait3A_28 : memref<1x640x128xf32, #tpu.memory_space<hbm>> -> memref<640x128xf32, #tpu.memory_space<hbm>>
      %dma_wait3A_30 = arith.constant 0 : i32
      %dma_wait3A_31 = tpu.memref_slice %arg7[%mul3A_2, %dma_wait3A_30] : memref<10240x128xf32, #tpu.memory_space<vmem_shared>> -> memref<640x128xf32, #tpu.memory_space<vmem_shared>>
      tpu.wait_dma2 semaphore(%run_scoped3A : memref<!tpu.dma_semaphore, #tpu.memory_space<semaphore_mem>>) src(%dma_wait3A_31 : memref<640x128xf32, #tpu.memory_space<vmem_shared>>) dst(%dma_wait3A_29 : memref<640x128xf32, #tpu.memory_space<hbm>>)
      tpu.yield
    }) : () -> ()
    return
  }
}

#map = affine_map<(d0, d1) -> (0, 0)>
#map1 = affine_map<(d0, d1) -> (0, 0, 0)>
module attributes {stable_mosaic.version = 14 : i64} {
  func.func @run(%arg0: i32, %arg1: i32, %arg2: memref<10000x128xf32, #tpu.memory_space<hbm>>, %arg3: memref<2560x128xi32, #tpu.memory_space<hbm>>, %arg4: memref<2560x128xi32, #tpu.memory_space<hbm>>, %arg5: memref<10240x128xf32, #tpu.memory_space<hbm>>, %arg6: memref<2x10240x128xf32, #tpu.memory_space<hbm>>, %arg7: memref<10240x128xf32, #tpu.memory_space<vmem_shared>>, %arg8: memref<32x128xi32, #tpu.memory_space<vmem>>, %arg9: memref<32x128xi32, #tpu.memory_space<vmem>>, %arg10: memref<128x128xf32, #tpu.memory_space<vmem>>, %arg11: memref<128x128xf32, #tpu.memory_space<vmem>>, %arg12: memref<!tpu.dma_semaphore, #tpu.memory_space<semaphore_mem>>, %arg13: memref<!tpu.dma_semaphore, #tpu.memory_space<semaphore_mem>>, %arg14: memref<!tpu.dma_semaphore, #tpu.memory_space<semaphore_mem>>, %arg15: memref<!tpu.dma_semaphore, #tpu.memory_space<semaphore_mem>>) attributes {dimension_semantics = [#tpu.dimension_semantics<core_parallel>, #tpu.dimension_semantics<subcore_parallel>], iteration_bounds = array<i64: 2, 16>, scalar_prefetch = 0 : i64, scratch_operands = 9 : i64, tpu.core_type = #tpu.core_type<sc_vector_subcore>, window_params = [{transform_indices = #map}, {transform_indices = #map}, {transform_indices = #map}, {transform_indices = #map}, {transform_indices = #map1}]} {
    %mul3A = arith.constant 2 : i32
    %mul3A_0 = arith.muli %arg1, %mul3A : i32
    %add3A = arith.addi %mul3A_0, %arg0 : i32
    %mul3A_1 = arith.constant 640 : i32
    %mul3A_2 = arith.muli %arg1, %mul3A_1 : i32
    "tpu.region"() ({
      %run_scoped3A = tpu.sem_alloc : memref<!tpu.dma_semaphore, #tpu.memory_space<semaphore_mem>>
      %dma_start3A = arith.constant 0 : i32
      %dma_start3A_24 = tpu.memref_slice %arg7[%mul3A_2, %dma_start3A] : memref<10240x128xf32, #tpu.memory_space<vmem_shared>> -> memref<640x128xf32, #tpu.memory_space<vmem_shared>>
      %dma_start3A_25 = arith.constant 0 : i32
      %dma_start3A_26 = tpu.memref_slice %arg5[%mul3A_2, %dma_start3A_25] : memref<10240x128xf32, #tpu.memory_space<hbm>> -> memref<640x128xf32, #tpu.memory_space<hbm>>
      tpu.enqueue_dma source(%dma_start3A_26 : memref<640x128xf32, #tpu.memory_space<hbm>>) target(%dma_start3A_24 : memref<640x128xf32, #tpu.memory_space<vmem_shared>>) target_semaphore(%run_scoped3A : memref<!tpu.dma_semaphore, #tpu.memory_space<semaphore_mem>>)
      %dma_wait3A = arith.constant 0 : i32
      %dma_wait3A_27 = tpu.memref_slice %arg7[%mul3A_2, %dma_wait3A] : memref<10240x128xf32, #tpu.memory_space<vmem_shared>> -> memref<640x128xf32, #tpu.memory_space<vmem_shared>>
      %dma_wait3A_28 = arith.constant 0 : i32
      %dma_wait3A_29 = tpu.memref_slice %arg5[%mul3A_2, %dma_wait3A_28] : memref<10240x128xf32, #tpu.memory_space<hbm>> -> memref<640x128xf32, #tpu.memory_space<hbm>>
      tpu.wait_dma2 semaphore(%run_scoped3A : memref<!tpu.dma_semaphore, #tpu.memory_space<semaphore_mem>>) src(%dma_wait3A_29 : memref<640x128xf32, #tpu.memory_space<hbm>>) dst(%dma_wait3A_27 : memref<640x128xf32, #tpu.memory_space<vmem_shared>>)
      tpu.yield
    }) : () -> ()
    %eq3A = arith.constant 1 : i32
    %eq3A_3 = arith.cmpi eq, %arg0, %eq3A : i32
    %mul3A_4 = arith.constant 128 : i32
    %mul3A_5 = arith.muli %arg1, %mul3A_4 : i32
    %mul3A_6 = arith.constant 32 : i32
    %mul3A_7 = arith.muli %arg1, %mul3A_6 : i32
    %add3A_8 = arith.constant 2048 : i32
    %add3A_9 = arith.addi %add3A_8, %mul3A_7 : i32
    %select_n3A = arith.select %eq3A_3, %mul3A_5, %add3A_9 : i32
    %eq3A_10 = arith.constant 1 : i32
    %eq3A_11 = arith.cmpi eq, %arg0, %eq3A_10 : i32
    %jit3A = arith.constant 4 : i32
    %jit3A_12 = arith.constant 1 : i32
    %select_n3A_13 = arith.select %eq3A_11, %jit3A, %jit3A_12 : i32
    %barrier3A = arith.constant 0 : index
    tpu.barrier barrier_id(%barrier3A)
    %while3A = arith.constant 0 : i32
    %while3A_14 = arith.constant 0 : i32
    %while3A_15 = arith.subi %select_n3A_13, %while3A_14 : i32
    %while3A_16 = arith.addi %while3A_14, %while3A_15 : i32
    %while3A_17 = arith.constant 1 : i32
    %while3A_18 = arith.divsi %while3A_15, %while3A_17 : i32
    %while3A_19 = arith.muli %while3A_18, %while3A_17 : i32
    %while3A_20 = arith.addi %while3A_14, %while3A_19 : i32
    %while3A_21 = arith.constant 1 : i32
    scf.for %while3A_24 = %while3A_14 to %while3A_20 step %while3A_21  : i32 {
      %mul3A_25 = arith.constant 32 : i32
      %mul3A_26 = arith.muli %while3A_24, %mul3A_25 : i32
      %add3A_27 = arith.addi %select_n3A, %mul3A_26 : i32
      "tpu.region"() ({
        %run_scoped3A = tpu.sem_alloc : memref<!tpu.dma_semaphore, #tpu.memory_space<semaphore_mem>>
        %dma_start3A_87 = arith.constant 0 : i32
        %dma_start3A_88 = tpu.memref_slice %arg3[%add3A_27, %dma_start3A_87] : memref<2560x128xi32, #tpu.memory_space<hbm>> -> memref<32x128xi32, #tpu.memory_space<hbm>>
        %dma_start3A_89 = arith.constant 0 : i32
        %dma_start3A_90 = tpu.memref_slice %arg3[%add3A_27, %dma_start3A_89] : memref<2560x128xi32, #tpu.memory_space<hbm>> -> memref<32x128xi32, #tpu.memory_space<hbm>>
        tpu.enqueue_dma source(%dma_start3A_90 : memref<32x128xi32, #tpu.memory_space<hbm>>) target(%arg8 : memref<32x128xi32, #tpu.memory_space<vmem>>) target_semaphore(%run_scoped3A : memref<!tpu.dma_semaphore, #tpu.memory_space<semaphore_mem>>)
        %dma_wait3A_91 = arith.constant 0 : i32
        %dma_wait3A_92 = tpu.memref_slice %arg3[%add3A_27, %dma_wait3A_91] : memref<2560x128xi32, #tpu.memory_space<hbm>> -> memref<32x128xi32, #tpu.memory_space<hbm>>
        %dma_wait3A_93 = arith.constant 0 : i32
        %dma_wait3A_94 = tpu.memref_slice %arg3[%add3A_27, %dma_wait3A_93] : memref<2560x128xi32, #tpu.memory_space<hbm>> -> memref<32x128xi32, #tpu.memory_space<hbm>>
        tpu.wait_dma2 semaphore(%run_scoped3A : memref<!tpu.dma_semaphore, #tpu.memory_space<semaphore_mem>>) src(%dma_wait3A_94 : memref<32x128xi32, #tpu.memory_space<hbm>>) dst(%arg8 : memref<32x128xi32, #tpu.memory_space<vmem>>)
        tpu.yield
      }) : () -> ()
      "tpu.region"() ({
        %run_scoped3A = tpu.sem_alloc : memref<!tpu.dma_semaphore, #tpu.memory_space<semaphore_mem>>
        %dma_start3A_87 = arith.constant 0 : i32
        %dma_start3A_88 = tpu.memref_slice %arg4[%add3A_27, %dma_start3A_87] : memref<2560x128xi32, #tpu.memory_space<hbm>> -> memref<32x128xi32, #tpu.memory_space<hbm>>
        %dma_start3A_89 = arith.constant 0 : i32
        %dma_start3A_90 = tpu.memref_slice %arg4[%add3A_27, %dma_start3A_89] : memref<2560x128xi32, #tpu.memory_space<hbm>> -> memref<32x128xi32, #tpu.memory_space<hbm>>
        tpu.enqueue_dma source(%dma_start3A_90 : memref<32x128xi32, #tpu.memory_space<hbm>>) target(%arg9 : memref<32x128xi32, #tpu.memory_space<vmem>>) target_semaphore(%run_scoped3A : memref<!tpu.dma_semaphore, #tpu.memory_space<semaphore_mem>>)
        %dma_wait3A_91 = arith.constant 0 : i32
        %dma_wait3A_92 = tpu.memref_slice %arg4[%add3A_27, %dma_wait3A_91] : memref<2560x128xi32, #tpu.memory_space<hbm>> -> memref<32x128xi32, #tpu.memory_space<hbm>>
        %dma_wait3A_93 = arith.constant 0 : i32
        %dma_wait3A_94 = tpu.memref_slice %arg4[%add3A_27, %dma_wait3A_93] : memref<2560x128xi32, #tpu.memory_space<hbm>> -> memref<32x128xi32, #tpu.memory_space<hbm>>
        tpu.wait_dma2 semaphore(%run_scoped3A : memref<!tpu.dma_semaphore, #tpu.memory_space<semaphore_mem>>) src(%dma_wait3A_94 : memref<32x128xi32, #tpu.memory_space<hbm>>) dst(%arg9 : memref<32x128xi32, #tpu.memory_space<vmem>>)
        tpu.yield
      }) : () -> ()
      %dma_start3A = arith.constant 0 : i32
      %dma_start3A_28 = arith.constant 0 : i32
      %dma_start3A_29 = tpu.memref_slice %arg8[%dma_start3A, %dma_start3A_28] : memref<32x128xi32, #tpu.memory_space<vmem>> -> memref<1x128xi32, #tpu.memory_space<vmem>>
      %dma_start3A_30 = tpu.memref_squeeze %dma_start3A_29 : memref<1x128xi32, #tpu.memory_space<vmem>> -> memref<128xi32, #tpu.memory_space<vmem>>
      %dma_start3A_31 = arith.constant 0 : i32
      %dma_start3A_32 = arith.constant 0 : i32
      %dma_start3A_33 = tpu.memref_slice %arg2[%dma_start3A_31, %dma_start3A_32] : memref<10000x128xf32, #tpu.memory_space<hbm>> -> memref<10000x128xf32, #tpu.memory_space<hbm>>
      tpu.enqueue_indirect_dma source(%dma_start3A_33 : memref<10000x128xf32, #tpu.memory_space<hbm>>) target(%arg10 : memref<128x128xf32, #tpu.memory_space<vmem>>) offsets(%dma_start3A_30 : memref<128xi32, #tpu.memory_space<vmem>>) semaphore(%arg12 : memref<!tpu.dma_semaphore, #tpu.memory_space<semaphore_mem>>)
      %dma_wait3A = arith.constant 0 : i32
      %dma_wait3A_34 = arith.constant 0 : i32
      %dma_wait3A_35 = tpu.memref_slice %arg8[%dma_wait3A, %dma_wait3A_34] : memref<32x128xi32, #tpu.memory_space<vmem>> -> memref<1x128xi32, #tpu.memory_space<vmem>>
      %dma_wait3A_36 = tpu.memref_squeeze %dma_wait3A_35 : memref<1x128xi32, #tpu.memory_space<vmem>> -> memref<128xi32, #tpu.memory_space<vmem>>
      %dma_wait3A_37 = arith.constant 0 : i32
      %dma_wait3A_38 = arith.constant 0 : i32
      %dma_wait3A_39 = tpu.memref_slice %arg2[%dma_wait3A_37, %dma_wait3A_38] : memref<10000x128xf32, #tpu.memory_space<hbm>> -> memref<10000x128xf32, #tpu.memory_space<hbm>>
      tpu.wait_indirect_dma semaphore(%arg12 : memref<!tpu.dma_semaphore, #tpu.memory_space<semaphore_mem>>) src(%dma_wait3A_39 : memref<10000x128xf32, #tpu.memory_space<hbm>>) dst(%arg10 : memref<128x128xf32, #tpu.memory_space<vmem>>)
      %dma_start3A_40 = arith.constant 0 : i32
      %dma_start3A_41 = arith.constant 0 : i32
      %dma_start3A_42 = tpu.memref_slice %arg9[%dma_start3A_40, %dma_start3A_41] : memref<32x128xi32, #tpu.memory_space<vmem>> -> memref<1x128xi32, #tpu.memory_space<vmem>>
      %dma_start3A_43 = tpu.memref_squeeze %dma_start3A_42 : memref<1x128xi32, #tpu.memory_space<vmem>> -> memref<128xi32, #tpu.memory_space<vmem>>
      %dma_start3A_44 = arith.constant 0 : i32
      %dma_start3A_45 = arith.constant 0 : i32
      %dma_start3A_46 = tpu.memref_slice %arg7[%dma_start3A_44, %dma_start3A_45] : memref<10240x128xf32, #tpu.memory_space<vmem_shared>> -> memref<10240x128xf32, #tpu.memory_space<vmem_shared>>
      tpu.enqueue_indirect_dma source(%arg10 : memref<128x128xf32, #tpu.memory_space<vmem>>) target(%dma_start3A_46 : memref<10240x128xf32, #tpu.memory_space<vmem_shared>>) offsets(%dma_start3A_43 : memref<128xi32, #tpu.memory_space<vmem>>) semaphore(%arg14 : memref<!tpu.dma_semaphore, #tpu.memory_space<semaphore_mem>>) {add = true}
      %dma_start3A_47 = arith.constant 1 : i32
      %dma_start3A_48 = arith.constant 0 : i32
      %dma_start3A_49 = tpu.memref_slice %arg8[%dma_start3A_47, %dma_start3A_48] : memref<32x128xi32, #tpu.memory_space<vmem>> -> memref<1x128xi32, #tpu.memory_space<vmem>>
      %dma_start3A_50 = tpu.memref_squeeze %dma_start3A_49 : memref<1x128xi32, #tpu.memory_space<vmem>> -> memref<128xi32, #tpu.memory_space<vmem>>
      %dma_start3A_51 = arith.constant 0 : i32
      %dma_start3A_52 = arith.constant 0 : i32
      %dma_start3A_53 = tpu.memref_slice %arg2[%dma_start3A_51, %dma_start3A_52] : memref<10000x128xf32, #tpu.memory_space<hbm>> -> memref<10000x128xf32, #tpu.memory_space<hbm>>
      tpu.enqueue_indirect_dma source(%dma_start3A_53 : memref<10000x128xf32, #tpu.memory_space<hbm>>) target(%arg11 : memref<128x128xf32, #tpu.memory_space<vmem>>) offsets(%dma_start3A_50 : memref<128xi32, #tpu.memory_space<vmem>>) semaphore(%arg13 : memref<!tpu.dma_semaphore, #tpu.memory_space<semaphore_mem>>)
      %scan3A = arith.constant 0 : i32
      %scan3A_54 = arith.constant 0 : i32
      %scan3A_55 = arith.constant 15 : i32
      %scan3A_56 = arith.addi %scan3A_54, %scan3A_55 : i32
      %scan3A_57 = arith.constant 1 : i32
      scf.for %scan3A_87 = %scan3A_54 to %scan3A_56 step %scan3A_57  : i32 {
        %mul3A_88 = arith.constant 2 : i32
        %mul3A_89 = arith.muli %mul3A_88, %scan3A_87 : i32
        %add3A_90 = arith.constant 1 : i32
        %add3A_91 = arith.addi %mul3A_89, %add3A_90 : i32
        %dma_wait3A_92 = arith.constant 0 : i32
        %dma_wait3A_93 = tpu.memref_slice %arg8[%add3A_91, %dma_wait3A_92] : memref<32x128xi32, #tpu.memory_space<vmem>> -> memref<1x128xi32, #tpu.memory_space<vmem>>
        %dma_wait3A_94 = tpu.memref_squeeze %dma_wait3A_93 : memref<1x128xi32, #tpu.memory_space<vmem>> -> memref<128xi32, #tpu.memory_space<vmem>>
        %dma_wait3A_95 = arith.constant 0 : i32
        %dma_wait3A_96 = arith.constant 0 : i32
        %dma_wait3A_97 = tpu.memref_slice %arg2[%dma_wait3A_95, %dma_wait3A_96] : memref<10000x128xf32, #tpu.memory_space<hbm>> -> memref<10000x128xf32, #tpu.memory_space<hbm>>
        tpu.wait_indirect_dma semaphore(%arg13 : memref<!tpu.dma_semaphore, #tpu.memory_space<semaphore_mem>>) src(%dma_wait3A_97 : memref<10000x128xf32, #tpu.memory_space<hbm>>) dst(%arg11 : memref<128x128xf32, #tpu.memory_space<vmem>>)
        %dma_start3A_98 = arith.constant 0 : i32
        %dma_start3A_99 = tpu.memref_slice %arg9[%add3A_91, %dma_start3A_98] : memref<32x128xi32, #tpu.memory_space<vmem>> -> memref<1x128xi32, #tpu.memory_space<vmem>>
        %dma_start3A_100 = tpu.memref_squeeze %dma_start3A_99 : memref<1x128xi32, #tpu.memory_space<vmem>> -> memref<128xi32, #tpu.memory_space<vmem>>
        %dma_start3A_101 = arith.constant 0 : i32
        %dma_start3A_102 = arith.constant 0 : i32
        %dma_start3A_103 = tpu.memref_slice %arg7[%dma_start3A_101, %dma_start3A_102] : memref<10240x128xf32, #tpu.memory_space<vmem_shared>> -> memref<10240x128xf32, #tpu.memory_space<vmem_shared>>
        tpu.enqueue_indirect_dma source(%arg11 : memref<128x128xf32, #tpu.memory_space<vmem>>) target(%dma_start3A_103 : memref<10240x128xf32, #tpu.memory_space<vmem_shared>>) offsets(%dma_start3A_100 : memref<128xi32, #tpu.memory_space<vmem>>) semaphore(%arg15 : memref<!tpu.dma_semaphore, #tpu.memory_space<semaphore_mem>>) {add = true}
        %dma_wait3A_104 = arith.constant 0 : i32
        %dma_wait3A_105 = tpu.memref_slice %arg9[%add3A_91, %dma_wait3A_104] : memref<32x128xi32, #tpu.memory_space<vmem>> -> memref<1x128xi32, #tpu.memory_space<vmem>>
        %dma_wait3A_106 = tpu.memref_squeeze %dma_wait3A_105 : memref<1x128xi32, #tpu.memory_space<vmem>> -> memref<128xi32, #tpu.memory_space<vmem>>
        %dma_wait3A_107 = arith.constant 0 : i32
        %dma_wait3A_108 = arith.constant 0 : i32
        %dma_wait3A_109 = tpu.memref_slice %arg7[%dma_wait3A_107, %dma_wait3A_108] : memref<10240x128xf32, #tpu.memory_space<vmem_shared>> -> memref<10240x128xf32, #tpu.memory_space<vmem_shared>>
        tpu.wait_indirect_dma semaphore(%arg14 : memref<!tpu.dma_semaphore, #tpu.memory_space<semaphore_mem>>) src(%arg10 : memref<128x128xf32, #tpu.memory_space<vmem>>) dst(%dma_wait3A_109 : memref<10240x128xf32, #tpu.memory_space<vmem_shared>>)
        %add3A_110 = arith.constant 1 : i32
        %add3A_111 = arith.addi %add3A_91, %add3A_110 : i32
        %dma_start3A_112 = arith.constant 0 : i32
        %dma_start3A_113 = tpu.memref_slice %arg8[%add3A_111, %dma_start3A_112] : memref<32x128xi32, #tpu.memory_space<vmem>> -> memref<1x128xi32, #tpu.memory_space<vmem>>
        %dma_start3A_114 = tpu.memref_squeeze %dma_start3A_113 : memref<1x128xi32, #tpu.memory_space<vmem>> -> memref<128xi32, #tpu.memory_space<vmem>>
        %dma_start3A_115 = arith.constant 0 : i32
        %dma_start3A_116 = arith.constant 0 : i32
        %dma_start3A_117 = tpu.memref_slice %arg2[%dma_start3A_115, %dma_start3A_116] : memref<10000x128xf32, #tpu.memory_space<hbm>> -> memref<10000x128xf32, #tpu.memory_space<hbm>>
        tpu.enqueue_indirect_dma source(%dma_start3A_117 : memref<10000x128xf32, #tpu.memory_space<hbm>>) target(%arg10 : memref<128x128xf32, #tpu.memory_space<vmem>>) offsets(%dma_start3A_114 : memref<128xi32, #tpu.memory_space<vmem>>) semaphore(%arg12 : memref<!tpu.dma_semaphore, #tpu.memory_space<semaphore_mem>>)
        %add3A_118 = arith.constant 1 : i32
        %add3A_119 = arith.addi %add3A_91, %add3A_118 : i32
        %dma_wait3A_120 = arith.constant 0 : i32
        %dma_wait3A_121 = tpu.memref_slice %arg8[%add3A_119, %dma_wait3A_120] : memref<32x128xi32, #tpu.memory_space<vmem>> -> memref<1x128xi32, #tpu.memory_space<vmem>>
        %dma_wait3A_122 = tpu.memref_squeeze %dma_wait3A_121 : memref<1x128xi32, #tpu.memory_space<vmem>> -> memref<128xi32, #tpu.memory_space<vmem>>
        %dma_wait3A_123 = arith.constant 0 : i32
        %dma_wait3A_124 = arith.constant 0 : i32
        %dma_wait3A_125 = tpu.memref_slice %arg2[%dma_wait3A_123, %dma_wait3A_124] : memref<10000x128xf32, #tpu.memory_space<hbm>> -> memref<10000x128xf32, #tpu.memory_space<hbm>>
        tpu.wait_indirect_dma semaphore(%arg12 : memref<!tpu.dma_semaphore, #tpu.memory_space<semaphore_mem>>) src(%dma_wait3A_125 : memref<10000x128xf32, #tpu.memory_space<hbm>>) dst(%arg10 : memref<128x128xf32, #tpu.memory_space<vmem>>)
        %dma_start3A_126 = arith.constant 0 : i32
        %dma_start3A_127 = tpu.memref_slice %arg9[%add3A_119, %dma_start3A_126] : memref<32x128xi32, #tpu.memory_space<vmem>> -> memref<1x128xi32, #tpu.memory_space<vmem>>
        %dma_start3A_128 = tpu.memref_squeeze %dma_start3A_127 : memref<1x128xi32, #tpu.memory_space<vmem>> -> memref<128xi32, #tpu.memory_space<vmem>>
        %dma_start3A_129 = arith.constant 0 : i32
        %dma_start3A_130 = arith.constant 0 : i32
        %dma_start3A_131 = tpu.memref_slice %arg7[%dma_start3A_129, %dma_start3A_130] : memref<10240x128xf32, #tpu.memory_space<vmem_shared>> -> memref<10240x128xf32, #tpu.memory_space<vmem_shared>>
        tpu.enqueue_indirect_dma source(%arg10 : memref<128x128xf32, #tpu.memory_space<vmem>>) target(%dma_start3A_131 : memref<10240x128xf32, #tpu.memory_space<vmem_shared>>) offsets(%dma_start3A_128 : memref<128xi32, #tpu.memory_space<vmem>>) semaphore(%arg14 : memref<!tpu.dma_semaphore, #tpu.memory_space<semaphore_mem>>) {add = true}
        %dma_wait3A_132 = arith.constant 0 : i32
        %dma_wait3A_133 = tpu.memref_slice %arg9[%add3A_119, %dma_wait3A_132] : memref<32x128xi32, #tpu.memory_space<vmem>> -> memref<1x128xi32, #tpu.memory_space<vmem>>
        %dma_wait3A_134 = tpu.memref_squeeze %dma_wait3A_133 : memref<1x128xi32, #tpu.memory_space<vmem>> -> memref<128xi32, #tpu.memory_space<vmem>>
        %dma_wait3A_135 = arith.constant 0 : i32
        %dma_wait3A_136 = arith.constant 0 : i32
        %dma_wait3A_137 = tpu.memref_slice %arg7[%dma_wait3A_135, %dma_wait3A_136] : memref<10240x128xf32, #tpu.memory_space<vmem_shared>> -> memref<10240x128xf32, #tpu.memory_space<vmem_shared>>
        tpu.wait_indirect_dma semaphore(%arg15 : memref<!tpu.dma_semaphore, #tpu.memory_space<semaphore_mem>>) src(%arg11 : memref<128x128xf32, #tpu.memory_space<vmem>>) dst(%dma_wait3A_137 : memref<10240x128xf32, #tpu.memory_space<vmem_shared>>)
        %add3A_138 = arith.constant 1 : i32
        %add3A_139 = arith.addi %add3A_119, %add3A_138 : i32
        %dma_start3A_140 = arith.constant 0 : i32
        %dma_start3A_141 = tpu.memref_slice %arg8[%add3A_139, %dma_start3A_140] : memref<32x128xi32, #tpu.memory_space<vmem>> -> memref<1x128xi32, #tpu.memory_space<vmem>>
        %dma_start3A_142 = tpu.memref_squeeze %dma_start3A_141 : memref<1x128xi32, #tpu.memory_space<vmem>> -> memref<128xi32, #tpu.memory_space<vmem>>
        %dma_start3A_143 = arith.constant 0 : i32
        %dma_start3A_144 = arith.constant 0 : i32
        %dma_start3A_145 = tpu.memref_slice %arg2[%dma_start3A_143, %dma_start3A_144] : memref<10000x128xf32, #tpu.memory_space<hbm>> -> memref<10000x128xf32, #tpu.memory_space<hbm>>
        tpu.enqueue_indirect_dma source(%dma_start3A_145 : memref<10000x128xf32, #tpu.memory_space<hbm>>) target(%arg11 : memref<128x128xf32, #tpu.memory_space<vmem>>) offsets(%dma_start3A_142 : memref<128xi32, #tpu.memory_space<vmem>>) semaphore(%arg13 : memref<!tpu.dma_semaphore, #tpu.memory_space<semaphore_mem>>)
      }
      %scan3A_58 = arith.constant 15 : i32
      %dma_wait3A_59 = arith.constant 31 : i32
      %dma_wait3A_60 = arith.constant 0 : i32
      %dma_wait3A_61 = tpu.memref_slice %arg8[%dma_wait3A_59, %dma_wait3A_60] : memref<32x128xi32, #tpu.memory_space<vmem>> -> memref<1x128xi32, #tpu.memory_space<vmem>>
      %dma_wait3A_62 = tpu.memref_squeeze %dma_wait3A_61 : memref<1x128xi32, #tpu.memory_space<vmem>> -> memref<128xi32, #tpu.memory_space<vmem>>
      %dma_wait3A_63 = arith.constant 0 : i32
      %dma_wait3A_64 = arith.constant 0 : i32
      %dma_wait3A_65 = tpu.memref_slice %arg2[%dma_wait3A_63, %dma_wait3A_64] : memref<10000x128xf32, #tpu.memory_space<hbm>> -> memref<10000x128xf32, #tpu.memory_space<hbm>>
      tpu.wait_indirect_dma semaphore(%arg13 : memref<!tpu.dma_semaphore, #tpu.memory_space<semaphore_mem>>) src(%dma_wait3A_65 : memref<10000x128xf32, #tpu.memory_space<hbm>>) dst(%arg11 : memref<128x128xf32, #tpu.memory_space<vmem>>)
      %dma_start3A_66 = arith.constant 31 : i32
      %dma_start3A_67 = arith.constant 0 : i32
      %dma_start3A_68 = tpu.memref_slice %arg9[%dma_start3A_66, %dma_start3A_67] : memref<32x128xi32, #tpu.memory_space<vmem>> -> memref<1x128xi32, #tpu.memory_space<vmem>>
      %dma_start3A_69 = tpu.memref_squeeze %dma_start3A_68 : memref<1x128xi32, #tpu.memory_space<vmem>> -> memref<128xi32, #tpu.memory_space<vmem>>
      %dma_start3A_70 = arith.constant 0 : i32
      %dma_start3A_71 = arith.constant 0 : i32
      %dma_start3A_72 = tpu.memref_slice %arg7[%dma_start3A_70, %dma_start3A_71] : memref<10240x128xf32, #tpu.memory_space<vmem_shared>> -> memref<10240x128xf32, #tpu.memory_space<vmem_shared>>
      tpu.enqueue_indirect_dma source(%arg11 : memref<128x128xf32, #tpu.memory_space<vmem>>) target(%dma_start3A_72 : memref<10240x128xf32, #tpu.memory_space<vmem_shared>>) offsets(%dma_start3A_69 : memref<128xi32, #tpu.memory_space<vmem>>) semaphore(%arg15 : memref<!tpu.dma_semaphore, #tpu.memory_space<semaphore_mem>>) {add = true}
      %dma_wait3A_73 = arith.constant 31 : i32
      %dma_wait3A_74 = arith.constant 0 : i32
      %dma_wait3A_75 = tpu.memref_slice %arg9[%dma_wait3A_73, %dma_wait3A_74] : memref<32x128xi32, #tpu.memory_space<vmem>> -> memref<1x128xi32, #tpu.memory_space<vmem>>
      %dma_wait3A_76 = tpu.memref_squeeze %dma_wait3A_75 : memref<1x128xi32, #tpu.memory_space<vmem>> -> memref<128xi32, #tpu.memory_space<vmem>>
      %dma_wait3A_77 = arith.constant 0 : i32
      %dma_wait3A_78 = arith.constant 0 : i32
      %dma_wait3A_79 = tpu.memref_slice %arg7[%dma_wait3A_77, %dma_wait3A_78] : memref<10240x128xf32, #tpu.memory_space<vmem_shared>> -> memref<10240x128xf32, #tpu.memory_space<vmem_shared>>
      tpu.wait_indirect_dma semaphore(%arg14 : memref<!tpu.dma_semaphore, #tpu.memory_space<semaphore_mem>>) src(%arg10 : memref<128x128xf32, #tpu.memory_space<vmem>>) dst(%dma_wait3A_79 : memref<10240x128xf32, #tpu.memory_space<vmem_shared>>)
      %dma_wait3A_80 = arith.constant 31 : i32
      %dma_wait3A_81 = arith.constant 0 : i32
      %dma_wait3A_82 = tpu.memref_slice %arg9[%dma_wait3A_80, %dma_wait3A_81] : memref<32x128xi32, #tpu.memory_space<vmem>> -> memref<1x128xi32, #tpu.memory_space<vmem>>
      %dma_wait3A_83 = tpu.memref_squeeze %dma_wait3A_82 : memref<1x128xi32, #tpu.memory_space<vmem>> -> memref<128xi32, #tpu.memory_space<vmem>>
      %dma_wait3A_84 = arith.constant 0 : i32
      %dma_wait3A_85 = arith.constant 0 : i32
      %dma_wait3A_86 = tpu.memref_slice %arg7[%dma_wait3A_84, %dma_wait3A_85] : memref<10240x128xf32, #tpu.memory_space<vmem_shared>> -> memref<10240x128xf32, #tpu.memory_space<vmem_shared>>
      tpu.wait_indirect_dma semaphore(%arg15 : memref<!tpu.dma_semaphore, #tpu.memory_space<semaphore_mem>>) src(%arg11 : memref<128x128xf32, #tpu.memory_space<vmem>>) dst(%dma_wait3A_86 : memref<10240x128xf32, #tpu.memory_space<vmem_shared>>)
    }
    %while3A_22 = arith.constant 1 : i32
    scf.for %while3A_24 = %while3A_20 to %while3A_16 step %while3A_22  : i32 {
      %mul3A_25 = arith.constant 32 : i32
      %mul3A_26 = arith.muli %while3A_24, %mul3A_25 : i32
      %add3A_27 = arith.addi %select_n3A, %mul3A_26 : i32
      "tpu.region"() ({
        %run_scoped3A = tpu.sem_alloc : memref<!tpu.dma_semaphore, #tpu.memory_space<semaphore_mem>>
        %dma_start3A_87 = arith.constant 0 : i32
        %dma_start3A_88 = tpu.memref_slice %arg3[%add3A_27, %dma_start3A_87] : memref<2560x128xi32, #tpu.memory_space<hbm>> -> memref<32x128xi32, #tpu.memory_space<hbm>>
        %dma_start3A_89 = arith.constant 0 : i32
        %dma_start3A_90 = tpu.memref_slice %arg3[%add3A_27, %dma_start3A_89] : memref<2560x128xi32, #tpu.memory_space<hbm>> -> memref<32x128xi32, #tpu.memory_space<hbm>>
        tpu.enqueue_dma source(%dma_start3A_90 : memref<32x128xi32, #tpu.memory_space<hbm>>) target(%arg8 : memref<32x128xi32, #tpu.memory_space<vmem>>) target_semaphore(%run_scoped3A : memref<!tpu.dma_semaphore, #tpu.memory_space<semaphore_mem>>)
        %dma_wait3A_91 = arith.constant 0 : i32
        %dma_wait3A_92 = tpu.memref_slice %arg3[%add3A_27, %dma_wait3A_91] : memref<2560x128xi32, #tpu.memory_space<hbm>> -> memref<32x128xi32, #tpu.memory_space<hbm>>
        %dma_wait3A_93 = arith.constant 0 : i32
        %dma_wait3A_94 = tpu.memref_slice %arg3[%add3A_27, %dma_wait3A_93] : memref<2560x128xi32, #tpu.memory_space<hbm>> -> memref<32x128xi32, #tpu.memory_space<hbm>>
        tpu.wait_dma2 semaphore(%run_scoped3A : memref<!tpu.dma_semaphore, #tpu.memory_space<semaphore_mem>>) src(%dma_wait3A_94 : memref<32x128xi32, #tpu.memory_space<hbm>>) dst(%arg8 : memref<32x128xi32, #tpu.memory_space<vmem>>)
        tpu.yield
      }) : () -> ()
      "tpu.region"() ({
        %run_scoped3A = tpu.sem_alloc : memref<!tpu.dma_semaphore, #tpu.memory_space<semaphore_mem>>
        %dma_start3A_87 = arith.constant 0 : i32
        %dma_start3A_88 = tpu.memref_slice %arg4[%add3A_27, %dma_start3A_87] : memref<2560x128xi32, #tpu.memory_space<hbm>> -> memref<32x128xi32, #tpu.memory_space<hbm>>
        %dma_start3A_89 = arith.constant 0 : i32
        %dma_start3A_90 = tpu.memref_slice %arg4[%add3A_27, %dma_start3A_89] : memref<2560x128xi32, #tpu.memory_space<hbm>> -> memref<32x128xi32, #tpu.memory_space<hbm>>
        tpu.enqueue_dma source(%dma_start3A_90 : memref<32x128xi32, #tpu.memory_space<hbm>>) target(%arg9 : memref<32x128xi32, #tpu.memory_space<vmem>>) target_semaphore(%run_scoped3A : memref<!tpu.dma_semaphore, #tpu.memory_space<semaphore_mem>>)
        %dma_wait3A_91 = arith.constant 0 : i32
        %dma_wait3A_92 = tpu.memref_slice %arg4[%add3A_27, %dma_wait3A_91] : memref<2560x128xi32, #tpu.memory_space<hbm>> -> memref<32x128xi32, #tpu.memory_space<hbm>>
        %dma_wait3A_93 = arith.constant 0 : i32
        %dma_wait3A_94 = tpu.memref_slice %arg4[%add3A_27, %dma_wait3A_93] : memref<2560x128xi32, #tpu.memory_space<hbm>> -> memref<32x128xi32, #tpu.memory_space<hbm>>
        tpu.wait_dma2 semaphore(%run_scoped3A : memref<!tpu.dma_semaphore, #tpu.memory_space<semaphore_mem>>) src(%dma_wait3A_94 : memref<32x128xi32, #tpu.memory_space<hbm>>) dst(%arg9 : memref<32x128xi32, #tpu.memory_space<vmem>>)
        tpu.yield
      }) : () -> ()
      %dma_start3A = arith.constant 0 : i32
      %dma_start3A_28 = arith.constant 0 : i32
      %dma_start3A_29 = tpu.memref_slice %arg8[%dma_start3A, %dma_start3A_28] : memref<32x128xi32, #tpu.memory_space<vmem>> -> memref<1x128xi32, #tpu.memory_space<vmem>>
      %dma_start3A_30 = tpu.memref_squeeze %dma_start3A_29 : memref<1x128xi32, #tpu.memory_space<vmem>> -> memref<128xi32, #tpu.memory_space<vmem>>
      %dma_start3A_31 = arith.constant 0 : i32
      %dma_start3A_32 = arith.constant 0 : i32
      %dma_start3A_33 = tpu.memref_slice %arg2[%dma_start3A_31, %dma_start3A_32] : memref<10000x128xf32, #tpu.memory_space<hbm>> -> memref<10000x128xf32, #tpu.memory_space<hbm>>
      tpu.enqueue_indirect_dma source(%dma_start3A_33 : memref<10000x128xf32, #tpu.memory_space<hbm>>) target(%arg10 : memref<128x128xf32, #tpu.memory_space<vmem>>) offsets(%dma_start3A_30 : memref<128xi32, #tpu.memory_space<vmem>>) semaphore(%arg12 : memref<!tpu.dma_semaphore, #tpu.memory_space<semaphore_mem>>)
      %dma_wait3A = arith.constant 0 : i32
      %dma_wait3A_34 = arith.constant 0 : i32
      %dma_wait3A_35 = tpu.memref_slice %arg8[%dma_wait3A, %dma_wait3A_34] : memref<32x128xi32, #tpu.memory_space<vmem>> -> memref<1x128xi32, #tpu.memory_space<vmem>>
      %dma_wait3A_36 = tpu.memref_squeeze %dma_wait3A_35 : memref<1x128xi32, #tpu.memory_space<vmem>> -> memref<128xi32, #tpu.memory_space<vmem>>
      %dma_wait3A_37 = arith.constant 0 : i32
      %dma_wait3A_38 = arith.constant 0 : i32
      %dma_wait3A_39 = tpu.memref_slice %arg2[%dma_wait3A_37, %dma_wait3A_38] : memref<10000x128xf32, #tpu.memory_space<hbm>> -> memref<10000x128xf32, #tpu.memory_space<hbm>>
      tpu.wait_indirect_dma semaphore(%arg12 : memref<!tpu.dma_semaphore, #tpu.memory_space<semaphore_mem>>) src(%dma_wait3A_39 : memref<10000x128xf32, #tpu.memory_space<hbm>>) dst(%arg10 : memref<128x128xf32, #tpu.memory_space<vmem>>)
      %dma_start3A_40 = arith.constant 0 : i32
      %dma_start3A_41 = arith.constant 0 : i32
      %dma_start3A_42 = tpu.memref_slice %arg9[%dma_start3A_40, %dma_start3A_41] : memref<32x128xi32, #tpu.memory_space<vmem>> -> memref<1x128xi32, #tpu.memory_space<vmem>>
      %dma_start3A_43 = tpu.memref_squeeze %dma_start3A_42 : memref<1x128xi32, #tpu.memory_space<vmem>> -> memref<128xi32, #tpu.memory_space<vmem>>
      %dma_start3A_44 = arith.constant 0 : i32
      %dma_start3A_45 = arith.constant 0 : i32
      %dma_start3A_46 = tpu.memref_slice %arg7[%dma_start3A_44, %dma_start3A_45] : memref<10240x128xf32, #tpu.memory_space<vmem_shared>> -> memref<10240x128xf32, #tpu.memory_space<vmem_shared>>
      tpu.enqueue_indirect_dma source(%arg10 : memref<128x128xf32, #tpu.memory_space<vmem>>) target(%dma_start3A_46 : memref<10240x128xf32, #tpu.memory_space<vmem_shared>>) offsets(%dma_start3A_43 : memref<128xi32, #tpu.memory_space<vmem>>) semaphore(%arg14 : memref<!tpu.dma_semaphore, #tpu.memory_space<semaphore_mem>>) {add = true}
      %dma_start3A_47 = arith.constant 1 : i32
      %dma_start3A_48 = arith.constant 0 : i32
      %dma_start3A_49 = tpu.memref_slice %arg8[%dma_start3A_47, %dma_start3A_48] : memref<32x128xi32, #tpu.memory_space<vmem>> -> memref<1x128xi32, #tpu.memory_space<vmem>>
      %dma_start3A_50 = tpu.memref_squeeze %dma_start3A_49 : memref<1x128xi32, #tpu.memory_space<vmem>> -> memref<128xi32, #tpu.memory_space<vmem>>
      %dma_start3A_51 = arith.constant 0 : i32
      %dma_start3A_52 = arith.constant 0 : i32
      %dma_start3A_53 = tpu.memref_slice %arg2[%dma_start3A_51, %dma_start3A_52] : memref<10000x128xf32, #tpu.memory_space<hbm>> -> memref<10000x128xf32, #tpu.memory_space<hbm>>
      tpu.enqueue_indirect_dma source(%dma_start3A_53 : memref<10000x128xf32, #tpu.memory_space<hbm>>) target(%arg11 : memref<128x128xf32, #tpu.memory_space<vmem>>) offsets(%dma_start3A_50 : memref<128xi32, #tpu.memory_space<vmem>>) semaphore(%arg13 : memref<!tpu.dma_semaphore, #tpu.memory_space<semaphore_mem>>)
      %scan3A = arith.constant 0 : i32
      %scan3A_54 = arith.constant 0 : i32
      %scan3A_55 = arith.constant 15 : i32
      %scan3A_56 = arith.addi %scan3A_54, %scan3A_55 : i32
      %scan3A_57 = arith.constant 1 : i32
      scf.for %scan3A_87 = %scan3A_54 to %scan3A_56 step %scan3A_57  : i32 {
        %mul3A_88 = arith.constant 2 : i32
        %mul3A_89 = arith.muli %mul3A_88, %scan3A_87 : i32
        %add3A_90 = arith.constant 1 : i32
        %add3A_91 = arith.addi %mul3A_89, %add3A_90 : i32
        %dma_wait3A_92 = arith.constant 0 : i32
        %dma_wait3A_93 = tpu.memref_slice %arg8[%add3A_91, %dma_wait3A_92] : memref<32x128xi32, #tpu.memory_space<vmem>> -> memref<1x128xi32, #tpu.memory_space<vmem>>
        %dma_wait3A_94 = tpu.memref_squeeze %dma_wait3A_93 : memref<1x128xi32, #tpu.memory_space<vmem>> -> memref<128xi32, #tpu.memory_space<vmem>>
        %dma_wait3A_95 = arith.constant 0 : i32
        %dma_wait3A_96 = arith.constant 0 : i32
        %dma_wait3A_97 = tpu.memref_slice %arg2[%dma_wait3A_95, %dma_wait3A_96] : memref<10000x128xf32, #tpu.memory_space<hbm>> -> memref<10000x128xf32, #tpu.memory_space<hbm>>
        tpu.wait_indirect_dma semaphore(%arg13 : memref<!tpu.dma_semaphore, #tpu.memory_space<semaphore_mem>>) src(%dma_wait3A_97 : memref<10000x128xf32, #tpu.memory_space<hbm>>) dst(%arg11 : memref<128x128xf32, #tpu.memory_space<vmem>>)
        %dma_start3A_98 = arith.constant 0 : i32
        %dma_start3A_99 = tpu.memref_slice %arg9[%add3A_91, %dma_start3A_98] : memref<32x128xi32, #tpu.memory_space<vmem>> -> memref<1x128xi32, #tpu.memory_space<vmem>>
        %dma_start3A_100 = tpu.memref_squeeze %dma_start3A_99 : memref<1x128xi32, #tpu.memory_space<vmem>> -> memref<128xi32, #tpu.memory_space<vmem>>
        %dma_start3A_101 = arith.constant 0 : i32
        %dma_start3A_102 = arith.constant 0 : i32
        %dma_start3A_103 = tpu.memref_slice %arg7[%dma_start3A_101, %dma_start3A_102] : memref<10240x128xf32, #tpu.memory_space<vmem_shared>> -> memref<10240x128xf32, #tpu.memory_space<vmem_shared>>
        tpu.enqueue_indirect_dma source(%arg11 : memref<128x128xf32, #tpu.memory_space<vmem>>) target(%dma_start3A_103 : memref<10240x128xf32, #tpu.memory_space<vmem_shared>>) offsets(%dma_start3A_100 : memref<128xi32, #tpu.memory_space<vmem>>) semaphore(%arg15 : memref<!tpu.dma_semaphore, #tpu.memory_space<semaphore_mem>>) {add = true}
        %dma_wait3A_104 = arith.constant 0 : i32
        %dma_wait3A_105 = tpu.memref_slice %arg9[%add3A_91, %dma_wait3A_104] : memref<32x128xi32, #tpu.memory_space<vmem>> -> memref<1x128xi32, #tpu.memory_space<vmem>>
        %dma_wait3A_106 = tpu.memref_squeeze %dma_wait3A_105 : memref<1x128xi32, #tpu.memory_space<vmem>> -> memref<128xi32, #tpu.memory_space<vmem>>
        %dma_wait3A_107 = arith.constant 0 : i32
        %dma_wait3A_108 = arith.constant 0 : i32
        %dma_wait3A_109 = tpu.memref_slice %arg7[%dma_wait3A_107, %dma_wait3A_108] : memref<10240x128xf32, #tpu.memory_space<vmem_shared>> -> memref<10240x128xf32, #tpu.memory_space<vmem_shared>>
        tpu.wait_indirect_dma semaphore(%arg14 : memref<!tpu.dma_semaphore, #tpu.memory_space<semaphore_mem>>) src(%arg10 : memref<128x128xf32, #tpu.memory_space<vmem>>) dst(%dma_wait3A_109 : memref<10240x128xf32, #tpu.memory_space<vmem_shared>>)
        %add3A_110 = arith.constant 1 : i32
        %add3A_111 = arith.addi %add3A_91, %add3A_110 : i32
        %dma_start3A_112 = arith.constant 0 : i32
        %dma_start3A_113 = tpu.memref_slice %arg8[%add3A_111, %dma_start3A_112] : memref<32x128xi32, #tpu.memory_space<vmem>> -> memref<1x128xi32, #tpu.memory_space<vmem>>
        %dma_start3A_114 = tpu.memref_squeeze %dma_start3A_113 : memref<1x128xi32, #tpu.memory_space<vmem>> -> memref<128xi32, #tpu.memory_space<vmem>>
        %dma_start3A_115 = arith.constant 0 : i32
        %dma_start3A_116 = arith.constant 0 : i32
        %dma_start3A_117 = tpu.memref_slice %arg2[%dma_start3A_115, %dma_start3A_116] : memref<10000x128xf32, #tpu.memory_space<hbm>> -> memref<10000x128xf32, #tpu.memory_space<hbm>>
        tpu.enqueue_indirect_dma source(%dma_start3A_117 : memref<10000x128xf32, #tpu.memory_space<hbm>>) target(%arg10 : memref<128x128xf32, #tpu.memory_space<vmem>>) offsets(%dma_start3A_114 : memref<128xi32, #tpu.memory_space<vmem>>) semaphore(%arg12 : memref<!tpu.dma_semaphore, #tpu.memory_space<semaphore_mem>>)
        %add3A_118 = arith.constant 1 : i32
        %add3A_119 = arith.addi %add3A_91, %add3A_118 : i32
        %dma_wait3A_120 = arith.constant 0 : i32
        %dma_wait3A_121 = tpu.memref_slice %arg8[%add3A_119, %dma_wait3A_120] : memref<32x128xi32, #tpu.memory_space<vmem>> -> memref<1x128xi32, #tpu.memory_space<vmem>>
        %dma_wait3A_122 = tpu.memref_squeeze %dma_wait3A_121 : memref<1x128xi32, #tpu.memory_space<vmem>> -> memref<128xi32, #tpu.memory_space<vmem>>
        %dma_wait3A_123 = arith.constant 0 : i32
        %dma_wait3A_124 = arith.constant 0 : i32
        %dma_wait3A_125 = tpu.memref_slice %arg2[%dma_wait3A_123, %dma_wait3A_124] : memref<10000x128xf32, #tpu.memory_space<hbm>> -> memref<10000x128xf32, #tpu.memory_space<hbm>>
        tpu.wait_indirect_dma semaphore(%arg12 : memref<!tpu.dma_semaphore, #tpu.memory_space<semaphore_mem>>) src(%dma_wait3A_125 : memref<10000x128xf32, #tpu.memory_space<hbm>>) dst(%arg10 : memref<128x128xf32, #tpu.memory_space<vmem>>)
        %dma_start3A_126 = arith.constant 0 : i32
        %dma_start3A_127 = tpu.memref_slice %arg9[%add3A_119, %dma_start3A_126] : memref<32x128xi32, #tpu.memory_space<vmem>> -> memref<1x128xi32, #tpu.memory_space<vmem>>
        %dma_start3A_128 = tpu.memref_squeeze %dma_start3A_127 : memref<1x128xi32, #tpu.memory_space<vmem>> -> memref<128xi32, #tpu.memory_space<vmem>>
        %dma_start3A_129 = arith.constant 0 : i32
        %dma_start3A_130 = arith.constant 0 : i32
        %dma_start3A_131 = tpu.memref_slice %arg7[%dma_start3A_129, %dma_start3A_130] : memref<10240x128xf32, #tpu.memory_space<vmem_shared>> -> memref<10240x128xf32, #tpu.memory_space<vmem_shared>>
        tpu.enqueue_indirect_dma source(%arg10 : memref<128x128xf32, #tpu.memory_space<vmem>>) target(%dma_start3A_131 : memref<10240x128xf32, #tpu.memory_space<vmem_shared>>) offsets(%dma_start3A_128 : memref<128xi32, #tpu.memory_space<vmem>>) semaphore(%arg14 : memref<!tpu.dma_semaphore, #tpu.memory_space<semaphore_mem>>) {add = true}
        %dma_wait3A_132 = arith.constant 0 : i32
        %dma_wait3A_133 = tpu.memref_slice %arg9[%add3A_119, %dma_wait3A_132] : memref<32x128xi32, #tpu.memory_space<vmem>> -> memref<1x128xi32, #tpu.memory_space<vmem>>
        %dma_wait3A_134 = tpu.memref_squeeze %dma_wait3A_133 : memref<1x128xi32, #tpu.memory_space<vmem>> -> memref<128xi32, #tpu.memory_space<vmem>>
        %dma_wait3A_135 = arith.constant 0 : i32
        %dma_wait3A_136 = arith.constant 0 : i32
        %dma_wait3A_137 = tpu.memref_slice %arg7[%dma_wait3A_135, %dma_wait3A_136] : memref<10240x128xf32, #tpu.memory_space<vmem_shared>> -> memref<10240x128xf32, #tpu.memory_space<vmem_shared>>
        tpu.wait_indirect_dma semaphore(%arg15 : memref<!tpu.dma_semaphore, #tpu.memory_space<semaphore_mem>>) src(%arg11 : memref<128x128xf32, #tpu.memory_space<vmem>>) dst(%dma_wait3A_137 : memref<10240x128xf32, #tpu.memory_space<vmem_shared>>)
        %add3A_138 = arith.constant 1 : i32
        %add3A_139 = arith.addi %add3A_119, %add3A_138 : i32
        %dma_start3A_140 = arith.constant 0 : i32
        %dma_start3A_141 = tpu.memref_slice %arg8[%add3A_139, %dma_start3A_140] : memref<32x128xi32, #tpu.memory_space<vmem>> -> memref<1x128xi32, #tpu.memory_space<vmem>>
        %dma_start3A_142 = tpu.memref_squeeze %dma_start3A_141 : memref<1x128xi32, #tpu.memory_space<vmem>> -> memref<128xi32, #tpu.memory_space<vmem>>
        %dma_start3A_143 = arith.constant 0 : i32
        %dma_start3A_144 = arith.constant 0 : i32
        %dma_start3A_145 = tpu.memref_slice %arg2[%dma_start3A_143, %dma_start3A_144] : memref<10000x128xf32, #tpu.memory_space<hbm>> -> memref<10000x128xf32, #tpu.memory_space<hbm>>
        tpu.enqueue_indirect_dma source(%dma_start3A_145 : memref<10000x128xf32, #tpu.memory_space<hbm>>) target(%arg11 : memref<128x128xf32, #tpu.memory_space<vmem>>) offsets(%dma_start3A_142 : memref<128xi32, #tpu.memory_space<vmem>>) semaphore(%arg13 : memref<!tpu.dma_semaphore, #tpu.memory_space<semaphore_mem>>)
      }
      %scan3A_58 = arith.constant 15 : i32
      %dma_wait3A_59 = arith.constant 31 : i32
      %dma_wait3A_60 = arith.constant 0 : i32
      %dma_wait3A_61 = tpu.memref_slice %arg8[%dma_wait3A_59, %dma_wait3A_60] : memref<32x128xi32, #tpu.memory_space<vmem>> -> memref<1x128xi32, #tpu.memory_space<vmem>>
      %dma_wait3A_62 = tpu.memref_squeeze %dma_wait3A_61 : memref<1x128xi32, #tpu.memory_space<vmem>> -> memref<128xi32, #tpu.memory_space<vmem>>
      %dma_wait3A_63 = arith.constant 0 : i32
      %dma_wait3A_64 = arith.constant 0 : i32
      %dma_wait3A_65 = tpu.memref_slice %arg2[%dma_wait3A_63, %dma_wait3A_64] : memref<10000x128xf32, #tpu.memory_space<hbm>> -> memref<10000x128xf32, #tpu.memory_space<hbm>>
      tpu.wait_indirect_dma semaphore(%arg13 : memref<!tpu.dma_semaphore, #tpu.memory_space<semaphore_mem>>) src(%dma_wait3A_65 : memref<10000x128xf32, #tpu.memory_space<hbm>>) dst(%arg11 : memref<128x128xf32, #tpu.memory_space<vmem>>)
      %dma_start3A_66 = arith.constant 31 : i32
      %dma_start3A_67 = arith.constant 0 : i32
      %dma_start3A_68 = tpu.memref_slice %arg9[%dma_start3A_66, %dma_start3A_67] : memref<32x128xi32, #tpu.memory_space<vmem>> -> memref<1x128xi32, #tpu.memory_space<vmem>>
      %dma_start3A_69 = tpu.memref_squeeze %dma_start3A_68 : memref<1x128xi32, #tpu.memory_space<vmem>> -> memref<128xi32, #tpu.memory_space<vmem>>
      %dma_start3A_70 = arith.constant 0 : i32
      %dma_start3A_71 = arith.constant 0 : i32
      %dma_start3A_72 = tpu.memref_slice %arg7[%dma_start3A_70, %dma_start3A_71] : memref<10240x128xf32, #tpu.memory_space<vmem_shared>> -> memref<10240x128xf32, #tpu.memory_space<vmem_shared>>
      tpu.enqueue_indirect_dma source(%arg11 : memref<128x128xf32, #tpu.memory_space<vmem>>) target(%dma_start3A_72 : memref<10240x128xf32, #tpu.memory_space<vmem_shared>>) offsets(%dma_start3A_69 : memref<128xi32, #tpu.memory_space<vmem>>) semaphore(%arg15 : memref<!tpu.dma_semaphore, #tpu.memory_space<semaphore_mem>>) {add = true}
      %dma_wait3A_73 = arith.constant 31 : i32
      %dma_wait3A_74 = arith.constant 0 : i32
      %dma_wait3A_75 = tpu.memref_slice %arg9[%dma_wait3A_73, %dma_wait3A_74] : memref<32x128xi32, #tpu.memory_space<vmem>> -> memref<1x128xi32, #tpu.memory_space<vmem>>
      %dma_wait3A_76 = tpu.memref_squeeze %dma_wait3A_75 : memref<1x128xi32, #tpu.memory_space<vmem>> -> memref<128xi32, #tpu.memory_space<vmem>>
      %dma_wait3A_77 = arith.constant 0 : i32
      %dma_wait3A_78 = arith.constant 0 : i32
      %dma_wait3A_79 = tpu.memref_slice %arg7[%dma_wait3A_77, %dma_wait3A_78] : memref<10240x128xf32, #tpu.memory_space<vmem_shared>> -> memref<10240x128xf32, #tpu.memory_space<vmem_shared>>
      tpu.wait_indirect_dma semaphore(%arg14 : memref<!tpu.dma_semaphore, #tpu.memory_space<semaphore_mem>>) src(%arg10 : memref<128x128xf32, #tpu.memory_space<vmem>>) dst(%dma_wait3A_79 : memref<10240x128xf32, #tpu.memory_space<vmem_shared>>)
      %dma_wait3A_80 = arith.constant 31 : i32
      %dma_wait3A_81 = arith.constant 0 : i32
      %dma_wait3A_82 = tpu.memref_slice %arg9[%dma_wait3A_80, %dma_wait3A_81] : memref<32x128xi32, #tpu.memory_space<vmem>> -> memref<1x128xi32, #tpu.memory_space<vmem>>
      %dma_wait3A_83 = tpu.memref_squeeze %dma_wait3A_82 : memref<1x128xi32, #tpu.memory_space<vmem>> -> memref<128xi32, #tpu.memory_space<vmem>>
      %dma_wait3A_84 = arith.constant 0 : i32
      %dma_wait3A_85 = arith.constant 0 : i32
      %dma_wait3A_86 = tpu.memref_slice %arg7[%dma_wait3A_84, %dma_wait3A_85] : memref<10240x128xf32, #tpu.memory_space<vmem_shared>> -> memref<10240x128xf32, #tpu.memory_space<vmem_shared>>
      tpu.wait_indirect_dma semaphore(%arg15 : memref<!tpu.dma_semaphore, #tpu.memory_space<semaphore_mem>>) src(%arg11 : memref<128x128xf32, #tpu.memory_space<vmem>>) dst(%dma_wait3A_86 : memref<10240x128xf32, #tpu.memory_space<vmem_shared>>)
    }
    %barrier3A_23 = arith.constant 0 : index
    tpu.barrier barrier_id(%barrier3A_23)
    "tpu.region"() ({
      %run_scoped3A = tpu.sem_alloc : memref<!tpu.dma_semaphore, #tpu.memory_space<semaphore_mem>>
      %dma_start3A = arith.constant 0 : i32
      %dma_start3A_24 = tpu.memref_slice %arg6[%arg0, %mul3A_2, %dma_start3A] : memref<2x10240x128xf32, #tpu.memory_space<hbm>> -> memref<1x640x128xf32, #tpu.memory_space<hbm>>
      %dma_start3A_25 = tpu.memref_squeeze %dma_start3A_24 : memref<1x640x128xf32, #tpu.memory_space<hbm>> -> memref<640x128xf32, #tpu.memory_space<hbm>>
      %dma_start3A_26 = arith.constant 0 : i32
      %dma_start3A_27 = tpu.memref_slice %arg7[%mul3A_2, %dma_start3A_26] : memref<10240x128xf32, #tpu.memory_space<vmem_shared>> -> memref<640x128xf32, #tpu.memory_space<vmem_shared>>
      tpu.enqueue_dma source(%dma_start3A_27 : memref<640x128xf32, #tpu.memory_space<vmem_shared>>) target(%dma_start3A_25 : memref<640x128xf32, #tpu.memory_space<hbm>>) target_semaphore(%run_scoped3A : memref<!tpu.dma_semaphore, #tpu.memory_space<semaphore_mem>>)
      %dma_wait3A = arith.constant 0 : i32
      %dma_wait3A_28 = tpu.memref_slice %arg6[%arg0, %mul3A_2, %dma_wait3A] : memref<2x10240x128xf32, #tpu.memory_space<hbm>> -> memref<1x640x128xf32, #tpu.memory_space<hbm>>
      %dma_wait3A_29 = tpu.memref_squeeze %dma_wait3A_28 : memref<1x640x128xf32, #tpu.memory_space<hbm>> -> memref<640x128xf32, #tpu.memory_space<hbm>>
      %dma_wait3A_30 = arith.constant 0 : i32
      %dma_wait3A_31 = tpu.memref_slice %arg7[%mul3A_2, %dma_wait3A_30] : memref<10240x128xf32, #tpu.memory_space<vmem_shared>> -> memref<640x128xf32, #tpu.memory_space<vmem_shared>>
      tpu.wait_dma2 semaphore(%run_scoped3A : memref<!tpu.dma_semaphore, #tpu.memory_space<semaphore_mem>>) src(%dma_wait3A_31 : memref<640x128xf32, #tpu.memory_space<vmem_shared>>) dst(%dma_wait3A_29 : memref<640x128xf32, #tpu.memory_space<hbm>>)
      tpu.yield
    }) : () -> ()
    return
  }
}

#map = affine_map<(d0, d1) -> (0, 0)>
#map1 = affine_map<(d0, d1) -> (0, 0, 0)>
module attributes {stable_mosaic.version = 14 : i64} {
  func.func @run(%arg0: i32, %arg1: i32, %arg2: memref<10000x128xf32, #tpu.memory_space<hbm>>, %arg3: memref<2560x128xi32, #tpu.memory_space<hbm>>, %arg4: memref<2560x128xi32, #tpu.memory_space<hbm>>, %arg5: memref<10240x128xf32, #tpu.memory_space<hbm>>, %arg6: memref<2x10240x128xf32, #tpu.memory_space<hbm>>, %arg7: memref<10240x128xf32, #tpu.memory_space<vmem_shared>>, %arg8: memref<32x128xi32, #tpu.memory_space<vmem>>, %arg9: memref<32x128xi32, #tpu.memory_space<vmem>>, %arg10: memref<128x128xf32, #tpu.memory_space<vmem>>, %arg11: memref<128x128xf32, #tpu.memory_space<vmem>>, %arg12: memref<!tpu.dma_semaphore, #tpu.memory_space<semaphore_mem>>, %arg13: memref<!tpu.dma_semaphore, #tpu.memory_space<semaphore_mem>>, %arg14: memref<!tpu.dma_semaphore, #tpu.memory_space<semaphore_mem>>, %arg15: memref<!tpu.dma_semaphore, #tpu.memory_space<semaphore_mem>>) attributes {dimension_semantics = [#tpu.dimension_semantics<core_parallel>, #tpu.dimension_semantics<subcore_parallel>], iteration_bounds = array<i64: 2, 16>, scalar_prefetch = 0 : i64, scratch_operands = 9 : i64, tpu.core_type = #tpu.core_type<sc_vector_subcore>, window_params = [{transform_indices = #map}, {transform_indices = #map}, {transform_indices = #map}, {transform_indices = #map}, {transform_indices = #map1}]} {
    %mul3A = arith.constant 2 : i32
    %mul3A_0 = arith.muli %arg1, %mul3A : i32
    %add3A = arith.addi %mul3A_0, %arg0 : i32
    %mul3A_1 = arith.constant 640 : i32
    %mul3A_2 = arith.muli %arg1, %mul3A_1 : i32
    "tpu.region"() ({
      %run_scoped3A = tpu.sem_alloc : memref<!tpu.dma_semaphore, #tpu.memory_space<semaphore_mem>>
      %dma_start3A = arith.constant 0 : i32
      %dma_start3A_24 = tpu.memref_slice %arg7[%mul3A_2, %dma_start3A] : memref<10240x128xf32, #tpu.memory_space<vmem_shared>> -> memref<640x128xf32, #tpu.memory_space<vmem_shared>>
      %dma_start3A_25 = arith.constant 0 : i32
      %dma_start3A_26 = tpu.memref_slice %arg5[%mul3A_2, %dma_start3A_25] : memref<10240x128xf32, #tpu.memory_space<hbm>> -> memref<640x128xf32, #tpu.memory_space<hbm>>
      tpu.enqueue_dma source(%dma_start3A_26 : memref<640x128xf32, #tpu.memory_space<hbm>>) target(%dma_start3A_24 : memref<640x128xf32, #tpu.memory_space<vmem_shared>>) target_semaphore(%run_scoped3A : memref<!tpu.dma_semaphore, #tpu.memory_space<semaphore_mem>>)
      %dma_wait3A = arith.constant 0 : i32
      %dma_wait3A_27 = tpu.memref_slice %arg7[%mul3A_2, %dma_wait3A] : memref<10240x128xf32, #tpu.memory_space<vmem_shared>> -> memref<640x128xf32, #tpu.memory_space<vmem_shared>>
      %dma_wait3A_28 = arith.constant 0 : i32
      %dma_wait3A_29 = tpu.memref_slice %arg5[%mul3A_2, %dma_wait3A_28] : memref<10240x128xf32, #tpu.memory_space<hbm>> -> memref<640x128xf32, #tpu.memory_space<hbm>>
      tpu.wait_dma2 semaphore(%run_scoped3A : memref<!tpu.dma_semaphore, #tpu.memory_space<semaphore_mem>>) src(%dma_wait3A_29 : memref<640x128xf32, #tpu.memory_space<hbm>>) dst(%dma_wait3A_27 : memref<640x128xf32, #tpu.memory_space<vmem_shared>>)
      tpu.yield
    }) : () -> ()
    %eq3A = arith.constant 1 : i32
    %eq3A_3 = arith.cmpi eq, %arg0, %eq3A : i32
    %mul3A_4 = arith.constant 128 : i32
    %mul3A_5 = arith.muli %arg1, %mul3A_4 : i32
    %mul3A_6 = arith.constant 32 : i32
    %mul3A_7 = arith.muli %arg1, %mul3A_6 : i32
    %add3A_8 = arith.constant 2048 : i32
    %add3A_9 = arith.addi %add3A_8, %mul3A_7 : i32
    %select_n3A = arith.select %eq3A_3, %mul3A_5, %add3A_9 : i32
    %eq3A_10 = arith.constant 1 : i32
    %eq3A_11 = arith.cmpi eq, %arg0, %eq3A_10 : i32
    %jit3A = arith.constant 4 : i32
    %jit3A_12 = arith.constant 1 : i32
    %select_n3A_13 = arith.select %eq3A_11, %jit3A, %jit3A_12 : i32
    %barrier3A = arith.constant 0 : index
    tpu.barrier barrier_id(%barrier3A)
    %while3A = arith.constant 0 : i32
    %while3A_14 = arith.constant 0 : i32
    %while3A_15 = arith.subi %select_n3A_13, %while3A_14 : i32
    %while3A_16 = arith.addi %while3A_14, %while3A_15 : i32
    %while3A_17 = arith.constant 1 : i32
    %while3A_18 = arith.divsi %while3A_15, %while3A_17 : i32
    %while3A_19 = arith.muli %while3A_18, %while3A_17 : i32
    %while3A_20 = arith.addi %while3A_14, %while3A_19 : i32
    %while3A_21 = arith.constant 1 : i32
    scf.for %while3A_24 = %while3A_14 to %while3A_20 step %while3A_21  : i32 {
      %mul3A_25 = arith.constant 32 : i32
      %mul3A_26 = arith.muli %while3A_24, %mul3A_25 : i32
      %add3A_27 = arith.addi %select_n3A, %mul3A_26 : i32
      "tpu.region"() ({
        %run_scoped3A = tpu.sem_alloc : memref<!tpu.dma_semaphore, #tpu.memory_space<semaphore_mem>>
        %dma_start3A_87 = arith.constant 0 : i32
        %dma_start3A_88 = tpu.memref_slice %arg3[%add3A_27, %dma_start3A_87] : memref<2560x128xi32, #tpu.memory_space<hbm>> -> memref<32x128xi32, #tpu.memory_space<hbm>>
        %dma_start3A_89 = arith.constant 0 : i32
        %dma_start3A_90 = tpu.memref_slice %arg3[%add3A_27, %dma_start3A_89] : memref<2560x128xi32, #tpu.memory_space<hbm>> -> memref<32x128xi32, #tpu.memory_space<hbm>>
        tpu.enqueue_dma source(%dma_start3A_90 : memref<32x128xi32, #tpu.memory_space<hbm>>) target(%arg8 : memref<32x128xi32, #tpu.memory_space<vmem>>) target_semaphore(%run_scoped3A : memref<!tpu.dma_semaphore, #tpu.memory_space<semaphore_mem>>)
        %dma_wait3A_91 = arith.constant 0 : i32
        %dma_wait3A_92 = tpu.memref_slice %arg3[%add3A_27, %dma_wait3A_91] : memref<2560x128xi32, #tpu.memory_space<hbm>> -> memref<32x128xi32, #tpu.memory_space<hbm>>
        %dma_wait3A_93 = arith.constant 0 : i32
        %dma_wait3A_94 = tpu.memref_slice %arg3[%add3A_27, %dma_wait3A_93] : memref<2560x128xi32, #tpu.memory_space<hbm>> -> memref<32x128xi32, #tpu.memory_space<hbm>>
        tpu.wait_dma2 semaphore(%run_scoped3A : memref<!tpu.dma_semaphore, #tpu.memory_space<semaphore_mem>>) src(%dma_wait3A_94 : memref<32x128xi32, #tpu.memory_space<hbm>>) dst(%arg8 : memref<32x128xi32, #tpu.memory_space<vmem>>)
        tpu.yield
      }) : () -> ()
      "tpu.region"() ({
        %run_scoped3A = tpu.sem_alloc : memref<!tpu.dma_semaphore, #tpu.memory_space<semaphore_mem>>
        %dma_start3A_87 = arith.constant 0 : i32
        %dma_start3A_88 = tpu.memref_slice %arg4[%add3A_27, %dma_start3A_87] : memref<2560x128xi32, #tpu.memory_space<hbm>> -> memref<32x128xi32, #tpu.memory_space<hbm>>
        %dma_start3A_89 = arith.constant 0 : i32
        %dma_start3A_90 = tpu.memref_slice %arg4[%add3A_27, %dma_start3A_89] : memref<2560x128xi32, #tpu.memory_space<hbm>> -> memref<32x128xi32, #tpu.memory_space<hbm>>
        tpu.enqueue_dma source(%dma_start3A_90 : memref<32x128xi32, #tpu.memory_space<hbm>>) target(%arg9 : memref<32x128xi32, #tpu.memory_space<vmem>>) target_semaphore(%run_scoped3A : memref<!tpu.dma_semaphore, #tpu.memory_space<semaphore_mem>>)
        %dma_wait3A_91 = arith.constant 0 : i32
        %dma_wait3A_92 = tpu.memref_slice %arg4[%add3A_27, %dma_wait3A_91] : memref<2560x128xi32, #tpu.memory_space<hbm>> -> memref<32x128xi32, #tpu.memory_space<hbm>>
        %dma_wait3A_93 = arith.constant 0 : i32
        %dma_wait3A_94 = tpu.memref_slice %arg4[%add3A_27, %dma_wait3A_93] : memref<2560x128xi32, #tpu.memory_space<hbm>> -> memref<32x128xi32, #tpu.memory_space<hbm>>
        tpu.wait_dma2 semaphore(%run_scoped3A : memref<!tpu.dma_semaphore, #tpu.memory_space<semaphore_mem>>) src(%dma_wait3A_94 : memref<32x128xi32, #tpu.memory_space<hbm>>) dst(%arg9 : memref<32x128xi32, #tpu.memory_space<vmem>>)
        tpu.yield
      }) : () -> ()
      %dma_start3A = arith.constant 0 : i32
      %dma_start3A_28 = arith.constant 0 : i32
      %dma_start3A_29 = tpu.memref_slice %arg8[%dma_start3A, %dma_start3A_28] : memref<32x128xi32, #tpu.memory_space<vmem>> -> memref<1x128xi32, #tpu.memory_space<vmem>>
      %dma_start3A_30 = tpu.memref_squeeze %dma_start3A_29 : memref<1x128xi32, #tpu.memory_space<vmem>> -> memref<128xi32, #tpu.memory_space<vmem>>
      %dma_start3A_31 = arith.constant 0 : i32
      %dma_start3A_32 = arith.constant 0 : i32
      %dma_start3A_33 = tpu.memref_slice %arg2[%dma_start3A_31, %dma_start3A_32] : memref<10000x128xf32, #tpu.memory_space<hbm>> -> memref<10000x128xf32, #tpu.memory_space<hbm>>
      tpu.enqueue_indirect_dma source(%dma_start3A_33 : memref<10000x128xf32, #tpu.memory_space<hbm>>) target(%arg10 : memref<128x128xf32, #tpu.memory_space<vmem>>) offsets(%dma_start3A_30 : memref<128xi32, #tpu.memory_space<vmem>>) semaphore(%arg12 : memref<!tpu.dma_semaphore, #tpu.memory_space<semaphore_mem>>)
      %dma_wait3A = arith.constant 0 : i32
      %dma_wait3A_34 = arith.constant 0 : i32
      %dma_wait3A_35 = tpu.memref_slice %arg8[%dma_wait3A, %dma_wait3A_34] : memref<32x128xi32, #tpu.memory_space<vmem>> -> memref<1x128xi32, #tpu.memory_space<vmem>>
      %dma_wait3A_36 = tpu.memref_squeeze %dma_wait3A_35 : memref<1x128xi32, #tpu.memory_space<vmem>> -> memref<128xi32, #tpu.memory_space<vmem>>
      %dma_wait3A_37 = arith.constant 0 : i32
      %dma_wait3A_38 = arith.constant 0 : i32
      %dma_wait3A_39 = tpu.memref_slice %arg2[%dma_wait3A_37, %dma_wait3A_38] : memref<10000x128xf32, #tpu.memory_space<hbm>> -> memref<10000x128xf32, #tpu.memory_space<hbm>>
      tpu.wait_indirect_dma semaphore(%arg12 : memref<!tpu.dma_semaphore, #tpu.memory_space<semaphore_mem>>) src(%dma_wait3A_39 : memref<10000x128xf32, #tpu.memory_space<hbm>>) dst(%arg10 : memref<128x128xf32, #tpu.memory_space<vmem>>)
      %dma_start3A_40 = arith.constant 0 : i32
      %dma_start3A_41 = arith.constant 0 : i32
      %dma_start3A_42 = tpu.memref_slice %arg9[%dma_start3A_40, %dma_start3A_41] : memref<32x128xi32, #tpu.memory_space<vmem>> -> memref<1x128xi32, #tpu.memory_space<vmem>>
      %dma_start3A_43 = tpu.memref_squeeze %dma_start3A_42 : memref<1x128xi32, #tpu.memory_space<vmem>> -> memref<128xi32, #tpu.memory_space<vmem>>
      %dma_start3A_44 = arith.constant 0 : i32
      %dma_start3A_45 = arith.constant 0 : i32
      %dma_start3A_46 = tpu.memref_slice %arg7[%dma_start3A_44, %dma_start3A_45] : memref<10240x128xf32, #tpu.memory_space<vmem_shared>> -> memref<10240x128xf32, #tpu.memory_space<vmem_shared>>
      tpu.enqueue_indirect_dma source(%arg10 : memref<128x128xf32, #tpu.memory_space<vmem>>) target(%dma_start3A_46 : memref<10240x128xf32, #tpu.memory_space<vmem_shared>>) offsets(%dma_start3A_43 : memref<128xi32, #tpu.memory_space<vmem>>) semaphore(%arg14 : memref<!tpu.dma_semaphore, #tpu.memory_space<semaphore_mem>>) {add = true}
      %dma_start3A_47 = arith.constant 1 : i32
      %dma_start3A_48 = arith.constant 0 : i32
      %dma_start3A_49 = tpu.memref_slice %arg8[%dma_start3A_47, %dma_start3A_48] : memref<32x128xi32, #tpu.memory_space<vmem>> -> memref<1x128xi32, #tpu.memory_space<vmem>>
      %dma_start3A_50 = tpu.memref_squeeze %dma_start3A_49 : memref<1x128xi32, #tpu.memory_space<vmem>> -> memref<128xi32, #tpu.memory_space<vmem>>
      %dma_start3A_51 = arith.constant 0 : i32
      %dma_start3A_52 = arith.constant 0 : i32
      %dma_start3A_53 = tpu.memref_slice %arg2[%dma_start3A_51, %dma_start3A_52] : memref<10000x128xf32, #tpu.memory_space<hbm>> -> memref<10000x128xf32, #tpu.memory_space<hbm>>
      tpu.enqueue_indirect_dma source(%dma_start3A_53 : memref<10000x128xf32, #tpu.memory_space<hbm>>) target(%arg11 : memref<128x128xf32, #tpu.memory_space<vmem>>) offsets(%dma_start3A_50 : memref<128xi32, #tpu.memory_space<vmem>>) semaphore(%arg13 : memref<!tpu.dma_semaphore, #tpu.memory_space<semaphore_mem>>)
      %scan3A = arith.constant 0 : i32
      %scan3A_54 = arith.constant 0 : i32
      %scan3A_55 = arith.constant 15 : i32
      %scan3A_56 = arith.addi %scan3A_54, %scan3A_55 : i32
      %scan3A_57 = arith.constant 1 : i32
      scf.for %scan3A_87 = %scan3A_54 to %scan3A_56 step %scan3A_57  : i32 {
        %mul3A_88 = arith.constant 2 : i32
        %mul3A_89 = arith.muli %mul3A_88, %scan3A_87 : i32
        %add3A_90 = arith.constant 1 : i32
        %add3A_91 = arith.addi %mul3A_89, %add3A_90 : i32
        %dma_wait3A_92 = arith.constant 0 : i32
        %dma_wait3A_93 = tpu.memref_slice %arg8[%add3A_91, %dma_wait3A_92] : memref<32x128xi32, #tpu.memory_space<vmem>> -> memref<1x128xi32, #tpu.memory_space<vmem>>
        %dma_wait3A_94 = tpu.memref_squeeze %dma_wait3A_93 : memref<1x128xi32, #tpu.memory_space<vmem>> -> memref<128xi32, #tpu.memory_space<vmem>>
        %dma_wait3A_95 = arith.constant 0 : i32
        %dma_wait3A_96 = arith.constant 0 : i32
        %dma_wait3A_97 = tpu.memref_slice %arg2[%dma_wait3A_95, %dma_wait3A_96] : memref<10000x128xf32, #tpu.memory_space<hbm>> -> memref<10000x128xf32, #tpu.memory_space<hbm>>
        tpu.wait_indirect_dma semaphore(%arg13 : memref<!tpu.dma_semaphore, #tpu.memory_space<semaphore_mem>>) src(%dma_wait3A_97 : memref<10000x128xf32, #tpu.memory_space<hbm>>) dst(%arg11 : memref<128x128xf32, #tpu.memory_space<vmem>>)
        %dma_start3A_98 = arith.constant 0 : i32
        %dma_start3A_99 = tpu.memref_slice %arg9[%add3A_91, %dma_start3A_98] : memref<32x128xi32, #tpu.memory_space<vmem>> -> memref<1x128xi32, #tpu.memory_space<vmem>>
        %dma_start3A_100 = tpu.memref_squeeze %dma_start3A_99 : memref<1x128xi32, #tpu.memory_space<vmem>> -> memref<128xi32, #tpu.memory_space<vmem>>
        %dma_start3A_101 = arith.constant 0 : i32
        %dma_start3A_102 = arith.constant 0 : i32
        %dma_start3A_103 = tpu.memref_slice %arg7[%dma_start3A_101, %dma_start3A_102] : memref<10240x128xf32, #tpu.memory_space<vmem_shared>> -> memref<10240x128xf32, #tpu.memory_space<vmem_shared>>
        tpu.enqueue_indirect_dma source(%arg11 : memref<128x128xf32, #tpu.memory_space<vmem>>) target(%dma_start3A_103 : memref<10240x128xf32, #tpu.memory_space<vmem_shared>>) offsets(%dma_start3A_100 : memref<128xi32, #tpu.memory_space<vmem>>) semaphore(%arg15 : memref<!tpu.dma_semaphore, #tpu.memory_space<semaphore_mem>>) {add = true}
        %dma_wait3A_104 = arith.constant 0 : i32
        %dma_wait3A_105 = tpu.memref_slice %arg9[%add3A_91, %dma_wait3A_104] : memref<32x128xi32, #tpu.memory_space<vmem>> -> memref<1x128xi32, #tpu.memory_space<vmem>>
        %dma_wait3A_106 = tpu.memref_squeeze %dma_wait3A_105 : memref<1x128xi32, #tpu.memory_space<vmem>> -> memref<128xi32, #tpu.memory_space<vmem>>
        %dma_wait3A_107 = arith.constant 0 : i32
        %dma_wait3A_108 = arith.constant 0 : i32
        %dma_wait3A_109 = tpu.memref_slice %arg7[%dma_wait3A_107, %dma_wait3A_108] : memref<10240x128xf32, #tpu.memory_space<vmem_shared>> -> memref<10240x128xf32, #tpu.memory_space<vmem_shared>>
        tpu.wait_indirect_dma semaphore(%arg14 : memref<!tpu.dma_semaphore, #tpu.memory_space<semaphore_mem>>) src(%arg10 : memref<128x128xf32, #tpu.memory_space<vmem>>) dst(%dma_wait3A_109 : memref<10240x128xf32, #tpu.memory_space<vmem_shared>>)
        %add3A_110 = arith.constant 1 : i32
        %add3A_111 = arith.addi %add3A_91, %add3A_110 : i32
        %dma_start3A_112 = arith.constant 0 : i32
        %dma_start3A_113 = tpu.memref_slice %arg8[%add3A_111, %dma_start3A_112] : memref<32x128xi32, #tpu.memory_space<vmem>> -> memref<1x128xi32, #tpu.memory_space<vmem>>
        %dma_start3A_114 = tpu.memref_squeeze %dma_start3A_113 : memref<1x128xi32, #tpu.memory_space<vmem>> -> memref<128xi32, #tpu.memory_space<vmem>>
        %dma_start3A_115 = arith.constant 0 : i32
        %dma_start3A_116 = arith.constant 0 : i32
        %dma_start3A_117 = tpu.memref_slice %arg2[%dma_start3A_115, %dma_start3A_116] : memref<10000x128xf32, #tpu.memory_space<hbm>> -> memref<10000x128xf32, #tpu.memory_space<hbm>>
        tpu.enqueue_indirect_dma source(%dma_start3A_117 : memref<10000x128xf32, #tpu.memory_space<hbm>>) target(%arg10 : memref<128x128xf32, #tpu.memory_space<vmem>>) offsets(%dma_start3A_114 : memref<128xi32, #tpu.memory_space<vmem>>) semaphore(%arg12 : memref<!tpu.dma_semaphore, #tpu.memory_space<semaphore_mem>>)
        %add3A_118 = arith.constant 1 : i32
        %add3A_119 = arith.addi %add3A_91, %add3A_118 : i32
        %dma_wait3A_120 = arith.constant 0 : i32
        %dma_wait3A_121 = tpu.memref_slice %arg8[%add3A_119, %dma_wait3A_120] : memref<32x128xi32, #tpu.memory_space<vmem>> -> memref<1x128xi32, #tpu.memory_space<vmem>>
        %dma_wait3A_122 = tpu.memref_squeeze %dma_wait3A_121 : memref<1x128xi32, #tpu.memory_space<vmem>> -> memref<128xi32, #tpu.memory_space<vmem>>
        %dma_wait3A_123 = arith.constant 0 : i32
        %dma_wait3A_124 = arith.constant 0 : i32
        %dma_wait3A_125 = tpu.memref_slice %arg2[%dma_wait3A_123, %dma_wait3A_124] : memref<10000x128xf32, #tpu.memory_space<hbm>> -> memref<10000x128xf32, #tpu.memory_space<hbm>>
        tpu.wait_indirect_dma semaphore(%arg12 : memref<!tpu.dma_semaphore, #tpu.memory_space<semaphore_mem>>) src(%dma_wait3A_125 : memref<10000x128xf32, #tpu.memory_space<hbm>>) dst(%arg10 : memref<128x128xf32, #tpu.memory_space<vmem>>)
        %dma_start3A_126 = arith.constant 0 : i32
        %dma_start3A_127 = tpu.memref_slice %arg9[%add3A_119, %dma_start3A_126] : memref<32x128xi32, #tpu.memory_space<vmem>> -> memref<1x128xi32, #tpu.memory_space<vmem>>
        %dma_start3A_128 = tpu.memref_squeeze %dma_start3A_127 : memref<1x128xi32, #tpu.memory_space<vmem>> -> memref<128xi32, #tpu.memory_space<vmem>>
        %dma_start3A_129 = arith.constant 0 : i32
        %dma_start3A_130 = arith.constant 0 : i32
        %dma_start3A_131 = tpu.memref_slice %arg7[%dma_start3A_129, %dma_start3A_130] : memref<10240x128xf32, #tpu.memory_space<vmem_shared>> -> memref<10240x128xf32, #tpu.memory_space<vmem_shared>>
        tpu.enqueue_indirect_dma source(%arg10 : memref<128x128xf32, #tpu.memory_space<vmem>>) target(%dma_start3A_131 : memref<10240x128xf32, #tpu.memory_space<vmem_shared>>) offsets(%dma_start3A_128 : memref<128xi32, #tpu.memory_space<vmem>>) semaphore(%arg14 : memref<!tpu.dma_semaphore, #tpu.memory_space<semaphore_mem>>) {add = true}
        %dma_wait3A_132 = arith.constant 0 : i32
        %dma_wait3A_133 = tpu.memref_slice %arg9[%add3A_119, %dma_wait3A_132] : memref<32x128xi32, #tpu.memory_space<vmem>> -> memref<1x128xi32, #tpu.memory_space<vmem>>
        %dma_wait3A_134 = tpu.memref_squeeze %dma_wait3A_133 : memref<1x128xi32, #tpu.memory_space<vmem>> -> memref<128xi32, #tpu.memory_space<vmem>>
        %dma_wait3A_135 = arith.constant 0 : i32
        %dma_wait3A_136 = arith.constant 0 : i32
        %dma_wait3A_137 = tpu.memref_slice %arg7[%dma_wait3A_135, %dma_wait3A_136] : memref<10240x128xf32, #tpu.memory_space<vmem_shared>> -> memref<10240x128xf32, #tpu.memory_space<vmem_shared>>
        tpu.wait_indirect_dma semaphore(%arg15 : memref<!tpu.dma_semaphore, #tpu.memory_space<semaphore_mem>>) src(%arg11 : memref<128x128xf32, #tpu.memory_space<vmem>>) dst(%dma_wait3A_137 : memref<10240x128xf32, #tpu.memory_space<vmem_shared>>)
        %add3A_138 = arith.constant 1 : i32
        %add3A_139 = arith.addi %add3A_119, %add3A_138 : i32
        %dma_start3A_140 = arith.constant 0 : i32
        %dma_start3A_141 = tpu.memref_slice %arg8[%add3A_139, %dma_start3A_140] : memref<32x128xi32, #tpu.memory_space<vmem>> -> memref<1x128xi32, #tpu.memory_space<vmem>>
        %dma_start3A_142 = tpu.memref_squeeze %dma_start3A_141 : memref<1x128xi32, #tpu.memory_space<vmem>> -> memref<128xi32, #tpu.memory_space<vmem>>
        %dma_start3A_143 = arith.constant 0 : i32
        %dma_start3A_144 = arith.constant 0 : i32
        %dma_start3A_145 = tpu.memref_slice %arg2[%dma_start3A_143, %dma_start3A_144] : memref<10000x128xf32, #tpu.memory_space<hbm>> -> memref<10000x128xf32, #tpu.memory_space<hbm>>
        tpu.enqueue_indirect_dma source(%dma_start3A_145 : memref<10000x128xf32, #tpu.memory_space<hbm>>) target(%arg11 : memref<128x128xf32, #tpu.memory_space<vmem>>) offsets(%dma_start3A_142 : memref<128xi32, #tpu.memory_space<vmem>>) semaphore(%arg13 : memref<!tpu.dma_semaphore, #tpu.memory_space<semaphore_mem>>)
      }
      %scan3A_58 = arith.constant 15 : i32
      %dma_wait3A_59 = arith.constant 31 : i32
      %dma_wait3A_60 = arith.constant 0 : i32
      %dma_wait3A_61 = tpu.memref_slice %arg8[%dma_wait3A_59, %dma_wait3A_60] : memref<32x128xi32, #tpu.memory_space<vmem>> -> memref<1x128xi32, #tpu.memory_space<vmem>>
      %dma_wait3A_62 = tpu.memref_squeeze %dma_wait3A_61 : memref<1x128xi32, #tpu.memory_space<vmem>> -> memref<128xi32, #tpu.memory_space<vmem>>
      %dma_wait3A_63 = arith.constant 0 : i32
      %dma_wait3A_64 = arith.constant 0 : i32
      %dma_wait3A_65 = tpu.memref_slice %arg2[%dma_wait3A_63, %dma_wait3A_64] : memref<10000x128xf32, #tpu.memory_space<hbm>> -> memref<10000x128xf32, #tpu.memory_space<hbm>>
      tpu.wait_indirect_dma semaphore(%arg13 : memref<!tpu.dma_semaphore, #tpu.memory_space<semaphore_mem>>) src(%dma_wait3A_65 : memref<10000x128xf32, #tpu.memory_space<hbm>>) dst(%arg11 : memref<128x128xf32, #tpu.memory_space<vmem>>)
      %dma_start3A_66 = arith.constant 31 : i32
      %dma_start3A_67 = arith.constant 0 : i32
      %dma_start3A_68 = tpu.memref_slice %arg9[%dma_start3A_66, %dma_start3A_67] : memref<32x128xi32, #tpu.memory_space<vmem>> -> memref<1x128xi32, #tpu.memory_space<vmem>>
      %dma_start3A_69 = tpu.memref_squeeze %dma_start3A_68 : memref<1x128xi32, #tpu.memory_space<vmem>> -> memref<128xi32, #tpu.memory_space<vmem>>
      %dma_start3A_70 = arith.constant 0 : i32
      %dma_start3A_71 = arith.constant 0 : i32
      %dma_start3A_72 = tpu.memref_slice %arg7[%dma_start3A_70, %dma_start3A_71] : memref<10240x128xf32, #tpu.memory_space<vmem_shared>> -> memref<10240x128xf32, #tpu.memory_space<vmem_shared>>
      tpu.enqueue_indirect_dma source(%arg11 : memref<128x128xf32, #tpu.memory_space<vmem>>) target(%dma_start3A_72 : memref<10240x128xf32, #tpu.memory_space<vmem_shared>>) offsets(%dma_start3A_69 : memref<128xi32, #tpu.memory_space<vmem>>) semaphore(%arg15 : memref<!tpu.dma_semaphore, #tpu.memory_space<semaphore_mem>>) {add = true}
      %dma_wait3A_73 = arith.constant 31 : i32
      %dma_wait3A_74 = arith.constant 0 : i32
      %dma_wait3A_75 = tpu.memref_slice %arg9[%dma_wait3A_73, %dma_wait3A_74] : memref<32x128xi32, #tpu.memory_space<vmem>> -> memref<1x128xi32, #tpu.memory_space<vmem>>
      %dma_wait3A_76 = tpu.memref_squeeze %dma_wait3A_75 : memref<1x128xi32, #tpu.memory_space<vmem>> -> memref<128xi32, #tpu.memory_space<vmem>>
      %dma_wait3A_77 = arith.constant 0 : i32
      %dma_wait3A_78 = arith.constant 0 : i32
      %dma_wait3A_79 = tpu.memref_slice %arg7[%dma_wait3A_77, %dma_wait3A_78] : memref<10240x128xf32, #tpu.memory_space<vmem_shared>> -> memref<10240x128xf32, #tpu.memory_space<vmem_shared>>
      tpu.wait_indirect_dma semaphore(%arg14 : memref<!tpu.dma_semaphore, #tpu.memory_space<semaphore_mem>>) src(%arg10 : memref<128x128xf32, #tpu.memory_space<vmem>>) dst(%dma_wait3A_79 : memref<10240x128xf32, #tpu.memory_space<vmem_shared>>)
      %dma_wait3A_80 = arith.constant 31 : i32
      %dma_wait3A_81 = arith.constant 0 : i32
      %dma_wait3A_82 = tpu.memref_slice %arg9[%dma_wait3A_80, %dma_wait3A_81] : memref<32x128xi32, #tpu.memory_space<vmem>> -> memref<1x128xi32, #tpu.memory_space<vmem>>
      %dma_wait3A_83 = tpu.memref_squeeze %dma_wait3A_82 : memref<1x128xi32, #tpu.memory_space<vmem>> -> memref<128xi32, #tpu.memory_space<vmem>>
      %dma_wait3A_84 = arith.constant 0 : i32
      %dma_wait3A_85 = arith.constant 0 : i32
      %dma_wait3A_86 = tpu.memref_slice %arg7[%dma_wait3A_84, %dma_wait3A_85] : memref<10240x128xf32, #tpu.memory_space<vmem_shared>> -> memref<10240x128xf32, #tpu.memory_space<vmem_shared>>
      tpu.wait_indirect_dma semaphore(%arg15 : memref<!tpu.dma_semaphore, #tpu.memory_space<semaphore_mem>>) src(%arg11 : memref<128x128xf32, #tpu.memory_space<vmem>>) dst(%dma_wait3A_86 : memref<10240x128xf32, #tpu.memory_space<vmem_shared>>)
    }
    %while3A_22 = arith.constant 1 : i32
    scf.for %while3A_24 = %while3A_20 to %while3A_16 step %while3A_22  : i32 {
      %mul3A_25 = arith.constant 32 : i32
      %mul3A_26 = arith.muli %while3A_24, %mul3A_25 : i32
      %add3A_27 = arith.addi %select_n3A, %mul3A_26 : i32
      "tpu.region"() ({
        %run_scoped3A = tpu.sem_alloc : memref<!tpu.dma_semaphore, #tpu.memory_space<semaphore_mem>>
        %dma_start3A_87 = arith.constant 0 : i32
        %dma_start3A_88 = tpu.memref_slice %arg3[%add3A_27, %dma_start3A_87] : memref<2560x128xi32, #tpu.memory_space<hbm>> -> memref<32x128xi32, #tpu.memory_space<hbm>>
        %dma_start3A_89 = arith.constant 0 : i32
        %dma_start3A_90 = tpu.memref_slice %arg3[%add3A_27, %dma_start3A_89] : memref<2560x128xi32, #tpu.memory_space<hbm>> -> memref<32x128xi32, #tpu.memory_space<hbm>>
        tpu.enqueue_dma source(%dma_start3A_90 : memref<32x128xi32, #tpu.memory_space<hbm>>) target(%arg8 : memref<32x128xi32, #tpu.memory_space<vmem>>) target_semaphore(%run_scoped3A : memref<!tpu.dma_semaphore, #tpu.memory_space<semaphore_mem>>)
        %dma_wait3A_91 = arith.constant 0 : i32
        %dma_wait3A_92 = tpu.memref_slice %arg3[%add3A_27, %dma_wait3A_91] : memref<2560x128xi32, #tpu.memory_space<hbm>> -> memref<32x128xi32, #tpu.memory_space<hbm>>
        %dma_wait3A_93 = arith.constant 0 : i32
        %dma_wait3A_94 = tpu.memref_slice %arg3[%add3A_27, %dma_wait3A_93] : memref<2560x128xi32, #tpu.memory_space<hbm>> -> memref<32x128xi32, #tpu.memory_space<hbm>>
        tpu.wait_dma2 semaphore(%run_scoped3A : memref<!tpu.dma_semaphore, #tpu.memory_space<semaphore_mem>>) src(%dma_wait3A_94 : memref<32x128xi32, #tpu.memory_space<hbm>>) dst(%arg8 : memref<32x128xi32, #tpu.memory_space<vmem>>)
        tpu.yield
      }) : () -> ()
      "tpu.region"() ({
        %run_scoped3A = tpu.sem_alloc : memref<!tpu.dma_semaphore, #tpu.memory_space<semaphore_mem>>
        %dma_start3A_87 = arith.constant 0 : i32
        %dma_start3A_88 = tpu.memref_slice %arg4[%add3A_27, %dma_start3A_87] : memref<2560x128xi32, #tpu.memory_space<hbm>> -> memref<32x128xi32, #tpu.memory_space<hbm>>
        %dma_start3A_89 = arith.constant 0 : i32
        %dma_start3A_90 = tpu.memref_slice %arg4[%add3A_27, %dma_start3A_89] : memref<2560x128xi32, #tpu.memory_space<hbm>> -> memref<32x128xi32, #tpu.memory_space<hbm>>
        tpu.enqueue_dma source(%dma_start3A_90 : memref<32x128xi32, #tpu.memory_space<hbm>>) target(%arg9 : memref<32x128xi32, #tpu.memory_space<vmem>>) target_semaphore(%run_scoped3A : memref<!tpu.dma_semaphore, #tpu.memory_space<semaphore_mem>>)
        %dma_wait3A_91 = arith.constant 0 : i32
        %dma_wait3A_92 = tpu.memref_slice %arg4[%add3A_27, %dma_wait3A_91] : memref<2560x128xi32, #tpu.memory_space<hbm>> -> memref<32x128xi32, #tpu.memory_space<hbm>>
        %dma_wait3A_93 = arith.constant 0 : i32
        %dma_wait3A_94 = tpu.memref_slice %arg4[%add3A_27, %dma_wait3A_93] : memref<2560x128xi32, #tpu.memory_space<hbm>> -> memref<32x128xi32, #tpu.memory_space<hbm>>
        tpu.wait_dma2 semaphore(%run_scoped3A : memref<!tpu.dma_semaphore, #tpu.memory_space<semaphore_mem>>) src(%dma_wait3A_94 : memref<32x128xi32, #tpu.memory_space<hbm>>) dst(%arg9 : memref<32x128xi32, #tpu.memory_space<vmem>>)
        tpu.yield
      }) : () -> ()
      %dma_start3A = arith.constant 0 : i32
      %dma_start3A_28 = arith.constant 0 : i32
      %dma_start3A_29 = tpu.memref_slice %arg8[%dma_start3A, %dma_start3A_28] : memref<32x128xi32, #tpu.memory_space<vmem>> -> memref<1x128xi32, #tpu.memory_space<vmem>>
      %dma_start3A_30 = tpu.memref_squeeze %dma_start3A_29 : memref<1x128xi32, #tpu.memory_space<vmem>> -> memref<128xi32, #tpu.memory_space<vmem>>
      %dma_start3A_31 = arith.constant 0 : i32
      %dma_start3A_32 = arith.constant 0 : i32
      %dma_start3A_33 = tpu.memref_slice %arg2[%dma_start3A_31, %dma_start3A_32] : memref<10000x128xf32, #tpu.memory_space<hbm>> -> memref<10000x128xf32, #tpu.memory_space<hbm>>
      tpu.enqueue_indirect_dma source(%dma_start3A_33 : memref<10000x128xf32, #tpu.memory_space<hbm>>) target(%arg10 : memref<128x128xf32, #tpu.memory_space<vmem>>) offsets(%dma_start3A_30 : memref<128xi32, #tpu.memory_space<vmem>>) semaphore(%arg12 : memref<!tpu.dma_semaphore, #tpu.memory_space<semaphore_mem>>)
      %dma_wait3A = arith.constant 0 : i32
      %dma_wait3A_34 = arith.constant 0 : i32
      %dma_wait3A_35 = tpu.memref_slice %arg8[%dma_wait3A, %dma_wait3A_34] : memref<32x128xi32, #tpu.memory_space<vmem>> -> memref<1x128xi32, #tpu.memory_space<vmem>>
      %dma_wait3A_36 = tpu.memref_squeeze %dma_wait3A_35 : memref<1x128xi32, #tpu.memory_space<vmem>> -> memref<128xi32, #tpu.memory_space<vmem>>
      %dma_wait3A_37 = arith.constant 0 : i32
      %dma_wait3A_38 = arith.constant 0 : i32
      %dma_wait3A_39 = tpu.memref_slice %arg2[%dma_wait3A_37, %dma_wait3A_38] : memref<10000x128xf32, #tpu.memory_space<hbm>> -> memref<10000x128xf32, #tpu.memory_space<hbm>>
      tpu.wait_indirect_dma semaphore(%arg12 : memref<!tpu.dma_semaphore, #tpu.memory_space<semaphore_mem>>) src(%dma_wait3A_39 : memref<10000x128xf32, #tpu.memory_space<hbm>>) dst(%arg10 : memref<128x128xf32, #tpu.memory_space<vmem>>)
      %dma_start3A_40 = arith.constant 0 : i32
      %dma_start3A_41 = arith.constant 0 : i32
      %dma_start3A_42 = tpu.memref_slice %arg9[%dma_start3A_40, %dma_start3A_41] : memref<32x128xi32, #tpu.memory_space<vmem>> -> memref<1x128xi32, #tpu.memory_space<vmem>>
      %dma_start3A_43 = tpu.memref_squeeze %dma_start3A_42 : memref<1x128xi32, #tpu.memory_space<vmem>> -> memref<128xi32, #tpu.memory_space<vmem>>
      %dma_start3A_44 = arith.constant 0 : i32
      %dma_start3A_45 = arith.constant 0 : i32
      %dma_start3A_46 = tpu.memref_slice %arg7[%dma_start3A_44, %dma_start3A_45] : memref<10240x128xf32, #tpu.memory_space<vmem_shared>> -> memref<10240x128xf32, #tpu.memory_space<vmem_shared>>
      tpu.enqueue_indirect_dma source(%arg10 : memref<128x128xf32, #tpu.memory_space<vmem>>) target(%dma_start3A_46 : memref<10240x128xf32, #tpu.memory_space<vmem_shared>>) offsets(%dma_start3A_43 : memref<128xi32, #tpu.memory_space<vmem>>) semaphore(%arg14 : memref<!tpu.dma_semaphore, #tpu.memory_space<semaphore_mem>>) {add = true}
      %dma_start3A_47 = arith.constant 1 : i32
      %dma_start3A_48 = arith.constant 0 : i32
      %dma_start3A_49 = tpu.memref_slice %arg8[%dma_start3A_47, %dma_start3A_48] : memref<32x128xi32, #tpu.memory_space<vmem>> -> memref<1x128xi32, #tpu.memory_space<vmem>>
      %dma_start3A_50 = tpu.memref_squeeze %dma_start3A_49 : memref<1x128xi32, #tpu.memory_space<vmem>> -> memref<128xi32, #tpu.memory_space<vmem>>
      %dma_start3A_51 = arith.constant 0 : i32
      %dma_start3A_52 = arith.constant 0 : i32
      %dma_start3A_53 = tpu.memref_slice %arg2[%dma_start3A_51, %dma_start3A_52] : memref<10000x128xf32, #tpu.memory_space<hbm>> -> memref<10000x128xf32, #tpu.memory_space<hbm>>
      tpu.enqueue_indirect_dma source(%dma_start3A_53 : memref<10000x128xf32, #tpu.memory_space<hbm>>) target(%arg11 : memref<128x128xf32, #tpu.memory_space<vmem>>) offsets(%dma_start3A_50 : memref<128xi32, #tpu.memory_space<vmem>>) semaphore(%arg13 : memref<!tpu.dma_semaphore, #tpu.memory_space<semaphore_mem>>)
      %scan3A = arith.constant 0 : i32
      %scan3A_54 = arith.constant 0 : i32
      %scan3A_55 = arith.constant 15 : i32
      %scan3A_56 = arith.addi %scan3A_54, %scan3A_55 : i32
      %scan3A_57 = arith.constant 1 : i32
      scf.for %scan3A_87 = %scan3A_54 to %scan3A_56 step %scan3A_57  : i32 {
        %mul3A_88 = arith.constant 2 : i32
        %mul3A_89 = arith.muli %mul3A_88, %scan3A_87 : i32
        %add3A_90 = arith.constant 1 : i32
        %add3A_91 = arith.addi %mul3A_89, %add3A_90 : i32
        %dma_wait3A_92 = arith.constant 0 : i32
        %dma_wait3A_93 = tpu.memref_slice %arg8[%add3A_91, %dma_wait3A_92] : memref<32x128xi32, #tpu.memory_space<vmem>> -> memref<1x128xi32, #tpu.memory_space<vmem>>
        %dma_wait3A_94 = tpu.memref_squeeze %dma_wait3A_93 : memref<1x128xi32, #tpu.memory_space<vmem>> -> memref<128xi32, #tpu.memory_space<vmem>>
        %dma_wait3A_95 = arith.constant 0 : i32
        %dma_wait3A_96 = arith.constant 0 : i32
        %dma_wait3A_97 = tpu.memref_slice %arg2[%dma_wait3A_95, %dma_wait3A_96] : memref<10000x128xf32, #tpu.memory_space<hbm>> -> memref<10000x128xf32, #tpu.memory_space<hbm>>
        tpu.wait_indirect_dma semaphore(%arg13 : memref<!tpu.dma_semaphore, #tpu.memory_space<semaphore_mem>>) src(%dma_wait3A_97 : memref<10000x128xf32, #tpu.memory_space<hbm>>) dst(%arg11 : memref<128x128xf32, #tpu.memory_space<vmem>>)
        %dma_start3A_98 = arith.constant 0 : i32
        %dma_start3A_99 = tpu.memref_slice %arg9[%add3A_91, %dma_start3A_98] : memref<32x128xi32, #tpu.memory_space<vmem>> -> memref<1x128xi32, #tpu.memory_space<vmem>>
        %dma_start3A_100 = tpu.memref_squeeze %dma_start3A_99 : memref<1x128xi32, #tpu.memory_space<vmem>> -> memref<128xi32, #tpu.memory_space<vmem>>
        %dma_start3A_101 = arith.constant 0 : i32
        %dma_start3A_102 = arith.constant 0 : i32
        %dma_start3A_103 = tpu.memref_slice %arg7[%dma_start3A_101, %dma_start3A_102] : memref<10240x128xf32, #tpu.memory_space<vmem_shared>> -> memref<10240x128xf32, #tpu.memory_space<vmem_shared>>
        tpu.enqueue_indirect_dma source(%arg11 : memref<128x128xf32, #tpu.memory_space<vmem>>) target(%dma_start3A_103 : memref<10240x128xf32, #tpu.memory_space<vmem_shared>>) offsets(%dma_start3A_100 : memref<128xi32, #tpu.memory_space<vmem>>) semaphore(%arg15 : memref<!tpu.dma_semaphore, #tpu.memory_space<semaphore_mem>>) {add = true}
        %dma_wait3A_104 = arith.constant 0 : i32
        %dma_wait3A_105 = tpu.memref_slice %arg9[%add3A_91, %dma_wait3A_104] : memref<32x128xi32, #tpu.memory_space<vmem>> -> memref<1x128xi32, #tpu.memory_space<vmem>>
        %dma_wait3A_106 = tpu.memref_squeeze %dma_wait3A_105 : memref<1x128xi32, #tpu.memory_space<vmem>> -> memref<128xi32, #tpu.memory_space<vmem>>
        %dma_wait3A_107 = arith.constant 0 : i32
        %dma_wait3A_108 = arith.constant 0 : i32
        %dma_wait3A_109 = tpu.memref_slice %arg7[%dma_wait3A_107, %dma_wait3A_108] : memref<10240x128xf32, #tpu.memory_space<vmem_shared>> -> memref<10240x128xf32, #tpu.memory_space<vmem_shared>>
        tpu.wait_indirect_dma semaphore(%arg14 : memref<!tpu.dma_semaphore, #tpu.memory_space<semaphore_mem>>) src(%arg10 : memref<128x128xf32, #tpu.memory_space<vmem>>) dst(%dma_wait3A_109 : memref<10240x128xf32, #tpu.memory_space<vmem_shared>>)
        %add3A_110 = arith.constant 1 : i32
        %add3A_111 = arith.addi %add3A_91, %add3A_110 : i32
        %dma_start3A_112 = arith.constant 0 : i32
        %dma_start3A_113 = tpu.memref_slice %arg8[%add3A_111, %dma_start3A_112] : memref<32x128xi32, #tpu.memory_space<vmem>> -> memref<1x128xi32, #tpu.memory_space<vmem>>
        %dma_start3A_114 = tpu.memref_squeeze %dma_start3A_113 : memref<1x128xi32, #tpu.memory_space<vmem>> -> memref<128xi32, #tpu.memory_space<vmem>>
        %dma_start3A_115 = arith.constant 0 : i32
        %dma_start3A_116 = arith.constant 0 : i32
        %dma_start3A_117 = tpu.memref_slice %arg2[%dma_start3A_115, %dma_start3A_116] : memref<10000x128xf32, #tpu.memory_space<hbm>> -> memref<10000x128xf32, #tpu.memory_space<hbm>>
        tpu.enqueue_indirect_dma source(%dma_start3A_117 : memref<10000x128xf32, #tpu.memory_space<hbm>>) target(%arg10 : memref<128x128xf32, #tpu.memory_space<vmem>>) offsets(%dma_start3A_114 : memref<128xi32, #tpu.memory_space<vmem>>) semaphore(%arg12 : memref<!tpu.dma_semaphore, #tpu.memory_space<semaphore_mem>>)
        %add3A_118 = arith.constant 1 : i32
        %add3A_119 = arith.addi %add3A_91, %add3A_118 : i32
        %dma_wait3A_120 = arith.constant 0 : i32
        %dma_wait3A_121 = tpu.memref_slice %arg8[%add3A_119, %dma_wait3A_120] : memref<32x128xi32, #tpu.memory_space<vmem>> -> memref<1x128xi32, #tpu.memory_space<vmem>>
        %dma_wait3A_122 = tpu.memref_squeeze %dma_wait3A_121 : memref<1x128xi32, #tpu.memory_space<vmem>> -> memref<128xi32, #tpu.memory_space<vmem>>
        %dma_wait3A_123 = arith.constant 0 : i32
        %dma_wait3A_124 = arith.constant 0 : i32
        %dma_wait3A_125 = tpu.memref_slice %arg2[%dma_wait3A_123, %dma_wait3A_124] : memref<10000x128xf32, #tpu.memory_space<hbm>> -> memref<10000x128xf32, #tpu.memory_space<hbm>>
        tpu.wait_indirect_dma semaphore(%arg12 : memref<!tpu.dma_semaphore, #tpu.memory_space<semaphore_mem>>) src(%dma_wait3A_125 : memref<10000x128xf32, #tpu.memory_space<hbm>>) dst(%arg10 : memref<128x128xf32, #tpu.memory_space<vmem>>)
        %dma_start3A_126 = arith.constant 0 : i32
        %dma_start3A_127 = tpu.memref_slice %arg9[%add3A_119, %dma_start3A_126] : memref<32x128xi32, #tpu.memory_space<vmem>> -> memref<1x128xi32, #tpu.memory_space<vmem>>
        %dma_start3A_128 = tpu.memref_squeeze %dma_start3A_127 : memref<1x128xi32, #tpu.memory_space<vmem>> -> memref<128xi32, #tpu.memory_space<vmem>>
        %dma_start3A_129 = arith.constant 0 : i32
        %dma_start3A_130 = arith.constant 0 : i32
        %dma_start3A_131 = tpu.memref_slice %arg7[%dma_start3A_129, %dma_start3A_130] : memref<10240x128xf32, #tpu.memory_space<vmem_shared>> -> memref<10240x128xf32, #tpu.memory_space<vmem_shared>>
        tpu.enqueue_indirect_dma source(%arg10 : memref<128x128xf32, #tpu.memory_space<vmem>>) target(%dma_start3A_131 : memref<10240x128xf32, #tpu.memory_space<vmem_shared>>) offsets(%dma_start3A_128 : memref<128xi32, #tpu.memory_space<vmem>>) semaphore(%arg14 : memref<!tpu.dma_semaphore, #tpu.memory_space<semaphore_mem>>) {add = true}
        %dma_wait3A_132 = arith.constant 0 : i32
        %dma_wait3A_133 = tpu.memref_slice %arg9[%add3A_119, %dma_wait3A_132] : memref<32x128xi32, #tpu.memory_space<vmem>> -> memref<1x128xi32, #tpu.memory_space<vmem>>
        %dma_wait3A_134 = tpu.memref_squeeze %dma_wait3A_133 : memref<1x128xi32, #tpu.memory_space<vmem>> -> memref<128xi32, #tpu.memory_space<vmem>>
        %dma_wait3A_135 = arith.constant 0 : i32
        %dma_wait3A_136 = arith.constant 0 : i32
        %dma_wait3A_137 = tpu.memref_slice %arg7[%dma_wait3A_135, %dma_wait3A_136] : memref<10240x128xf32, #tpu.memory_space<vmem_shared>> -> memref<10240x128xf32, #tpu.memory_space<vmem_shared>>
        tpu.wait_indirect_dma semaphore(%arg15 : memref<!tpu.dma_semaphore, #tpu.memory_space<semaphore_mem>>) src(%arg11 : memref<128x128xf32, #tpu.memory_space<vmem>>) dst(%dma_wait3A_137 : memref<10240x128xf32, #tpu.memory_space<vmem_shared>>)
        %add3A_138 = arith.constant 1 : i32
        %add3A_139 = arith.addi %add3A_119, %add3A_138 : i32
        %dma_start3A_140 = arith.constant 0 : i32
        %dma_start3A_141 = tpu.memref_slice %arg8[%add3A_139, %dma_start3A_140] : memref<32x128xi32, #tpu.memory_space<vmem>> -> memref<1x128xi32, #tpu.memory_space<vmem>>
        %dma_start3A_142 = tpu.memref_squeeze %dma_start3A_141 : memref<1x128xi32, #tpu.memory_space<vmem>> -> memref<128xi32, #tpu.memory_space<vmem>>
        %dma_start3A_143 = arith.constant 0 : i32
        %dma_start3A_144 = arith.constant 0 : i32
        %dma_start3A_145 = tpu.memref_slice %arg2[%dma_start3A_143, %dma_start3A_144] : memref<10000x128xf32, #tpu.memory_space<hbm>> -> memref<10000x128xf32, #tpu.memory_space<hbm>>
        tpu.enqueue_indirect_dma source(%dma_start3A_145 : memref<10000x128xf32, #tpu.memory_space<hbm>>) target(%arg11 : memref<128x128xf32, #tpu.memory_space<vmem>>) offsets(%dma_start3A_142 : memref<128xi32, #tpu.memory_space<vmem>>) semaphore(%arg13 : memref<!tpu.dma_semaphore, #tpu.memory_space<semaphore_mem>>)
      }
      %scan3A_58 = arith.constant 15 : i32
      %dma_wait3A_59 = arith.constant 31 : i32
      %dma_wait3A_60 = arith.constant 0 : i32
      %dma_wait3A_61 = tpu.memref_slice %arg8[%dma_wait3A_59, %dma_wait3A_60] : memref<32x128xi32, #tpu.memory_space<vmem>> -> memref<1x128xi32, #tpu.memory_space<vmem>>
      %dma_wait3A_62 = tpu.memref_squeeze %dma_wait3A_61 : memref<1x128xi32, #tpu.memory_space<vmem>> -> memref<128xi32, #tpu.memory_space<vmem>>
      %dma_wait3A_63 = arith.constant 0 : i32
      %dma_wait3A_64 = arith.constant 0 : i32
      %dma_wait3A_65 = tpu.memref_slice %arg2[%dma_wait3A_63, %dma_wait3A_64] : memref<10000x128xf32, #tpu.memory_space<hbm>> -> memref<10000x128xf32, #tpu.memory_space<hbm>>
      tpu.wait_indirect_dma semaphore(%arg13 : memref<!tpu.dma_semaphore, #tpu.memory_space<semaphore_mem>>) src(%dma_wait3A_65 : memref<10000x128xf32, #tpu.memory_space<hbm>>) dst(%arg11 : memref<128x128xf32, #tpu.memory_space<vmem>>)
      %dma_start3A_66 = arith.constant 31 : i32
      %dma_start3A_67 = arith.constant 0 : i32
      %dma_start3A_68 = tpu.memref_slice %arg9[%dma_start3A_66, %dma_start3A_67] : memref<32x128xi32, #tpu.memory_space<vmem>> -> memref<1x128xi32, #tpu.memory_space<vmem>>
      %dma_start3A_69 = tpu.memref_squeeze %dma_start3A_68 : memref<1x128xi32, #tpu.memory_space<vmem>> -> memref<128xi32, #tpu.memory_space<vmem>>
      %dma_start3A_70 = arith.constant 0 : i32
      %dma_start3A_71 = arith.constant 0 : i32
      %dma_start3A_72 = tpu.memref_slice %arg7[%dma_start3A_70, %dma_start3A_71] : memref<10240x128xf32, #tpu.memory_space<vmem_shared>> -> memref<10240x128xf32, #tpu.memory_space<vmem_shared>>
      tpu.enqueue_indirect_dma source(%arg11 : memref<128x128xf32, #tpu.memory_space<vmem>>) target(%dma_start3A_72 : memref<10240x128xf32, #tpu.memory_space<vmem_shared>>) offsets(%dma_start3A_69 : memref<128xi32, #tpu.memory_space<vmem>>) semaphore(%arg15 : memref<!tpu.dma_semaphore, #tpu.memory_space<semaphore_mem>>) {add = true}
      %dma_wait3A_73 = arith.constant 31 : i32
      %dma_wait3A_74 = arith.constant 0 : i32
      %dma_wait3A_75 = tpu.memref_slice %arg9[%dma_wait3A_73, %dma_wait3A_74] : memref<32x128xi32, #tpu.memory_space<vmem>> -> memref<1x128xi32, #tpu.memory_space<vmem>>
      %dma_wait3A_76 = tpu.memref_squeeze %dma_wait3A_75 : memref<1x128xi32, #tpu.memory_space<vmem>> -> memref<128xi32, #tpu.memory_space<vmem>>
      %dma_wait3A_77 = arith.constant 0 : i32
      %dma_wait3A_78 = arith.constant 0 : i32
      %dma_wait3A_79 = tpu.memref_slice %arg7[%dma_wait3A_77, %dma_wait3A_78] : memref<10240x128xf32, #tpu.memory_space<vmem_shared>> -> memref<10240x128xf32, #tpu.memory_space<vmem_shared>>
      tpu.wait_indirect_dma semaphore(%arg14 : memref<!tpu.dma_semaphore, #tpu.memory_space<semaphore_mem>>) src(%arg10 : memref<128x128xf32, #tpu.memory_space<vmem>>) dst(%dma_wait3A_79 : memref<10240x128xf32, #tpu.memory_space<vmem_shared>>)
      %dma_wait3A_80 = arith.constant 31 : i32
      %dma_wait3A_81 = arith.constant 0 : i32
      %dma_wait3A_82 = tpu.memref_slice %arg9[%dma_wait3A_80, %dma_wait3A_81] : memref<32x128xi32, #tpu.memory_space<vmem>> -> memref<1x128xi32, #tpu.memory_space<vmem>>
      %dma_wait3A_83 = tpu.memref_squeeze %dma_wait3A_82 : memref<1x128xi32, #tpu.memory_space<vmem>> -> memref<128xi32, #tpu.memory_space<vmem>>
      %dma_wait3A_84 = arith.constant 0 : i32
      %dma_wait3A_85 = arith.constant 0 : i32
      %dma_wait3A_86 = tpu.memref_slice %arg7[%dma_wait3A_84, %dma_wait3A_85] : memref<10240x128xf32, #tpu.memory_space<vmem_shared>> -> memref<10240x128xf32, #tpu.memory_space<vmem_shared>>
      tpu.wait_indirect_dma semaphore(%arg15 : memref<!tpu.dma_semaphore, #tpu.memory_space<semaphore_mem>>) src(%arg11 : memref<128x128xf32, #tpu.memory_space<vmem>>) dst(%dma_wait3A_86 : memref<10240x128xf32, #tpu.memory_space<vmem_shared>>)
    }
    %barrier3A_23 = arith.constant 0 : index
    tpu.barrier barrier_id(%barrier3A_23)
    "tpu.region"() ({
      %run_scoped3A = tpu.sem_alloc : memref<!tpu.dma_semaphore, #tpu.memory_space<semaphore_mem>>
      %dma_start3A = arith.constant 0 : i32
      %dma_start3A_24 = tpu.memref_slice %arg6[%arg0, %mul3A_2, %dma_start3A] : memref<2x10240x128xf32, #tpu.memory_space<hbm>> -> memref<1x640x128xf32, #tpu.memory_space<hbm>>
      %dma_start3A_25 = tpu.memref_squeeze %dma_start3A_24 : memref<1x640x128xf32, #tpu.memory_space<hbm>> -> memref<640x128xf32, #tpu.memory_space<hbm>>
      %dma_start3A_26 = arith.constant 0 : i32
      %dma_start3A_27 = tpu.memref_slice %arg7[%mul3A_2, %dma_start3A_26] : memref<10240x128xf32, #tpu.memory_space<vmem_shared>> -> memref<640x128xf32, #tpu.memory_space<vmem_shared>>
      tpu.enqueue_dma source(%dma_start3A_27 : memref<640x128xf32, #tpu.memory_space<vmem_shared>>) target(%dma_start3A_25 : memref<640x128xf32, #tpu.memory_space<hbm>>) target_semaphore(%run_scoped3A : memref<!tpu.dma_semaphore, #tpu.memory_space<semaphore_mem>>)
      %dma_wait3A = arith.constant 0 : i32
      %dma_wait3A_28 = tpu.memref_slice %arg6[%arg0, %mul3A_2, %dma_wait3A] : memref<2x10240x128xf32, #tpu.memory_space<hbm>> -> memref<1x640x128xf32, #tpu.memory_space<hbm>>
      %dma_wait3A_29 = tpu.memref_squeeze %dma_wait3A_28 : memref<1x640x128xf32, #tpu.memory_space<hbm>> -> memref<640x128xf32, #tpu.memory_space<hbm>>
      %dma_wait3A_30 = arith.constant 0 : i32
      %dma_wait3A_31 = tpu.memref_slice %arg7[%mul3A_2, %dma_wait3A_30] : memref<10240x128xf32, #tpu.memory_space<vmem_shared>> -> memref<640x128xf32, #tpu.memory_space<vmem_shared>>
      tpu.wait_dma2 semaphore(%run_scoped3A : memref<!tpu.dma_semaphore, #tpu.memory_space<semaphore_mem>>) src(%dma_wait3A_31 : memref<640x128xf32, #tpu.memory_space<vmem_shared>>) dst(%dma_wait3A_29 : memref<640x128xf32, #tpu.memory_space<hbm>>)
      tpu.yield
    }) : () -> ()
    return
  }
}

module attributes {stable_mosaic.version = 14 : i64} {
  func.func @body(%arg0: i32, %arg1: memref<1000x65xf32, #tpu.memory_space<vmem>>, %arg2: memref<1000x1xf32, #tpu.memory_space<vmem>>, %arg3: memref<640x64xf32, #tpu.memory_space<vmem>>, %arg4: memref<1000x128xf32, #tpu.memory_space<vmem>>, %arg5: memref<16x128xf32, #tpu.memory_space<vmem>>, %arg6: memref<16x128xf32, #tpu.memory_space<vmem>>) attributes {dimension_semantics = [#tpu.dimension_semantics<arbitrary>], iteration_bounds = array<i64: 10>, scalar_prefetch = 0 : i64, scratch_operands = 0 : i64, tpu.core_type = #tpu.core_type<tc>, window_params = [{transform_indices = @transform_0, window_bounds = array<i64: 1000, 65>}, {transform_indices = @transform_1, window_bounds = array<i64: 1000, 1>}, {pipeline_mode = #tpu.pipeline_mode<synchronous>, transform_indices = @transform_2, window_bounds = array<i64: 640, 64>}, {transform_indices = @transform_3, window_bounds = array<i64: 1000, 128>}, {pipeline_mode = #tpu.pipeline_mode<synchronous>, transform_indices = @transform_4, window_bounds = array<i64: 16, 128>}, {pipeline_mode = #tpu.pipeline_mode<synchronous>, transform_indices = @transform_5, window_bounds = array<i64: 16, 128>}]} {
    %get3A = arith.constant 0 : index
    %get3A_0 = arith.constant 0 : index
    %get3A_1 = vector.load %arg1[%get3A, %get3A_0] : memref<1000x65xf32, #tpu.memory_space<vmem>>, vector<1000x65xf32>
    %slice3A = vector.extract_strided_slice %get3A_1 {offsets = [0, 0], sizes = [1000, 1], strides = [1, 1]} : vector<1000x65xf32> to vector<1000x1xf32>
    %convert_element_type3A = arith.fptosi %slice3A : vector<1000x1xf32> to vector<1000x1xi32>
    %iota3A = tpu.iota {dimensions = array<i32: 1>} : vector<1000x640xi32>
    %eq3A = vector.broadcast %convert_element_type3A : vector<1000x1xi32> to vector<1000x640xi32>
    %eq3A_2 = arith.cmpi eq, %eq3A, %iota3A : vector<1000x640xi32>
    %jit3A = arith.constant 1.000000e+00 : f32
    %jit3A_3 = arith.constant 0.000000e+00 : f32
    %broadcast_in_dim3A = vector.broadcast %jit3A : f32 to vector<1000x640xf32>
    %broadcast_in_dim3A_4 = vector.broadcast %jit3A_3 : f32 to vector<1000x640xf32>
    %select_n3A = arith.select %eq3A_2, %broadcast_in_dim3A, %broadcast_in_dim3A_4 : vector<1000x640xi1>, vector<1000x640xf32>
    %get3A_5 = arith.constant 0 : index
    %get3A_6 = arith.constant 0 : index
    %get3A_7 = vector.load %arg3[%get3A_5, %get3A_6] : memref<640x64xf32, #tpu.memory_space<vmem>>, vector<640x64xf32>
    %dot_general3A = arith.constant dense<0.000000e+00> : vector<1000x64xf32>
    %dot_general3A_8 = tpu.matmul %select_n3A, %get3A_7, %dot_general3A {dimension_numbers = #tpu.dot_dimension_numbers<[1], [0], [0], [1], [0, 0, 1, 1], [], []>, transpose_lhs_hint = false} : vector<1000x640xf32>, vector<640x64xf32>, vector<1000x64xf32> -> vector<1000x64xf32>
    %slice3A_9 = vector.extract_strided_slice %get3A_1 {offsets = [0, 1], sizes = [1000, 64], strides = [1, 1]} : vector<1000x65xf32> to vector<1000x64xf32>
    %concatenate3A = tpu.concatenate %dot_general3A_8, %slice3A_9 in 1 : vector<1000x64xf32>, vector<1000x64xf32> -> vector<1000x128xf32>
    %swap3A = arith.constant 0 : index
    %swap3A_10 = arith.constant 0 : index
    %swap3A_11 = vector.load %arg4[%swap3A, %swap3A_10] : memref<1000x128xf32, #tpu.memory_space<vmem>>, vector<1000x128xf32>
    tpu.vector_store %arg4[%swap3A, %swap3A_10], %concatenate3A {strides = array<i32>} : memref<1000x128xf32, #tpu.memory_space<vmem>>, vector<1000x128xf32>,
    %get3A_12 = arith.constant 0 : index
    %get3A_13 = arith.constant 0 : index
    %get3A_14 = vector.load %arg2[%get3A_12, %get3A_13] : memref<1000x1xf32, #tpu.memory_space<vmem>>, vector<1000x1xf32>
    %iota3A_15 = tpu.iota {dimensions = array<i32: 1>} : vector<1000x16xi32>
    %convert_element_type3A_16 = arith.fptosi %get3A_14 : vector<1000x1xf32> to vector<1000x1xi32>
    %eq3A_17 = vector.broadcast %convert_element_type3A_16 : vector<1000x1xi32> to vector<1000x16xi32>
    %eq3A_18 = arith.cmpi eq, %eq3A_17, %iota3A_15 : vector<1000x16xi32>
    %jit3A_19 = arith.constant 1.000000e+00 : f32
    %jit3A_20 = arith.constant 0.000000e+00 : f32
    %broadcast_in_dim3A_21 = vector.broadcast %jit3A_19 : f32 to vector<1000x16xf32>
    %broadcast_in_dim3A_22 = vector.broadcast %jit3A_20 : f32 to vector<1000x16xf32>
    %select_n3A_23 = arith.select %eq3A_18, %broadcast_in_dim3A_21, %broadcast_in_dim3A_22 : vector<1000x16xi1>, vector<1000x16xf32>
    %dot_general3A_24 = arith.constant dense<0.000000e+00> : vector<16x128xf32>
    %dot_general3A_25 = tpu.matmul %select_n3A_23, %concatenate3A, %dot_general3A_24 {dimension_numbers = #tpu.dot_dimension_numbers<[0], [0], [1], [1], [0, 1, 1, 1], [], []>, transpose_lhs_hint = false} : vector<1000x16xf32>, vector<1000x128xf32>, vector<16x128xf32> -> vector<16x128xf32>
    %broadcast_in_dim3A_26 = arith.constant 1.000000e+00 : f32
    %broadcast_in_dim3A_27 = vector.broadcast %broadcast_in_dim3A_26 : f32 to vector<1000x128xf32>
    %dot_general3A_28 = arith.constant dense<0.000000e+00> : vector<16x128xf32>
    %dot_general3A_29 = tpu.matmul %select_n3A_23, %broadcast_in_dim3A_27, %dot_general3A_28 {dimension_numbers = #tpu.dot_dimension_numbers<[0], [0], [1], [1], [0, 1, 1, 1], [], []>, transpose_lhs_hint = false} : vector<1000x16xf32>, vector<1000x128xf32>, vector<16x128xf32> -> vector<16x128xf32>
    %eq3A_30 = arith.constant 0 : i32
    %eq3A_31 = arith.cmpi eq, %arg0, %eq3A_30 : i32
    %convert_element_type3A_32 = arith.extui %eq3A_31 : i1 to i32
    %cond3A = arith.constant 0 : i32
    %cond3A_33 = arith.cmpi ne, %convert_element_type3A_32, %cond3A : i32
    scf.if %cond3A_33 {
      %swap3A_48 = arith.constant 0 : index
      %swap3A_49 = arith.constant 0 : index
      %swap3A_50 = vector.load %arg5[%swap3A_48, %swap3A_49] : memref<16x128xf32, #tpu.memory_space<vmem>>, vector<16x128xf32>
      tpu.vector_store %arg5[%swap3A_48, %swap3A_49], %dot_general3A_25 {strides = array<i32>} : memref<16x128xf32, #tpu.memory_space<vmem>>, vector<16x128xf32>,
    } else {
    }
    %not3A = arith.constant true
    %not3A_34 = arith.xori %eq3A_31, %not3A : i1
    %convert_element_type3A_35 = arith.extui %not3A_34 : i1 to i32
    %cond3A_36 = arith.constant 0 : i32
    %cond3A_37 = arith.cmpi ne, %convert_element_type3A_35, %cond3A_36 : i32
    scf.if %cond3A_37 {
      %get3A_48 = arith.constant 0 : index
      %get3A_49 = arith.constant 0 : index
      %get3A_50 = vector.load %arg5[%get3A_48, %get3A_49] : memref<16x128xf32, #tpu.memory_space<vmem>>, vector<16x128xf32>
      %add3A = arith.addf %get3A_50, %dot_general3A_25 : vector<16x128xf32>
      %swap3A_51 = arith.constant 0 : index
      %swap3A_52 = arith.constant 0 : index
      %swap3A_53 = vector.load %arg5[%swap3A_51, %swap3A_52] : memref<16x128xf32, #tpu.memory_space<vmem>>, vector<16x128xf32>
      tpu.vector_store %arg5[%swap3A_51, %swap3A_52], %add3A {strides = array<i32>} : memref<16x128xf32, #tpu.memory_space<vmem>>, vector<16x128xf32>,
    } else {
    }
    %eq3A_38 = arith.constant 0 : i32
    %eq3A_39 = arith.cmpi eq, %arg0, %eq3A_38 : i32
    %convert_element_type3A_40 = arith.extui %eq3A_39 : i1 to i32
    %cond3A_41 = arith.constant 0 : i32
    %cond3A_42 = arith.cmpi ne, %convert_element_type3A_40, %cond3A_41 : i32
    scf.if %cond3A_42 {
      %swap3A_48 = arith.constant 0 : index
      %swap3A_49 = arith.constant 0 : index
      %swap3A_50 = vector.load %arg6[%swap3A_48, %swap3A_49] : memref<16x128xf32, #tpu.memory_space<vmem>>, vector<16x128xf32>
      tpu.vector_store %arg6[%swap3A_48, %swap3A_49], %dot_general3A_29 {strides = array<i32>} : memref<16x128xf32, #tpu.memory_space<vmem>>, vector<16x128xf32>,
    } else {
    }
    %not3A_43 = arith.constant true
    %not3A_44 = arith.xori %eq3A_39, %not3A_43 : i1
    %convert_element_type3A_45 = arith.extui %not3A_44 : i1 to i32
    %cond3A_46 = arith.constant 0 : i32
    %cond3A_47 = arith.cmpi ne, %convert_element_type3A_45, %cond3A_46 : i32
    scf.if %cond3A_47 {
      %get3A_48 = arith.constant 0 : index
      %get3A_49 = arith.constant 0 : index
      %get3A_50 = vector.load %arg6[%get3A_48, %get3A_49] : memref<16x128xf32, #tpu.memory_space<vmem>>, vector<16x128xf32>
      %add3A = arith.addf %get3A_50, %dot_general3A_29 : vector<16x128xf32>
      %swap3A_51 = arith.constant 0 : index
      %swap3A_52 = arith.constant 0 : index
      %swap3A_53 = vector.load %arg6[%swap3A_51, %swap3A_52] : memref<16x128xf32, #tpu.memory_space<vmem>>, vector<16x128xf32>
      tpu.vector_store %arg6[%swap3A_51, %swap3A_52], %add3A {strides = array<i32>} : memref<16x128xf32, #tpu.memory_space<vmem>>, vector<16x128xf32>,
    } else {
    }
    return
  }
  func.func @transform_0(%arg0: i32) -> (i32, i32) {
    %c0_i32 = arith.constant 0 : i32
    %c0_i32_0 = arith.constant 0 : i32
    return %arg0, %c0_i32 : i32, i32
  }
  func.func @transform_1(%arg0: i32) -> (i32, i32) {
    %c0_i32 = arith.constant 0 : i32
    %c0_i32_0 = arith.constant 0 : i32
    return %arg0, %c0_i32 : i32, i32
  }
  func.func @transform_2(%arg0: i32) -> (i32, i32) {
    %c0_i32 = arith.constant 0 : i32
    %c0_i32_0 = arith.constant 0 : i32
    %c0_i32_1 = arith.constant 0 : i32
    return %c0_i32, %c0_i32_0 : i32, i32
  }
  func.func @transform_3(%arg0: i32) -> (i32, i32) {
    %c0_i32 = arith.constant 0 : i32
    %c0_i32_0 = arith.constant 0 : i32
    return %arg0, %c0_i32 : i32, i32
  }
  func.func @transform_4(%arg0: i32) -> (i32, i32) {
    %c0_i32 = arith.constant 0 : i32
    %c0_i32_0 = arith.constant 0 : i32
    %c0_i32_1 = arith.constant 0 : i32
    return %c0_i32, %c0_i32_0 : i32, i32
  }
  func.func @transform_5(%arg0: i32) -> (i32, i32) {
    %c0_i32 = arith.constant 0 : i32
    %c0_i32_0 = arith.constant 0 : i32
    %c0_i32_1 = arith.constant 0 : i32
    return %c0_i32, %c0_i32_0 : i32, i32
  }
}

module attributes {stable_mosaic.version = 14 : i64} {
  func.func @body(%arg0: i32, %arg1: memref<1000x128xf32, #tpu.memory_space<vmem>>, %arg2: memref<2x1000x128xf32, #tpu.memory_space<vmem>>, %arg3: memref<2x1000x128xf32, #tpu.memory_space<vmem>>, %arg4: memref<1000x1xf32, #tpu.memory_space<vmem>>, %arg5: memref<16x128xf32, #tpu.memory_space<vmem>>, %arg6: memref<16x128xf32, #tpu.memory_space<vmem>>, %arg7: memref<128x128xf32, #tpu.memory_space<vmem>>, %arg8: memref<1x128xf32, #tpu.memory_space<vmem>>, %arg9: memref<128x128xf32, #tpu.memory_space<vmem>>, %arg10: memref<128x128xf32, #tpu.memory_space<vmem>>, %arg11: memref<128x128xf32, #tpu.memory_space<vmem>>, %arg12: memref<128x128xf32, #tpu.memory_space<vmem>>, %arg13: memref<16x128xf32, #tpu.memory_space<vmem>>, %arg14: memref<128x128xf32, #tpu.memory_space<vmem>>, %arg15: memref<1x128xf32, #tpu.memory_space<vmem>>, %arg16: memref<1000x128xf32, #tpu.memory_space<vmem>>, %arg17: memref<16x128xf32, #tpu.memory_space<vmem>>) attributes {dimension_semantics = [#tpu.dimension_semantics<arbitrary>], iteration_bounds = array<i64: 10>, scalar_prefetch = 0 : i64, scratch_operands = 0 : i64, tpu.core_type = #tpu.core_type<tc>, window_params = [{transform_indices = @transform_0, window_bounds = array<i64: 1000, 128>}, {transform_indices = @transform_1, window_bounds = array<i64: 2, 1000, 128>}, {transform_indices = @transform_2, window_bounds = array<i64: 2, 1000, 128>}, {transform_indices = @transform_3, window_bounds = array<i64: 1000, 1>}, {pipeline_mode = #tpu.pipeline_mode<synchronous>, transform_indices = @transform_4, window_bounds = array<i64: 16, 128>}, {pipeline_mode = #tpu.pipeline_mode<synchronous>, transform_indices = @transform_5, window_bounds = array<i64: 16, 128>}, {pipeline_mode = #tpu.pipeline_mode<synchronous>, transform_indices = @transform_6, window_bounds = array<i64: 128, 128>}, {pipeline_mode = #tpu.pipeline_mode<synchronous>, transform_indices = @transform_7, window_bounds = array<i64: 1, 128>}, {pipeline_mode = #tpu.pipeline_mode<synchronous>, transform_indices = @transform_8, window_bounds = array<i64: 128, 128>}, {pipeline_mode = #tpu.pipeline_mode<synchronous>, transform_indices = @transform_9, window_bounds = array<i64: 128, 128>}, {pipeline_mode = #tpu.pipeline_mode<synchronous>, transform_indices = @transform_10, window_bounds = array<i64: 128, 128>}, {pipeline_mode = #tpu.pipeline_mode<synchronous>, transform_indices = @transform_11, window_bounds = array<i64: 128, 128>}, {pipeline_mode = #tpu.pipeline_mode<synchronous>, transform_indices = @transform_12, window_bounds = array<i64: 16, 128>}, {pipeline_mode = #tpu.pipeline_mode<synchronous>, transform_indices = @transform_13, window_bounds = array<i64: 128, 128>}, {pipeline_mode = #tpu.pipeline_mode<synchronous>, transform_indices = @transform_14, window_bounds = array<i64: 1, 128>}, {transform_indices = @transform_15, window_bounds = array<i64: 1000, 128>}, {pipeline_mode = #tpu.pipeline_mode<synchronous>, transform_indices = @transform_16, window_bounds = array<i64: 16, 128>}]} {
    %get3A = arith.constant 0 : index
    %get3A_0 = arith.constant 0 : index
    %get3A_1 = vector.load %arg6[%get3A, %get3A_0] : memref<16x128xf32, #tpu.memory_space<vmem>>, vector<16x128xf32>
    %max3A = arith.constant 1.000000e+00 : f32
    %max3A_2 = vector.broadcast %max3A : f32 to vector<16x128xf32>
    %max3A_3 = arith.maximumf %get3A_1, %max3A_2 : vector<16x128xf32>
    %get3A_4 = arith.constant 0 : index
    %get3A_5 = arith.constant 0 : index
    %get3A_6 = vector.load %arg5[%get3A_4, %get3A_5] : memref<16x128xf32, #tpu.memory_space<vmem>>, vector<16x128xf32>
    %div3A = arith.divf %get3A_6, %max3A_3 : vector<16x128xf32>
    %get3A_7 = arith.constant 0 : index
    %get3A_8 = arith.constant 0 : index
    %get3A_9 = vector.load %arg1[%get3A_7, %get3A_8] : memref<1000x128xf32, #tpu.memory_space<vmem>>, vector<1000x128xf32>
    %get3A_10 = arith.constant 0 : index
    %get3A_11 = arith.constant 0 : index
    %get3A_12 = arith.constant 0 : index
    %get3A_13 = vector.load %arg2[%get3A_10, %get3A_11, %get3A_12] : memref<2x1000x128xf32, #tpu.memory_space<vmem>>, vector<1x1000x128xf32>
    %get3A_14 = vector.shape_cast %get3A_13 : vector<1x1000x128xf32> to vector<1000x128xf32>
    %get3A_15 = arith.constant 1 : index
    %get3A_16 = arith.constant 0 : index
    %get3A_17 = arith.constant 0 : index
    %get3A_18 = vector.load %arg2[%get3A_15, %get3A_16, %get3A_17] : memref<2x1000x128xf32, #tpu.memory_space<vmem>>, vector<1x1000x128xf32>
    %get3A_19 = vector.shape_cast %get3A_18 : vector<1x1000x128xf32> to vector<1000x128xf32>
    %add3A = arith.addf %get3A_14, %get3A_19 : vector<1000x128xf32>
    %get3A_20 = arith.constant 0 : index
    %get3A_21 = arith.constant 0 : index
    %get3A_22 = arith.constant 0 : index
    %get3A_23 = vector.load %arg3[%get3A_20, %get3A_21, %get3A_22] : memref<2x1000x128xf32, #tpu.memory_space<vmem>>, vector<1x1000x128xf32>
    %get3A_24 = vector.shape_cast %get3A_23 : vector<1x1000x128xf32> to vector<1000x128xf32>
    %get3A_25 = arith.constant 1 : index
    %get3A_26 = arith.constant 0 : index
    %get3A_27 = arith.constant 0 : index
    %get3A_28 = vector.load %arg3[%get3A_25, %get3A_26, %get3A_27] : memref<2x1000x128xf32, #tpu.memory_space<vmem>>, vector<1x1000x128xf32>
    %get3A_29 = vector.shape_cast %get3A_28 : vector<1x1000x128xf32> to vector<1000x128xf32>
    %add3A_30 = arith.addf %get3A_24, %get3A_29 : vector<1000x128xf32>
    %slice3A = vector.extract_strided_slice %add3A_30 {offsets = [0, 16], sizes = [1000, 1], strides = [1, 1]} : vector<1000x128xf32> to vector<1000x1xf32>
    %max3A_31 = arith.constant 1.000000e+00 : f32
    %max3A_32 = vector.broadcast %max3A_31 : f32 to vector<1000x1xf32>
    %max3A_33 = arith.maximumf %slice3A, %max3A_32 : vector<1000x1xf32>
    %div3A_34 = arith.constant 1.000000e+00 : f32
    %div3A_35 = vector.broadcast %div3A_34 : f32 to vector<1000x1xf32>
    %div3A_36 = arith.divf %div3A_35, %max3A_33 : vector<1000x1xf32>
    %gt3A = arith.constant 0.000000e+00 : f32
    %gt3A_37 = vector.broadcast %gt3A : f32 to vector<1000x1xf32>
    %gt3A_38 = arith.cmpf ogt, %slice3A, %gt3A_37 : vector<1000x1xf32>
    %jit3A = arith.constant 1.000000e+00 : f32
    %jit3A_39 = arith.constant 0.000000e+00 : f32
    %broadcast_in_dim3A = vector.broadcast %jit3A : f32 to vector<1000x1xf32>
    %broadcast_in_dim3A_40 = vector.broadcast %jit3A_39 : f32 to vector<1000x1xf32>
    %select_n3A = arith.select %gt3A_38, %broadcast_in_dim3A, %broadcast_in_dim3A_40 : vector<1000x1xi1>, vector<1000x1xf32>
    %mul3A = vector.broadcast %div3A_36 : vector<1000x1xf32> to vector<1000x128xf32>
    %mul3A_41 = arith.mulf %add3A, %mul3A : vector<1000x128xf32>
    %slice3A_42 = vector.extract_strided_slice %add3A_30 {offsets = [0, 0], sizes = [1000, 16], strides = [1, 1]} : vector<1000x128xf32> to vector<1000x16xf32>
    %mul3A_43 = vector.broadcast %div3A_36 : vector<1000x1xf32> to vector<1000x16xf32>
    %mul3A_44 = arith.mulf %slice3A_42, %mul3A_43 : vector<1000x16xf32>
    %get3A_45 = arith.constant 0 : index
    %get3A_46 = arith.constant 0 : index
    %get3A_47 = vector.load %arg4[%get3A_45, %get3A_46] : memref<1000x1xf32, #tpu.memory_space<vmem>>, vector<1000x1xf32>
    %iota3A = tpu.iota {dimensions = array<i32: 1>} : vector<1000x16xi32>
    %convert_element_type3A = arith.fptosi %get3A_47 : vector<1000x1xf32> to vector<1000x1xi32>
    %eq3A = vector.broadcast %convert_element_type3A : vector<1000x1xi32> to vector<1000x16xi32>
    %eq3A_48 = arith.cmpi eq, %eq3A, %iota3A : vector<1000x16xi32>
    %jit3A_49 = arith.constant 1.000000e+00 : f32
    %jit3A_50 = arith.constant 0.000000e+00 : f32
    %broadcast_in_dim3A_51 = vector.broadcast %jit3A_49 : f32 to vector<1000x16xf32>
    %broadcast_in_dim3A_52 = vector.broadcast %jit3A_50 : f32 to vector<1000x16xf32>
    %select_n3A_53 = arith.select %eq3A_48, %broadcast_in_dim3A_51, %broadcast_in_dim3A_52 : vector<1000x16xi1>, vector<1000x16xf32>
    %dot_general3A = arith.constant dense<0.000000e+00> : vector<1000x128xf32>
    %dot_general3A_54 = tpu.matmul %select_n3A_53, %div3A, %dot_general3A {dimension_numbers = #tpu.dot_dimension_numbers<[1], [0], [0], [1], [0, 0, 1, 1], [], []>, transpose_lhs_hint = false} : vector<1000x16xf32>, vector<16x128xf32>, vector<1000x128xf32> -> vector<1000x128xf32>
    %get3A_55 = arith.constant 0 : index
    %get3A_56 = arith.constant 0 : index
    %get3A_57 = vector.load %arg11[%get3A_55, %get3A_56] : memref<128x128xf32, #tpu.memory_space<vmem>>, vector<128x128xf32>
    %dot_general3A_58 = arith.constant dense<0.000000e+00> : vector<1000x128xf32>
    %dot_general3A_59 = tpu.matmul %get3A_9, %get3A_57, %dot_general3A_58 {dimension_numbers = #tpu.dot_dimension_numbers<[1], [0], [0], [1], [0, 0, 1, 1], [], []>, transpose_lhs_hint = false} : vector<1000x128xf32>, vector<128x128xf32>, vector<1000x128xf32> -> vector<1000x128xf32>
    %get3A_60 = arith.constant 0 : index
    %get3A_61 = arith.constant 0 : index
    %get3A_62 = vector.load %arg14[%get3A_60, %get3A_61] : memref<128x128xf32, #tpu.memory_space<vmem>>, vector<128x128xf32>
    %dot_general3A_63 = arith.constant dense<0.000000e+00> : vector<1000x128xf32>
    %dot_general3A_64 = tpu.matmul %dot_general3A_54, %get3A_62, %dot_general3A_63 {dimension_numbers = #tpu.dot_dimension_numbers<[1], [0], [0], [1], [0, 0, 1, 1], [], []>, transpose_lhs_hint = false} : vector<1000x128xf32>, vector<128x128xf32>, vector<1000x128xf32> -> vector<1000x128xf32>
    %add3A_65 = arith.addf %dot_general3A_59, %dot_general3A_64 : vector<1000x128xf32>
    %get3A_66 = arith.constant 0 : index
    %get3A_67 = arith.constant 0 : index
    %get3A_68 = vector.load %arg12[%get3A_66, %get3A_67] : memref<128x128xf32, #tpu.memory_space<vmem>>, vector<128x128xf32>
    %dot_general3A_69 = arith.constant dense<0.000000e+00> : vector<1000x128xf32>
    %dot_general3A_70 = tpu.matmul %mul3A_41, %get3A_68, %dot_general3A_69 {dimension_numbers = #tpu.dot_dimension_numbers<[1], [0], [0], [1], [0, 0, 1, 1], [], []>, transpose_lhs_hint = false} : vector<1000x128xf32>, vector<128x128xf32>, vector<1000x128xf32> -> vector<1000x128xf32>
    %add3A_71 = arith.addf %add3A_65, %dot_general3A_70 : vector<1000x128xf32>
    %get3A_72 = arith.constant 0 : index
    %get3A_73 = arith.constant 0 : index
    %get3A_74 = vector.load %arg13[%get3A_72, %get3A_73] : memref<16x128xf32, #tpu.memory_space<vmem>>, vector<16x128xf32>
    %dot_general3A_75 = arith.constant dense<0.000000e+00> : vector<1000x128xf32>
    %dot_general3A_76 = tpu.matmul %mul3A_44, %get3A_74, %dot_general3A_75 {dimension_numbers = #tpu.dot_dimension_numbers<[1], [0], [0], [1], [0, 0, 1, 1], [], []>, transpose_lhs_hint = false} : vector<1000x16xf32>, vector<16x128xf32>, vector<1000x128xf32> -> vector<1000x128xf32>
    %add3A_77 = arith.addf %add3A_71, %dot_general3A_76 : vector<1000x128xf32>
    %get3A_78 = arith.constant 0 : index
    %get3A_79 = arith.constant 0 : index
    %get3A_80 = vector.load %arg15[%get3A_78, %get3A_79] : memref<1x128xf32, #tpu.memory_space<vmem>>, vector<1x128xf32>
    %add3A_81 = vector.broadcast %get3A_80 : vector<1x128xf32> to vector<1000x128xf32>
    %add3A_82 = arith.addf %add3A_77, %add3A_81 : vector<1000x128xf32>
    %mul3A_83 = vector.broadcast %select_n3A : vector<1000x1xf32> to vector<1000x128xf32>
    %mul3A_84 = arith.mulf %add3A_82, %mul3A_83 : vector<1000x128xf32>
    %get3A_85 = arith.constant 0 : index
    %get3A_86 = arith.constant 0 : index
    %get3A_87 = vector.load %arg7[%get3A_85, %get3A_86] : memref<128x128xf32, #tpu.memory_space<vmem>>, vector<128x128xf32>
    %dot_general3A_88 = arith.constant dense<0.000000e+00> : vector<1000x128xf32>
    %dot_general3A_89 = tpu.matmul %get3A_9, %get3A_87, %dot_general3A_88 {dimension_numbers = #tpu.dot_dimension_numbers<[1], [0], [0], [1], [0, 0, 1, 1], [], []>, transpose_lhs_hint = false} : vector<1000x128xf32>, vector<128x128xf32>, vector<1000x128xf32> -> vector<1000x128xf32>
    %get3A_90 = arith.constant 0 : index
    %get3A_91 = arith.constant 0 : index
    %get3A_92 = vector.load %arg8[%get3A_90, %get3A_91] : memref<1x128xf32, #tpu.memory_space<vmem>>, vector<1x128xf32>
    %add3A_93 = vector.broadcast %get3A_92 : vector<1x128xf32> to vector<1000x128xf32>
    %add3A_94 = arith.addf %dot_general3A_89, %add3A_93 : vector<1000x128xf32>
    %get3A_95 = arith.constant 0 : index
    %get3A_96 = arith.constant 0 : index
    %get3A_97 = vector.load %arg9[%get3A_95, %get3A_96] : memref<128x128xf32, #tpu.memory_space<vmem>>, vector<128x128xf32>
    %dot_general3A_98 = arith.constant dense<0.000000e+00> : vector<1000x128xf32>
    %dot_general3A_99 = tpu.matmul %mul3A_84, %get3A_97, %dot_general3A_98 {dimension_numbers = #tpu.dot_dimension_numbers<[1], [0], [0], [1], [0, 0, 1, 1], [], []>, transpose_lhs_hint = false} : vector<1000x128xf32>, vector<128x128xf32>, vector<1000x128xf32> -> vector<1000x128xf32>
    %add3A_100 = arith.addf %add3A_94, %dot_general3A_99 : vector<1000x128xf32>
    %get3A_101 = arith.constant 0 : index
    %get3A_102 = arith.constant 0 : index
    %get3A_103 = vector.load %arg10[%get3A_101, %get3A_102] : memref<128x128xf32, #tpu.memory_space<vmem>>, vector<128x128xf32>
    %dot_general3A_104 = arith.constant dense<0.000000e+00> : vector<1000x128xf32>
    %dot_general3A_105 = tpu.matmul %dot_general3A_54, %get3A_103, %dot_general3A_104 {dimension_numbers = #tpu.dot_dimension_numbers<[1], [0], [0], [1], [0, 0, 1, 1], [], []>, transpose_lhs_hint = false} : vector<1000x128xf32>, vector<128x128xf32>, vector<1000x128xf32> -> vector<1000x128xf32>
    %add3A_106 = arith.addf %add3A_100, %dot_general3A_105 : vector<1000x128xf32>
    %max3A_107 = arith.constant 0.000000e+00 : f32
    %max3A_108 = vector.broadcast %max3A_107 : f32 to vector<1000x128xf32>
    %max3A_109 = arith.maximumf %add3A_106, %max3A_108 : vector<1000x128xf32>
    %swap3A = arith.constant 0 : index
    %swap3A_110 = arith.constant 0 : index
    %swap3A_111 = vector.load %arg16[%swap3A, %swap3A_110] : memref<1000x128xf32, #tpu.memory_space<vmem>>, vector<1000x128xf32>
    tpu.vector_store %arg16[%swap3A, %swap3A_110], %max3A_109 {strides = array<i32>} : memref<1000x128xf32, #tpu.memory_space<vmem>>, vector<1000x128xf32>,
    %dot_general3A_112 = arith.constant dense<0.000000e+00> : vector<16x128xf32>
    %dot_general3A_113 = tpu.matmul %select_n3A_53, %add3A_106, %dot_general3A_112 {dimension_numbers = #tpu.dot_dimension_numbers<[0], [0], [1], [1], [0, 1, 1, 1], [], []>, transpose_lhs_hint = false} : vector<1000x16xf32>, vector<1000x128xf32>, vector<16x128xf32> -> vector<16x128xf32>
    %eq3A_114 = arith.constant 0 : i32
    %eq3A_115 = arith.cmpi eq, %arg0, %eq3A_114 : i32
    %convert_element_type3A_116 = arith.extui %eq3A_115 : i1 to i32
    %cond3A = arith.constant 0 : i32
    %cond3A_117 = arith.cmpi ne, %convert_element_type3A_116, %cond3A : i32
    scf.if %cond3A_117 {
      %swap3A_122 = arith.constant 0 : index
      %swap3A_123 = arith.constant 0 : index
      %swap3A_124 = vector.load %arg17[%swap3A_122, %swap3A_123] : memref<16x128xf32, #tpu.memory_space<vmem>>, vector<16x128xf32>
      tpu.vector_store %arg17[%swap3A_122, %swap3A_123], %dot_general3A_113 {strides = array<i32>} : memref<16x128xf32, #tpu.memory_space<vmem>>, vector<16x128xf32>,
    } else {
    }
    %not3A = arith.constant true
    %not3A_118 = arith.xori %eq3A_115, %not3A : i1
    %convert_element_type3A_119 = arith.extui %not3A_118 : i1 to i32
    %cond3A_120 = arith.constant 0 : i32
    %cond3A_121 = arith.cmpi ne, %convert_element_type3A_119, %cond3A_120 : i32
    scf.if %cond3A_121 {
      %get3A_122 = arith.constant 0 : index
      %get3A_123 = arith.constant 0 : index
      %get3A_124 = vector.load %arg17[%get3A_122, %get3A_123] : memref<16x128xf32, #tpu.memory_space<vmem>>, vector<16x128xf32>
      %add3A_125 = arith.addf %get3A_124, %dot_general3A_113 : vector<16x128xf32>
      %swap3A_126 = arith.constant 0 : index
      %swap3A_127 = arith.constant 0 : index
      %swap3A_128 = vector.load %arg17[%swap3A_126, %swap3A_127] : memref<16x128xf32, #tpu.memory_space<vmem>>, vector<16x128xf32>
      tpu.vector_store %arg17[%swap3A_126, %swap3A_127], %add3A_125 {strides = array<i32>} : memref<16x128xf32, #tpu.memory_space<vmem>>, vector<16x128xf32>,
    } else {
    }
    return
  }
  func.func @transform_0(%arg0: i32) -> (i32, i32) {
    %c0_i32 = arith.constant 0 : i32
    %c0_i32_0 = arith.constant 0 : i32
    return %arg0, %c0_i32 : i32, i32
  }
  func.func @transform_1(%arg0: i32) -> (i32, i32, i32) {
    %c0_i32 = arith.constant 0 : i32
    %c0_i32_0 = arith.constant 0 : i32
    %c0_i32_1 = arith.constant 0 : i32
    return %c0_i32, %arg0, %c0_i32_0 : i32, i32, i32
  }
  func.func @transform_2(%arg0: i32) -> (i32, i32, i32) {
    %c0_i32 = arith.constant 0 : i32
    %c0_i32_0 = arith.constant 0 : i32
    %c0_i32_1 = arith.constant 0 : i32
    return %c0_i32, %arg0, %c0_i32_0 : i32, i32, i32
  }
  func.func @transform_3(%arg0: i32) -> (i32, i32) {
    %c0_i32 = arith.constant 0 : i32
    %c0_i32_0 = arith.constant 0 : i32
    return %arg0, %c0_i32 : i32, i32
  }
  func.func @transform_4(%arg0: i32) -> (i32, i32) {
    %c0_i32 = arith.constant 0 : i32
    %c0_i32_0 = arith.constant 0 : i32
    %c0_i32_1 = arith.constant 0 : i32
    return %c0_i32, %c0_i32_0 : i32, i32
  }
  func.func @transform_5(%arg0: i32) -> (i32, i32) {
    %c0_i32 = arith.constant 0 : i32
    %c0_i32_0 = arith.constant 0 : i32
    %c0_i32_1 = arith.constant 0 : i32
    return %c0_i32, %c0_i32_0 : i32, i32
  }
  func.func @transform_6(%arg0: i32) -> (i32, i32) {
    %c0_i32 = arith.constant 0 : i32
    %c0_i32_0 = arith.constant 0 : i32
    %c0_i32_1 = arith.constant 0 : i32
    return %c0_i32, %c0_i32_0 : i32, i32
  }
  func.func @transform_7(%arg0: i32) -> (i32, i32) {
    %c0_i32 = arith.constant 0 : i32
    %c0_i32_0 = arith.constant 0 : i32
    %c0_i32_1 = arith.constant 0 : i32
    return %c0_i32, %c0_i32_0 : i32, i32
  }
  func.func @transform_8(%arg0: i32) -> (i32, i32) {
    %c0_i32 = arith.constant 0 : i32
    %c0_i32_0 = arith.constant 0 : i32
    %c0_i32_1 = arith.constant 0 : i32
    return %c0_i32, %c0_i32_0 : i32, i32
  }
  func.func @transform_9(%arg0: i32) -> (i32, i32) {
    %c0_i32 = arith.constant 0 : i32
    %c0_i32_0 = arith.constant 0 : i32
    %c0_i32_1 = arith.constant 0 : i32
    return %c0_i32, %c0_i32_0 : i32, i32
  }
  func.func @transform_10(%arg0: i32) -> (i32, i32) {
    %c0_i32 = arith.constant 0 : i32
    %c0_i32_0 = arith.constant 0 : i32
    %c0_i32_1 = arith.constant 0 : i32
    return %c0_i32, %c0_i32_0 : i32, i32
  }
  func.func @transform_11(%arg0: i32) -> (i32, i32) {
    %c0_i32 = arith.constant 0 : i32
    %c0_i32_0 = arith.constant 0 : i32
    %c0_i32_1 = arith.constant 0 : i32
    return %c0_i32, %c0_i32_0 : i32, i32
  }
  func.func @transform_12(%arg0: i32) -> (i32, i32) {
    %c0_i32 = arith.constant 0 : i32
    %c0_i32_0 = arith.constant 0 : i32
    %c0_i32_1 = arith.constant 0 : i32
    return %c0_i32, %c0_i32_0 : i32, i32
  }
  func.func @transform_13(%arg0: i32) -> (i32, i32) {
    %c0_i32 = arith.constant 0 : i32
    %c0_i32_0 = arith.constant 0 : i32
    %c0_i32_1 = arith.constant 0 : i32
    return %c0_i32, %c0_i32_0 : i32, i32
  }
  func.func @transform_14(%arg0: i32) -> (i32, i32) {
    %c0_i32 = arith.constant 0 : i32
    %c0_i32_0 = arith.constant 0 : i32
    %c0_i32_1 = arith.constant 0 : i32
    return %c0_i32, %c0_i32_0 : i32, i32
  }
  func.func @transform_15(%arg0: i32) -> (i32, i32) {
    %c0_i32 = arith.constant 0 : i32
    %c0_i32_0 = arith.constant 0 : i32
    return %arg0, %c0_i32 : i32, i32
  }
  func.func @transform_16(%arg0: i32) -> (i32, i32) {
    %c0_i32 = arith.constant 0 : i32
    %c0_i32_0 = arith.constant 0 : i32
    %c0_i32_1 = arith.constant 0 : i32
    return %c0_i32, %c0_i32_0 : i32, i32
  }
}

module attributes {stable_mosaic.version = 14 : i64} {
  func.func @body(%arg0: i32, %arg1: memref<1000x128xf32, #tpu.memory_space<vmem>>, %arg2: memref<2x1000x128xf32, #tpu.memory_space<vmem>>, %arg3: memref<2x1000x128xf32, #tpu.memory_space<vmem>>, %arg4: memref<1000x1xf32, #tpu.memory_space<vmem>>, %arg5: memref<16x128xf32, #tpu.memory_space<vmem>>, %arg6: memref<16x128xf32, #tpu.memory_space<vmem>>, %arg7: memref<16x128xf32, #tpu.memory_space<vmem>>, %arg8: memref<128x128xf32, #tpu.memory_space<vmem>>, %arg9: memref<1x128xf32, #tpu.memory_space<vmem>>, %arg10: memref<128x128xf32, #tpu.memory_space<vmem>>, %arg11: memref<128x128xf32, #tpu.memory_space<vmem>>, %arg12: memref<128x128xf32, #tpu.memory_space<vmem>>, %arg13: memref<128x128xf32, #tpu.memory_space<vmem>>, %arg14: memref<16x128xf32, #tpu.memory_space<vmem>>, %arg15: memref<128x128xf32, #tpu.memory_space<vmem>>, %arg16: memref<1x128xf32, #tpu.memory_space<vmem>>, %arg17: memref<128x128xf32, #tpu.memory_space<vmem>>, %arg18: memref<128x128xf32, #tpu.memory_space<vmem>>, %arg19: memref<1x128xf32, #tpu.memory_space<vmem>>, %arg20: memref<1000x128xf32, #tpu.memory_space<vmem>>, %arg21: memref<16x128xf32, #tpu.memory_space<vmem>>) attributes {dimension_semantics = [#tpu.dimension_semantics<arbitrary>], iteration_bounds = array<i64: 10>, scalar_prefetch = 0 : i64, scratch_operands = 0 : i64, tpu.core_type = #tpu.core_type<tc>, window_params = [{transform_indices = @transform_0, window_bounds = array<i64: 1000, 128>}, {transform_indices = @transform_1, window_bounds = array<i64: 2, 1000, 128>}, {transform_indices = @transform_2, window_bounds = array<i64: 2, 1000, 128>}, {transform_indices = @transform_3, window_bounds = array<i64: 1000, 1>}, {pipeline_mode = #tpu.pipeline_mode<synchronous>, transform_indices = @transform_4, window_bounds = array<i64: 16, 128>}, {pipeline_mode = #tpu.pipeline_mode<synchronous>, transform_indices = @transform_5, window_bounds = array<i64: 16, 128>}, {pipeline_mode = #tpu.pipeline_mode<synchronous>, transform_indices = @transform_6, window_bounds = array<i64: 16, 128>}, {pipeline_mode = #tpu.pipeline_mode<synchronous>, transform_indices = @transform_7, window_bounds = array<i64: 128, 128>}, {pipeline_mode = #tpu.pipeline_mode<synchronous>, transform_indices = @transform_8, window_bounds = array<i64: 1, 128>}, {pipeline_mode = #tpu.pipeline_mode<synchronous>, transform_indices = @transform_9, window_bounds = array<i64: 128, 128>}, {pipeline_mode = #tpu.pipeline_mode<synchronous>, transform_indices = @transform_10, window_bounds = array<i64: 128, 128>}, {pipeline_mode = #tpu.pipeline_mode<synchronous>, transform_indices = @transform_11, window_bounds = array<i64: 128, 128>}, {pipeline_mode = #tpu.pipeline_mode<synchronous>, transform_indices = @transform_12, window_bounds = array<i64: 128, 128>}, {pipeline_mode = #tpu.pipeline_mode<synchronous>, transform_indices = @transform_13, window_bounds = array<i64: 16, 128>}, {pipeline_mode = #tpu.pipeline_mode<synchronous>, transform_indices = @transform_14, window_bounds = array<i64: 128, 128>}, {pipeline_mode = #tpu.pipeline_mode<synchronous>, transform_indices = @transform_15, window_bounds = array<i64: 1, 128>}, {pipeline_mode = #tpu.pipeline_mode<synchronous>, transform_indices = @transform_16, window_bounds = array<i64: 128, 128>}, {pipeline_mode = #tpu.pipeline_mode<synchronous>, transform_indices = @transform_17, window_bounds = array<i64: 128, 128>}, {pipeline_mode = #tpu.pipeline_mode<synchronous>, transform_indices = @transform_18, window_bounds = array<i64: 1, 128>}, {transform_indices = @transform_19, window_bounds = array<i64: 1000, 128>}, {pipeline_mode = #tpu.pipeline_mode<synchronous>, transform_indices = @transform_20, window_bounds = array<i64: 16, 128>}]} {
    %get3A = arith.constant 0 : index
    %get3A_0 = arith.constant 0 : index
    %get3A_1 = vector.load %arg7[%get3A, %get3A_0] : memref<16x128xf32, #tpu.memory_space<vmem>>, vector<16x128xf32>
    %max3A = arith.constant 1.000000e+00 : f32
    %max3A_2 = vector.broadcast %max3A : f32 to vector<16x128xf32>
    %max3A_3 = arith.maximumf %get3A_1, %max3A_2 : vector<16x128xf32>
    %get3A_4 = arith.constant 0 : index
    %get3A_5 = arith.constant 0 : index
    %get3A_6 = vector.load %arg17[%get3A_4, %get3A_5] : memref<128x128xf32, #tpu.memory_space<vmem>>, vector<128x128xf32>
    %get3A_7 = arith.constant 0 : index
    %get3A_8 = arith.constant 0 : index
    %get3A_9 = vector.load %arg18[%get3A_7, %get3A_8] : memref<128x128xf32, #tpu.memory_space<vmem>>, vector<128x128xf32>
    %get3A_10 = arith.constant 0 : index
    %get3A_11 = arith.constant 0 : index
    %get3A_12 = vector.load %arg19[%get3A_10, %get3A_11] : memref<1x128xf32, #tpu.memory_space<vmem>>, vector<1x128xf32>
    %get3A_13 = arith.constant 0 : index
    %get3A_14 = arith.constant 0 : index
    %get3A_15 = vector.load %arg5[%get3A_13, %get3A_14] : memref<16x128xf32, #tpu.memory_space<vmem>>, vector<16x128xf32>
    %get3A_16 = arith.constant 0 : index
    %get3A_17 = arith.constant 0 : index
    %get3A_18 = vector.load %arg6[%get3A_16, %get3A_17] : memref<16x128xf32, #tpu.memory_space<vmem>>, vector<16x128xf32>
    %div3A = arith.divf %get3A_15, %max3A_3 : vector<16x128xf32>
    %div3A_19 = arith.divf %get3A_18, %max3A_3 : vector<16x128xf32>
    %dot_general3A = arith.constant dense<0.000000e+00> : vector<16x128xf32>
    %dot_general3A_20 = tpu.matmul %div3A, %get3A_6, %dot_general3A {dimension_numbers = #tpu.dot_dimension_numbers<[1], [0], [0], [1], [0, 0, 1, 1], [], []>, transpose_lhs_hint = false} : vector<16x128xf32>, vector<128x128xf32>, vector<16x128xf32> -> vector<16x128xf32>
    %dot_general3A_21 = arith.constant dense<0.000000e+00> : vector<16x128xf32>
    %dot_general3A_22 = tpu.matmul %div3A_19, %get3A_9, %dot_general3A_21 {dimension_numbers = #tpu.dot_dimension_numbers<[1], [0], [0], [1], [0, 0, 1, 1], [], []>, transpose_lhs_hint = false} : vector<16x128xf32>, vector<128x128xf32>, vector<16x128xf32> -> vector<16x128xf32>
    %add3A = arith.addf %dot_general3A_20, %dot_general3A_22 : vector<16x128xf32>
    %add3A_23 = vector.broadcast %get3A_12 : vector<1x128xf32> to vector<16x128xf32>
    %add3A_24 = arith.addf %add3A, %add3A_23 : vector<16x128xf32>
    %max3A_25 = arith.constant 0.000000e+00 : f32
    %max3A_26 = vector.broadcast %max3A_25 : f32 to vector<16x128xf32>
    %max3A_27 = arith.maximumf %add3A_24, %max3A_26 : vector<16x128xf32>
    %get3A_28 = arith.constant 0 : index
    %get3A_29 = arith.constant 0 : index
    %get3A_30 = vector.load %arg1[%get3A_28, %get3A_29] : memref<1000x128xf32, #tpu.memory_space<vmem>>, vector<1000x128xf32>
    %get3A_31 = arith.constant 0 : index
    %get3A_32 = arith.constant 0 : index
    %get3A_33 = arith.constant 0 : index
    %get3A_34 = vector.load %arg2[%get3A_31, %get3A_32, %get3A_33] : memref<2x1000x128xf32, #tpu.memory_space<vmem>>, vector<1x1000x128xf32>
    %get3A_35 = vector.shape_cast %get3A_34 : vector<1x1000x128xf32> to vector<1000x128xf32>
    %get3A_36 = arith.constant 1 : index
    %get3A_37 = arith.constant 0 : index
    %get3A_38 = arith.constant 0 : index
    %get3A_39 = vector.load %arg2[%get3A_36, %get3A_37, %get3A_38] : memref<2x1000x128xf32, #tpu.memory_space<vmem>>, vector<1x1000x128xf32>
    %get3A_40 = vector.shape_cast %get3A_39 : vector<1x1000x128xf32> to vector<1000x128xf32>
    %add3A_41 = arith.addf %get3A_35, %get3A_40 : vector<1000x128xf32>
    %get3A_42 = arith.constant 0 : index
    %get3A_43 = arith.constant 0 : index
    %get3A_44 = arith.constant 0 : index
    %get3A_45 = vector.load %arg3[%get3A_42, %get3A_43, %get3A_44] : memref<2x1000x128xf32, #tpu.memory_space<vmem>>, vector<1x1000x128xf32>
    %get3A_46 = vector.shape_cast %get3A_45 : vector<1x1000x128xf32> to vector<1000x128xf32>
    %get3A_47 = arith.constant 1 : index
    %get3A_48 = arith.constant 0 : index
    %get3A_49 = arith.constant 0 : index
    %get3A_50 = vector.load %arg3[%get3A_47, %get3A_48, %get3A_49] : memref<2x1000x128xf32, #tpu.memory_space<vmem>>, vector<1x1000x128xf32>
    %get3A_51 = vector.shape_cast %get3A_50 : vector<1x1000x128xf32> to vector<1000x128xf32>
    %add3A_52 = arith.addf %get3A_46, %get3A_51 : vector<1000x128xf32>
    %slice3A = vector.extract_strided_slice %add3A_52 {offsets = [0, 16], sizes = [1000, 1], strides = [1, 1]} : vector<1000x128xf32> to vector<1000x1xf32>
    %max3A_53 = arith.constant 1.000000e+00 : f32
    %max3A_54 = vector.broadcast %max3A_53 : f32 to vector<1000x1xf32>
    %max3A_55 = arith.maximumf %slice3A, %max3A_54 : vector<1000x1xf32>
    %div3A_56 = arith.constant 1.000000e+00 : f32
    %div3A_57 = vector.broadcast %div3A_56 : f32 to vector<1000x1xf32>
    %div3A_58 = arith.divf %div3A_57, %max3A_55 : vector<1000x1xf32>
    %gt3A = arith.constant 0.000000e+00 : f32
    %gt3A_59 = vector.broadcast %gt3A : f32 to vector<1000x1xf32>
    %gt3A_60 = arith.cmpf ogt, %slice3A, %gt3A_59 : vector<1000x1xf32>
    %jit3A = arith.constant 1.000000e+00 : f32
    %jit3A_61 = arith.constant 0.000000e+00 : f32
    %broadcast_in_dim3A = vector.broadcast %jit3A : f32 to vector<1000x1xf32>
    %broadcast_in_dim3A_62 = vector.broadcast %jit3A_61 : f32 to vector<1000x1xf32>
    %select_n3A = arith.select %gt3A_60, %broadcast_in_dim3A, %broadcast_in_dim3A_62 : vector<1000x1xi1>, vector<1000x1xf32>
    %mul3A = vector.broadcast %div3A_58 : vector<1000x1xf32> to vector<1000x128xf32>
    %mul3A_63 = arith.mulf %add3A_41, %mul3A : vector<1000x128xf32>
    %slice3A_64 = vector.extract_strided_slice %add3A_52 {offsets = [0, 0], sizes = [1000, 16], strides = [1, 1]} : vector<1000x128xf32> to vector<1000x16xf32>
    %mul3A_65 = vector.broadcast %div3A_58 : vector<1000x1xf32> to vector<1000x16xf32>
    %mul3A_66 = arith.mulf %slice3A_64, %mul3A_65 : vector<1000x16xf32>
    %get3A_67 = arith.constant 0 : index
    %get3A_68 = arith.constant 0 : index
    %get3A_69 = vector.load %arg4[%get3A_67, %get3A_68] : memref<1000x1xf32, #tpu.memory_space<vmem>>, vector<1000x1xf32>
    %iota3A = tpu.iota {dimensions = array<i32: 1>} : vector<1000x16xi32>
    %convert_element_type3A = arith.fptosi %get3A_69 : vector<1000x1xf32> to vector<1000x1xi32>
    %eq3A = vector.broadcast %convert_element_type3A : vector<1000x1xi32> to vector<1000x16xi32>
    %eq3A_70 = arith.cmpi eq, %eq3A, %iota3A : vector<1000x16xi32>
    %jit3A_71 = arith.constant 1.000000e+00 : f32
    %jit3A_72 = arith.constant 0.000000e+00 : f32
    %broadcast_in_dim3A_73 = vector.broadcast %jit3A_71 : f32 to vector<1000x16xf32>
    %broadcast_in_dim3A_74 = vector.broadcast %jit3A_72 : f32 to vector<1000x16xf32>
    %select_n3A_75 = arith.select %eq3A_70, %broadcast_in_dim3A_73, %broadcast_in_dim3A_74 : vector<1000x16xi1>, vector<1000x16xf32>
    %dot_general3A_76 = arith.constant dense<0.000000e+00> : vector<1000x128xf32>
    %dot_general3A_77 = tpu.matmul %select_n3A_75, %max3A_27, %dot_general3A_76 {dimension_numbers = #tpu.dot_dimension_numbers<[1], [0], [0], [1], [0, 0, 1, 1], [], []>, transpose_lhs_hint = false} : vector<1000x16xf32>, vector<16x128xf32>, vector<1000x128xf32> -> vector<1000x128xf32>
    %get3A_78 = arith.constant 0 : index
    %get3A_79 = arith.constant 0 : index
    %get3A_80 = vector.load %arg12[%get3A_78, %get3A_79] : memref<128x128xf32, #tpu.memory_space<vmem>>, vector<128x128xf32>
    %dot_general3A_81 = arith.constant dense<0.000000e+00> : vector<1000x128xf32>
    %dot_general3A_82 = tpu.matmul %get3A_30, %get3A_80, %dot_general3A_81 {dimension_numbers = #tpu.dot_dimension_numbers<[1], [0], [0], [1], [0, 0, 1, 1], [], []>, transpose_lhs_hint = false} : vector<1000x128xf32>, vector<128x128xf32>, vector<1000x128xf32> -> vector<1000x128xf32>
    %get3A_83 = arith.constant 0 : index
    %get3A_84 = arith.constant 0 : index
    %get3A_85 = vector.load %arg15[%get3A_83, %get3A_84] : memref<128x128xf32, #tpu.memory_space<vmem>>, vector<128x128xf32>
    %dot_general3A_86 = arith.constant dense<0.000000e+00> : vector<1000x128xf32>
    %dot_general3A_87 = tpu.matmul %dot_general3A_77, %get3A_85, %dot_general3A_86 {dimension_numbers = #tpu.dot_dimension_numbers<[1], [0], [0], [1], [0, 0, 1, 1], [], []>, transpose_lhs_hint = false} : vector<1000x128xf32>, vector<128x128xf32>, vector<1000x128xf32> -> vector<1000x128xf32>
    %add3A_88 = arith.addf %dot_general3A_82, %dot_general3A_87 : vector<1000x128xf32>
    %get3A_89 = arith.constant 0 : index
    %get3A_90 = arith.constant 0 : index
    %get3A_91 = vector.load %arg13[%get3A_89, %get3A_90] : memref<128x128xf32, #tpu.memory_space<vmem>>, vector<128x128xf32>
    %dot_general3A_92 = arith.constant dense<0.000000e+00> : vector<1000x128xf32>
    %dot_general3A_93 = tpu.matmul %mul3A_63, %get3A_91, %dot_general3A_92 {dimension_numbers = #tpu.dot_dimension_numbers<[1], [0], [0], [1], [0, 0, 1, 1], [], []>, transpose_lhs_hint = false} : vector<1000x128xf32>, vector<128x128xf32>, vector<1000x128xf32> -> vector<1000x128xf32>
    %add3A_94 = arith.addf %add3A_88, %dot_general3A_93 : vector<1000x128xf32>
    %get3A_95 = arith.constant 0 : index
    %get3A_96 = arith.constant 0 : index
    %get3A_97 = vector.load %arg14[%get3A_95, %get3A_96] : memref<16x128xf32, #tpu.memory_space<vmem>>, vector<16x128xf32>
    %dot_general3A_98 = arith.constant dense<0.000000e+00> : vector<1000x128xf32>
    %dot_general3A_99 = tpu.matmul %mul3A_66, %get3A_97, %dot_general3A_98 {dimension_numbers = #tpu.dot_dimension_numbers<[1], [0], [0], [1], [0, 0, 1, 1], [], []>, transpose_lhs_hint = false} : vector<1000x16xf32>, vector<16x128xf32>, vector<1000x128xf32> -> vector<1000x128xf32>
    %add3A_100 = arith.addf %add3A_94, %dot_general3A_99 : vector<1000x128xf32>
    %get3A_101 = arith.constant 0 : index
    %get3A_102 = arith.constant 0 : index
    %get3A_103 = vector.load %arg16[%get3A_101, %get3A_102] : memref<1x128xf32, #tpu.memory_space<vmem>>, vector<1x128xf32>
    %add3A_104 = vector.broadcast %get3A_103 : vector<1x128xf32> to vector<1000x128xf32>
    %add3A_105 = arith.addf %add3A_100, %add3A_104 : vector<1000x128xf32>
    %mul3A_106 = vector.broadcast %select_n3A : vector<1000x1xf32> to vector<1000x128xf32>
    %mul3A_107 = arith.mulf %add3A_105, %mul3A_106 : vector<1000x128xf32>
    %get3A_108 = arith.constant 0 : index
    %get3A_109 = arith.constant 0 : index
    %get3A_110 = vector.load %arg8[%get3A_108, %get3A_109] : memref<128x128xf32, #tpu.memory_space<vmem>>, vector<128x128xf32>
    %dot_general3A_111 = arith.constant dense<0.000000e+00> : vector<1000x128xf32>
    %dot_general3A_112 = tpu.matmul %get3A_30, %get3A_110, %dot_general3A_111 {dimension_numbers = #tpu.dot_dimension_numbers<[1], [0], [0], [1], [0, 0, 1, 1], [], []>, transpose_lhs_hint = false} : vector<1000x128xf32>, vector<128x128xf32>, vector<1000x128xf32> -> vector<1000x128xf32>
    %get3A_113 = arith.constant 0 : index
    %get3A_114 = arith.constant 0 : index
    %get3A_115 = vector.load %arg9[%get3A_113, %get3A_114] : memref<1x128xf32, #tpu.memory_space<vmem>>, vector<1x128xf32>
    %add3A_116 = vector.broadcast %get3A_115 : vector<1x128xf32> to vector<1000x128xf32>
    %add3A_117 = arith.addf %dot_general3A_112, %add3A_116 : vector<1000x128xf32>
    %get3A_118 = arith.constant 0 : index
    %get3A_119 = arith.constant 0 : index
    %get3A_120 = vector.load %arg10[%get3A_118, %get3A_119] : memref<128x128xf32, #tpu.memory_space<vmem>>, vector<128x128xf32>
    %dot_general3A_121 = arith.constant dense<0.000000e+00> : vector<1000x128xf32>
    %dot_general3A_122 = tpu.matmul %mul3A_107, %get3A_120, %dot_general3A_121 {dimension_numbers = #tpu.dot_dimension_numbers<[1], [0], [0], [1], [0, 0, 1, 1], [], []>, transpose_lhs_hint = false} : vector<1000x128xf32>, vector<128x128xf32>, vector<1000x128xf32> -> vector<1000x128xf32>
    %add3A_123 = arith.addf %add3A_117, %dot_general3A_122 : vector<1000x128xf32>
    %get3A_124 = arith.constant 0 : index
    %get3A_125 = arith.constant 0 : index
    %get3A_126 = vector.load %arg11[%get3A_124, %get3A_125] : memref<128x128xf32, #tpu.memory_space<vmem>>, vector<128x128xf32>
    %dot_general3A_127 = arith.constant dense<0.000000e+00> : vector<1000x128xf32>
    %dot_general3A_128 = tpu.matmul %dot_general3A_77, %get3A_126, %dot_general3A_127 {dimension_numbers = #tpu.dot_dimension_numbers<[1], [0], [0], [1], [0, 0, 1, 1], [], []>, transpose_lhs_hint = false} : vector<1000x128xf32>, vector<128x128xf32>, vector<1000x128xf32> -> vector<1000x128xf32>
    %add3A_129 = arith.addf %add3A_123, %dot_general3A_128 : vector<1000x128xf32>
    %max3A_130 = arith.constant 0.000000e+00 : f32
    %max3A_131 = vector.broadcast %max3A_130 : f32 to vector<1000x128xf32>
    %max3A_132 = arith.maximumf %add3A_129, %max3A_131 : vector<1000x128xf32>
    %add3A_133 = arith.addf %get3A_30, %max3A_132 : vector<1000x128xf32>
    %swap3A = arith.constant 0 : index
    %swap3A_134 = arith.constant 0 : index
    %swap3A_135 = vector.load %arg20[%swap3A, %swap3A_134] : memref<1000x128xf32, #tpu.memory_space<vmem>>, vector<1000x128xf32>
    tpu.vector_store %arg20[%swap3A, %swap3A_134], %add3A_133 {strides = array<i32>} : memref<1000x128xf32, #tpu.memory_space<vmem>>, vector<1000x128xf32>,
    %dot_general3A_136 = arith.constant dense<0.000000e+00> : vector<16x128xf32>
    %dot_general3A_137 = tpu.matmul %select_n3A_75, %add3A_129, %dot_general3A_136 {dimension_numbers = #tpu.dot_dimension_numbers<[0], [0], [1], [1], [0, 1, 1, 1], [], []>, transpose_lhs_hint = false} : vector<1000x16xf32>, vector<1000x128xf32>, vector<16x128xf32> -> vector<16x128xf32>
    %eq3A_138 = arith.constant 0 : i32
    %eq3A_139 = arith.cmpi eq, %arg0, %eq3A_138 : i32
    %convert_element_type3A_140 = arith.extui %eq3A_139 : i1 to i32
    %cond3A = arith.constant 0 : i32
    %cond3A_141 = arith.cmpi ne, %convert_element_type3A_140, %cond3A : i32
    scf.if %cond3A_141 {
      %swap3A_146 = arith.constant 0 : index
      %swap3A_147 = arith.constant 0 : index
      %swap3A_148 = vector.load %arg21[%swap3A_146, %swap3A_147] : memref<16x128xf32, #tpu.memory_space<vmem>>, vector<16x128xf32>
      tpu.vector_store %arg21[%swap3A_146, %swap3A_147], %dot_general3A_137 {strides = array<i32>} : memref<16x128xf32, #tpu.memory_space<vmem>>, vector<16x128xf32>,
    } else {
    }
    %not3A = arith.constant true
    %not3A_142 = arith.xori %eq3A_139, %not3A : i1
    %convert_element_type3A_143 = arith.extui %not3A_142 : i1 to i32
    %cond3A_144 = arith.constant 0 : i32
    %cond3A_145 = arith.cmpi ne, %convert_element_type3A_143, %cond3A_144 : i32
    scf.if %cond3A_145 {
      %get3A_146 = arith.constant 0 : index
      %get3A_147 = arith.constant 0 : index
      %get3A_148 = vector.load %arg21[%get3A_146, %get3A_147] : memref<16x128xf32, #tpu.memory_space<vmem>>, vector<16x128xf32>
      %add3A_149 = arith.addf %get3A_148, %dot_general3A_137 : vector<16x128xf32>
      %swap3A_150 = arith.constant 0 : index
      %swap3A_151 = arith.constant 0 : index
      %swap3A_152 = vector.load %arg21[%swap3A_150, %swap3A_151] : memref<16x128xf32, #tpu.memory_space<vmem>>, vector<16x128xf32>
      tpu.vector_store %arg21[%swap3A_150, %swap3A_151], %add3A_149 {strides = array<i32>} : memref<16x128xf32, #tpu.memory_space<vmem>>, vector<16x128xf32>,
    } else {
    }
    return
  }
  func.func @transform_0(%arg0: i32) -> (i32, i32) {
    %c0_i32 = arith.constant 0 : i32
    %c0_i32_0 = arith.constant 0 : i32
    return %arg0, %c0_i32 : i32, i32
  }
  func.func @transform_1(%arg0: i32) -> (i32, i32, i32) {
    %c0_i32 = arith.constant 0 : i32
    %c0_i32_0 = arith.constant 0 : i32
    %c0_i32_1 = arith.constant 0 : i32
    return %c0_i32, %arg0, %c0_i32_0 : i32, i32, i32
  }
  func.func @transform_2(%arg0: i32) -> (i32, i32, i32) {
    %c0_i32 = arith.constant 0 : i32
    %c0_i32_0 = arith.constant 0 : i32
    %c0_i32_1 = arith.constant 0 : i32
    return %c0_i32, %arg0, %c0_i32_0 : i32, i32, i32
  }
  func.func @transform_3(%arg0: i32) -> (i32, i32) {
    %c0_i32 = arith.constant 0 : i32
    %c0_i32_0 = arith.constant 0 : i32
    return %arg0, %c0_i32 : i32, i32
  }
  func.func @transform_4(%arg0: i32) -> (i32, i32) {
    %c0_i32 = arith.constant 0 : i32
    %c0_i32_0 = arith.constant 0 : i32
    %c0_i32_1 = arith.constant 0 : i32
    return %c0_i32, %c0_i32_0 : i32, i32
  }
  func.func @transform_5(%arg0: i32) -> (i32, i32) {
    %c0_i32 = arith.constant 0 : i32
    %c0_i32_0 = arith.constant 0 : i32
    %c0_i32_1 = arith.constant 0 : i32
    return %c0_i32, %c0_i32_0 : i32, i32
  }
  func.func @transform_6(%arg0: i32) -> (i32, i32) {
    %c0_i32 = arith.constant 0 : i32
    %c0_i32_0 = arith.constant 0 : i32
    %c0_i32_1 = arith.constant 0 : i32
    return %c0_i32, %c0_i32_0 : i32, i32
  }
  func.func @transform_7(%arg0: i32) -> (i32, i32) {
    %c0_i32 = arith.constant 0 : i32
    %c0_i32_0 = arith.constant 0 : i32
    %c0_i32_1 = arith.constant 0 : i32
    return %c0_i32, %c0_i32_0 : i32, i32
  }
  func.func @transform_8(%arg0: i32) -> (i32, i32) {
    %c0_i32 = arith.constant 0 : i32
    %c0_i32_0 = arith.constant 0 : i32
    %c0_i32_1 = arith.constant 0 : i32
    return %c0_i32, %c0_i32_0 : i32, i32
  }
  func.func @transform_9(%arg0: i32) -> (i32, i32) {
    %c0_i32 = arith.constant 0 : i32
    %c0_i32_0 = arith.constant 0 : i32
    %c0_i32_1 = arith.constant 0 : i32
    return %c0_i32, %c0_i32_0 : i32, i32
  }
  func.func @transform_10(%arg0: i32) -> (i32, i32) {
    %c0_i32 = arith.constant 0 : i32
    %c0_i32_0 = arith.constant 0 : i32
    %c0_i32_1 = arith.constant 0 : i32
    return %c0_i32, %c0_i32_0 : i32, i32
  }
  func.func @transform_11(%arg0: i32) -> (i32, i32) {
    %c0_i32 = arith.constant 0 : i32
    %c0_i32_0 = arith.constant 0 : i32
    %c0_i32_1 = arith.constant 0 : i32
    return %c0_i32, %c0_i32_0 : i32, i32
  }
  func.func @transform_12(%arg0: i32) -> (i32, i32) {
    %c0_i32 = arith.constant 0 : i32
    %c0_i32_0 = arith.constant 0 : i32
    %c0_i32_1 = arith.constant 0 : i32
    return %c0_i32, %c0_i32_0 : i32, i32
  }
  func.func @transform_13(%arg0: i32) -> (i32, i32) {
    %c0_i32 = arith.constant 0 : i32
    %c0_i32_0 = arith.constant 0 : i32
    %c0_i32_1 = arith.constant 0 : i32
    return %c0_i32, %c0_i32_0 : i32, i32
  }
  func.func @transform_14(%arg0: i32) -> (i32, i32) {
    %c0_i32 = arith.constant 0 : i32
    %c0_i32_0 = arith.constant 0 : i32
    %c0_i32_1 = arith.constant 0 : i32
    return %c0_i32, %c0_i32_0 : i32, i32
  }
  func.func @transform_15(%arg0: i32) -> (i32, i32) {
    %c0_i32 = arith.constant 0 : i32
    %c0_i32_0 = arith.constant 0 : i32
    %c0_i32_1 = arith.constant 0 : i32
    return %c0_i32, %c0_i32_0 : i32, i32
  }
  func.func @transform_16(%arg0: i32) -> (i32, i32) {
    %c0_i32 = arith.constant 0 : i32
    %c0_i32_0 = arith.constant 0 : i32
    %c0_i32_1 = arith.constant 0 : i32
    return %c0_i32, %c0_i32_0 : i32, i32
  }
  func.func @transform_17(%arg0: i32) -> (i32, i32) {
    %c0_i32 = arith.constant 0 : i32
    %c0_i32_0 = arith.constant 0 : i32
    %c0_i32_1 = arith.constant 0 : i32
    return %c0_i32, %c0_i32_0 : i32, i32
  }
  func.func @transform_18(%arg0: i32) -> (i32, i32) {
    %c0_i32 = arith.constant 0 : i32
    %c0_i32_0 = arith.constant 0 : i32
    %c0_i32_1 = arith.constant 0 : i32
    return %c0_i32, %c0_i32_0 : i32, i32
  }
  func.func @transform_19(%arg0: i32) -> (i32, i32) {
    %c0_i32 = arith.constant 0 : i32
    %c0_i32_0 = arith.constant 0 : i32
    return %arg0, %c0_i32 : i32, i32
  }
  func.func @transform_20(%arg0: i32) -> (i32, i32) {
    %c0_i32 = arith.constant 0 : i32
    %c0_i32_0 = arith.constant 0 : i32
    %c0_i32_1 = arith.constant 0 : i32
    return %c0_i32, %c0_i32_0 : i32, i32
  }
}

module attributes {stable_mosaic.version = 14 : i64} {
  func.func @body(%arg0: i32, %arg1: memref<1000x128xf32, #tpu.memory_space<vmem>>, %arg2: memref<2x1000x128xf32, #tpu.memory_space<vmem>>, %arg3: memref<2x1000x128xf32, #tpu.memory_space<vmem>>, %arg4: memref<1000x1xf32, #tpu.memory_space<vmem>>, %arg5: memref<16x128xf32, #tpu.memory_space<vmem>>, %arg6: memref<16x128xf32, #tpu.memory_space<vmem>>, %arg7: memref<16x128xf32, #tpu.memory_space<vmem>>, %arg8: memref<16x128xf32, #tpu.memory_space<vmem>>, %arg9: memref<128x128xf32, #tpu.memory_space<vmem>>, %arg10: memref<1x128xf32, #tpu.memory_space<vmem>>, %arg11: memref<128x128xf32, #tpu.memory_space<vmem>>, %arg12: memref<128x128xf32, #tpu.memory_space<vmem>>, %arg13: memref<128x128xf32, #tpu.memory_space<vmem>>, %arg14: memref<128x128xf32, #tpu.memory_space<vmem>>, %arg15: memref<16x128xf32, #tpu.memory_space<vmem>>, %arg16: memref<128x128xf32, #tpu.memory_space<vmem>>, %arg17: memref<1x128xf32, #tpu.memory_space<vmem>>, %arg18: memref<128x128xf32, #tpu.memory_space<vmem>>, %arg19: memref<128x128xf32, #tpu.memory_space<vmem>>, %arg20: memref<1x128xf32, #tpu.memory_space<vmem>>, %arg21: memref<128x128xf32, #tpu.memory_space<vmem>>, %arg22: memref<128x128xf32, #tpu.memory_space<vmem>>, %arg23: memref<1x128xf32, #tpu.memory_space<vmem>>, %arg24: memref<128x128xf32, #tpu.memory_space<vmem>>, %arg25: memref<1x128xf32, #tpu.memory_space<vmem>>, %arg26: memref<1000x2xf32, #tpu.memory_space<vmem>>) attributes {dimension_semantics = [#tpu.dimension_semantics<arbitrary>], iteration_bounds = array<i64: 10>, scalar_prefetch = 0 : i64, scratch_operands = 0 : i64, tpu.core_type = #tpu.core_type<tc>, window_params = [{transform_indices = @transform_0, window_bounds = array<i64: 1000, 128>}, {transform_indices = @transform_1, window_bounds = array<i64: 2, 1000, 128>}, {transform_indices = @transform_2, window_bounds = array<i64: 2, 1000, 128>}, {transform_indices = @transform_3, window_bounds = array<i64: 1000, 1>}, {pipeline_mode = #tpu.pipeline_mode<synchronous>, transform_indices = @transform_4, window_bounds = array<i64: 16, 128>}, {pipeline_mode = #tpu.pipeline_mode<synchronous>, transform_indices = @transform_5, window_bounds = array<i64: 16, 128>}, {pipeline_mode = #tpu.pipeline_mode<synchronous>, transform_indices = @transform_6, window_bounds = array<i64: 16, 128>}, {pipeline_mode = #tpu.pipeline_mode<synchronous>, transform_indices = @transform_7, window_bounds = array<i64: 16, 128>}, {pipeline_mode = #tpu.pipeline_mode<synchronous>, transform_indices = @transform_8, window_bounds = array<i64: 128, 128>}, {pipeline_mode = #tpu.pipeline_mode<synchronous>, transform_indices = @transform_9, window_bounds = array<i64: 1, 128>}, {pipeline_mode = #tpu.pipeline_mode<synchronous>, transform_indices = @transform_10, window_bounds = array<i64: 128, 128>}, {pipeline_mode = #tpu.pipeline_mode<synchronous>, transform_indices = @transform_11, window_bounds = array<i64: 128, 128>}, {pipeline_mode = #tpu.pipeline_mode<synchronous>, transform_indices = @transform_12, window_bounds = array<i64: 128, 128>}, {pipeline_mode = #tpu.pipeline_mode<synchronous>, transform_indices = @transform_13, window_bounds = array<i64: 128, 128>}, {pipeline_mode = #tpu.pipeline_mode<synchronous>, transform_indices = @transform_14, window_bounds = array<i64: 16, 128>}, {pipeline_mode = #tpu.pipeline_mode<synchronous>, transform_indices = @transform_15, window_bounds = array<i64: 128, 128>}, {pipeline_mode = #tpu.pipeline_mode<synchronous>, transform_indices = @transform_16, window_bounds = array<i64: 1, 128>}, {pipeline_mode = #tpu.pipeline_mode<synchronous>, transform_indices = @transform_17, window_bounds = array<i64: 128, 128>}, {pipeline_mode = #tpu.pipeline_mode<synchronous>, transform_indices = @transform_18, window_bounds = array<i64: 128, 128>}, {pipeline_mode = #tpu.pipeline_mode<synchronous>, transform_indices = @transform_19, window_bounds = array<i64: 1, 128>}, {pipeline_mode = #tpu.pipeline_mode<synchronous>, transform_indices = @transform_20, window_bounds = array<i64: 128, 128>}, {pipeline_mode = #tpu.pipeline_mode<synchronous>, transform_indices = @transform_21, window_bounds = array<i64: 128, 128>}, {pipeline_mode = #tpu.pipeline_mode<synchronous>, transform_indices = @transform_22, window_bounds = array<i64: 1, 128>}, {pipeline_mode = #tpu.pipeline_mode<synchronous>, transform_indices = @transform_23, window_bounds = array<i64: 128, 128>}, {pipeline_mode = #tpu.pipeline_mode<synchronous>, transform_indices = @transform_24, window_bounds = array<i64: 1, 128>}, {transform_indices = @transform_25, window_bounds = array<i64: 1000, 2>}]} {
    %get3A = arith.constant 0 : index
    %get3A_0 = arith.constant 0 : index
    %get3A_1 = vector.load %arg8[%get3A, %get3A_0] : memref<16x128xf32, #tpu.memory_space<vmem>>, vector<16x128xf32>
    %max3A = arith.constant 1.000000e+00 : f32
    %max3A_2 = vector.broadcast %max3A : f32 to vector<16x128xf32>
    %max3A_3 = arith.maximumf %get3A_1, %max3A_2 : vector<16x128xf32>
    %get3A_4 = arith.constant 0 : index
    %get3A_5 = arith.constant 0 : index
    %get3A_6 = vector.load %arg18[%get3A_4, %get3A_5] : memref<128x128xf32, #tpu.memory_space<vmem>>, vector<128x128xf32>
    %get3A_7 = arith.constant 0 : index
    %get3A_8 = arith.constant 0 : index
    %get3A_9 = vector.load %arg19[%get3A_7, %get3A_8] : memref<128x128xf32, #tpu.memory_space<vmem>>, vector<128x128xf32>
    %get3A_10 = arith.constant 0 : index
    %get3A_11 = arith.constant 0 : index
    %get3A_12 = vector.load %arg20[%get3A_10, %get3A_11] : memref<1x128xf32, #tpu.memory_space<vmem>>, vector<1x128xf32>
    %get3A_13 = arith.constant 0 : index
    %get3A_14 = arith.constant 0 : index
    %get3A_15 = vector.load %arg21[%get3A_13, %get3A_14] : memref<128x128xf32, #tpu.memory_space<vmem>>, vector<128x128xf32>
    %get3A_16 = arith.constant 0 : index
    %get3A_17 = arith.constant 0 : index
    %get3A_18 = vector.load %arg22[%get3A_16, %get3A_17] : memref<128x128xf32, #tpu.memory_space<vmem>>, vector<128x128xf32>
    %get3A_19 = arith.constant 0 : index
    %get3A_20 = arith.constant 0 : index
    %get3A_21 = vector.load %arg23[%get3A_19, %get3A_20] : memref<1x128xf32, #tpu.memory_space<vmem>>, vector<1x128xf32>
    %get3A_22 = arith.constant 0 : index
    %get3A_23 = arith.constant 0 : index
    %get3A_24 = vector.load %arg5[%get3A_22, %get3A_23] : memref<16x128xf32, #tpu.memory_space<vmem>>, vector<16x128xf32>
    %get3A_25 = arith.constant 0 : index
    %get3A_26 = arith.constant 0 : index
    %get3A_27 = vector.load %arg6[%get3A_25, %get3A_26] : memref<16x128xf32, #tpu.memory_space<vmem>>, vector<16x128xf32>
    %get3A_28 = arith.constant 0 : index
    %get3A_29 = arith.constant 0 : index
    %get3A_30 = vector.load %arg7[%get3A_28, %get3A_29] : memref<16x128xf32, #tpu.memory_space<vmem>>, vector<16x128xf32>
    %div3A = arith.divf %get3A_24, %max3A_3 : vector<16x128xf32>
    %div3A_31 = arith.divf %get3A_27, %max3A_3 : vector<16x128xf32>
    %dot_general3A = arith.constant dense<0.000000e+00> : vector<16x128xf32>
    %dot_general3A_32 = tpu.matmul %div3A, %get3A_6, %dot_general3A {dimension_numbers = #tpu.dot_dimension_numbers<[1], [0], [0], [1], [0, 0, 1, 1], [], []>, transpose_lhs_hint = false} : vector<16x128xf32>, vector<128x128xf32>, vector<16x128xf32> -> vector<16x128xf32>
    %dot_general3A_33 = arith.constant dense<0.000000e+00> : vector<16x128xf32>
    %dot_general3A_34 = tpu.matmul %div3A_31, %get3A_9, %dot_general3A_33 {dimension_numbers = #tpu.dot_dimension_numbers<[1], [0], [0], [1], [0, 0, 1, 1], [], []>, transpose_lhs_hint = false} : vector<16x128xf32>, vector<128x128xf32>, vector<16x128xf32> -> vector<16x128xf32>
    %add3A = arith.addf %dot_general3A_32, %dot_general3A_34 : vector<16x128xf32>
    %add3A_35 = vector.broadcast %get3A_12 : vector<1x128xf32> to vector<16x128xf32>
    %add3A_36 = arith.addf %add3A, %add3A_35 : vector<16x128xf32>
    %max3A_37 = arith.constant 0.000000e+00 : f32
    %max3A_38 = vector.broadcast %max3A_37 : f32 to vector<16x128xf32>
    %max3A_39 = arith.maximumf %add3A_36, %max3A_38 : vector<16x128xf32>
    %div3A_40 = arith.divf %get3A_30, %max3A_3 : vector<16x128xf32>
    %dot_general3A_41 = arith.constant dense<0.000000e+00> : vector<16x128xf32>
    %dot_general3A_42 = tpu.matmul %max3A_39, %get3A_15, %dot_general3A_41 {dimension_numbers = #tpu.dot_dimension_numbers<[1], [0], [0], [1], [0, 0, 1, 1], [], []>, transpose_lhs_hint = false} : vector<16x128xf32>, vector<128x128xf32>, vector<16x128xf32> -> vector<16x128xf32>
    %dot_general3A_43 = arith.constant dense<0.000000e+00> : vector<16x128xf32>
    %dot_general3A_44 = tpu.matmul %div3A_40, %get3A_18, %dot_general3A_43 {dimension_numbers = #tpu.dot_dimension_numbers<[1], [0], [0], [1], [0, 0, 1, 1], [], []>, transpose_lhs_hint = false} : vector<16x128xf32>, vector<128x128xf32>, vector<16x128xf32> -> vector<16x128xf32>
    %add3A_45 = arith.addf %dot_general3A_42, %dot_general3A_44 : vector<16x128xf32>
    %add3A_46 = vector.broadcast %get3A_21 : vector<1x128xf32> to vector<16x128xf32>
    %add3A_47 = arith.addf %add3A_45, %add3A_46 : vector<16x128xf32>
    %max3A_48 = arith.constant 0.000000e+00 : f32
    %max3A_49 = vector.broadcast %max3A_48 : f32 to vector<16x128xf32>
    %max3A_50 = arith.maximumf %add3A_47, %max3A_49 : vector<16x128xf32>
    %add3A_51 = arith.addf %max3A_39, %max3A_50 : vector<16x128xf32>
    %get3A_52 = arith.constant 0 : index
    %get3A_53 = arith.constant 0 : index
    %get3A_54 = vector.load %arg1[%get3A_52, %get3A_53] : memref<1000x128xf32, #tpu.memory_space<vmem>>, vector<1000x128xf32>
    %get3A_55 = arith.constant 0 : index
    %get3A_56 = arith.constant 0 : index
    %get3A_57 = arith.constant 0 : index
    %get3A_58 = vector.load %arg2[%get3A_55, %get3A_56, %get3A_57] : memref<2x1000x128xf32, #tpu.memory_space<vmem>>, vector<1x1000x128xf32>
    %get3A_59 = vector.shape_cast %get3A_58 : vector<1x1000x128xf32> to vector<1000x128xf32>
    %get3A_60 = arith.constant 1 : index
    %get3A_61 = arith.constant 0 : index
    %get3A_62 = arith.constant 0 : index
    %get3A_63 = vector.load %arg2[%get3A_60, %get3A_61, %get3A_62] : memref<2x1000x128xf32, #tpu.memory_space<vmem>>, vector<1x1000x128xf32>
    %get3A_64 = vector.shape_cast %get3A_63 : vector<1x1000x128xf32> to vector<1000x128xf32>
    %add3A_65 = arith.addf %get3A_59, %get3A_64 : vector<1000x128xf32>
    %get3A_66 = arith.constant 0 : index
    %get3A_67 = arith.constant 0 : index
    %get3A_68 = arith.constant 0 : index
    %get3A_69 = vector.load %arg3[%get3A_66, %get3A_67, %get3A_68] : memref<2x1000x128xf32, #tpu.memory_space<vmem>>, vector<1x1000x128xf32>
    %get3A_70 = vector.shape_cast %get3A_69 : vector<1x1000x128xf32> to vector<1000x128xf32>
    %get3A_71 = arith.constant 1 : index
    %get3A_72 = arith.constant 0 : index
    %get3A_73 = arith.constant 0 : index
    %get3A_74 = vector.load %arg3[%get3A_71, %get3A_72, %get3A_73] : memref<2x1000x128xf32, #tpu.memory_space<vmem>>, vector<1x1000x128xf32>
    %get3A_75 = vector.shape_cast %get3A_74 : vector<1x1000x128xf32> to vector<1000x128xf32>
    %add3A_76 = arith.addf %get3A_70, %get3A_75 : vector<1000x128xf32>
    %slice3A = vector.extract_strided_slice %add3A_76 {offsets = [0, 16], sizes = [1000, 1], strides = [1, 1]} : vector<1000x128xf32> to vector<1000x1xf32>
    %max3A_77 = arith.constant 1.000000e+00 : f32
    %max3A_78 = vector.broadcast %max3A_77 : f32 to vector<1000x1xf32>
    %max3A_79 = arith.maximumf %slice3A, %max3A_78 : vector<1000x1xf32>
    %div3A_80 = arith.constant 1.000000e+00 : f32
    %div3A_81 = vector.broadcast %div3A_80 : f32 to vector<1000x1xf32>
    %div3A_82 = arith.divf %div3A_81, %max3A_79 : vector<1000x1xf32>
    %gt3A = arith.constant 0.000000e+00 : f32
    %gt3A_83 = vector.broadcast %gt3A : f32 to vector<1000x1xf32>
    %gt3A_84 = arith.cmpf ogt, %slice3A, %gt3A_83 : vector<1000x1xf32>
    %jit3A = arith.constant 1.000000e+00 : f32
    %jit3A_85 = arith.constant 0.000000e+00 : f32
    %broadcast_in_dim3A = vector.broadcast %jit3A : f32 to vector<1000x1xf32>
    %broadcast_in_dim3A_86 = vector.broadcast %jit3A_85 : f32 to vector<1000x1xf32>
    %select_n3A = arith.select %gt3A_84, %broadcast_in_dim3A, %broadcast_in_dim3A_86 : vector<1000x1xi1>, vector<1000x1xf32>
    %mul3A = vector.broadcast %div3A_82 : vector<1000x1xf32> to vector<1000x128xf32>
    %mul3A_87 = arith.mulf %add3A_65, %mul3A : vector<1000x128xf32>
    %slice3A_88 = vector.extract_strided_slice %add3A_76 {offsets = [0, 0], sizes = [1000, 16], strides = [1, 1]} : vector<1000x128xf32> to vector<1000x16xf32>
    %mul3A_89 = vector.broadcast %div3A_82 : vector<1000x1xf32> to vector<1000x16xf32>
    %mul3A_90 = arith.mulf %slice3A_88, %mul3A_89 : vector<1000x16xf32>
    %get3A_91 = arith.constant 0 : index
    %get3A_92 = arith.constant 0 : index
    %get3A_93 = vector.load %arg4[%get3A_91, %get3A_92] : memref<1000x1xf32, #tpu.memory_space<vmem>>, vector<1000x1xf32>
    %iota3A = tpu.iota {dimensions = array<i32: 1>} : vector<1000x16xi32>
    %convert_element_type3A = arith.fptosi %get3A_93 : vector<1000x1xf32> to vector<1000x1xi32>
    %eq3A = vector.broadcast %convert_element_type3A : vector<1000x1xi32> to vector<1000x16xi32>
    %eq3A_94 = arith.cmpi eq, %eq3A, %iota3A : vector<1000x16xi32>
    %jit3A_95 = arith.constant 1.000000e+00 : f32
    %jit3A_96 = arith.constant 0.000000e+00 : f32
    %broadcast_in_dim3A_97 = vector.broadcast %jit3A_95 : f32 to vector<1000x16xf32>
    %broadcast_in_dim3A_98 = vector.broadcast %jit3A_96 : f32 to vector<1000x16xf32>
    %select_n3A_99 = arith.select %eq3A_94, %broadcast_in_dim3A_97, %broadcast_in_dim3A_98 : vector<1000x16xi1>, vector<1000x16xf32>
    %dot_general3A_100 = arith.constant dense<0.000000e+00> : vector<1000x128xf32>
    %dot_general3A_101 = tpu.matmul %select_n3A_99, %add3A_51, %dot_general3A_100 {dimension_numbers = #tpu.dot_dimension_numbers<[1], [0], [0], [1], [0, 0, 1, 1], [], []>, transpose_lhs_hint = false} : vector<1000x16xf32>, vector<16x128xf32>, vector<1000x128xf32> -> vector<1000x128xf32>
    %get3A_102 = arith.constant 0 : index
    %get3A_103 = arith.constant 0 : index
    %get3A_104 = vector.load %arg13[%get3A_102, %get3A_103] : memref<128x128xf32, #tpu.memory_space<vmem>>, vector<128x128xf32>
    %dot_general3A_105 = arith.constant dense<0.000000e+00> : vector<1000x128xf32>
    %dot_general3A_106 = tpu.matmul %get3A_54, %get3A_104, %dot_general3A_105 {dimension_numbers = #tpu.dot_dimension_numbers<[1], [0], [0], [1], [0, 0, 1, 1], [], []>, transpose_lhs_hint = false} : vector<1000x128xf32>, vector<128x128xf32>, vector<1000x128xf32> -> vector<1000x128xf32>
    %get3A_107 = arith.constant 0 : index
    %get3A_108 = arith.constant 0 : index
    %get3A_109 = vector.load %arg16[%get3A_107, %get3A_108] : memref<128x128xf32, #tpu.memory_space<vmem>>, vector<128x128xf32>
    %dot_general3A_110 = arith.constant dense<0.000000e+00> : vector<1000x128xf32>
    %dot_general3A_111 = tpu.matmul %dot_general3A_101, %get3A_109, %dot_general3A_110 {dimension_numbers = #tpu.dot_dimension_numbers<[1], [0], [0], [1], [0, 0, 1, 1], [], []>, transpose_lhs_hint = false} : vector<1000x128xf32>, vector<128x128xf32>, vector<1000x128xf32> -> vector<1000x128xf32>
    %add3A_112 = arith.addf %dot_general3A_106, %dot_general3A_111 : vector<1000x128xf32>
    %get3A_113 = arith.constant 0 : index
    %get3A_114 = arith.constant 0 : index
    %get3A_115 = vector.load %arg14[%get3A_113, %get3A_114] : memref<128x128xf32, #tpu.memory_space<vmem>>, vector<128x128xf32>
    %dot_general3A_116 = arith.constant dense<0.000000e+00> : vector<1000x128xf32>
    %dot_general3A_117 = tpu.matmul %mul3A_87, %get3A_115, %dot_general3A_116 {dimension_numbers = #tpu.dot_dimension_numbers<[1], [0], [0], [1], [0, 0, 1, 1], [], []>, transpose_lhs_hint = false} : vector<1000x128xf32>, vector<128x128xf32>, vector<1000x128xf32> -> vector<1000x128xf32>
    %add3A_118 = arith.addf %add3A_112, %dot_general3A_117 : vector<1000x128xf32>
    %get3A_119 = arith.constant 0 : index
    %get3A_120 = arith.constant 0 : index
    %get3A_121 = vector.load %arg15[%get3A_119, %get3A_120] : memref<16x128xf32, #tpu.memory_space<vmem>>, vector<16x128xf32>
    %dot_general3A_122 = arith.constant dense<0.000000e+00> : vector<1000x128xf32>
    %dot_general3A_123 = tpu.matmul %mul3A_90, %get3A_121, %dot_general3A_122 {dimension_numbers = #tpu.dot_dimension_numbers<[1], [0], [0], [1], [0, 0, 1, 1], [], []>, transpose_lhs_hint = false} : vector<1000x16xf32>, vector<16x128xf32>, vector<1000x128xf32> -> vector<1000x128xf32>
    %add3A_124 = arith.addf %add3A_118, %dot_general3A_123 : vector<1000x128xf32>
    %get3A_125 = arith.constant 0 : index
    %get3A_126 = arith.constant 0 : index
    %get3A_127 = vector.load %arg17[%get3A_125, %get3A_126] : memref<1x128xf32, #tpu.memory_space<vmem>>, vector<1x128xf32>
    %add3A_128 = vector.broadcast %get3A_127 : vector<1x128xf32> to vector<1000x128xf32>
    %add3A_129 = arith.addf %add3A_124, %add3A_128 : vector<1000x128xf32>
    %mul3A_130 = vector.broadcast %select_n3A : vector<1000x1xf32> to vector<1000x128xf32>
    %mul3A_131 = arith.mulf %add3A_129, %mul3A_130 : vector<1000x128xf32>
    %get3A_132 = arith.constant 0 : index
    %get3A_133 = arith.constant 0 : index
    %get3A_134 = vector.load %arg9[%get3A_132, %get3A_133] : memref<128x128xf32, #tpu.memory_space<vmem>>, vector<128x128xf32>
    %dot_general3A_135 = arith.constant dense<0.000000e+00> : vector<1000x128xf32>
    %dot_general3A_136 = tpu.matmul %get3A_54, %get3A_134, %dot_general3A_135 {dimension_numbers = #tpu.dot_dimension_numbers<[1], [0], [0], [1], [0, 0, 1, 1], [], []>, transpose_lhs_hint = false} : vector<1000x128xf32>, vector<128x128xf32>, vector<1000x128xf32> -> vector<1000x128xf32>
    %get3A_137 = arith.constant 0 : index
    %get3A_138 = arith.constant 0 : index
    %get3A_139 = vector.load %arg10[%get3A_137, %get3A_138] : memref<1x128xf32, #tpu.memory_space<vmem>>, vector<1x128xf32>
    %add3A_140 = vector.broadcast %get3A_139 : vector<1x128xf32> to vector<1000x128xf32>
    %add3A_141 = arith.addf %dot_general3A_136, %add3A_140 : vector<1000x128xf32>
    %get3A_142 = arith.constant 0 : index
    %get3A_143 = arith.constant 0 : index
    %get3A_144 = vector.load %arg11[%get3A_142, %get3A_143] : memref<128x128xf32, #tpu.memory_space<vmem>>, vector<128x128xf32>
    %dot_general3A_145 = arith.constant dense<0.000000e+00> : vector<1000x128xf32>
    %dot_general3A_146 = tpu.matmul %mul3A_131, %get3A_144, %dot_general3A_145 {dimension_numbers = #tpu.dot_dimension_numbers<[1], [0], [0], [1], [0, 0, 1, 1], [], []>, transpose_lhs_hint = false} : vector<1000x128xf32>, vector<128x128xf32>, vector<1000x128xf32> -> vector<1000x128xf32>
    %add3A_147 = arith.addf %add3A_141, %dot_general3A_146 : vector<1000x128xf32>
    %get3A_148 = arith.constant 0 : index
    %get3A_149 = arith.constant 0 : index
    %get3A_150 = vector.load %arg12[%get3A_148, %get3A_149] : memref<128x128xf32, #tpu.memory_space<vmem>>, vector<128x128xf32>
    %dot_general3A_151 = arith.constant dense<0.000000e+00> : vector<1000x128xf32>
    %dot_general3A_152 = tpu.matmul %dot_general3A_101, %get3A_150, %dot_general3A_151 {dimension_numbers = #tpu.dot_dimension_numbers<[1], [0], [0], [1], [0, 0, 1, 1], [], []>, transpose_lhs_hint = false} : vector<1000x128xf32>, vector<128x128xf32>, vector<1000x128xf32> -> vector<1000x128xf32>
    %add3A_153 = arith.addf %add3A_147, %dot_general3A_152 : vector<1000x128xf32>
    %max3A_154 = arith.constant 0.000000e+00 : f32
    %max3A_155 = vector.broadcast %max3A_154 : f32 to vector<1000x128xf32>
    %max3A_156 = arith.maximumf %add3A_153, %max3A_155 : vector<1000x128xf32>
    %add3A_157 = arith.addf %get3A_54, %max3A_156 : vector<1000x128xf32>
    %get3A_158 = arith.constant 0 : index
    %get3A_159 = arith.constant 0 : index
    %get3A_160 = vector.load %arg24[%get3A_158, %get3A_159] : memref<128x128xf32, #tpu.memory_space<vmem>>, vector<128x128xf32>
    %dot_general3A_161 = arith.constant dense<0.000000e+00> : vector<1000x128xf32>
    %dot_general3A_162 = tpu.matmul %add3A_157, %get3A_160, %dot_general3A_161 {dimension_numbers = #tpu.dot_dimension_numbers<[1], [0], [0], [1], [0, 0, 1, 1], [], []>, transpose_lhs_hint = false} : vector<1000x128xf32>, vector<128x128xf32>, vector<1000x128xf32> -> vector<1000x128xf32>
    %get3A_163 = arith.constant 0 : index
    %get3A_164 = arith.constant 0 : index
    %get3A_165 = vector.load %arg25[%get3A_163, %get3A_164] : memref<1x128xf32, #tpu.memory_space<vmem>>, vector<1x128xf32>
    %add3A_166 = vector.broadcast %get3A_165 : vector<1x128xf32> to vector<1000x128xf32>
    %add3A_167 = arith.addf %dot_general3A_162, %add3A_166 : vector<1000x128xf32>
    %slice3A_168 = vector.extract_strided_slice %add3A_167 {offsets = [0, 0], sizes = [1000, 1], strides = [1, 1]} : vector<1000x128xf32> to vector<1000x1xf32>
    %slice3A_169 = vector.extract_strided_slice %add3A_167 {offsets = [0, 1], sizes = [1000, 1], strides = [1, 1]} : vector<1000x128xf32> to vector<1000x1xf32>
    %custom_jvp_call3A = arith.constant 0.000000e+00 : f32
    %max3A_170 = vector.broadcast %custom_jvp_call3A : f32 to vector<1000x1xf32>
    %max3A_171 = arith.maximumf %slice3A_169, %max3A_170 : vector<1000x1xf32>
    %sub3A = vector.broadcast %custom_jvp_call3A : f32 to vector<1000x1xf32>
    %sub3A_172 = arith.subf %slice3A_169, %sub3A : vector<1000x1xf32>
    %ne3A = arith.cmpf one, %sub3A_172, %sub3A_172 : vector<1000x1xf32>
    %add3A_173 = vector.broadcast %custom_jvp_call3A : f32 to vector<1000x1xf32>
    %add3A_174 = arith.addf %slice3A_169, %add3A_173 : vector<1000x1xf32>
    %abs3A = math.absf %sub3A_172 : vector<1000x1xf32>
    %neg3A = arith.constant 0.000000e+00 : f32
    %neg3A_175 = vector.broadcast %neg3A : f32 to vector<1000x1xf32>
    %neg3A_176 = arith.subf %neg3A_175, %abs3A : vector<1000x1xf32>
    %exp3A = math.exp %neg3A_176 : vector<1000x1xf32>
    %log1p3A = math.log1p %exp3A : vector<1000x1xf32>
    %add3A_177 = arith.addf %max3A_171, %log1p3A : vector<1000x1xf32>
    %select_n3A_178 = arith.select %ne3A, %add3A_174, %add3A_177 : vector<1000x1xi1>, vector<1000x1xf32>
    %concatenate3A = tpu.concatenate %slice3A_168, %select_n3A_178 in 1 : vector<1000x1xf32>, vector<1000x1xf32> -> vector<1000x2xf32>
    %swap3A = arith.constant 0 : index
    %swap3A_179 = arith.constant 0 : index
    %swap3A_180 = vector.load %arg26[%swap3A, %swap3A_179] : memref<1000x2xf32, #tpu.memory_space<vmem>>, vector<1000x2xf32>
    tpu.vector_store %arg26[%swap3A, %swap3A_179], %concatenate3A {strides = array<i32>} : memref<1000x2xf32, #tpu.memory_space<vmem>>, vector<1000x2xf32>,
    return
  }
  func.func @transform_0(%arg0: i32) -> (i32, i32) {
    %c0_i32 = arith.constant 0 : i32
    %c0_i32_0 = arith.constant 0 : i32
    return %arg0, %c0_i32 : i32, i32
  }
  func.func @transform_1(%arg0: i32) -> (i32, i32, i32) {
    %c0_i32 = arith.constant 0 : i32
    %c0_i32_0 = arith.constant 0 : i32
    %c0_i32_1 = arith.constant 0 : i32
    return %c0_i32, %arg0, %c0_i32_0 : i32, i32, i32
  }
  func.func @transform_2(%arg0: i32) -> (i32, i32, i32) {
    %c0_i32 = arith.constant 0 : i32
    %c0_i32_0 = arith.constant 0 : i32
    %c0_i32_1 = arith.constant 0 : i32
    return %c0_i32, %arg0, %c0_i32_0 : i32, i32, i32
  }
  func.func @transform_3(%arg0: i32) -> (i32, i32) {
    %c0_i32 = arith.constant 0 : i32
    %c0_i32_0 = arith.constant 0 : i32
    return %arg0, %c0_i32 : i32, i32
  }
  func.func @transform_4(%arg0: i32) -> (i32, i32) {
    %c0_i32 = arith.constant 0 : i32
    %c0_i32_0 = arith.constant 0 : i32
    %c0_i32_1 = arith.constant 0 : i32
    return %c0_i32, %c0_i32_0 : i32, i32
  }
  func.func @transform_5(%arg0: i32) -> (i32, i32) {
    %c0_i32 = arith.constant 0 : i32
    %c0_i32_0 = arith.constant 0 : i32
    %c0_i32_1 = arith.constant 0 : i32
    return %c0_i32, %c0_i32_0 : i32, i32
  }
  func.func @transform_6(%arg0: i32) -> (i32, i32) {
    %c0_i32 = arith.constant 0 : i32
    %c0_i32_0 = arith.constant 0 : i32
    %c0_i32_1 = arith.constant 0 : i32
    return %c0_i32, %c0_i32_0 : i32, i32
  }
  func.func @transform_7(%arg0: i32) -> (i32, i32) {
    %c0_i32 = arith.constant 0 : i32
    %c0_i32_0 = arith.constant 0 : i32
    %c0_i32_1 = arith.constant 0 : i32
    return %c0_i32, %c0_i32_0 : i32, i32
  }
  func.func @transform_8(%arg0: i32) -> (i32, i32) {
    %c0_i32 = arith.constant 0 : i32
    %c0_i32_0 = arith.constant 0 : i32
    %c0_i32_1 = arith.constant 0 : i32
    return %c0_i32, %c0_i32_0 : i32, i32
  }
  func.func @transform_9(%arg0: i32) -> (i32, i32) {
    %c0_i32 = arith.constant 0 : i32
    %c0_i32_0 = arith.constant 0 : i32
    %c0_i32_1 = arith.constant 0 : i32
    return %c0_i32, %c0_i32_0 : i32, i32
  }
  func.func @transform_10(%arg0: i32) -> (i32, i32) {
    %c0_i32 = arith.constant 0 : i32
    %c0_i32_0 = arith.constant 0 : i32
    %c0_i32_1 = arith.constant 0 : i32
    return %c0_i32, %c0_i32_0 : i32, i32
  }
  func.func @transform_11(%arg0: i32) -> (i32, i32) {
    %c0_i32 = arith.constant 0 : i32
    %c0_i32_0 = arith.constant 0 : i32
    %c0_i32_1 = arith.constant 0 : i32
    return %c0_i32, %c0_i32_0 : i32, i32
  }
  func.func @transform_12(%arg0: i32) -> (i32, i32) {
    %c0_i32 = arith.constant 0 : i32
    %c0_i32_0 = arith.constant 0 : i32
    %c0_i32_1 = arith.constant 0 : i32
    return %c0_i32, %c0_i32_0 : i32, i32
  }
  func.func @transform_13(%arg0: i32) -> (i32, i32) {
    %c0_i32 = arith.constant 0 : i32
    %c0_i32_0 = arith.constant 0 : i32
    %c0_i32_1 = arith.constant 0 : i32
    return %c0_i32, %c0_i32_0 : i32, i32
  }
  func.func @transform_14(%arg0: i32) -> (i32, i32) {
    %c0_i32 = arith.constant 0 : i32
    %c0_i32_0 = arith.constant 0 : i32
    %c0_i32_1 = arith.constant 0 : i32
    return %c0_i32, %c0_i32_0 : i32, i32
  }
  func.func @transform_15(%arg0: i32) -> (i32, i32) {
    %c0_i32 = arith.constant 0 : i32
    %c0_i32_0 = arith.constant 0 : i32
    %c0_i32_1 = arith.constant 0 : i32
    return %c0_i32, %c0_i32_0 : i32, i32
  }
  func.func @transform_16(%arg0: i32) -> (i32, i32) {
    %c0_i32 = arith.constant 0 : i32
    %c0_i32_0 = arith.constant 0 : i32
    %c0_i32_1 = arith.constant 0 : i32
    return %c0_i32, %c0_i32_0 : i32, i32
  }
  func.func @transform_17(%arg0: i32) -> (i32, i32) {
    %c0_i32 = arith.constant 0 : i32
    %c0_i32_0 = arith.constant 0 : i32
    %c0_i32_1 = arith.constant 0 : i32
    return %c0_i32, %c0_i32_0 : i32, i32
  }
  func.func @transform_18(%arg0: i32) -> (i32, i32) {
    %c0_i32 = arith.constant 0 : i32
    %c0_i32_0 = arith.constant 0 : i32
    %c0_i32_1 = arith.constant 0 : i32
    return %c0_i32, %c0_i32_0 : i32, i32
  }
  func.func @transform_19(%arg0: i32) -> (i32, i32) {
    %c0_i32 = arith.constant 0 : i32
    %c0_i32_0 = arith.constant 0 : i32
    %c0_i32_1 = arith.constant 0 : i32
    return %c0_i32, %c0_i32_0 : i32, i32
  }
  func.func @transform_20(%arg0: i32) -> (i32, i32) {
    %c0_i32 = arith.constant 0 : i32
    %c0_i32_0 = arith.constant 0 : i32
    %c0_i32_1 = arith.constant 0 : i32
    return %c0_i32, %c0_i32_0 : i32, i32
  }
  func.func @transform_21(%arg0: i32) -> (i32, i32) {
    %c0_i32 = arith.constant 0 : i32
    %c0_i32_0 = arith.constant 0 : i32
    %c0_i32_1 = arith.constant 0 : i32
    return %c0_i32, %c0_i32_0 : i32, i32
  }
  func.func @transform_22(%arg0: i32) -> (i32, i32) {
    %c0_i32 = arith.constant 0 : i32
    %c0_i32_0 = arith.constant 0 : i32
    %c0_i32_1 = arith.constant 0 : i32
    return %c0_i32, %c0_i32_0 : i32, i32
  }
  func.func @transform_23(%arg0: i32) -> (i32, i32) {
    %c0_i32 = arith.constant 0 : i32
    %c0_i32_0 = arith.constant 0 : i32
    %c0_i32_1 = arith.constant 0 : i32
    return %c0_i32, %c0_i32_0 : i32, i32
  }
  func.func @transform_24(%arg0: i32) -> (i32, i32) {
    %c0_i32 = arith.constant 0 : i32
    %c0_i32_0 = arith.constant 0 : i32
    %c0_i32_1 = arith.constant 0 : i32
    return %c0_i32, %c0_i32_0 : i32, i32
  }
  func.func @transform_25(%arg0: i32) -> (i32, i32) {
    %c0_i32 = arith.constant 0 : i32
    %c0_i32_0 = arith.constant 0 : i32
    return %arg0, %c0_i32 : i32, i32
  }
}

</mosaic_0001>

<sc_bundles>
// kernel: kernel.10.cloned.1.call-start
scs
__scs_entry_jumppad:
0x0: {  	(pc) =	sbr.rel $0x88, $3  }
0x1: {  	(tag) =	ssettag $0x0;
	lr =	simm.s32 $0x1  }
0x2: {  	[smem:$0x3F84] =	sst lr;
	_ =	strace $0xD0000000  }
0x3: {  	_ = 	snop  }
0x4: {  	_ = 	snop  }
0x5: {  	_ = 	snop  }
0x6: {  	_ = 	snop  }
0x7: {  	_ = 	snop  }
__scs_overlays_trampoline_lowered:
0x8: {  	[smem:$0x3F93] =	sst s0  }
0x9: {  	[smem:$0x3F94] =	sst s1  }
0xa: {  	[smem:$0x3F95] =	sst s2  }
0xb: {  	[smem:$0x3F96] =	sst s3  }
0xc: {  	[smem:$0x3F97] =	sst s4  }
0xd: {  	[smem:$0x3F98] =	sst s5  }
0xe: {  	[smem:$0x3F99] =	sst s6  }
0xf: {  	[smem:$0x3F9A] =	sst s7  }
0x10: {  	[smem:$0x3F9B] =	sst s8  }
0x11: {  	[smem:$0x3F9C] =	sst s9;
	s0 =	simm.s32 @!p0 $0x0  }
0x12: {  	s1 =	sld [smem:$0x3F82];
	s0 =	simm.s32 @p0 $0x1  }
0x13: {  	[smem:$0x3F9D] =	sst s0;
	s0 =	simm.s32 @!p1 $0x0  }
0x14: {  	s2 =	sld [smem:$0x3F81];
	s0 =	simm.s32 @p1 $0x1  }
0x15: {  	[smem:$0x3F9E] =	sst s0;
	s0 =	simm.s32 @!p2 $0x0  }
0x16: {  	s3 =	sld [smem:$0x3FDB];
	s0 =	simm.s32 @p2 $0x1  }
0x17: {  	s4 =	simm.s32 $0x1BF5;
	[smem:$0x3FA0] =	sst s0  }
0x18: {  	s0 =	sld [smem:$0x3F83];
	_ =	swait.ge [sflag:s4], $0x0  }
0x19: {  	s7 =	sld [smem:$0x3F84]  }
0x1a: {  	s8 =	sadd.s32 $0xFFFFE003, lr  }
0x1b: {  	s9 =	sadd.s32 $0xFFFFFEF7, lr;
	s5 =	simm.s32 $0xFFFFFFFF;
	p2 =	slt.u32 s8, $0xFFFFF086  }
0x1c: {  	p1 =	slt.u32 s9, $0xF7A;
	s5 =	simm.s32 @!p2 $0x0  }
0x1d: {  	s5 =	simm.s32 @p1 $0x1;
	p0 =	seq.s32 s7, s2  }
0x1e: {  	s7 =	smul.u32 @!p0 $0xF7A, s2;
	p2 =	seq.s32 @!p0 s5, $0x0  }
0x1f: {  	s9 =	smul.u32 $0xF7A, s1;
	s8 =	simm.s32 @!p0 $0x1BF5;
	p2 =	por !p2, p0  }
0x20: {  	[sflag:s8] =	ssyncset.s32 @!p0 $0xFFFFF086;
	s6 =	sadd.s32 @!p0 s3, s7;
	s7 =	simm.s32 @!p0 $0x108  }
0x21: {  	s3 =	sadd.s32 s3, s9;
	s6 =	sadd.s32 @!p0 $0x88, s6;
	s7 =	simm.s32 @p2 $0x1082  }
0x22: {  	[simem:s7], [sflag:s8] =	dma.local @!p0 [hbm:s6], $0xF7A  }
0x23: {  	s9 =	sor.u32 $0xD0000000, s2;
	s6 =	simm.s32 $0x108;
	_ =	swait.ge @!p0 [sflag:s8], $0x0  }
0x24: {  	s3 =	sadd.s32 $0x88, s3;
	s6 =	simm.s32 @!p1 $0x1082;
	[sflag:s4] =	ssyncset.s32 $0xFFFFF086  }
0x25: {  	[simem:s6], [sflag:s4] =	dma.local [hbm:s3], $0xF7A  }
0x26: {  	[smem:$0x3F84] =	sst s1;
	(tag) =	ssettag s2;
	_ =	strace s9  }
0x27: {  	s1 =	sld [smem:$0x3F94]  }
0x28: {  	s2 =	sld [smem:$0x3F95]  }
0x29: {  	s4 =	sld [smem:$0x3F97]  }
0x2a: {  	p0 =	seq.s32 s5, $0x0;
	s5 =	sld [smem:$0x3F98]  }
0x2b: {  	s6 =	sld [smem:$0x3F99]  }
0x2c: {  	s7 =	sld [smem:$0x3F9A]  }
0x2d: {  	s3 =	simm.s32 $0x108;
	s8 =	sld [smem:$0x3F9B]  }
0x2e: {  	s3 =	simm.s32 @!p0 $0x1082;
	s9 =	sld [smem:$0x3F9C]  }
0x2f: {  	lr =	sadd.s32 s0, s3;
	s0 =	sld [smem:$0x3F93]  }
0x30: {  	s3 =	sld [smem:$0x3F96]  }
0x31: {  	[smem:$0x3F9F] =	sst s10  }
0x32: {  	s10 =	sld [smem:$0x3F9D];
	_ =	sdelay $0x3  }
0x33: {  	p0 =	seq.s32 s10, $0x1;
	s10 =	sld [smem:$0x3F9F];
	_ =	sdelay $0x3  }
0x34: {  	[smem:$0x3F9F] =	sst s10  }
0x35: {  	s10 =	sld [smem:$0x3F9E];
	_ =	sdelay $0x3  }
0x36: {  	p1 =	seq.s32 s10, $0x1;
	s10 =	sld [smem:$0x3F9F];
	_ =	sdelay $0x3  }
0x37: {  	[smem:$0x3F9F] =	sst s10  }
0x38: {  	s10 =	sld [smem:$0x3FA0]  }
0x39: {  	_ = 	snop;
	(pc) =	sbr.ind lr, $3  }
0x3a: {  	_ = 	snop  }
0x3b: {  	_ = 	snop  }
0x3c: {  	p2 =	seq.s32 s10, $0x1;
	s10 =	sld [smem:$0x3F9F]  }
0x3d: {  	_ =	shalt  }
0x3e: {  	_ =	shalt  }
0x3f: {  	_ =	shalt  }
0x40: {  	_ =	shalt  }
0x41: {  	_ =	shalt  }
0x42: {  	_ =	shalt  }
0x43: {  	_ =	shalt  }
0x44: {  	_ =	shalt  }
0x45: {  	_ =	shalt  }
0x46: {  	_ =	shalt  }
0x47: {  	_ =	shalt  }
0x48: {  	_ =	shalt  }
0x49: {  	_ =	shalt  }
0x4a: {  	_ =	shalt  }
0x4b: {  	_ =	shalt  }
0x4c: {  	_ =	shalt  }
0x4d: {  	_ =	shalt  }
0x4e: {  	_ =	shalt  }
0x4f: {  	_ =	shalt  }
0x50: {  	_ =	shalt  }
0x51: {  	_ =	shalt  }
0x52: {  	_ =	shalt  }
0x53: {  	_ =	shalt  }
0x54: {  	_ =	shalt  }
0x55: {  	_ =	shalt  }
0x56: {  	_ =	shalt  }
0x57: {  	_ =	shalt  }
0x58: {  	_ =	shalt  }
0x59: {  	_ =	shalt  }
0x5a: {  	_ =	shalt  }
0x5b: {  	_ =	shalt  }
0x5c: {  	_ =	shalt  }
0x5d: {  	_ =	shalt  }
0x5e: {  	_ =	shalt  }
0x5f: {  	_ =	shalt  }
0x60: {  	_ =	shalt  }
0x61: {  	_ =	shalt  }
0x62: {  	_ =	shalt  }
0x63: {  	_ =	shalt  }
0x64: {  	_ =	shalt  }
0x65: {  	_ =	shalt  }
0x66: {  	_ =	shalt  }
0x67: {  	_ =	shalt  }
0x68: {  	_ =	shalt  }
0x69: {  	_ =	shalt  }
0x6a: {  	_ =	shalt  }
0x6b: {  	_ =	shalt  }
0x6c: {  	_ =	shalt  }
0x6d: {  	_ =	shalt  }
0x6e: {  	_ =	shalt  }
0x6f: {  	_ =	shalt  }
0x70: {  	_ =	shalt  }
0x71: {  	_ =	shalt  }
0x72: {  	_ =	shalt  }
0x73: {  	_ =	shalt  }
0x74: {  	_ =	shalt  }
0x75: {  	_ =	shalt  }
0x76: {  	_ =	shalt  }
0x77: {  	_ =	shalt  }
0x78: {  	_ =	shalt  }
0x79: {  	_ =	shalt  }
0x7a: {  	_ =	shalt  }
0x7b: {  	_ =	shalt  }
0x7c: {  	_ =	shalt  }
0x7d: {  	_ =	shalt  }
0x7e: {  	_ =	shalt  }
0x7f: {  	_ =	shalt  }
0x80: {  	_ =	shalt  }
0x81: {  	_ =	shalt  }
0x82: {  	_ =	shalt  }
0x83: {  	_ =	shalt  }
0x84: {  	_ =	shalt  }
0x85: {  	_ =	shalt  }
0x86: {  	_ =	shalt  }
0x87: {  	_ =	shalt  }
.Lfunc_end0:
.L_simem_size_0:
called_computation_lowered:
.L_overlay_start_0:
0x88: {  	s2 =	sld [smem:$0x3FD9]  }
0x89: {  	s3 =	sld [smem:$0x3FFE];
	_ =	sdelay $0x1  }
0x8a: {  	s1 =	srdreg.scid  }
0x8b: {  	s0 =	sand.u32 $0x1, s1  }
0x8c: {  	s17 =	sshll.u32 s0, $0xA;
	s2 =	sadd.s32 s3, s2  }
0x8d: {  	s2 =	sadd.s32 s2, s17  }
0x8e: {  	[smem:$0x3FAB] =	sst s2  }
0x8f: {  	_ = 	snop  }
0x90: {  	(tm) =	ssettm $0x1  }
0x91: {  	s18 =	sld [smem:$0x3FFB];
	_ =	sdelay $0x3  }
0x92: {  	_ =	strace s18  }
0x93: {  	s2 =	sld [smem:$0x3FFC];
	_ =	sdelay $0x3  }
0x94: {  	_ =	strace s2  }
0x95: {  	s2 =	sld [smem:$0x3FFD];
	_ =	sdelay $0x3  }
0x96: {  	_ =	strace s2  }
0x97: {  	_ =	strace $0x8FFFFFFF  }
0x98: {  	s19 =	sld [smem:$0x3FDB];
	_ =	sdelay $0x1  }
0x99: {  	s20 =	simm.s32 $_scs_section_size  }
0x9a: {  	s4 =	simm.s32 $_size__tile_overlayer_lowered;
	s5 =	simm.s32 $_tile_overlayer_lowered  }
0x9b: {  	s6 =	simm.s32 $0x1BFF;
	s21 =	sshll.u32 s5, $0x1;
	s3 =	sadd.s32 s20, s19  }
0x9c: {  	s22 =	simm.s32 $0x0;
	s4 =	sshll.u32 s4, $0x1;
	s5 =	sadd.s32 s21, s3  }
0x9d: {  	[timem:s22], [sflag:s6] =	dma.local [hbm:s5], s4  }
0x9e: {  	_ =	swait.ge [sflag:s6], s4  }
0x9f: {  	s4 =	ssub.s32 $0x0, s4;
	[sflag:s6] =	ssyncset.done $0x0  }
0xa0: {  	[sflag:s6] =	ssyncadd.s32 s4;
	_ =	sdelay $0x1  }
0xa1: {  	s23 =	simm.s32 $0x1B8B  }
0xa2: {  	_ =	swait.ge [sflag:s23], $0x1  }
0xa3: {  	[sflag:s23] =	ssyncset.done $0x0  }
0xa4: {  	[sflag:s23] =	ssyncadd.s32 $0xFFFFFFFF  }
0xa5: {  	s4 =	sld [smem:$0x0]  }
0xa6: {  	s5 =	sand.u32 $0xFFFFFFFE, s1  }
0xa7: {  	p0 =	sne.s32 s1, s5  }
0xa8: {  	s5 =	sshll.u32 @p0 s5, $0xE  }
0xa9: {  	s5 =	sadd.s32 @p0 $0x11B8D, s5;
	s6 =	sshll.u32 @p0 s4, $0x11  }
0xaa: {  	s5 =	sor.u32 @p0 s6, s5  }
0xab: {  	[sflag:s5] =	ssyncadd.remote.s32 @p0 $0x1;
	_ =	sdelay $0x1  }
0xac: {  	s5 =	simm.s32 @p0 $0x1B8D  }
0xad: {  	_ =	swait.eq @p0 [sflag:s5], $0x1  }
0xae: {  	[sflag:s5] =	ssyncadd.s32 @p0 $0xFFFFFFFF  }
0xaf: {  	s6 =	sshll.u32 @!p0 s1, $0xE  }
0xb0: {  	s6 =	sor.u32 @!p0 $0x4000, s6;
	s5 =	simm.s32 @!p0 $0x1B8D  }
0xb1: {  	s4 =	sshll.u32 @!p0 s4, $0x11;
	s6 =	sadd.s32 @!p0 $0x11B8D, s6;
	_ =	swait.eq @!p0 [sflag:s5], $0x1  }
0xb2: {  	s4 =	sor.u32 @!p0 s4, s6;
	[sflag:s5] =	ssyncadd.s32 @!p0 $0xFFFFFFFF  }
0xb3: {  	s25 =	simm.s32 $0x1B8E;
	s24 =	sld [smem:$0x3FFE];
	[sflag:s4] =	ssyncadd.remote.s32 @!p0 $0x1  }
0xb4: {  	s26 =	simm.s32 $execute0_lowered;
	[smem:$0x3FD2] =	sst s25  }
0xb5: {  	s5 =	sshll.u32 s26, $0x1;
	_ =	strace $0x80000049;
	[dreg:$0x1] =	wrdreg $0xFFFFFFFF  }
0xb6: {  	s28 =	simm.s32 $_size_execute0_lowered;
	s3 =	sadd.s32 s3, s5;
	[dreg:$0x0] =	wrdreg $0x0  }
0xb7: {  	s5 =	sshll.u32 s28, $0x1;
	[dreg:$0x2] =	wrdreg s3  }
0xb8: {  	[dreg:$0x3] =	wrdreg s5  }
0xb9: {  	[dreg:$0x4] =	wrdreg $0xC0  }
0xba: {  	_ =	task [dreg:s22], $0x5FFFF  }
0xbb: {  	[dreg:$0x1] =	wrdreg $0xFFFFFFFF  }
0xbc: {  	[dreg:$0x0] =	wrdreg $0x60  }
0xbd: {  	[dreg:$0x2] =	wrdreg s24  }
0xbe: {  	[dreg:$0x3] =	wrdreg $0x0  }
0xbf: {  	[dreg:$0x4] =	wrdreg $0x9  }
0xc0: {  	_ =	task.clear_ibuf [dreg:s22], $0x5FFFF;
	_ =	strace $0x90000049  }
0xc1: {  	s29 =	simm.s32 $0x9;
	_ =	strace $0x8000004B  }
0xc2: {  	_ =	swait.ge [sflag:s29], $0x1  }
0xc3: {  	[sflag:s29] =	ssyncadd.s32 $0xFFFFFFFF  }
0xc4: {  	_ =	strace $0x9000004B  }
0xc5: {  	_ =	sfence  }
0xc6: {  	s30 =	sld [smem:$0x0];
	_ =	sdelay $0x2  }
0xc7: {  	s31 =	sshll.u32 s1, $0xD;
	s1 =	sshrl.u32 s1, $0x2  }
0xc8: {  	s4 =	sand.u32 $0x4000, s31;
	s1 =	sadd.s32 s1, s30  }
0xc9: {  	s0 =	sor.u32 s4, s0;
	s1 =	sshll.u32 s1, $0x11  }
0xca: {  	s0 =	sor.u32 s1, s0  }
0xcb: {  	s0 =	sadd.s32 $0x8F2B, s0  }
0xcc: {  	[sflag:s0] =	ssyncadd.remote.s32 $0x1  }
0xcd: {  	_ =	sfence.sel $0xFFFF  }
0xce: {  	[dreg:$0x0] =	wrdreg $0xFFFFFFFF;
	(pc) =	sbr.abs _section_cstart, $3  }
0xcf: {  	[dreg:$0x1] =	wrdreg $0xFFFFFFFF  }
0xd0: {  	_ =	task.clear_ibuf [dreg:s22], $0x2FFFF;
	_ =	strace $0x9FFFFFFF  }
0xd1: {  	(tm) =	ssettm $0x7FFFFFFF  }
tec
execute0_lowered:
.L_overlay_start_1:
0x0: {  	(tag) =	ssettag $0x1  }
0x1: {  	s7 =	rddreg [dreg:$0x0]  }
0x2: {  	s2 =	rddreg [dreg:$0x1]  }
0x3: {  	s0 =	rddreg [dreg:$0x2];
	s3 =	simm.s32 $0x0  }
0x4: {  	s1 =	stileid.u32;
	s4 =	srdreg.scid;
	s15 =	simm.s32 $0x15000  }
0x5: {  	s16 =	simm.s32 $0x80;
	s17 =	simm.s32 $0x16000;
	s18 =	simm.s32 $0x1  }
0x6: {  	s19 =	simm.s32 $0x14080;
	s20 =	simm.s32 $0x1A000;
	s21 =	simm.s32 $0x2  }
0x7: {  	s22 =	simm.s32 $0x3;
	s23 =	simm.s32 $0x4;
	s24 =	simm.s32 $0x15F80  }
0x8: {  	s25 =	simm.s32 $0x0;
	[smem:$0x7FF] =	sst s3;
	s8 =	smul.u32 $0x14000, s1  }
0x9: {  	s9 =	sand.u32 $0x1, s4;
	s4 =	sadd.s32 $0x5C3A00, s7;
	s5 =	sadd.s32 $0xE1A00, s7  }
0xa: {  	s6 =	sadd.s32 $0x55A00, s7;
	s12 =	smul.u32 $0x50000, s1;
	s30 =	sshll.u32 s1, $0x6  }
0xb: {  	s31 =	sshll.u32 s1, $0xC;
	_ =	strace $0x8000004A;
	s10 =	smul.u32 $0x140000, s9  }
0xc: {  	s29 =	ssub.s32 $0x2, s9;
	p0 =	seq.s32 s9, $0x1;
	s9 =	sor.u32 $0x1C05, s30  }
0xd: {  	s11 =	sshrl.u32 s8, $0x3;
	s13 =	sshrl.u32 s29, $0x1;
	s8 =	sadd.s32 s8, s10  }
0xe: {  	s12 =	sshrl.u32 s12, $0x2;
	s11 =	sadd.s32 s11, s7;
	s8 =	sshrl.u32 s8, $0x3  }
0xf: {  	s13 =	ssub.s32 s29, s13;
	s12 =	sadd.s32 s12, s2;
	s14 =	sadd.s32 s8, s7  }
0x10: {  	s7 =	sadd.s32 $0x69A00, s11;
	s11 =	sshll.u32 s1, $0xE;
	s8 =	sor.u32 $0x40000, s31  }
0x11: {  	s12 =	sshrl.u32 s12, $0x3;
	s8 =	smov.u32 @p0 s11;
	s10 =	sadd.s32 $0xEBA00, s14  }
0x12: {  	s11 =	smax.u32 s13, $0x1;
	s13 =	simm.s32 $0x5;
	s14 =	simm.s32 $0x14000  }
.LBB2_1:
0x13: {  	[spmem:s12], [sflag:s9] =	dma.local [hbm:s7], $0x2800  }
0x14: {  	_ =	swait.ge [sflag:s13], $0x2800  }
0x15: {  	[sflag:s13] =	ssyncset.done $0x0  }
0x16: {  	[sflag:s13] =	ssyncadd.s32 $0xFFFFD800  }
0x17: {  	s26 =	simm.s32 $0x0;
	[bflag:$0x0] =	sbarrier.arrive $0xFFFF  }
.LBB2_2:
0x18: {  	s28 =	sshll.u32 s26, $0xC  }
0x19: {  	s28 =	sadd.s32 s8, s28  }
0x1a: {  	s28 =	sshrl.u32 s28, $0x3  }
0x1b: {  	s29 =	sadd.s32 s5, s28  }
0x1c: {  	[tilespmem:s14], [sflag:$0x5] =	stream.linear.gather [hbm4b:s29+s3], $0x1000, $0x38;
	[tilespmem:$0x1E000] =	vst v63  }
0x1d: {  	_ =	swait.ge [sflag:s13], $0x1000  }
0x1e: {  	[sflag:s13] =	ssyncset.done $0x0  }
0x1f: {  	s28 =	sadd.s32 s6, s28;
	[sflag:s13] =	ssyncadd.s32 $0xFFFFF000  }
0x20: {  	[tilespmem:s15], [sflag:$0x5] =	stream.linear.gather [hbm4b:s28+s3], $0x1000, $0x38;
	[tilespmem:$0x1E000] =	vst v63  }
0x21: {  	_ =	swait.ge [sflag:s13], $0x1000  }
0x22: {  	[sflag:s13] =	ssyncset.done $0x0  }
0x23: {  	[sflag:s13] =	ssyncadd.s32 $0xFFFFF000  }
0x24: {  	[tilespmem:s17], [sflag:$0x1] =	stream.indirect.gather [hbm4b:s4+s16], $0x80, s14, s16, $0xb8;
	[tilespmem:$0x1E000] =	vst v63  }
0x25: {  	_ =	swait.ge [sflag:s18], $0x4000  }
0x26: {  	[sflag:s18] =	ssyncset.done $0x0  }
0x27: {  	[sflag:s18] =	ssyncadd.s32 $0xFFFFC000  }
0x28: {  	[spmem:s2] =	stream.indirect.scatter.add.f32 [tilespmem:s17], [sflag:$0x3], $0x80, s15, s16, $0xb8;
	[tilespmem:$0x1E000] =	vst v63  }
0x29: {  	_ = 	snop  }
0x2a: {  	[tilespmem:s20], [sflag:$0x2] =	stream.indirect.gather [hbm4b:s4+s16], $0x80, s19, s16, $0xb8;
	[tilespmem:$0x1E000] =	vst v63  }
0x2b: {  	_ =	swait.ge [sflag:s21], $0x4000  }
0x2c: {  	[sflag:s21] =	ssyncset.done $0x0  }
0x2d: {  	s28 =	simm.s32 $0x15080;
	[sflag:s21] =	ssyncadd.s32 $0xFFFFC000  }
0x2e: {  	[spmem:s2] =	stream.indirect.scatter.add.f32 [tilespmem:s20], [sflag:$0x4], $0x80, s28, s16, $0xb8;
	[tilespmem:$0x1E000] =	vst v63  }
0x2f: {  	_ =	swait.ge [sflag:s22], $0x4000  }
0x30: {  	[sflag:s22] =	ssyncset.done $0x0  }
0x31: {  	s28 =	simm.s32 $0x14100;
	[sflag:s22] =	ssyncadd.s32 $0xFFFFC000  }
0x32: {  	[tilespmem:s17], [sflag:$0x1] =	stream.indirect.gather [hbm4b:s4+s16], $0x80, s28, s16, $0xb8;
	[tilespmem:$0x1E000] =	vst v63  }
0x33: {  	_ =	swait.ge [sflag:s18], $0x4000  }
0x34: {  	[sflag:s18] =	ssyncset.done $0x0  }
0x35: {  	s28 =	simm.s32 $0x15100;
	[sflag:s18] =	ssyncadd.s32 $0xFFFFC000  }
0x36: {  	[spmem:s2] =	stream.indirect.scatter.add.f32 [tilespmem:s17], [sflag:$0x3], $0x80, s28, s16, $0xb8;
	[tilespmem:$0x1E000] =	vst v63  }
0x37: {  	_ =	swait.ge [sflag:s23], $0x4000  }
0x38: {  	[sflag:s23] =	ssyncset.done $0x0  }
0x39: {  	s29 =	simm.s32 $0x14180;
	s28 =	simm.s32 $0xFFFFC800;
	[sflag:s23] =	ssyncadd.s32 $0xFFFFC000  }
.LBB2_3:
0x3a: {  	[tilespmem:s20], [sflag:$0x2] =	stream.indirect.gather [hbm4b:s4+s16], $0x80, s29, s16, $0xb8;
	[tilespmem:$0x1E000] =	vst v63  }
0x3b: {  	s29 =	smov.u32 s28  }
0x3c: {  	p1 =	sne.s32 s28, $0xFFFFFC00;
	s28 =	sadd.s32 $0x400, s28;
	_ =	swait.ge [sflag:s21], $0x4000  }
0x3d: {  	s29 =	sshra.s32 s29, $0x2;
	[sflag:s21] =	ssyncset.done $0x0  }
0x3e: {  	s30 =	sadd.s32 $0x15F80, s29;
	[sflag:s21] =	ssyncadd.s32 $0xFFFFC000  }
0x3f: {  	[spmem:s2] =	stream.indirect.scatter.add.f32 [tilespmem:s20], [sflag:$0x4], $0x80, s30, s16, $0xb8;
	[tilespmem:$0x1E000] =	vst v63  }
0x40: {  	_ =	swait.ge [sflag:s22], $0x4000  }
0x41: {  	[sflag:s22] =	ssyncset.done $0x0  }
0x42: {  	s30 =	sadd.s32 $0x15000, s29;
	[sflag:s22] =	ssyncadd.s32 $0xFFFFC000  }
0x43: {  	[tilespmem:s17], [sflag:$0x1] =	stream.indirect.gather [hbm4b:s4+s16], $0x80, s30, s16, $0xb8;
	[tilespmem:$0x1E000] =	vst v63  }
0x44: {  	_ =	swait.ge [sflag:s18], $0x4000  }
0x45: {  	[sflag:s18] =	ssyncset.done $0x0  }
.Ltmp0:
0x46: {  	s30 =	sadd.s32 $0x16000, s29;
	[sflag:s18] =	ssyncadd.s32 $0xFFFFC000;
	(pc) =	sbr.rel @p1 .LBB2_3-.Ltmp0, $4  }
0x47: {  	[spmem:s2] =	stream.indirect.scatter.add.f32 [tilespmem:s17], [sflag:$0x3], $0x80, s30, s16, $0xb8;
	[tilespmem:$0x1E000] =	vst v63  }
0x48: {  	_ =	swait.ge [sflag:s23], $0x4000  }
0x49: {  	[sflag:s23] =	ssyncset.done $0x0  }
0x4a: {  	s29 =	sadd.s32 $0x15080, s29;
	[sflag:s23] =	ssyncadd.s32 $0xFFFFC000  }
0x4b: {  	[tilespmem:s20], [sflag:$0x2] =	stream.indirect.gather [hbm4b:s4+s16], $0x80, s29, s16, $0xb8;
	[tilespmem:$0x1E000] =	vst v63  }
0x4c: {  	_ =	swait.ge [sflag:s21], $0x4000  }
0x4d: {  	p1 =	slt.u32 s26, $0x3;
	[sflag:s21] =	ssyncset.done $0x0  }
0x4e: {  	p1 =	por !p0, !p1;
	[sflag:s21] =	ssyncadd.s32 $0xFFFFC000  }
0x4f: {  	[spmem:s2] =	stream.indirect.scatter.add.f32 [tilespmem:s20], [sflag:$0x4], $0x80, s24, s16, $0xb8;
	[tilespmem:$0x1E000] =	vst v63  }
0x50: {  	p1 =	por !p1, !p1;
	_ =	swait.ge [sflag:s22], $0x4000  }
.Ltmp1:
0x51: {  	[sflag:s22] =	ssyncset.done $0x0;
	(pc) =	sbr.rel @p1 .LBB2_2-.Ltmp1, $4  }
0x52: {  	[sflag:s22] =	ssyncadd.s32 $0xFFFFC000  }
0x53: {  	_ =	swait.ge [sflag:s23], $0x4000  }
0x54: {  	[sflag:s23] =	ssyncset.done $0x0  }
0x55: {  	s26 =	sadd.s32 $0x1, s26;
	[sflag:s23] =	ssyncadd.s32 $0xFFFFC000  }
0x56: {  	s25 =	sadd.s32 $0x1, s25  }
0x57: {  	p1 =	sne.s32 s25, s11  }
.Ltmp2:
0x58: {  	[bflag:$0x0] =	sbarrier.arrive $0xFFFF;
	(pc) =	sbr.rel @p1 .LBB2_1-.Ltmp2, $4  }
0x59: {  	[hbm:s10], [sflag:s9] =	dma.local [spmem:s12], $0x2800  }
0x5a: {  	_ =	swait.ge [sflag:s13], $0x2800  }
0x5b: {  	[sflag:s13] =	ssyncset.done $0x0  }
0x5c: {  	[sflag:s13] =	ssyncadd.s32 $0xFFFFD800  }
0x5d: {  	_ =	sfence.sel $0x180000  }
0x5e: {  	[bflag:$0x0] =	sbarrier.arrive $0xFFFF  }
0x5f: {  	p0 =	sne.s32 s1, $0x0;
	_ =	strace $0x9000004A  }
0x60: {  	s0 =	sadd.s32 @!p0 $0x100000, s0;
	[bflag:$0x2] =	sbarrier.arrive $0xFFFF  }
0x61: {  	[sflag:s0] =	ssyncadd.tile.s32 @!p0 $0x1;
	_ =	shalt  }
.Lfunc_end2:
_tile_overlayer_lowered:
.L_overlay_start_2:
0x62: {  	(tag) =	ssettag $0x2  }
0x63: {  	s0 =	rddreg [dreg:$0x0];
	s2 =	stileid.u32  }
0x64: {  	s1 =	rddreg [dreg:$0x1];
	p0 =	sne.s32 s2, $0x0  }
0x65: {  	s3 =	rddreg [dreg:$0x2];
	[bflag:$0x3] =	sbarrier.arrive $0xFFFF;
	s2 =	simm.s32 @!p0 $0x1C05  }
0x66: {  	[timem:s3], [sflag:s2] =	dma.local @!p0 [hbm:s0], s1  }
0x67: {  	s0 =	simm.s32 @!p0 $0x5  }
0x68: {  	_ =	swait.ge @!p0 [sflag:s0], s1  }
0x69: {  	s1 =	ssub.s32 @!p0 $0x0, s1;
	[sflag:s0] =	ssyncset.done @!p0 $0x0  }
0x6a: {  	[sflag:s0] =	ssyncadd.s32 @!p0 s1  }
0x6b: {  	[bflag:$0x3] =	sbarrier.arrive $0xFFFF  }
0x6c: {  	_ =	shalt  }

// kernel: kernel.13.cloned.1.call-start
scs
__scs_entry_jumppad:
0x0: {  	(pc) =	sbr.rel $0x88, $3  }
0x1: {  	(tag) =	ssettag $0x0;
	lr =	simm.s32 $0x1  }
0x2: {  	[smem:$0x3F84] =	sst lr;
	_ =	strace $0xD0000000  }
0x3: {  	_ = 	snop  }
0x4: {  	_ = 	snop  }
0x5: {  	_ = 	snop  }
0x6: {  	_ = 	snop  }
0x7: {  	_ = 	snop  }
__scs_overlays_trampoline_lowered:
0x8: {  	[smem:$0x3F93] =	sst s0  }
0x9: {  	[smem:$0x3F94] =	sst s1  }
0xa: {  	[smem:$0x3F95] =	sst s2  }
0xb: {  	[smem:$0x3F96] =	sst s3  }
0xc: {  	[smem:$0x3F97] =	sst s4  }
0xd: {  	[smem:$0x3F98] =	sst s5  }
0xe: {  	[smem:$0x3F99] =	sst s6  }
0xf: {  	[smem:$0x3F9A] =	sst s7  }
0x10: {  	[smem:$0x3F9B] =	sst s8  }
0x11: {  	[smem:$0x3F9C] =	sst s9;
	s0 =	simm.s32 @!p0 $0x0  }
0x12: {  	s1 =	sld [smem:$0x3F82];
	s0 =	simm.s32 @p0 $0x1  }
0x13: {  	[smem:$0x3F9D] =	sst s0;
	s0 =	simm.s32 @!p1 $0x0  }
0x14: {  	s2 =	sld [smem:$0x3F81];
	s0 =	simm.s32 @p1 $0x1  }
0x15: {  	[smem:$0x3F9E] =	sst s0;
	s0 =	simm.s32 @!p2 $0x0  }
0x16: {  	s3 =	sld [smem:$0x3FDB];
	s0 =	simm.s32 @p2 $0x1  }
0x17: {  	s4 =	simm.s32 $0x1BF5;
	[smem:$0x3FA0] =	sst s0  }
0x18: {  	s0 =	sld [smem:$0x3F83];
	_ =	swait.ge [sflag:s4], $0x0  }
0x19: {  	s7 =	sld [smem:$0x3F84]  }
0x1a: {  	s8 =	sadd.s32 $0xFFFFE003, lr  }
0x1b: {  	s9 =	sadd.s32 $0xFFFFFEF7, lr;
	s5 =	simm.s32 $0xFFFFFFFF;
	p2 =	slt.u32 s8, $0xFFFFF086  }
0x1c: {  	p1 =	slt.u32 s9, $0xF7A;
	s5 =	simm.s32 @!p2 $0x0  }
0x1d: {  	s5 =	simm.s32 @p1 $0x1;
	p0 =	seq.s32 s7, s2  }
0x1e: {  	s7 =	smul.u32 @!p0 $0xF7A, s2;
	p2 =	seq.s32 @!p0 s5, $0x0  }
0x1f: {  	s9 =	smul.u32 $0xF7A, s1;
	s8 =	simm.s32 @!p0 $0x1BF5;
	p2 =	por !p2, p0  }
0x20: {  	[sflag:s8] =	ssyncset.s32 @!p0 $0xFFFFF086;
	s6 =	sadd.s32 @!p0 s3, s7;
	s7 =	simm.s32 @!p0 $0x108  }
0x21: {  	s3 =	sadd.s32 s3, s9;
	s6 =	sadd.s32 @!p0 $0x88, s6;
	s7 =	simm.s32 @p2 $0x1082  }
0x22: {  	[simem:s7], [sflag:s8] =	dma.local @!p0 [hbm:s6], $0xF7A  }
0x23: {  	s9 =	sor.u32 $0xD0000000, s2;
	s6 =	simm.s32 $0x108;
	_ =	swait.ge @!p0 [sflag:s8], $0x0  }
0x24: {  	s3 =	sadd.s32 $0x88, s3;
	s6 =	simm.s32 @!p1 $0x1082;
	[sflag:s4] =	ssyncset.s32 $0xFFFFF086  }
0x25: {  	[simem:s6], [sflag:s4] =	dma.local [hbm:s3], $0xF7A  }
0x26: {  	[smem:$0x3F84] =	sst s1;
	(tag) =	ssettag s2;
	_ =	strace s9  }
0x27: {  	s1 =	sld [smem:$0x3F94]  }
0x28: {  	s2 =	sld [smem:$0x3F95]  }
0x29: {  	s4 =	sld [smem:$0x3F97]  }
0x2a: {  	p0 =	seq.s32 s5, $0x0;
	s5 =	sld [smem:$0x3F98]  }
0x2b: {  	s6 =	sld [smem:$0x3F99]  }
0x2c: {  	s7 =	sld [smem:$0x3F9A]  }
0x2d: {  	s3 =	simm.s32 $0x108;
	s8 =	sld [smem:$0x3F9B]  }
0x2e: {  	s3 =	simm.s32 @!p0 $0x1082;
	s9 =	sld [smem:$0x3F9C]  }
0x2f: {  	lr =	sadd.s32 s0, s3;
	s0 =	sld [smem:$0x3F93]  }
0x30: {  	s3 =	sld [smem:$0x3F96]  }
0x31: {  	[smem:$0x3F9F] =	sst s10  }
0x32: {  	s10 =	sld [smem:$0x3F9D];
	_ =	sdelay $0x3  }
0x33: {  	p0 =	seq.s32 s10, $0x1;
	s10 =	sld [smem:$0x3F9F];
	_ =	sdelay $0x3  }
0x34: {  	[smem:$0x3F9F] =	sst s10  }
0x35: {  	s10 =	sld [smem:$0x3F9E];
	_ =	sdelay $0x3  }
0x36: {  	p1 =	seq.s32 s10, $0x1;
	s10 =	sld [smem:$0x3F9F];
	_ =	sdelay $0x3  }
0x37: {  	[smem:$0x3F9F] =	sst s10  }
0x38: {  	s10 =	sld [smem:$0x3FA0]  }
0x39: {  	_ = 	snop;
	(pc) =	sbr.ind lr, $3  }
0x3a: {  	_ = 	snop  }
0x3b: {  	_ = 	snop  }
0x3c: {  	p2 =	seq.s32 s10, $0x1;
	s10 =	sld [smem:$0x3F9F]  }
0x3d: {  	_ =	shalt  }
0x3e: {  	_ =	shalt  }
0x3f: {  	_ =	shalt  }
0x40: {  	_ =	shalt  }
0x41: {  	_ =	shalt  }
0x42: {  	_ =	shalt  }
0x43: {  	_ =	shalt  }
0x44: {  	_ =	shalt  }
0x45: {  	_ =	shalt  }
0x46: {  	_ =	shalt  }
0x47: {  	_ =	shalt  }
0x48: {  	_ =	shalt  }
0x49: {  	_ =	shalt  }
0x4a: {  	_ =	shalt  }
0x4b: {  	_ =	shalt  }
0x4c: {  	_ =	shalt  }
0x4d: {  	_ =	shalt  }
0x4e: {  	_ =	shalt  }
0x4f: {  	_ =	shalt  }
0x50: {  	_ =	shalt  }
0x51: {  	_ =	shalt  }
0x52: {  	_ =	shalt  }
0x53: {  	_ =	shalt  }
0x54: {  	_ =	shalt  }
0x55: {  	_ =	shalt  }
0x56: {  	_ =	shalt  }
0x57: {  	_ =	shalt  }
0x58: {  	_ =	shalt  }
0x59: {  	_ =	shalt  }
0x5a: {  	_ =	shalt  }
0x5b: {  	_ =	shalt  }
0x5c: {  	_ =	shalt  }
0x5d: {  	_ =	shalt  }
0x5e: {  	_ =	shalt  }
0x5f: {  	_ =	shalt  }
0x60: {  	_ =	shalt  }
0x61: {  	_ =	shalt  }
0x62: {  	_ =	shalt  }
0x63: {  	_ =	shalt  }
0x64: {  	_ =	shalt  }
0x65: {  	_ =	shalt  }
0x66: {  	_ =	shalt  }
0x67: {  	_ =	shalt  }
0x68: {  	_ =	shalt  }
0x69: {  	_ =	shalt  }
0x6a: {  	_ =	shalt  }
0x6b: {  	_ =	shalt  }
0x6c: {  	_ =	shalt  }
0x6d: {  	_ =	shalt  }
0x6e: {  	_ =	shalt  }
0x6f: {  	_ =	shalt  }
0x70: {  	_ =	shalt  }
0x71: {  	_ =	shalt  }
0x72: {  	_ =	shalt  }
0x73: {  	_ =	shalt  }
0x74: {  	_ =	shalt  }
0x75: {  	_ =	shalt  }
0x76: {  	_ =	shalt  }
0x77: {  	_ =	shalt  }
0x78: {  	_ =	shalt  }
0x79: {  	_ =	shalt  }
0x7a: {  	_ =	shalt  }
0x7b: {  	_ =	shalt  }
0x7c: {  	_ =	shalt  }
0x7d: {  	_ =	shalt  }
0x7e: {  	_ =	shalt  }
0x7f: {  	_ =	shalt  }
0x80: {  	_ =	shalt  }
0x81: {  	_ =	shalt  }
0x82: {  	_ =	shalt  }
0x83: {  	_ =	shalt  }
0x84: {  	_ =	shalt  }
0x85: {  	_ =	shalt  }
0x86: {  	_ =	shalt  }
0x87: {  	_ =	shalt  }
.Lfunc_end0:
.L_simem_size_0:
called_computation.1_lowered:
.L_overlay_start_0:
0x88: {  	s2 =	sld [smem:$0x3FD9]  }
0x89: {  	s3 =	sld [smem:$0x3FFE];
	_ =	sdelay $0x1  }
0x8a: {  	s1 =	srdreg.scid  }
0x8b: {  	s0 =	sand.u32 $0x1, s1  }
0x8c: {  	s16 =	sshll.u32 s0, $0xA;
	s2 =	sadd.s32 s3, s2  }
0x8d: {  	s2 =	sadd.s32 s2, s16  }
0x8e: {  	[smem:$0x3FAB] =	sst s2  }
0x8f: {  	_ = 	snop  }
0x90: {  	(tm) =	ssettm $0x1  }
0x91: {  	s17 =	sld [smem:$0x3FFB];
	_ =	sdelay $0x3  }
0x92: {  	_ =	strace s17  }
0x93: {  	s2 =	sld [smem:$0x3FFC];
	_ =	sdelay $0x3  }
0x94: {  	_ =	strace s2  }
0x95: {  	s2 =	sld [smem:$0x3FFD];
	_ =	sdelay $0x3  }
0x96: {  	_ =	strace s2  }
0x97: {  	_ =	strace $0x8FFFFFFF  }
0x98: {  	s18 =	sld [smem:$0x3FDB];
	_ =	sdelay $0x1  }
0x99: {  	s19 =	simm.s32 $_scs_section_size  }
0x9a: {  	s4 =	simm.s32 $_size__tile_overlayer_lowered;
	s5 =	simm.s32 $_tile_overlayer_lowered  }
0x9b: {  	s22 =	simm.s32 $0x1BFF;
	s21 =	sshll.u32 s5, $0x1;
	s2 =	sadd.s32 s19, s18  }
0x9c: {  	s6 =	simm.s32 $0x0;
	s20 =	sshll.u32 s4, $0x1;
	s4 =	sadd.s32 s21, s2  }
0x9d: {  	[timem:s6], [sflag:s22] =	dma.local [hbm:s4], s20  }
0x9e: {  	_ =	swait.ge [sflag:s22], s20  }
0x9f: {  	s3 =	ssub.s32 $0x0, s20;
	[sflag:s22] =	ssyncset.done $0x0  }
0xa0: {  	[sflag:s22] =	ssyncadd.s32 s3;
	_ =	sdelay $0x1  }
0xa1: {  	s23 =	simm.s32 $0x1B8B  }
0xa2: {  	_ =	swait.ge [sflag:s23], $0x1  }
0xa3: {  	[sflag:s23] =	ssyncset.done $0x0  }
0xa4: {  	s25 =	simm.s32 $0x1B8E;
	s24 =	sld [smem:$0x3FFE];
	[sflag:s23] =	ssyncadd.s32 $0xFFFFFFFF  }
0xa5: {  	s26 =	simm.s32 $execute0_lowered;
	[smem:$0x3FD2] =	sst s25  }
0xa6: {  	s4 =	sshll.u32 s26, $0x1;
	_ =	strace $0x80000046;
	[dreg:$0x1] =	wrdreg $0xFFFFFFFF  }
0xa7: {  	s28 =	simm.s32 $_size_execute0_lowered;
	s2 =	sadd.s32 s2, s4;
	[dreg:$0x0] =	wrdreg $0x0  }
0xa8: {  	s4 =	sshll.u32 s28, $0x1;
	[dreg:$0x2] =	wrdreg s2  }
0xa9: {  	[dreg:$0x3] =	wrdreg s4  }
0xaa: {  	[dreg:$0x4] =	wrdreg $0xC0  }
0xab: {  	_ =	task [dreg:s6], $0x5FFFF  }
0xac: {  	[dreg:$0x1] =	wrdreg $0xFFFFFFFF  }
0xad: {  	[dreg:$0x0] =	wrdreg $0x60  }
0xae: {  	[dreg:$0x2] =	wrdreg s24  }
0xaf: {  	[dreg:$0x3] =	wrdreg $0x0  }
0xb0: {  	[dreg:$0x4] =	wrdreg $0xA  }
0xb1: {  	_ =	task.clear_ibuf [dreg:s6], $0x5FFFF;
	_ =	strace $0x90000046  }
0xb2: {  	s29 =	simm.s32 $0xA;
	_ =	strace $0x80000048  }
0xb3: {  	_ =	swait.ge [sflag:s29], $0x1  }
0xb4: {  	[sflag:s29] =	ssyncadd.s32 $0xFFFFFFFF  }
0xb5: {  	_ =	strace $0x90000048  }
0xb6: {  	_ =	sfence  }
0xb7: {  	s30 =	sld [smem:$0x0];
	_ =	sdelay $0x2  }
0xb8: {  	s31 =	sshll.u32 s1, $0xD;
	s1 =	sshrl.u32 s1, $0x2  }
0xb9: {  	s3 =	sand.u32 $0x4000, s31;
	s1 =	sadd.s32 s1, s30  }
0xba: {  	s0 =	sor.u32 s3, s0;
	s1 =	sshll.u32 s1, $0x11  }
0xbb: {  	s0 =	sor.u32 s1, s0  }
0xbc: {  	s0 =	sadd.s32 $0x8F2B, s0  }
0xbd: {  	[sflag:s0] =	ssyncadd.remote.s32 $0x1  }
0xbe: {  	_ =	sfence.sel $0xFFFF  }
0xbf: {  	[dreg:$0x0] =	wrdreg $0xFFFFFFFF;
	(pc) =	sbr.abs _section_cstart, $3  }
0xc0: {  	[dreg:$0x1] =	wrdreg $0xFFFFFFFF  }
0xc1: {  	_ =	task.clear_ibuf [dreg:s6], $0x2FFFF;
	_ =	strace $0x9FFFFFFF  }
0xc2: {  	(tm) =	ssettm $0x7FFFFFFF  }
0xc3: {  	_ =	shalt  }
tec
execute0_lowered:
.L_overlay_start_1:
0x0: {  	(tag) =	ssettag $0x1  }
0x1: {  	s7 =	rddreg [dreg:$0x0]  }
0x2: {  	s2 =	rddreg [dreg:$0x1]  }
0x3: {  	s0 =	rddreg [dreg:$0x2];
	s3 =	simm.s32 $0x0  }
0x4: {  	s1 =	stileid.u32;
	s4 =	srdreg.scid;
	s15 =	simm.s32 $0x15000  }
0x5: {  	s16 =	simm.s32 $0x80;
	s17 =	simm.s32 $0x16000;
	s18 =	simm.s32 $0x1  }
0x6: {  	s19 =	simm.s32 $0x14080;
	s20 =	simm.s32 $0x1A000;
	s21 =	simm.s32 $0x2  }
0x7: {  	s22 =	simm.s32 $0x3;
	s23 =	simm.s32 $0x4;
	s24 =	simm.s32 $0x15F80  }
0x8: {  	s25 =	simm.s32 $0x0;
	[smem:$0x7FF] =	sst s3;
	s8 =	smul.u32 $0x14000, s1  }
0x9: {  	s9 =	sand.u32 $0x1, s4;
	s4 =	sadd.s32 $0x2E600, s7;
	s5 =	sadd.s32 $0x5FA00, s7  }
0xa: {  	s6 =	sadd.s32 $0x55A00, s7;
	s12 =	smul.u32 $0x50000, s1;
	s30 =	sshll.u32 s1, $0x6  }
0xb: {  	s31 =	sshll.u32 s1, $0xC;
	_ =	strace $0x80000047;
	s10 =	smul.u32 $0x140000, s9  }
0xc: {  	s29 =	ssub.s32 $0x2, s9;
	p0 =	seq.s32 s9, $0x1;
	s9 =	sor.u32 $0x1C05, s30  }
0xd: {  	s11 =	sshrl.u32 s8, $0x3;
	s13 =	sshrl.u32 s29, $0x1;
	s8 =	sadd.s32 s8, s10  }
0xe: {  	s12 =	sshrl.u32 s12, $0x2;
	s11 =	sadd.s32 s11, s7;
	s8 =	sshrl.u32 s8, $0x3  }
0xf: {  	s13 =	ssub.s32 s29, s13;
	s12 =	sadd.s32 s12, s2;
	s14 =	sadd.s32 s8, s7  }
0x10: {  	s7 =	sadd.s32 $0x69A00, s11;
	s11 =	sshll.u32 s1, $0xE;
	s8 =	sor.u32 $0x40000, s31  }
0x11: {  	s12 =	sshrl.u32 s12, $0x3;
	s8 =	smov.u32 @p0 s11;
	s10 =	sadd.s32 $0x91A00, s14  }
0x12: {  	s11 =	smax.u32 s13, $0x1;
	s13 =	simm.s32 $0x5;
	s14 =	simm.s32 $0x14000  }
.LBB2_1:
0x13: {  	[spmem:s12], [sflag:s9] =	dma.local [hbm:s7], $0x2800  }
0x14: {  	_ =	swait.ge [sflag:s13], $0x2800  }
0x15: {  	[sflag:s13] =	ssyncset.done $0x0  }
0x16: {  	[sflag:s13] =	ssyncadd.s32 $0xFFFFD800  }
0x17: {  	s26 =	simm.s32 $0x0;
	[bflag:$0x0] =	sbarrier.arrive $0xFFFF  }
.LBB2_2:
0x18: {  	s28 =	sshll.u32 s26, $0xC  }
0x19: {  	s28 =	sadd.s32 s8, s28  }
0x1a: {  	s28 =	sshrl.u32 s28, $0x3  }
0x1b: {  	s29 =	sadd.s32 s5, s28  }
0x1c: {  	[tilespmem:s14], [sflag:$0x5] =	stream.linear.gather [hbm4b:s29+s3], $0x1000, $0x38;
	[tilespmem:$0x1E000] =	vst v63  }
0x1d: {  	_ =	swait.ge [sflag:s13], $0x1000  }
0x1e: {  	[sflag:s13] =	ssyncset.done $0x0  }
0x1f: {  	s28 =	sadd.s32 s6, s28;
	[sflag:s13] =	ssyncadd.s32 $0xFFFFF000  }
0x20: {  	[tilespmem:s15], [sflag:$0x5] =	stream.linear.gather [hbm4b:s28+s3], $0x1000, $0x38;
	[tilespmem:$0x1E000] =	vst v63  }
0x21: {  	_ =	swait.ge [sflag:s13], $0x1000  }
0x22: {  	[sflag:s13] =	ssyncset.done $0x0  }
0x23: {  	[sflag:s13] =	ssyncadd.s32 $0xFFFFF000  }
0x24: {  	[tilespmem:s17], [sflag:$0x1] =	stream.indirect.gather [hbm4b:s4+s16], $0x80, s14, s16, $0xb8;
	[tilespmem:$0x1E000] =	vst v63  }
0x25: {  	_ =	swait.ge [sflag:s18], $0x4000  }
0x26: {  	[sflag:s18] =	ssyncset.done $0x0  }
0x27: {  	[sflag:s18] =	ssyncadd.s32 $0xFFFFC000  }
0x28: {  	[spmem:s2] =	stream.indirect.scatter.add.f32 [tilespmem:s17], [sflag:$0x3], $0x80, s15, s16, $0xb8;
	[tilespmem:$0x1E000] =	vst v63  }
0x29: {  	_ = 	snop  }
0x2a: {  	[tilespmem:s20], [sflag:$0x2] =	stream.indirect.gather [hbm4b:s4+s16], $0x80, s19, s16, $0xb8;
	[tilespmem:$0x1E000] =	vst v63  }
0x2b: {  	_ =	swait.ge [sflag:s21], $0x4000  }
0x2c: {  	[sflag:s21] =	ssyncset.done $0x0  }
0x2d: {  	s28 =	simm.s32 $0x15080;
	[sflag:s21] =	ssyncadd.s32 $0xFFFFC000  }
0x2e: {  	[spmem:s2] =	stream.indirect.scatter.add.f32 [tilespmem:s20], [sflag:$0x4], $0x80, s28, s16, $0xb8;
	[tilespmem:$0x1E000] =	vst v63  }
0x2f: {  	_ =	swait.ge [sflag:s22], $0x4000  }
0x30: {  	[sflag:s22] =	ssyncset.done $0x0  }
0x31: {  	s28 =	simm.s32 $0x14100;
	[sflag:s22] =	ssyncadd.s32 $0xFFFFC000  }
0x32: {  	[tilespmem:s17], [sflag:$0x1] =	stream.indirect.gather [hbm4b:s4+s16], $0x80, s28, s16, $0xb8;
	[tilespmem:$0x1E000] =	vst v63  }
0x33: {  	_ =	swait.ge [sflag:s18], $0x4000  }
0x34: {  	[sflag:s18] =	ssyncset.done $0x0  }
0x35: {  	s28 =	simm.s32 $0x15100;
	[sflag:s18] =	ssyncadd.s32 $0xFFFFC000  }
0x36: {  	[spmem:s2] =	stream.indirect.scatter.add.f32 [tilespmem:s17], [sflag:$0x3], $0x80, s28, s16, $0xb8;
	[tilespmem:$0x1E000] =	vst v63  }
0x37: {  	_ =	swait.ge [sflag:s23], $0x4000  }
0x38: {  	[sflag:s23] =	ssyncset.done $0x0  }
0x39: {  	s29 =	simm.s32 $0x14180;
	s28 =	simm.s32 $0xFFFFC800;
	[sflag:s23] =	ssyncadd.s32 $0xFFFFC000  }
.LBB2_3:
0x3a: {  	[tilespmem:s20], [sflag:$0x2] =	stream.indirect.gather [hbm4b:s4+s16], $0x80, s29, s16, $0xb8;
	[tilespmem:$0x1E000] =	vst v63  }
0x3b: {  	s29 =	smov.u32 s28  }
0x3c: {  	p1 =	sne.s32 s28, $0xFFFFFC00;
	s28 =	sadd.s32 $0x400, s28;
	_ =	swait.ge [sflag:s21], $0x4000  }
0x3d: {  	s29 =	sshra.s32 s29, $0x2;
	[sflag:s21] =	ssyncset.done $0x0  }
0x3e: {  	s30 =	sadd.s32 $0x15F80, s29;
	[sflag:s21] =	ssyncadd.s32 $0xFFFFC000  }
0x3f: {  	[spmem:s2] =	stream.indirect.scatter.add.f32 [tilespmem:s20], [sflag:$0x4], $0x80, s30, s16, $0xb8;
	[tilespmem:$0x1E000] =	vst v63  }
0x40: {  	_ =	swait.ge [sflag:s22], $0x4000  }
0x41: {  	[sflag:s22] =	ssyncset.done $0x0  }
0x42: {  	s30 =	sadd.s32 $0x15000, s29;
	[sflag:s22] =	ssyncadd.s32 $0xFFFFC000  }
0x43: {  	[tilespmem:s17], [sflag:$0x1] =	stream.indirect.gather [hbm4b:s4+s16], $0x80, s30, s16, $0xb8;
	[tilespmem:$0x1E000] =	vst v63  }
0x44: {  	_ =	swait.ge [sflag:s18], $0x4000  }
0x45: {  	[sflag:s18] =	ssyncset.done $0x0  }
.Ltmp0:
0x46: {  	s30 =	sadd.s32 $0x16000, s29;
	[sflag:s18] =	ssyncadd.s32 $0xFFFFC000;
	(pc) =	sbr.rel @p1 .LBB2_3-.Ltmp0, $4  }
0x47: {  	[spmem:s2] =	stream.indirect.scatter.add.f32 [tilespmem:s17], [sflag:$0x3], $0x80, s30, s16, $0xb8;
	[tilespmem:$0x1E000] =	vst v63  }
0x48: {  	_ =	swait.ge [sflag:s23], $0x4000  }
0x49: {  	[sflag:s23] =	ssyncset.done $0x0  }
0x4a: {  	s29 =	sadd.s32 $0x15080, s29;
	[sflag:s23] =	ssyncadd.s32 $0xFFFFC000  }
0x4b: {  	[tilespmem:s20], [sflag:$0x2] =	stream.indirect.gather [hbm4b:s4+s16], $0x80, s29, s16, $0xb8;
	[tilespmem:$0x1E000] =	vst v63  }
0x4c: {  	_ =	swait.ge [sflag:s21], $0x4000  }
0x4d: {  	p1 =	slt.u32 s26, $0x3;
	[sflag:s21] =	ssyncset.done $0x0  }
0x4e: {  	p1 =	por !p0, !p1;
	[sflag:s21] =	ssyncadd.s32 $0xFFFFC000  }
0x4f: {  	[spmem:s2] =	stream.indirect.scatter.add.f32 [tilespmem:s20], [sflag:$0x4], $0x80, s24, s16, $0xb8;
	[tilespmem:$0x1E000] =	vst v63  }
0x50: {  	p1 =	por !p1, !p1;
	_ =	swait.ge [sflag:s22], $0x4000  }
.Ltmp1:
0x51: {  	[sflag:s22] =	ssyncset.done $0x0;
	(pc) =	sbr.rel @p1 .LBB2_2-.Ltmp1, $4  }
0x52: {  	[sflag:s22] =	ssyncadd.s32 $0xFFFFC000  }
0x53: {  	_ =	swait.ge [sflag:s23], $0x4000  }
0x54: {  	[sflag:s23] =	ssyncset.done $0x0  }
0x55: {  	s26 =	sadd.s32 $0x1, s26;
	[sflag:s23] =	ssyncadd.s32 $0xFFFFC000  }
0x56: {  	s25 =	sadd.s32 $0x1, s25  }
0x57: {  	p1 =	sne.s32 s25, s11  }
.Ltmp2:
0x58: {  	[bflag:$0x0] =	sbarrier.arrive $0xFFFF;
	(pc) =	sbr.rel @p1 .LBB2_1-.Ltmp2, $4  }
0x59: {  	[hbm:s10], [sflag:s9] =	dma.local [spmem:s12], $0x2800  }
0x5a: {  	_ =	swait.ge [sflag:s13], $0x2800  }
0x5b: {  	[sflag:s13] =	ssyncset.done $0x0  }
0x5c: {  	[sflag:s13] =	ssyncadd.s32 $0xFFFFD800  }
0x5d: {  	_ =	sfence.sel $0x180000  }
0x5e: {  	[bflag:$0x0] =	sbarrier.arrive $0xFFFF  }
0x5f: {  	p0 =	sne.s32 s1, $0x0;
	_ =	strace $0x90000047  }
0x60: {  	s0 =	sadd.s32 @!p0 $0x100000, s0;
	[bflag:$0x2] =	sbarrier.arrive $0xFFFF  }
0x61: {  	[sflag:s0] =	ssyncadd.tile.s32 @!p0 $0x1;
	_ =	shalt  }
.Lfunc_end2:
_tile_overlayer_lowered:
.L_overlay_start_2:
0x62: {  	(tag) =	ssettag $0x2  }
0x63: {  	s0 =	rddreg [dreg:$0x0];
	s2 =	stileid.u32  }
0x64: {  	s1 =	rddreg [dreg:$0x1];
	p0 =	sne.s32 s2, $0x0  }
0x65: {  	s3 =	rddreg [dreg:$0x2];
	[bflag:$0x3] =	sbarrier.arrive $0xFFFF;
	s2 =	simm.s32 @!p0 $0x1C05  }
0x66: {  	[timem:s3], [sflag:s2] =	dma.local @!p0 [hbm:s0], s1  }
0x67: {  	s0 =	simm.s32 @!p0 $0x5  }
0x68: {  	_ =	swait.ge @!p0 [sflag:s0], s1  }
0x69: {  	s1 =	ssub.s32 @!p0 $0x0, s1;
	[sflag:s0] =	ssyncset.done @!p0 $0x0  }
0x6a: {  	[sflag:s0] =	ssyncadd.s32 @!p0 s1  }
0x6b: {  	[bflag:$0x3] =	sbarrier.arrive $0xFFFF  }
0x6c: {  	_ =	shalt  }

// kernel: kernel.16.cloned.1.call-start
scs
__scs_entry_jumppad:
0x0: {  	(pc) =	sbr.rel $0x88, $3  }
0x1: {  	(tag) =	ssettag $0x0;
	lr =	simm.s32 $0x1  }
0x2: {  	[smem:$0x3F84] =	sst lr;
	_ =	strace $0xD0000000  }
0x3: {  	_ = 	snop  }
0x4: {  	_ = 	snop  }
0x5: {  	_ = 	snop  }
0x6: {  	_ = 	snop  }
0x7: {  	_ = 	snop  }
__scs_overlays_trampoline_lowered:
0x8: {  	[smem:$0x3F93] =	sst s0  }
0x9: {  	[smem:$0x3F94] =	sst s1  }
0xa: {  	[smem:$0x3F95] =	sst s2  }
0xb: {  	[smem:$0x3F96] =	sst s3  }
0xc: {  	[smem:$0x3F97] =	sst s4  }
0xd: {  	[smem:$0x3F98] =	sst s5  }
0xe: {  	[smem:$0x3F99] =	sst s6  }
0xf: {  	[smem:$0x3F9A] =	sst s7  }
0x10: {  	[smem:$0x3F9B] =	sst s8  }
0x11: {  	[smem:$0x3F9C] =	sst s9;
	s0 =	simm.s32 @!p0 $0x0  }
0x12: {  	s1 =	sld [smem:$0x3F82];
	s0 =	simm.s32 @p0 $0x1  }
0x13: {  	[smem:$0x3F9D] =	sst s0;
	s0 =	simm.s32 @!p1 $0x0  }
0x14: {  	s2 =	sld [smem:$0x3F81];
	s0 =	simm.s32 @p1 $0x1  }
0x15: {  	[smem:$0x3F9E] =	sst s0;
	s0 =	simm.s32 @!p2 $0x0  }
0x16: {  	s3 =	sld [smem:$0x3FDB];
	s0 =	simm.s32 @p2 $0x1  }
0x17: {  	s4 =	simm.s32 $0x1BF5;
	[smem:$0x3FA0] =	sst s0  }
0x18: {  	s0 =	sld [smem:$0x3F83];
	_ =	swait.ge [sflag:s4], $0x0  }
0x19: {  	s7 =	sld [smem:$0x3F84]  }
0x1a: {  	s8 =	sadd.s32 $0xFFFFE003, lr  }
0x1b: {  	s9 =	sadd.s32 $0xFFFFFEF7, lr;
	s5 =	simm.s32 $0xFFFFFFFF;
	p2 =	slt.u32 s8, $0xFFFFF086  }
0x1c: {  	p1 =	slt.u32 s9, $0xF7A;
	s5 =	simm.s32 @!p2 $0x0  }
0x1d: {  	s5 =	simm.s32 @p1 $0x1;
	p0 =	seq.s32 s7, s2  }
0x1e: {  	s7 =	smul.u32 @!p0 $0xF7A, s2;
	p2 =	seq.s32 @!p0 s5, $0x0  }
0x1f: {  	s9 =	smul.u32 $0xF7A, s1;
	s8 =	simm.s32 @!p0 $0x1BF5;
	p2 =	por !p2, p0  }
0x20: {  	[sflag:s8] =	ssyncset.s32 @!p0 $0xFFFFF086;
	s6 =	sadd.s32 @!p0 s3, s7;
	s7 =	simm.s32 @!p0 $0x108  }
0x21: {  	s3 =	sadd.s32 s3, s9;
	s6 =	sadd.s32 @!p0 $0x88, s6;
	s7 =	simm.s32 @p2 $0x1082  }
0x22: {  	[simem:s7], [sflag:s8] =	dma.local @!p0 [hbm:s6], $0xF7A  }
0x23: {  	s9 =	sor.u32 $0xD0000000, s2;
	s6 =	simm.s32 $0x108;
	_ =	swait.ge @!p0 [sflag:s8], $0x0  }
0x24: {  	s3 =	sadd.s32 $0x88, s3;
	s6 =	simm.s32 @!p1 $0x1082;
	[sflag:s4] =	ssyncset.s32 $0xFFFFF086  }
0x25: {  	[simem:s6], [sflag:s4] =	dma.local [hbm:s3], $0xF7A  }
0x26: {  	[smem:$0x3F84] =	sst s1;
	(tag) =	ssettag s2;
	_ =	strace s9  }
0x27: {  	s1 =	sld [smem:$0x3F94]  }
0x28: {  	s2 =	sld [smem:$0x3F95]  }
0x29: {  	s4 =	sld [smem:$0x3F97]  }
0x2a: {  	p0 =	seq.s32 s5, $0x0;
	s5 =	sld [smem:$0x3F98]  }
0x2b: {  	s6 =	sld [smem:$0x3F99]  }
0x2c: {  	s7 =	sld [smem:$0x3F9A]  }
0x2d: {  	s3 =	simm.s32 $0x108;
	s8 =	sld [smem:$0x3F9B]  }
0x2e: {  	s3 =	simm.s32 @!p0 $0x1082;
	s9 =	sld [smem:$0x3F9C]  }
0x2f: {  	lr =	sadd.s32 s0, s3;
	s0 =	sld [smem:$0x3F93]  }
0x30: {  	s3 =	sld [smem:$0x3F96]  }
0x31: {  	[smem:$0x3F9F] =	sst s10  }
0x32: {  	s10 =	sld [smem:$0x3F9D];
	_ =	sdelay $0x3  }
0x33: {  	p0 =	seq.s32 s10, $0x1;
	s10 =	sld [smem:$0x3F9F];
	_ =	sdelay $0x3  }
0x34: {  	[smem:$0x3F9F] =	sst s10  }
0x35: {  	s10 =	sld [smem:$0x3F9E];
	_ =	sdelay $0x3  }
0x36: {  	p1 =	seq.s32 s10, $0x1;
	s10 =	sld [smem:$0x3F9F];
	_ =	sdelay $0x3  }
0x37: {  	[smem:$0x3F9F] =	sst s10  }
0x38: {  	s10 =	sld [smem:$0x3FA0]  }
0x39: {  	_ = 	snop;
	(pc) =	sbr.ind lr, $3  }
0x3a: {  	_ = 	snop  }
0x3b: {  	_ = 	snop  }
0x3c: {  	p2 =	seq.s32 s10, $0x1;
	s10 =	sld [smem:$0x3F9F]  }
0x3d: {  	_ =	shalt  }
0x3e: {  	_ =	shalt  }
0x3f: {  	_ =	shalt  }
0x40: {  	_ =	shalt  }
0x41: {  	_ =	shalt  }
0x42: {  	_ =	shalt  }
0x43: {  	_ =	shalt  }
0x44: {  	_ =	shalt  }
0x45: {  	_ =	shalt  }
0x46: {  	_ =	shalt  }
0x47: {  	_ =	shalt  }
0x48: {  	_ =	shalt  }
0x49: {  	_ =	shalt  }
0x4a: {  	_ =	shalt  }
0x4b: {  	_ =	shalt  }
0x4c: {  	_ =	shalt  }
0x4d: {  	_ =	shalt  }
0x4e: {  	_ =	shalt  }
0x4f: {  	_ =	shalt  }
0x50: {  	_ =	shalt  }
0x51: {  	_ =	shalt  }
0x52: {  	_ =	shalt  }
0x53: {  	_ =	shalt  }
0x54: {  	_ =	shalt  }
0x55: {  	_ =	shalt  }
0x56: {  	_ =	shalt  }
0x57: {  	_ =	shalt  }
0x58: {  	_ =	shalt  }
0x59: {  	_ =	shalt  }
0x5a: {  	_ =	shalt  }
0x5b: {  	_ =	shalt  }
0x5c: {  	_ =	shalt  }
0x5d: {  	_ =	shalt  }
0x5e: {  	_ =	shalt  }
0x5f: {  	_ =	shalt  }
0x60: {  	_ =	shalt  }
0x61: {  	_ =	shalt  }
0x62: {  	_ =	shalt  }
0x63: {  	_ =	shalt  }
0x64: {  	_ =	shalt  }
0x65: {  	_ =	shalt  }
0x66: {  	_ =	shalt  }
0x67: {  	_ =	shalt  }
0x68: {  	_ =	shalt  }
0x69: {  	_ =	shalt  }
0x6a: {  	_ =	shalt  }
0x6b: {  	_ =	shalt  }
0x6c: {  	_ =	shalt  }
0x6d: {  	_ =	shalt  }
0x6e: {  	_ =	shalt  }
0x6f: {  	_ =	shalt  }
0x70: {  	_ =	shalt  }
0x71: {  	_ =	shalt  }
0x72: {  	_ =	shalt  }
0x73: {  	_ =	shalt  }
0x74: {  	_ =	shalt  }
0x75: {  	_ =	shalt  }
0x76: {  	_ =	shalt  }
0x77: {  	_ =	shalt  }
0x78: {  	_ =	shalt  }
0x79: {  	_ =	shalt  }
0x7a: {  	_ =	shalt  }
0x7b: {  	_ =	shalt  }
0x7c: {  	_ =	shalt  }
0x7d: {  	_ =	shalt  }
0x7e: {  	_ =	shalt  }
0x7f: {  	_ =	shalt  }
0x80: {  	_ =	shalt  }
0x81: {  	_ =	shalt  }
0x82: {  	_ =	shalt  }
0x83: {  	_ =	shalt  }
0x84: {  	_ =	shalt  }
0x85: {  	_ =	shalt  }
0x86: {  	_ =	shalt  }
0x87: {  	_ =	shalt  }
.Lfunc_end0:
.L_simem_size_0:
called_computation.2_lowered:
.L_overlay_start_0:
0x88: {  	s2 =	sld [smem:$0x3FD9]  }
0x89: {  	s3 =	sld [smem:$0x3FFE];
	_ =	sdelay $0x1  }
0x8a: {  	s1 =	srdreg.scid  }
0x8b: {  	s0 =	sand.u32 $0x1, s1  }
0x8c: {  	s16 =	sshll.u32 s0, $0xA;
	s2 =	sadd.s32 s3, s2  }
0x8d: {  	s2 =	sadd.s32 s2, s16  }
0x8e: {  	[smem:$0x3FAB] =	sst s2  }
0x8f: {  	_ = 	snop  }
0x90: {  	(tm) =	ssettm $0x1  }
0x91: {  	s17 =	sld [smem:$0x3FFB];
	_ =	sdelay $0x3  }
0x92: {  	_ =	strace s17  }
0x93: {  	s2 =	sld [smem:$0x3FFC];
	_ =	sdelay $0x3  }
0x94: {  	_ =	strace s2  }
0x95: {  	s2 =	sld [smem:$0x3FFD];
	_ =	sdelay $0x3  }
0x96: {  	_ =	strace s2  }
0x97: {  	_ =	strace $0x8FFFFFFF  }
0x98: {  	s18 =	sld [smem:$0x3FDB];
	_ =	sdelay $0x1  }
0x99: {  	s19 =	simm.s32 $_scs_section_size  }
0x9a: {  	s4 =	simm.s32 $_size__tile_overlayer_lowered;
	s5 =	simm.s32 $_tile_overlayer_lowered  }
0x9b: {  	s22 =	simm.s32 $0x1BFF;
	s21 =	sshll.u32 s5, $0x1;
	s2 =	sadd.s32 s19, s18  }
0x9c: {  	s6 =	simm.s32 $0x0;
	s20 =	sshll.u32 s4, $0x1;
	s4 =	sadd.s32 s21, s2  }
0x9d: {  	[timem:s6], [sflag:s22] =	dma.local [hbm:s4], s20  }
0x9e: {  	_ =	swait.ge [sflag:s22], s20  }
0x9f: {  	s3 =	ssub.s32 $0x0, s20;
	[sflag:s22] =	ssyncset.done $0x0  }
0xa0: {  	[sflag:s22] =	ssyncadd.s32 s3;
	_ =	sdelay $0x1  }
0xa1: {  	s23 =	simm.s32 $0x1B8B  }
0xa2: {  	_ =	swait.ge [sflag:s23], $0x1  }
0xa3: {  	[sflag:s23] =	ssyncset.done $0x0  }
0xa4: {  	s25 =	simm.s32 $0x1B8E;
	s24 =	sld [smem:$0x3FFE];
	[sflag:s23] =	ssyncadd.s32 $0xFFFFFFFF  }
0xa5: {  	s26 =	simm.s32 $execute0_lowered;
	[smem:$0x3FD2] =	sst s25  }
0xa6: {  	s4 =	sshll.u32 s26, $0x1;
	_ =	strace $0x8000004C;
	[dreg:$0x1] =	wrdreg $0xFFFFFFFF  }
0xa7: {  	s28 =	simm.s32 $_size_execute0_lowered;
	s2 =	sadd.s32 s2, s4;
	[dreg:$0x0] =	wrdreg $0x0  }
0xa8: {  	s4 =	sshll.u32 s28, $0x1;
	[dreg:$0x2] =	wrdreg s2  }
0xa9: {  	[dreg:$0x3] =	wrdreg s4  }
0xaa: {  	[dreg:$0x4] =	wrdreg $0xC0  }
0xab: {  	_ =	task [dreg:s6], $0x5FFFF  }
0xac: {  	[dreg:$0x1] =	wrdreg $0xFFFFFFFF  }
0xad: {  	[dreg:$0x0] =	wrdreg $0x60  }
0xae: {  	[dreg:$0x2] =	wrdreg s24  }
0xaf: {  	[dreg:$0x3] =	wrdreg $0x0  }
0xb0: {  	[dreg:$0x4] =	wrdreg $0x9  }
0xb1: {  	_ =	task.clear_ibuf [dreg:s6], $0x5FFFF;
	_ =	strace $0x9000004C  }
0xb2: {  	s29 =	simm.s32 $0x9;
	_ =	strace $0x8000004E  }
0xb3: {  	_ =	swait.ge [sflag:s29], $0x1  }
0xb4: {  	[sflag:s29] =	ssyncadd.s32 $0xFFFFFFFF  }
0xb5: {  	_ =	strace $0x9000004E  }
0xb6: {  	_ =	sfence  }
0xb7: {  	s30 =	sld [smem:$0x0];
	_ =	sdelay $0x2  }
0xb8: {  	s31 =	sshll.u32 s1, $0xD;
	s1 =	sshrl.u32 s1, $0x2  }
0xb9: {  	s3 =	sand.u32 $0x4000, s31;
	s1 =	sadd.s32 s1, s30  }
0xba: {  	s0 =	sor.u32 s3, s0;
	s1 =	sshll.u32 s1, $0x11  }
0xbb: {  	s0 =	sor.u32 s1, s0  }
0xbc: {  	s0 =	sadd.s32 $0x8F2B, s0  }
0xbd: {  	[sflag:s0] =	ssyncadd.remote.s32 $0x1  }
0xbe: {  	_ =	sfence.sel $0xFFFF  }
0xbf: {  	[dreg:$0x0] =	wrdreg $0xFFFFFFFF;
	(pc) =	sbr.abs _section_cstart, $3  }
0xc0: {  	[dreg:$0x1] =	wrdreg $0xFFFFFFFF  }
0xc1: {  	_ =	task.clear_ibuf [dreg:s6], $0x2FFFF;
	_ =	strace $0x9FFFFFFF  }
0xc2: {  	(tm) =	ssettm $0x7FFFFFFF  }
0xc3: {  	_ =	shalt  }
tec
execute0_lowered:
.L_overlay_start_1:
0x0: {  	(tag) =	ssettag $0x1  }
0x1: {  	s7 =	rddreg [dreg:$0x0]  }
0x2: {  	s2 =	rddreg [dreg:$0x1]  }
0x3: {  	s0 =	rddreg [dreg:$0x2];
	s3 =	simm.s32 $0x0  }
0x4: {  	s1 =	stileid.u32;
	s4 =	srdreg.scid;
	s15 =	simm.s32 $0x15000  }
0x5: {  	s16 =	simm.s32 $0x80;
	s17 =	simm.s32 $0x16000;
	s18 =	simm.s32 $0x1  }
0x6: {  	s19 =	simm.s32 $0x14080;
	s20 =	simm.s32 $0x1A000;
	s21 =	simm.s32 $0x2  }
0x7: {  	s22 =	simm.s32 $0x3;
	s23 =	simm.s32 $0x4;
	s24 =	simm.s32 $0x15F80  }
0x8: {  	s25 =	simm.s32 $0x0;
	[smem:$0x7FF] =	sst s3;
	s8 =	smul.u32 $0x14000, s1  }
0x9: {  	s9 =	sand.u32 $0x1, s4;
	s4 =	sadd.s32 $0x7400, s7;
	s5 =	sadd.s32 $0x5FA00, s7  }
0xa: {  	s6 =	sadd.s32 $0x55A00, s7;
	s12 =	smul.u32 $0x50000, s1;
	s30 =	sshll.u32 s1, $0x6  }
0xb: {  	s31 =	sshll.u32 s1, $0xC;
	_ =	strace $0x8000004D;
	s10 =	smul.u32 $0x140000, s9  }
0xc: {  	s29 =	ssub.s32 $0x2, s9;
	p0 =	seq.s32 s9, $0x1;
	s9 =	sor.u32 $0x1C05, s30  }
0xd: {  	s11 =	sshrl.u32 s8, $0x3;
	s13 =	sshrl.u32 s29, $0x1;
	s8 =	sadd.s32 s8, s10  }
0xe: {  	s12 =	sshrl.u32 s12, $0x2;
	s11 =	sadd.s32 s11, s7;
	s8 =	sshrl.u32 s8, $0x3  }
0xf: {  	s13 =	ssub.s32 s29, s13;
	s12 =	sadd.s32 s12, s2;
	s14 =	sadd.s32 s8, s7  }
0x10: {  	s7 =	sadd.s32 $0x69A00, s11;
	s11 =	sshll.u32 s1, $0xE;
	s8 =	sor.u32 $0x40000, s31  }
0x11: {  	s12 =	sshrl.u32 s12, $0x3;
	s8 =	smov.u32 @p0 s11;
	s10 =	sadd.s32 $0x91A00, s14  }
0x12: {  	s11 =	smax.u32 s13, $0x1;
	s13 =	simm.s32 $0x5;
	s14 =	simm.s32 $0x14000  }
.LBB2_1:
0x13: {  	[spmem:s12], [sflag:s9] =	dma.local [hbm:s7], $0x2800  }
0x14: {  	_ =	swait.ge [sflag:s13], $0x2800  }
0x15: {  	[sflag:s13] =	ssyncset.done $0x0  }
0x16: {  	[sflag:s13] =	ssyncadd.s32 $0xFFFFD800  }
0x17: {  	s26 =	simm.s32 $0x0;
	[bflag:$0x0] =	sbarrier.arrive $0xFFFF  }
.LBB2_2:
0x18: {  	s28 =	sshll.u32 s26, $0xC  }
0x19: {  	s28 =	sadd.s32 s8, s28  }
0x1a: {  	s28 =	sshrl.u32 s28, $0x3  }
0x1b: {  	s29 =	sadd.s32 s5, s28  }
0x1c: {  	[tilespmem:s14], [sflag:$0x5] =	stream.linear.gather [hbm4b:s29+s3], $0x1000, $0x38;
	[tilespmem:$0x1E000] =	vst v63  }
0x1d: {  	_ =	swait.ge [sflag:s13], $0x1000  }
0x1e: {  	[sflag:s13] =	ssyncset.done $0x0  }
0x1f: {  	s28 =	sadd.s32 s6, s28;
	[sflag:s13] =	ssyncadd.s32 $0xFFFFF000  }
0x20: {  	[tilespmem:s15], [sflag:$0x5] =	stream.linear.gather [hbm4b:s28+s3], $0x1000, $0x38;
	[tilespmem:$0x1E000] =	vst v63  }
0x21: {  	_ =	swait.ge [sflag:s13], $0x1000  }
0x22: {  	[sflag:s13] =	ssyncset.done $0x0  }
0x23: {  	[sflag:s13] =	ssyncadd.s32 $0xFFFFF000  }
0x24: {  	[tilespmem:s17], [sflag:$0x1] =	stream.indirect.gather [hbm4b:s4+s16], $0x80, s14, s16, $0xb8;
	[tilespmem:$0x1E000] =	vst v63  }
0x25: {  	_ =	swait.ge [sflag:s18], $0x4000  }
0x26: {  	[sflag:s18] =	ssyncset.done $0x0  }
0x27: {  	[sflag:s18] =	ssyncadd.s32 $0xFFFFC000  }
0x28: {  	[spmem:s2] =	stream.indirect.scatter.add.f32 [tilespmem:s17], [sflag:$0x3], $0x80, s15, s16, $0xb8;
	[tilespmem:$0x1E000] =	vst v63  }
0x29: {  	_ = 	snop  }
0x2a: {  	[tilespmem:s20], [sflag:$0x2] =	stream.indirect.gather [hbm4b:s4+s16], $0x80, s19, s16, $0xb8;
	[tilespmem:$0x1E000] =	vst v63  }
0x2b: {  	_ =	swait.ge [sflag:s21], $0x4000  }
0x2c: {  	[sflag:s21] =	ssyncset.done $0x0  }
0x2d: {  	s28 =	simm.s32 $0x15080;
	[sflag:s21] =	ssyncadd.s32 $0xFFFFC000  }
0x2e: {  	[spmem:s2] =	stream.indirect.scatter.add.f32 [tilespmem:s20], [sflag:$0x4], $0x80, s28, s16, $0xb8;
	[tilespmem:$0x1E000] =	vst v63  }
0x2f: {  	_ =	swait.ge [sflag:s22], $0x4000  }
0x30: {  	[sflag:s22] =	ssyncset.done $0x0  }
0x31: {  	s28 =	simm.s32 $0x14100;
	[sflag:s22] =	ssyncadd.s32 $0xFFFFC000  }
0x32: {  	[tilespmem:s17], [sflag:$0x1] =	stream.indirect.gather [hbm4b:s4+s16], $0x80, s28, s16, $0xb8;
	[tilespmem:$0x1E000] =	vst v63  }
0x33: {  	_ =	swait.ge [sflag:s18], $0x4000  }
0x34: {  	[sflag:s18] =	ssyncset.done $0x0  }
0x35: {  	s28 =	simm.s32 $0x15100;
	[sflag:s18] =	ssyncadd.s32 $0xFFFFC000  }
0x36: {  	[spmem:s2] =	stream.indirect.scatter.add.f32 [tilespmem:s17], [sflag:$0x3], $0x80, s28, s16, $0xb8;
	[tilespmem:$0x1E000] =	vst v63  }
0x37: {  	_ =	swait.ge [sflag:s23], $0x4000  }
0x38: {  	[sflag:s23] =	ssyncset.done $0x0  }
0x39: {  	s29 =	simm.s32 $0x14180;
	s28 =	simm.s32 $0xFFFFC800;
	[sflag:s23] =	ssyncadd.s32 $0xFFFFC000  }
.LBB2_3:
0x3a: {  	[tilespmem:s20], [sflag:$0x2] =	stream.indirect.gather [hbm4b:s4+s16], $0x80, s29, s16, $0xb8;
	[tilespmem:$0x1E000] =	vst v63  }
0x3b: {  	s29 =	smov.u32 s28  }
0x3c: {  	p1 =	sne.s32 s28, $0xFFFFFC00;
	s28 =	sadd.s32 $0x400, s28;
	_ =	swait.ge [sflag:s21], $0x4000  }
0x3d: {  	s29 =	sshra.s32 s29, $0x2;
	[sflag:s21] =	ssyncset.done $0x0  }
0x3e: {  	s30 =	sadd.s32 $0x15F80, s29;
	[sflag:s21] =	ssyncadd.s32 $0xFFFFC000  }
0x3f: {  	[spmem:s2] =	stream.indirect.scatter.add.f32 [tilespmem:s20], [sflag:$0x4], $0x80, s30, s16, $0xb8;
	[tilespmem:$0x1E000] =	vst v63  }
0x40: {  	_ =	swait.ge [sflag:s22], $0x4000  }
0x41: {  	[sflag:s22] =	ssyncset.done $0x0  }
0x42: {  	s30 =	sadd.s32 $0x15000, s29;
	[sflag:s22] =	ssyncadd.s32 $0xFFFFC000  }
0x43: {  	[tilespmem:s17], [sflag:$0x1] =	stream.indirect.gather [hbm4b:s4+s16], $0x80, s30, s16, $0xb8;
	[tilespmem:$0x1E000] =	vst v63  }
0x44: {  	_ =	swait.ge [sflag:s18], $0x4000  }
0x45: {  	[sflag:s18] =	ssyncset.done $0x0  }
.Ltmp0:
0x46: {  	s30 =	sadd.s32 $0x16000, s29;
	[sflag:s18] =	ssyncadd.s32 $0xFFFFC000;
	(pc) =	sbr.rel @p1 .LBB2_3-.Ltmp0, $4  }
0x47: {  	[spmem:s2] =	stream.indirect.scatter.add.f32 [tilespmem:s17], [sflag:$0x3], $0x80, s30, s16, $0xb8;
	[tilespmem:$0x1E000] =	vst v63  }
0x48: {  	_ =	swait.ge [sflag:s23], $0x4000  }
0x49: {  	[sflag:s23] =	ssyncset.done $0x0  }
0x4a: {  	s29 =	sadd.s32 $0x15080, s29;
	[sflag:s23] =	ssyncadd.s32 $0xFFFFC000  }
0x4b: {  	[tilespmem:s20], [sflag:$0x2] =	stream.indirect.gather [hbm4b:s4+s16], $0x80, s29, s16, $0xb8;
	[tilespmem:$0x1E000] =	vst v63  }
0x4c: {  	_ =	swait.ge [sflag:s21], $0x4000  }
0x4d: {  	p1 =	slt.u32 s26, $0x3;
	[sflag:s21] =	ssyncset.done $0x0  }
0x4e: {  	p1 =	por !p0, !p1;
	[sflag:s21] =	ssyncadd.s32 $0xFFFFC000  }
0x4f: {  	[spmem:s2] =	stream.indirect.scatter.add.f32 [tilespmem:s20], [sflag:$0x4], $0x80, s24, s16, $0xb8;
	[tilespmem:$0x1E000] =	vst v63  }
0x50: {  	p1 =	por !p1, !p1;
	_ =	swait.ge [sflag:s22], $0x4000  }
.Ltmp1:
0x51: {  	[sflag:s22] =	ssyncset.done $0x0;
	(pc) =	sbr.rel @p1 .LBB2_2-.Ltmp1, $4  }
0x52: {  	[sflag:s22] =	ssyncadd.s32 $0xFFFFC000  }
0x53: {  	_ =	swait.ge [sflag:s23], $0x4000  }
0x54: {  	[sflag:s23] =	ssyncset.done $0x0  }
0x55: {  	s26 =	sadd.s32 $0x1, s26;
	[sflag:s23] =	ssyncadd.s32 $0xFFFFC000  }
0x56: {  	s25 =	sadd.s32 $0x1, s25  }
0x57: {  	p1 =	sne.s32 s25, s11  }
.Ltmp2:
0x58: {  	[bflag:$0x0] =	sbarrier.arrive $0xFFFF;
	(pc) =	sbr.rel @p1 .LBB2_1-.Ltmp2, $4  }
0x59: {  	[hbm:s10], [sflag:s9] =	dma.local [spmem:s12], $0x2800  }
0x5a: {  	_ =	swait.ge [sflag:s13], $0x2800  }
0x5b: {  	[sflag:s13] =	ssyncset.done $0x0  }
0x5c: {  	[sflag:s13] =	ssyncadd.s32 $0xFFFFD800  }
0x5d: {  	_ =	sfence.sel $0x180000  }
0x5e: {  	[bflag:$0x0] =	sbarrier.arrive $0xFFFF  }
0x5f: {  	p0 =	sne.s32 s1, $0x0;
	_ =	strace $0x9000004D  }
0x60: {  	s0 =	sadd.s32 @!p0 $0x100000, s0;
	[bflag:$0x2] =	sbarrier.arrive $0xFFFF  }
0x61: {  	[sflag:s0] =	ssyncadd.tile.s32 @!p0 $0x1;
	_ =	shalt  }
.Lfunc_end2:
_tile_overlayer_lowered:
.L_overlay_start_2:
0x62: {  	(tag) =	ssettag $0x2  }
0x63: {  	s0 =	rddreg [dreg:$0x0];
	s2 =	stileid.u32  }
0x64: {  	s1 =	rddreg [dreg:$0x1];
	p0 =	sne.s32 s2, $0x0  }
0x65: {  	s3 =	rddreg [dreg:$0x2];
	[bflag:$0x3] =	sbarrier.arrive $0xFFFF;
	s2 =	simm.s32 @!p0 $0x1C05  }
0x66: {  	[timem:s3], [sflag:s2] =	dma.local @!p0 [hbm:s0], s1  }
0x67: {  	s0 =	simm.s32 @!p0 $0x5  }
0x68: {  	_ =	swait.ge @!p0 [sflag:s0], s1  }
0x69: {  	s1 =	ssub.s32 @!p0 $0x0, s1;
	[sflag:s0] =	ssyncset.done @!p0 $0x0  }
0x6a: {  	[sflag:s0] =	ssyncadd.s32 @!p0 s1  }
0x6b: {  	[bflag:$0x3] =	sbarrier.arrive $0xFFFF  }
0x6c: {  	_ =	shalt  }

// kernel: kernel.19.cloned.1.call-start
scs
__scs_entry_jumppad:
0x0: {  	(pc) =	sbr.rel $0x88, $3  }
0x1: {  	(tag) =	ssettag $0x0;
	lr =	simm.s32 $0x1  }
0x2: {  	[smem:$0x3F84] =	sst lr;
	_ =	strace $0xD0000000  }
0x3: {  	_ = 	snop  }
0x4: {  	_ = 	snop  }
0x5: {  	_ = 	snop  }
0x6: {  	_ = 	snop  }
0x7: {  	_ = 	snop  }
__scs_overlays_trampoline_lowered:
0x8: {  	[smem:$0x3F93] =	sst s0  }
0x9: {  	[smem:$0x3F94] =	sst s1  }
0xa: {  	[smem:$0x3F95] =	sst s2  }
0xb: {  	[smem:$0x3F96] =	sst s3  }
0xc: {  	[smem:$0x3F97] =	sst s4  }
0xd: {  	[smem:$0x3F98] =	sst s5  }
0xe: {  	[smem:$0x3F99] =	sst s6  }
0xf: {  	[smem:$0x3F9A] =	sst s7  }
0x10: {  	[smem:$0x3F9B] =	sst s8  }
0x11: {  	[smem:$0x3F9C] =	sst s9;
	s0 =	simm.s32 @!p0 $0x0  }
0x12: {  	s1 =	sld [smem:$0x3F82];
	s0 =	simm.s32 @p0 $0x1  }
0x13: {  	[smem:$0x3F9D] =	sst s0;
	s0 =	simm.s32 @!p1 $0x0  }
0x14: {  	s2 =	sld [smem:$0x3F81];
	s0 =	simm.s32 @p1 $0x1  }
0x15: {  	[smem:$0x3F9E] =	sst s0;
	s0 =	simm.s32 @!p2 $0x0  }
0x16: {  	s3 =	sld [smem:$0x3FDB];
	s0 =	simm.s32 @p2 $0x1  }
0x17: {  	s4 =	simm.s32 $0x1BF5;
	[smem:$0x3FA0] =	sst s0  }
0x18: {  	s0 =	sld [smem:$0x3F83];
	_ =	swait.ge [sflag:s4], $0x0  }
0x19: {  	s7 =	sld [smem:$0x3F84]  }
0x1a: {  	s8 =	sadd.s32 $0xFFFFE003, lr  }
0x1b: {  	s9 =	sadd.s32 $0xFFFFFEF7, lr;
	s5 =	simm.s32 $0xFFFFFFFF;
	p2 =	slt.u32 s8, $0xFFFFF086  }
0x1c: {  	p1 =	slt.u32 s9, $0xF7A;
	s5 =	simm.s32 @!p2 $0x0  }
0x1d: {  	s5 =	simm.s32 @p1 $0x1;
	p0 =	seq.s32 s7, s2  }
0x1e: {  	s7 =	smul.u32 @!p0 $0xF7A, s2;
	p2 =	seq.s32 @!p0 s5, $0x0  }
0x1f: {  	s9 =	smul.u32 $0xF7A, s1;
	s8 =	simm.s32 @!p0 $0x1BF5;
	p2 =	por !p2, p0  }
0x20: {  	[sflag:s8] =	ssyncset.s32 @!p0 $0xFFFFF086;
	s6 =	sadd.s32 @!p0 s3, s7;
	s7 =	simm.s32 @!p0 $0x108  }
0x21: {  	s3 =	sadd.s32 s3, s9;
	s6 =	sadd.s32 @!p0 $0x88, s6;
	s7 =	simm.s32 @p2 $0x1082  }
0x22: {  	[simem:s7], [sflag:s8] =	dma.local @!p0 [hbm:s6], $0xF7A  }
0x23: {  	s9 =	sor.u32 $0xD0000000, s2;
	s6 =	simm.s32 $0x108;
	_ =	swait.ge @!p0 [sflag:s8], $0x0  }
0x24: {  	s3 =	sadd.s32 $0x88, s3;
	s6 =	simm.s32 @!p1 $0x1082;
	[sflag:s4] =	ssyncset.s32 $0xFFFFF086  }
0x25: {  	[simem:s6], [sflag:s4] =	dma.local [hbm:s3], $0xF7A  }
0x26: {  	[smem:$0x3F84] =	sst s1;
	(tag) =	ssettag s2;
	_ =	strace s9  }
0x27: {  	s1 =	sld [smem:$0x3F94]  }
0x28: {  	s2 =	sld [smem:$0x3F95]  }
0x29: {  	s4 =	sld [smem:$0x3F97]  }
0x2a: {  	p0 =	seq.s32 s5, $0x0;
	s5 =	sld [smem:$0x3F98]  }
0x2b: {  	s6 =	sld [smem:$0x3F99]  }
0x2c: {  	s7 =	sld [smem:$0x3F9A]  }
0x2d: {  	s3 =	simm.s32 $0x108;
	s8 =	sld [smem:$0x3F9B]  }
0x2e: {  	s3 =	simm.s32 @!p0 $0x1082;
	s9 =	sld [smem:$0x3F9C]  }
0x2f: {  	lr =	sadd.s32 s0, s3;
	s0 =	sld [smem:$0x3F93]  }
0x30: {  	s3 =	sld [smem:$0x3F96]  }
0x31: {  	[smem:$0x3F9F] =	sst s10  }
0x32: {  	s10 =	sld [smem:$0x3F9D];
	_ =	sdelay $0x3  }
0x33: {  	p0 =	seq.s32 s10, $0x1;
	s10 =	sld [smem:$0x3F9F];
	_ =	sdelay $0x3  }
0x34: {  	[smem:$0x3F9F] =	sst s10  }
0x35: {  	s10 =	sld [smem:$0x3F9E];
	_ =	sdelay $0x3  }
0x36: {  	p1 =	seq.s32 s10, $0x1;
	s10 =	sld [smem:$0x3F9F];
	_ =	sdelay $0x3  }
0x37: {  	[smem:$0x3F9F] =	sst s10  }
0x38: {  	s10 =	sld [smem:$0x3FA0]  }
0x39: {  	_ = 	snop;
	(pc) =	sbr.ind lr, $3  }
0x3a: {  	_ = 	snop  }
0x3b: {  	_ = 	snop  }
0x3c: {  	p2 =	seq.s32 s10, $0x1;
	s10 =	sld [smem:$0x3F9F]  }
0x3d: {  	_ =	shalt  }
0x3e: {  	_ =	shalt  }
0x3f: {  	_ =	shalt  }
0x40: {  	_ =	shalt  }
0x41: {  	_ =	shalt  }
0x42: {  	_ =	shalt  }
0x43: {  	_ =	shalt  }
0x44: {  	_ =	shalt  }
0x45: {  	_ =	shalt  }
0x46: {  	_ =	shalt  }
0x47: {  	_ =	shalt  }
0x48: {  	_ =	shalt  }
0x49: {  	_ =	shalt  }
0x4a: {  	_ =	shalt  }
0x4b: {  	_ =	shalt  }
0x4c: {  	_ =	shalt  }
0x4d: {  	_ =	shalt  }
0x4e: {  	_ =	shalt  }
0x4f: {  	_ =	shalt  }
0x50: {  	_ =	shalt  }
0x51: {  	_ =	shalt  }
0x52: {  	_ =	shalt  }
0x53: {  	_ =	shalt  }
0x54: {  	_ =	shalt  }
0x55: {  	_ =	shalt  }
0x56: {  	_ =	shalt  }
0x57: {  	_ =	shalt  }
0x58: {  	_ =	shalt  }
0x59: {  	_ =	shalt  }
0x5a: {  	_ =	shalt  }
0x5b: {  	_ =	shalt  }
0x5c: {  	_ =	shalt  }
0x5d: {  	_ =	shalt  }
0x5e: {  	_ =	shalt  }
0x5f: {  	_ =	shalt  }
0x60: {  	_ =	shalt  }
0x61: {  	_ =	shalt  }
0x62: {  	_ =	shalt  }
0x63: {  	_ =	shalt  }
0x64: {  	_ =	shalt  }
0x65: {  	_ =	shalt  }
0x66: {  	_ =	shalt  }
0x67: {  	_ =	shalt  }
0x68: {  	_ =	shalt  }
0x69: {  	_ =	shalt  }
0x6a: {  	_ =	shalt  }
0x6b: {  	_ =	shalt  }
0x6c: {  	_ =	shalt  }
0x6d: {  	_ =	shalt  }
0x6e: {  	_ =	shalt  }
0x6f: {  	_ =	shalt  }
0x70: {  	_ =	shalt  }
0x71: {  	_ =	shalt  }
0x72: {  	_ =	shalt  }
0x73: {  	_ =	shalt  }
0x74: {  	_ =	shalt  }
0x75: {  	_ =	shalt  }
0x76: {  	_ =	shalt  }
0x77: {  	_ =	shalt  }
0x78: {  	_ =	shalt  }
0x79: {  	_ =	shalt  }
0x7a: {  	_ =	shalt  }
0x7b: {  	_ =	shalt  }
0x7c: {  	_ =	shalt  }
0x7d: {  	_ =	shalt  }
0x7e: {  	_ =	shalt  }
0x7f: {  	_ =	shalt  }
0x80: {  	_ =	shalt  }
0x81: {  	_ =	shalt  }
0x82: {  	_ =	shalt  }
0x83: {  	_ =	shalt  }
0x84: {  	_ =	shalt  }
0x85: {  	_ =	shalt  }
0x86: {  	_ =	shalt  }
0x87: {  	_ =	shalt  }
.Lfunc_end0:
.L_simem_size_0:
called_computation.3_lowered:
.L_overlay_start_0:
0x88: {  	s2 =	sld [smem:$0x3FD9]  }
0x89: {  	s3 =	sld [smem:$0x3FFE];
	_ =	sdelay $0x1  }
0x8a: {  	s1 =	srdreg.scid  }
0x8b: {  	s0 =	sand.u32 $0x1, s1  }
0x8c: {  	s16 =	sshll.u32 s0, $0xA;
	s2 =	sadd.s32 s3, s2  }
0x8d: {  	s2 =	sadd.s32 s2, s16  }
0x8e: {  	[smem:$0x3FAB] =	sst s2  }
0x8f: {  	_ = 	snop  }
0x90: {  	(tm) =	ssettm $0x1  }
0x91: {  	s17 =	sld [smem:$0x3FFB];
	_ =	sdelay $0x3  }
0x92: {  	_ =	strace s17  }
0x93: {  	s2 =	sld [smem:$0x3FFC];
	_ =	sdelay $0x3  }
0x94: {  	_ =	strace s2  }
0x95: {  	s2 =	sld [smem:$0x3FFD];
	_ =	sdelay $0x3  }
0x96: {  	_ =	strace s2  }
0x97: {  	_ =	strace $0x8FFFFFFF  }
0x98: {  	s18 =	sld [smem:$0x3FDB];
	_ =	sdelay $0x1  }
0x99: {  	s19 =	simm.s32 $_scs_section_size  }
0x9a: {  	s4 =	simm.s32 $_size__tile_overlayer_lowered;
	s5 =	simm.s32 $_tile_overlayer_lowered  }
0x9b: {  	s22 =	simm.s32 $0x1BFF;
	s21 =	sshll.u32 s5, $0x1;
	s2 =	sadd.s32 s19, s18  }
0x9c: {  	s6 =	simm.s32 $0x0;
	s20 =	sshll.u32 s4, $0x1;
	s4 =	sadd.s32 s21, s2  }
0x9d: {  	[timem:s6], [sflag:s22] =	dma.local [hbm:s4], s20  }
0x9e: {  	_ =	swait.ge [sflag:s22], s20  }
0x9f: {  	s3 =	ssub.s32 $0x0, s20;
	[sflag:s22] =	ssyncset.done $0x0  }
0xa0: {  	[sflag:s22] =	ssyncadd.s32 s3;
	_ =	sdelay $0x1  }
0xa1: {  	s23 =	simm.s32 $0x1B8B  }
0xa2: {  	_ =	swait.ge [sflag:s23], $0x1  }
0xa3: {  	[sflag:s23] =	ssyncset.done $0x0  }
0xa4: {  	s25 =	simm.s32 $0x1B8E;
	s24 =	sld [smem:$0x3FFE];
	[sflag:s23] =	ssyncadd.s32 $0xFFFFFFFF  }
0xa5: {  	s26 =	simm.s32 $execute0_lowered;
	[smem:$0x3FD2] =	sst s25  }
0xa6: {  	s4 =	sshll.u32 s26, $0x1;
	_ =	strace $0x8000004F;
	[dreg:$0x1] =	wrdreg $0xFFFFFFFF  }
0xa7: {  	s28 =	simm.s32 $_size_execute0_lowered;
	s2 =	sadd.s32 s2, s4;
	[dreg:$0x0] =	wrdreg $0x0  }
0xa8: {  	s4 =	sshll.u32 s28, $0x1;
	[dreg:$0x2] =	wrdreg s2  }
0xa9: {  	[dreg:$0x3] =	wrdreg s4  }
0xaa: {  	[dreg:$0x4] =	wrdreg $0xC0  }
0xab: {  	_ =	task [dreg:s6], $0x5FFFF  }
0xac: {  	[dreg:$0x1] =	wrdreg $0xFFFFFFFF  }
0xad: {  	[dreg:$0x0] =	wrdreg $0x60  }
0xae: {  	[dreg:$0x2] =	wrdreg s24  }
0xaf: {  	[dreg:$0x3] =	wrdreg $0x0  }
0xb0: {  	[dreg:$0x4] =	wrdreg $0x9  }
0xb1: {  	_ =	task.clear_ibuf [dreg:s6], $0x5FFFF;
	_ =	strace $0x9000004F  }
0xb2: {  	s29 =	simm.s32 $0x9;
	_ =	strace $0x80000051  }
0xb3: {  	_ =	swait.ge [sflag:s29], $0x1  }
0xb4: {  	[sflag:s29] =	ssyncadd.s32 $0xFFFFFFFF  }
0xb5: {  	_ =	strace $0x90000051  }
0xb6: {  	_ =	sfence  }
0xb7: {  	s30 =	sld [smem:$0x0];
	_ =	sdelay $0x2  }
0xb8: {  	s31 =	sshll.u32 s1, $0xD;
	s1 =	sshrl.u32 s1, $0x2  }
0xb9: {  	s3 =	sand.u32 $0x4000, s31;
	s1 =	sadd.s32 s1, s30  }
0xba: {  	s0 =	sor.u32 s3, s0;
	s1 =	sshll.u32 s1, $0x11  }
0xbb: {  	s0 =	sor.u32 s1, s0  }
0xbc: {  	s0 =	sadd.s32 $0x8F2B, s0  }
0xbd: {  	[sflag:s0] =	ssyncadd.remote.s32 $0x1  }
0xbe: {  	_ =	sfence.sel $0xFFFF  }
0xbf: {  	[dreg:$0x0] =	wrdreg $0xFFFFFFFF;
	(pc) =	sbr.abs _section_cstart, $3  }
0xc0: {  	[dreg:$0x1] =	wrdreg $0xFFFFFFFF  }
0xc1: {  	_ =	task.clear_ibuf [dreg:s6], $0x2FFFF;
	_ =	strace $0x9FFFFFFF  }
0xc2: {  	(tm) =	ssettm $0x7FFFFFFF  }
0xc3: {  	_ =	shalt  }
tec
execute0_lowered:
.L_overlay_start_1:
0x0: {  	(tag) =	ssettag $0x1  }
0x1: {  	s7 =	rddreg [dreg:$0x0]  }
0x2: {  	s2 =	rddreg [dreg:$0x1]  }
0x3: {  	s0 =	rddreg [dreg:$0x2];
	s3 =	simm.s32 $0x0  }
0x4: {  	s1 =	stileid.u32;
	s4 =	srdreg.scid;
	s15 =	simm.s32 $0x15000  }
0x5: {  	s16 =	simm.s32 $0x80;
	s17 =	simm.s32 $0x16000;
	s18 =	simm.s32 $0x1  }
0x6: {  	s19 =	simm.s32 $0x14080;
	s20 =	simm.s32 $0x1A000;
	s21 =	simm.s32 $0x2  }
0x7: {  	s22 =	simm.s32 $0x3;
	s23 =	simm.s32 $0x4;
	s24 =	simm.s32 $0x15F80  }
0x8: {  	s25 =	simm.s32 $0x0;
	[smem:$0x7FF] =	sst s3;
	s8 =	smul.u32 $0x14000, s1  }
0x9: {  	s9 =	sand.u32 $0x1, s4;
	s4 =	sadd.s32 $0x7400, s7;
	s5 =	sadd.s32 $0x5FA00, s7  }
0xa: {  	s6 =	sadd.s32 $0x55A00, s7;
	s12 =	smul.u32 $0x50000, s1;
	s30 =	sshll.u32 s1, $0x6  }
0xb: {  	s31 =	sshll.u32 s1, $0xC;
	_ =	strace $0x80000050;
	s10 =	smul.u32 $0x140000, s9  }
0xc: {  	s29 =	ssub.s32 $0x2, s9;
	p0 =	seq.s32 s9, $0x1;
	s9 =	sor.u32 $0x1C05, s30  }
0xd: {  	s11 =	sshrl.u32 s8, $0x3;
	s13 =	sshrl.u32 s29, $0x1;
	s8 =	sadd.s32 s8, s10  }
0xe: {  	s12 =	sshrl.u32 s12, $0x2;
	s11 =	sadd.s32 s11, s7;
	s8 =	sshrl.u32 s8, $0x3  }
0xf: {  	s13 =	ssub.s32 s29, s13;
	s12 =	sadd.s32 s12, s2;
	s14 =	sadd.s32 s8, s7  }
0x10: {  	s7 =	sadd.s32 $0x69A00, s11;
	s11 =	sshll.u32 s1, $0xE;
	s8 =	sor.u32 $0x40000, s31  }
0x11: {  	s12 =	sshrl.u32 s12, $0x3;
	s8 =	smov.u32 @p0 s11;
	s10 =	sadd.s32 $0x91A00, s14  }
0x12: {  	s11 =	smax.u32 s13, $0x1;
	s13 =	simm.s32 $0x5;
	s14 =	simm.s32 $0x14000  }
.LBB2_1:
0x13: {  	[spmem:s12], [sflag:s9] =	dma.local [hbm:s7], $0x2800  }
0x14: {  	_ =	swait.ge [sflag:s13], $0x2800  }
0x15: {  	[sflag:s13] =	ssyncset.done $0x0  }
0x16: {  	[sflag:s13] =	ssyncadd.s32 $0xFFFFD800  }
0x17: {  	s26 =	simm.s32 $0x0;
	[bflag:$0x0] =	sbarrier.arrive $0xFFFF  }
.LBB2_2:
0x18: {  	s28 =	sshll.u32 s26, $0xC  }
0x19: {  	s28 =	sadd.s32 s8, s28  }
0x1a: {  	s28 =	sshrl.u32 s28, $0x3  }
0x1b: {  	s29 =	sadd.s32 s5, s28  }
0x1c: {  	[tilespmem:s14], [sflag:$0x5] =	stream.linear.gather [hbm4b:s29+s3], $0x1000, $0x38;
	[tilespmem:$0x1E000] =	vst v63  }
0x1d: {  	_ =	swait.ge [sflag:s13], $0x1000  }
0x1e: {  	[sflag:s13] =	ssyncset.done $0x0  }
0x1f: {  	s28 =	sadd.s32 s6, s28;
	[sflag:s13] =	ssyncadd.s32 $0xFFFFF000  }
0x20: {  	[tilespmem:s15], [sflag:$0x5] =	stream.linear.gather [hbm4b:s28+s3], $0x1000, $0x38;
	[tilespmem:$0x1E000] =	vst v63  }
0x21: {  	_ =	swait.ge [sflag:s13], $0x1000  }
0x22: {  	[sflag:s13] =	ssyncset.done $0x0  }
0x23: {  	[sflag:s13] =	ssyncadd.s32 $0xFFFFF000  }
0x24: {  	[tilespmem:s17], [sflag:$0x1] =	stream.indirect.gather [hbm4b:s4+s16], $0x80, s14, s16, $0xb8;
	[tilespmem:$0x1E000] =	vst v63  }
0x25: {  	_ =	swait.ge [sflag:s18], $0x4000  }
0x26: {  	[sflag:s18] =	ssyncset.done $0x0  }
0x27: {  	[sflag:s18] =	ssyncadd.s32 $0xFFFFC000  }
0x28: {  	[spmem:s2] =	stream.indirect.scatter.add.f32 [tilespmem:s17], [sflag:$0x3], $0x80, s15, s16, $0xb8;
	[tilespmem:$0x1E000] =	vst v63  }
0x29: {  	_ = 	snop  }
0x2a: {  	[tilespmem:s20], [sflag:$0x2] =	stream.indirect.gather [hbm4b:s4+s16], $0x80, s19, s16, $0xb8;
	[tilespmem:$0x1E000] =	vst v63  }
0x2b: {  	_ =	swait.ge [sflag:s21], $0x4000  }
0x2c: {  	[sflag:s21] =	ssyncset.done $0x0  }
0x2d: {  	s28 =	simm.s32 $0x15080;
	[sflag:s21] =	ssyncadd.s32 $0xFFFFC000  }
0x2e: {  	[spmem:s2] =	stream.indirect.scatter.add.f32 [tilespmem:s20], [sflag:$0x4], $0x80, s28, s16, $0xb8;
	[tilespmem:$0x1E000] =	vst v63  }
0x2f: {  	_ =	swait.ge [sflag:s22], $0x4000  }
0x30: {  	[sflag:s22] =	ssyncset.done $0x0  }
0x31: {  	s28 =	simm.s32 $0x14100;
	[sflag:s22] =	ssyncadd.s32 $0xFFFFC000  }
0x32: {  	[tilespmem:s17], [sflag:$0x1] =	stream.indirect.gather [hbm4b:s4+s16], $0x80, s28, s16, $0xb8;
	[tilespmem:$0x1E000] =	vst v63  }
0x33: {  	_ =	swait.ge [sflag:s18], $0x4000  }
0x34: {  	[sflag:s18] =	ssyncset.done $0x0  }
0x35: {  	s28 =	simm.s32 $0x15100;
	[sflag:s18] =	ssyncadd.s32 $0xFFFFC000  }
0x36: {  	[spmem:s2] =	stream.indirect.scatter.add.f32 [tilespmem:s17], [sflag:$0x3], $0x80, s28, s16, $0xb8;
	[tilespmem:$0x1E000] =	vst v63  }
0x37: {  	_ =	swait.ge [sflag:s23], $0x4000  }
0x38: {  	[sflag:s23] =	ssyncset.done $0x0  }
0x39: {  	s29 =	simm.s32 $0x14180;
	s28 =	simm.s32 $0xFFFFC800;
	[sflag:s23] =	ssyncadd.s32 $0xFFFFC000  }
.LBB2_3:
0x3a: {  	[tilespmem:s20], [sflag:$0x2] =	stream.indirect.gather [hbm4b:s4+s16], $0x80, s29, s16, $0xb8;
	[tilespmem:$0x1E000] =	vst v63  }
0x3b: {  	s29 =	smov.u32 s28  }
0x3c: {  	p1 =	sne.s32 s28, $0xFFFFFC00;
	s28 =	sadd.s32 $0x400, s28;
	_ =	swait.ge [sflag:s21], $0x4000  }
0x3d: {  	s29 =	sshra.s32 s29, $0x2;
	[sflag:s21] =	ssyncset.done $0x0  }
0x3e: {  	s30 =	sadd.s32 $0x15F80, s29;
	[sflag:s21] =	ssyncadd.s32 $0xFFFFC000  }
0x3f: {  	[spmem:s2] =	stream.indirect.scatter.add.f32 [tilespmem:s20], [sflag:$0x4], $0x80, s30, s16, $0xb8;
	[tilespmem:$0x1E000] =	vst v63  }
0x40: {  	_ =	swait.ge [sflag:s22], $0x4000  }
0x41: {  	[sflag:s22] =	ssyncset.done $0x0  }
0x42: {  	s30 =	sadd.s32 $0x15000, s29;
	[sflag:s22] =	ssyncadd.s32 $0xFFFFC000  }
0x43: {  	[tilespmem:s17], [sflag:$0x1] =	stream.indirect.gather [hbm4b:s4+s16], $0x80, s30, s16, $0xb8;
	[tilespmem:$0x1E000] =	vst v63  }
0x44: {  	_ =	swait.ge [sflag:s18], $0x4000  }
0x45: {  	[sflag:s18] =	ssyncset.done $0x0  }
.Ltmp0:
0x46: {  	s30 =	sadd.s32 $0x16000, s29;
	[sflag:s18] =	ssyncadd.s32 $0xFFFFC000;
	(pc) =	sbr.rel @p1 .LBB2_3-.Ltmp0, $4  }
0x47: {  	[spmem:s2] =	stream.indirect.scatter.add.f32 [tilespmem:s17], [sflag:$0x3], $0x80, s30, s16, $0xb8;
	[tilespmem:$0x1E000] =	vst v63  }
0x48: {  	_ =	swait.ge [sflag:s23], $0x4000  }
0x49: {  	[sflag:s23] =	ssyncset.done $0x0  }
0x4a: {  	s29 =	sadd.s32 $0x15080, s29;
	[sflag:s23] =	ssyncadd.s32 $0xFFFFC000  }
0x4b: {  	[tilespmem:s20], [sflag:$0x2] =	stream.indirect.gather [hbm4b:s4+s16], $0x80, s29, s16, $0xb8;
	[tilespmem:$0x1E000] =	vst v63  }
0x4c: {  	_ =	swait.ge [sflag:s21], $0x4000  }
0x4d: {  	p1 =	slt.u32 s26, $0x3;
	[sflag:s21] =	ssyncset.done $0x0  }
0x4e: {  	p1 =	por !p0, !p1;
	[sflag:s21] =	ssyncadd.s32 $0xFFFFC000  }
0x4f: {  	[spmem:s2] =	stream.indirect.scatter.add.f32 [tilespmem:s20], [sflag:$0x4], $0x80, s24, s16, $0xb8;
	[tilespmem:$0x1E000] =	vst v63  }
0x50: {  	p1 =	por !p1, !p1;
	_ =	swait.ge [sflag:s22], $0x4000  }
.Ltmp1:
0x51: {  	[sflag:s22] =	ssyncset.done $0x0;
	(pc) =	sbr.rel @p1 .LBB2_2-.Ltmp1, $4  }
0x52: {  	[sflag:s22] =	ssyncadd.s32 $0xFFFFC000  }
0x53: {  	_ =	swait.ge [sflag:s23], $0x4000  }
0x54: {  	[sflag:s23] =	ssyncset.done $0x0  }
0x55: {  	s26 =	sadd.s32 $0x1, s26;
	[sflag:s23] =	ssyncadd.s32 $0xFFFFC000  }
0x56: {  	s25 =	sadd.s32 $0x1, s25  }
0x57: {  	p1 =	sne.s32 s25, s11  }
.Ltmp2:
0x58: {  	[bflag:$0x0] =	sbarrier.arrive $0xFFFF;
	(pc) =	sbr.rel @p1 .LBB2_1-.Ltmp2, $4  }
0x59: {  	[hbm:s10], [sflag:s9] =	dma.local [spmem:s12], $0x2800  }
0x5a: {  	_ =	swait.ge [sflag:s13], $0x2800  }
0x5b: {  	[sflag:s13] =	ssyncset.done $0x0  }
0x5c: {  	[sflag:s13] =	ssyncadd.s32 $0xFFFFD800  }
0x5d: {  	_ =	sfence.sel $0x180000  }
0x5e: {  	[bflag:$0x0] =	sbarrier.arrive $0xFFFF  }
0x5f: {  	p0 =	sne.s32 s1, $0x0;
	_ =	strace $0x90000050  }
0x60: {  	s0 =	sadd.s32 @!p0 $0x100000, s0;
	[bflag:$0x2] =	sbarrier.arrive $0xFFFF  }
0x61: {  	[sflag:s0] =	ssyncadd.tile.s32 @!p0 $0x1;
	_ =	shalt  }
.Lfunc_end2:
_tile_overlayer_lowered:
.L_overlay_start_2:
0x62: {  	(tag) =	ssettag $0x2  }
0x63: {  	s0 =	rddreg [dreg:$0x0];
	s2 =	stileid.u32  }
0x64: {  	s1 =	rddreg [dreg:$0x1];
	p0 =	sne.s32 s2, $0x0  }
0x65: {  	s3 =	rddreg [dreg:$0x2];
	[bflag:$0x3] =	sbarrier.arrive $0xFFFF;
	s2 =	simm.s32 @!p0 $0x1C05  }
0x66: {  	[timem:s3], [sflag:s2] =	dma.local @!p0 [hbm:s0], s1  }
0x67: {  	s0 =	simm.s32 @!p0 $0x5  }
0x68: {  	_ =	swait.ge @!p0 [sflag:s0], s1  }
0x69: {  	s1 =	ssub.s32 @!p0 $0x0, s1;
	[sflag:s0] =	ssyncset.done @!p0 $0x0  }
0x6a: {  	[sflag:s0] =	ssyncadd.s32 @!p0 s1  }
0x6b: {  	[bflag:$0x3] =	sbarrier.arrive $0xFFFF  }
0x6c: {  	_ =	shalt  }

</sc_bundles>
